<compile_context>
chip_gen: v7x
topology: tpu7x:2x2x1
jax: 0.10.2.dev20260603
libtpu: 0.0.44.dev20260713+nightly
codegen_flags: <defaults>
</compile_context>

<pallas_src>
import functools

import jax
import jax.numpy as jnp
from jax import lax
from jax.experimental import pallas as pl
from jax.experimental.pallas import tpu as pltpu
from jax.experimental.pallas import tpu_sc as plsc

N = 50000
E = 1600000

NC = 2
NS = 16
NW = NC * NS

E_PAD = 1638400
E_H = E_PAD // 2
EW = E_H // NW
C = 1024
NWIN = EW // C
G = C // 16

N_PAD = 50176
RT = N_PAD // NS
RW = N_PAD // NW
R_LAST = N - (NW - 1) * RW

BC = 32768

_MESH = plsc.VectorSubcoreMesh(core_axis_name="c", subcore_axis_name="s")
_SC_PARAMS = pltpu.CompilerParams(needs_layout_passes=False, use_tc_tiling_on_sc=False)


def _worker_id():
    return lax.axis_index("s") * NC + lax.axis_index("c")


def _gather_body(nf, ei, ej, odt, odx, ody, odz, idxi2, idxj2,
                 rowsi2, rowsj2, bdt2, bdx2, bdy2, bdz2, semx, semg, semo):
    w = _worker_id()
    base = w * EW
    iota = lax.iota(jnp.int32, 16)
    c0 = jnp.zeros((16,), jnp.int32)
    c1 = c0 + 1
    c2 = c0 + 2
    c3 = c0 + 3

    def win_sl(win):
        return pl.ds(base + win * C, C)

    def fire_idx(win, q):
        pltpu.async_copy(ei.at[win_sl(win)], idxi2.at[q], semx.at[q])
        pltpu.async_copy(ej.at[win_sl(win)], idxj2.at[q], semx.at[q])

    def wait_idx(win, q):
        pltpu.make_async_copy(ei.at[win_sl(win)], idxi2.at[q],
                              semx.at[q]).wait()
        pltpu.make_async_copy(ej.at[win_sl(win)], idxj2.at[q],
                              semx.at[q]).wait()

    def fire_gather(q):
        pltpu.async_copy(nf.at[idxi2.at[q]], rowsi2.at[q], semg.at[q])
        pltpu.async_copy(nf.at[idxj2.at[q]], rowsj2.at[q], semg.at[q])

    def wait_gather(q):
        pltpu.make_async_copy(nf.at[idxi2.at[q]], rowsi2.at[q],
                              semg.at[q]).wait()
        pltpu.make_async_copy(nf.at[idxj2.at[q]], rowsj2.at[q],
                              semg.at[q]).wait()

    def fire_out(win, q):
        pltpu.async_copy(bdt2.at[q], odt.at[win_sl(win)], semo.at[q])
        pltpu.async_copy(bdx2.at[q], odx.at[win_sl(win)], semo.at[q])
        pltpu.async_copy(bdy2.at[q], ody.at[win_sl(win)], semo.at[q])
        pltpu.async_copy(bdz2.at[q], odz.at[win_sl(win)], semo.at[q])

    def wait_out(win, q):
        pltpu.make_async_copy(bdt2.at[q], odt.at[win_sl(win)],
                              semo.at[q]).wait()
        pltpu.make_async_copy(bdx2.at[q], odx.at[win_sl(win)],
                              semo.at[q]).wait()
        pltpu.make_async_copy(bdy2.at[q], ody.at[win_sl(win)],
                              semo.at[q]).wait()
        pltpu.make_async_copy(bdz2.at[q], odz.at[win_sl(win)],
                              semo.at[q]).wait()

    fire_idx(0, 0)
    wait_idx(0, 0)
    fire_gather(0)
    fire_idx(1, 1)

    def win_body(win, carry):
        prty = lax.bitwise_and(win, 1)
        q = 1 - prty

        @pl.when(win < NWIN - 1)
        def _():
            wait_idx(win + 1, q)
            fire_gather(q)

        wait_gather(prty)

        @pl.when(win < NWIN - 2)
        def _():
            fire_idx(win + 2, prty)

        @pl.when(win >= 2)
        def _():
            wait_out(win - 2, prty)

        ri = rowsi2.at[prty]
        rj = rowsj2.at[prty]
        bdt = bdt2.at[prty]
        bdx = bdx2.at[prty]
        bdy = bdy2.at[prty]
        bdz = bdz2.at[prty]

        def grp(g, carry2):
            rows = g * 16 + iota
            xi = plsc.load_gather(ri, [rows, c0])
            yi = plsc.load_gather(ri, [rows, c1])
            zi = plsc.load_gather(ri, [rows, c2])
            ti = plsc.load_gather(ri, [rows, c3])
            xj = plsc.load_gather(rj, [rows, c0])
            yj = plsc.load_gather(rj, [rows, c1])
            zj = plsc.load_gather(rj, [rows, c2])
            tj = plsc.load_gather(rj, [rows, c3])
            dx = xi - xj
            dy = yi - yj
            dz = zi - zj
            dt = ti - tj
            sl = pl.ds(g * 16, 16)
            bdt[sl] = dt
            bdx[sl] = dx
            bdy[sl] = dy
            bdz[sl] = dz
            return carry2

        lax.fori_loop(0, G, grp, 0)
        fire_out(win, prty)
        return carry

    lax.fori_loop(0, NWIN, win_body, 0)
    wait_out(NWIN - 2, (NWIN - 2) & 1)
    wait_out(NWIN - 1, (NWIN - 1) & 1)


_gather = functools.partial(
    pl.kernel,
    mesh=_MESH,
    out_type=[jax.ShapeDtypeStruct((E_H,), jnp.float32)] * 4,
    scratch_types=[
        pltpu.VMEM((2, C), jnp.int32),
        pltpu.VMEM((2, C), jnp.int32),
        pltpu.VMEM((2, C, 8), jnp.float32),
        pltpu.VMEM((2, C, 8), jnp.float32),
        pltpu.VMEM((2, C), jnp.float32),
        pltpu.VMEM((2, C), jnp.float32),
        pltpu.VMEM((2, C), jnp.float32),
        pltpu.VMEM((2, C), jnp.float32),
        pltpu.SemaphoreType.DMA((2,)),
        pltpu.SemaphoreType.DMA((2,)),
        pltpu.SemaphoreType.DMA((2,)),
    ],
    compiler_params=_SC_PARAMS,
)(_gather_body)


R128 = E_H // 128
BR = 256


def _mlp_body(dt_ref, dx_ref, dy_ref, dz_ref, w1_ref, b1_ref, w2_ref,
              b2_ref, w3_ref, b3_ref, out_ref):
    dn = (((1,), (0,)), ((), ()))
    prec = lax.Precision.DEFAULT
    n = BR * 128
    dxv = dx_ref[...]
    dyv = dy_ref[...]
    dzv = dz_ref[...]
    r2 = dxv * dxv + dyv * dyv + dzv * dzv
    dt1 = jnp.reshape(dt_ref[...], (1, n))
    r21 = jnp.reshape(r2, (1, n))
    x = jnp.concatenate([dt1, r21], axis=0)
    h = lax.dot_general(w1_ref[...], x, dn, precision=prec,
                        preferred_element_type=jnp.float32)
    h = jnp.maximum(h + b1_ref[...][:, None], 0.0)
    h = lax.dot_general(w2_ref[...], h, dn, precision=prec,
                        preferred_element_type=jnp.float32)
    h = jnp.maximum(h + b2_ref[...][:, None], 0.0)
    wg = lax.dot_general(w3_ref[...], h, dn, precision=prec,
                         preferred_element_type=jnp.float32)
    wg = wg + b3_ref[...][:, None]
    rn = lax.rsqrt(jnp.maximum(r21, 1e-24))
    out_ref[...] = jnp.reshape(wg * rn, (BR, 128))


def _mlp(dt, dx, dy, dz, w1, b1, w2, b2, w3, b3):
    return pl.pallas_call(
        _mlp_body,
        grid=(R128 // BR,),
        in_specs=[pl.BlockSpec((BR, 128), lambda i: (i, 0))] * 4 + [
            pl.BlockSpec((20, 2), lambda i: (0, 0)),
            pl.BlockSpec((20,), lambda i: (0,)),
            pl.BlockSpec((20, 20), lambda i: (0, 0)),
            pl.BlockSpec((20,), lambda i: (0,)),
            pl.BlockSpec((1, 20), lambda i: (0, 0)),
            pl.BlockSpec((1,), lambda i: (0,)),
        ],
        out_specs=pl.BlockSpec((BR, 128), lambda i: (i, 0)),
        out_shape=jax.ShapeDtypeStruct((R128, 128), jnp.float32),
    )(dt, dx, dy, dz, w1, b1, w2, b2, w3, b3)


def _scatter_body(sv, dxa, dya, dza, ei, parts, idxv2, bs2, bx2, by2, bz2,
                  aos2, zb, acc, semi, sems):
    c = lax.axis_index("c")
    s = lax.axis_index("s")
    w = _worker_id()
    iota = lax.iota(jnp.int32, 16)
    zeros16 = jnp.zeros((16,), jnp.float32)
    c0 = jnp.zeros((16,), jnp.int32)
    c1 = c0 + 1
    c2 = c0 + 2

    def zfill(k, carry):
        o = k * 16 + iota
        plsc.store_scatter(zb, [lax.shift_right_logical(o, 3),
                                lax.bitwise_and(o, 7)], zeros16)
        return carry

    lax.fori_loop(0, RT * 8 // 16, zfill, 0)
    pltpu.sync_copy(zb, acc.at[pl.ds(s * RT, RT)])

    for pp in range(2):
        def z3(k, carry, _pp=pp):
            o = k * 16 + iota
            plsc.store_scatter(aos2.at[_pp],
                               [lax.shift_right_logical(o, 3),
                                lax.bitwise_and(o, 7)], zeros16)
            return carry

        lax.fori_loop(0, C * 8 // 16, z3, 0)
    plsc.subcore_barrier()

    base = w * EW

    def win_sl(win):
        return pl.ds(base + win * C, C)

    def fire_in(win, q):
        pltpu.async_copy(ei.at[win_sl(win)], idxv2.at[q], semi.at[q])
        pltpu.async_copy(sv.at[win_sl(win)], bs2.at[q], semi.at[q])
        pltpu.async_copy(dxa.at[win_sl(win)], bx2.at[q], semi.at[q])
        pltpu.async_copy(dya.at[win_sl(win)], by2.at[q], semi.at[q])
        pltpu.async_copy(dza.at[win_sl(win)], bz2.at[q], semi.at[q])

    def wait_in(win, q):
        pltpu.make_async_copy(ei.at[win_sl(win)], idxv2.at[q],
                              semi.at[q]).wait()
        pltpu.make_async_copy(sv.at[win_sl(win)], bs2.at[q],
                              semi.at[q]).wait()
        pltpu.make_async_copy(dxa.at[win_sl(win)], bx2.at[q],
                              semi.at[q]).wait()
        pltpu.make_async_copy(dya.at[win_sl(win)], by2.at[q],
                              semi.at[q]).wait()
        pltpu.make_async_copy(dza.at[win_sl(win)], bz2.at[q],
                              semi.at[q]).wait()

    def fire_scat(q):
        pltpu.async_copy(aos2.at[q], acc.at[idxv2.at[q]], sems.at[q],
                         add=True)

    def wait_scat(q):
        pltpu.make_async_copy(aos2.at[q], acc.at[idxv2.at[q]],
                              sems.at[q]).wait()

    fire_in(0, 0)

    def win_body(win, carry):
        prty = lax.bitwise_and(win, 1)
        q = 1 - prty
        wait_in(win, prty)

        @pl.when(jnp.logical_and(win >= 1, win < NWIN - 1))
        def _():
            wait_scat(q)

        @pl.when(win < NWIN - 1)
        def _():
            fire_in(win + 1, q)

        ap = aos2.at[prty]
        bs = bs2.at[prty]
        bx = bx2.at[prty]
        by = by2.at[prty]
        bz = bz2.at[prty]

        def grp(g, carry2):
            rows = g * 16 + iota
            sl = pl.ds(g * 16, 16)
            s16 = bs[sl]
            plsc.store_scatter(ap, [rows, c0], bx[sl] * s16)
            plsc.store_scatter(ap, [rows, c1], by[sl] * s16)
            plsc.store_scatter(ap, [rows, c2], bz[sl] * s16)
            return carry2

        lax.fori_loop(0, G, grp, 0)
        fire_scat(prty)
        return carry

    lax.fori_loop(0, NWIN, win_body, 0)
    wait_scat(0)
    wait_scat(1)
    plsc.subcore_barrier()
    pltpu.sync_copy(acc.at[pl.ds(s * RT, RT)],
                    parts.at[c, pl.ds(s * RT, RT), :])


_scatter = functools.partial(
    pl.kernel,
    mesh=_MESH,
    out_type=jax.ShapeDtypeStruct((NC, N_PAD, 8), jnp.float32),
    scratch_types=[
        pltpu.VMEM((2, C), jnp.int32),
        pltpu.VMEM((2, C), jnp.float32),
        pltpu.VMEM((2, C), jnp.float32),
        pltpu.VMEM((2, C), jnp.float32),
        pltpu.VMEM((2, C), jnp.float32),
        pltpu.VMEM((2, C, 8), jnp.float32),
        pltpu.VMEM((RT, 8), jnp.float32),
        pltpu.VMEM_SHARED((N_PAD, 8), jnp.float32),
        pltpu.SemaphoreType.DMA((2,)),
        pltpu.SemaphoreType.DMA((2,)),
    ],
    compiler_params=_SC_PARAMS,
)(_scatter_body)


def _combine_body(pa, pb, out, b0, b1, b2, b3, bo):
    w = _worker_id()
    r0 = w * RW
    iota = lax.iota(jnp.int32, 16)
    pltpu.sync_copy(pa.at[0, pl.ds(r0, RW), :], b0)
    pltpu.sync_copy(pa.at[1, pl.ds(r0, RW), :], b1)
    pltpu.sync_copy(pb.at[0, pl.ds(r0, RW), :], b2)
    pltpu.sync_copy(pb.at[1, pl.ds(r0, RW), :], b3)

    def grp(k, carry):
        o = k * 16 + iota
        rows = lax.div(o, 3)
        cols = o - rows * 3
        v0 = plsc.load_gather(b0, [rows, cols])
        v1 = plsc.load_gather(b1, [rows, cols])
        v2 = plsc.load_gather(b2, [rows, cols])
        v3 = plsc.load_gather(b3, [rows, cols])
        plsc.store_scatter(bo, [rows, cols], (v0 + v1) + (v2 + v3))
        return carry

    lax.fori_loop(0, RW * 3 // 16, grp, 0)

    @pl.when(w != NW - 1)
    def _():
        pltpu.sync_copy(bo, out.at[pl.ds(r0, RW), :])

    @pl.when(w == NW - 1)
    def _():
        pltpu.sync_copy(bo.at[pl.ds(0, R_LAST), :],
                        out.at[pl.ds((NW - 1) * RW, R_LAST), :])


_combine = functools.partial(
    pl.kernel,
    mesh=_MESH,
    out_type=jax.ShapeDtypeStruct((N, 3), jnp.float32),
    scratch_types=[
        pltpu.VMEM((RW, 8), jnp.float32),
        pltpu.VMEM((RW, 8), jnp.float32),
        pltpu.VMEM((RW, 8), jnp.float32),
        pltpu.VMEM((RW, 8), jnp.float32),
        pltpu.VMEM((RW, 3), jnp.float32),
    ],
    compiler_params=_SC_PARAMS,
)(_combine_body)


def kernel(t, pos, edge_index, W1, b1, W2, b2, W3, b3):
    nf = jnp.concatenate([pos, t, jnp.zeros((N, 4), jnp.float32)],
                         axis=1)
    pad = jnp.arange(E_PAD - E, dtype=edge_index.dtype) % N
    ei = jnp.concatenate([edge_index[0], pad])
    ej = jnp.concatenate([edge_index[1], pad])
    parts = []
    for h in range(2):
        eih = lax.slice(ei, (h * E_H,), ((h + 1) * E_H,))
        ejh = lax.slice(ej, (h * E_H,), ((h + 1) * E_H,))
        dt, dx, dy, dz = _gather(nf, eih, ejh)
        s2 = _mlp(dt.reshape(R128, 128), dx.reshape(R128, 128),
                  dy.reshape(R128, 128), dz.reshape(R128, 128),
                  W1, b1, W2, b2, W3, b3)
        parts.append(_scatter(s2.reshape(E_H), dx, dy, dz, eih))
    return _combine(parts[0], parts[1])

# --- scband reference (transcript-rebuilt; emitter-appended) ---
"""Pipeline reference for scband-model-52140902974161 (READ-ONLY COPY).

The authoritative reference and input builder live on the scoring server;
editing this copy changes nothing except your own understanding.
"""

import jax, jax.numpy as jnp
import numpy as np

N = 50000
E = 1600000
DIM = 3


def setup_inputs(seed: int = 0) -> dict:
    key = jax.random.key(seed)
    ks = jax.random.split(key, 12)
    t = jax.random.normal(ks[0], (N, 1), dtype=jnp.float32)
    pos = jax.random.normal(ks[1], (N, DIM), dtype=jnp.float32)
    edge_index = jax.random.randint(ks[2], (2, E), 0, N)
    # MLP params: Linear(2,20) -> ReLU -> Linear(20,20) -> ReLU -> Linear(20,1)
    W1 = jax.random.normal(ks[3], (20, 2), dtype=jnp.float32) * (1.0 / np.sqrt(2.0))
    b1 = jnp.zeros((20,), dtype=jnp.float32)
    W2 = jax.random.normal(ks[4], (20, 20), dtype=jnp.float32) * (1.0 / np.sqrt(20.0))
    b2 = jnp.zeros((20,), dtype=jnp.float32)
    W3 = jax.random.normal(ks[5], (1, 20), dtype=jnp.float32) * (1.0 / np.sqrt(20.0))
    b3 = jnp.zeros((1,), dtype=jnp.float32)
    return {"t": t, "pos": pos, "edge_index": edge_index,
            "W1": W1, "b1": b1, "W2": W2, "b2": b2, "W3": W3, "b3": b3}


def reference(t, pos, edge_index, W1, b1, W2, b2, W3, b3):
    node_i = edge_index[0]
    node_j = edge_index[1]
    diff_t = jnp.take(t, node_i, axis=0) - jnp.take(t, node_j, axis=0)      # [E, 1]
    diff_pos = jnp.take(pos, node_i, axis=0) - jnp.take(pos, node_j, axis=0)  # [E, DIM]
    r2 = jnp.sum(diff_pos ** 2, axis=1, keepdims=True)                        # [E, 1]
    h = jnp.concatenate([diff_t, r2], axis=1)                                 # [E, 2]
    h = jax.nn.relu(h @ W1.T + b1)
    h = jax.nn.relu(h @ W2.T + b2)
    weights = h @ W3.T + b3                                                   # [E, 1]
    # F.normalize(diff_pos, dim=1): x / max(||x||_2, eps)
    norm = jnp.linalg.norm(diff_pos, axis=1, keepdims=True)
    nd = diff_pos / jnp.maximum(norm, 1e-12)
    # global_add_pool(weights * nd, node_i): scatter-add over source node index
    out = jax.ops.segment_sum(weights * nd, node_i, num_segments=t.shape[0])  # [N, DIM]
    return out

if __name__ == "__main__":
    import jax
    _d = setup_inputs()
    print(jax.jit(kernel)(*tuple(_d.values())))

</pallas_src>

<mosaic_0001>
#map = affine_map<(d0, d1) -> (0, 0)>
#map1 = affine_map<(d0, d1) -> (0)>
module attributes {stable_mosaic.version = 14 : i64} {
  func.func @_gather_body(%arg0: i32, %arg1: i32, %arg2: memref<50000x8xf32, #tpu.memory_space<hbm>>, %arg3: memref<819200xi32, #tpu.memory_space<hbm>>, %arg4: memref<819200xi32, #tpu.memory_space<hbm>>, %arg5: memref<819200xf32, #tpu.memory_space<hbm>>, %arg6: memref<819200xf32, #tpu.memory_space<hbm>>, %arg7: memref<819200xf32, #tpu.memory_space<hbm>>, %arg8: memref<819200xf32, #tpu.memory_space<hbm>>, %arg9: memref<2x1024xi32, #tpu.memory_space<vmem>>, %arg10: memref<2x1024xi32, #tpu.memory_space<vmem>>, %arg11: memref<2x1024x8xf32, #tpu.memory_space<vmem>>, %arg12: memref<2x1024x8xf32, #tpu.memory_space<vmem>>, %arg13: memref<2x1024xf32, #tpu.memory_space<vmem>>, %arg14: memref<2x1024xf32, #tpu.memory_space<vmem>>, %arg15: memref<2x1024xf32, #tpu.memory_space<vmem>>, %arg16: memref<2x1024xf32, #tpu.memory_space<vmem>>, %arg17: memref<2x!tpu.dma_semaphore, #tpu.memory_space<semaphore_mem>>, %arg18: memref<2x!tpu.dma_semaphore, #tpu.memory_space<semaphore_mem>>, %arg19: memref<2x!tpu.dma_semaphore, #tpu.memory_space<semaphore_mem>>) attributes {dimension_semantics = [#tpu.dimension_semantics<core_parallel>, #tpu.dimension_semantics<subcore_parallel>], iteration_bounds = array<i64: 2, 16>, scalar_prefetch = 0 : i64, scratch_operands = 11 : i64, tpu.core_type = #tpu.core_type<sc_vector_subcore>, window_params = [{transform_indices = #map}, {transform_indices = #map1}, {transform_indices = #map1}, {transform_indices = #map1}, {transform_indices = #map1}, {transform_indices = #map1}, {transform_indices = #map1}]} {
    %mul3A = arith.constant 2 : i32
    %mul3A_0 = arith.muli %arg1, %mul3A : i32
    %add3A = arith.addi %mul3A_0, %arg0 : i32
    %mul3A_1 = arith.constant 25600 : i32
    %mul3A_2 = arith.muli %add3A, %mul3A_1 : i32
    %iota3A = tpu.iota {dimensions = array<i32: 0>} : vector<16xi32>
    %broadcast_in_dim3A = arith.constant 0 : i32
    %broadcast_in_dim3A_3 = vector.broadcast %broadcast_in_dim3A : i32 to vector<16xi32>
    %add3A_4 = arith.constant 1 : i32
    %add3A_5 = vector.broadcast %add3A_4 : i32 to vector<16xi32>
    %add3A_6 = arith.addi %broadcast_in_dim3A_3, %add3A_5 : vector<16xi32>
    %add3A_7 = arith.constant 2 : i32
    %add3A_8 = vector.broadcast %add3A_7 : i32 to vector<16xi32>
    %add3A_9 = arith.addi %broadcast_in_dim3A_3, %add3A_8 : vector<16xi32>
    %add3A_10 = arith.constant 3 : i32
    %add3A_11 = vector.broadcast %add3A_10 : i32 to vector<16xi32>
    %add3A_12 = arith.addi %broadcast_in_dim3A_3, %add3A_11 : vector<16xi32>
    %add3A_13 = arith.constant 0 : i32
    %add3A_14 = arith.addi %mul3A_2, %add3A_13 : i32
    %dma_start3A = arith.constant 0 : i32
    %dma_start3A_15 = arith.constant 0 : i32
    %dma_start3A_16 = arith.constant 0 : i32
    %dma_start3A_17 = tpu.memref_slice %arg9[%dma_start3A, %dma_start3A_16] : memref<2x1024xi32, #tpu.memory_space<vmem>> -> memref<1x1024xi32, #tpu.memory_space<vmem>>
    %dma_start3A_18 = tpu.memref_squeeze %dma_start3A_17 : memref<1x1024xi32, #tpu.memory_space<vmem>> -> memref<1024xi32, #tpu.memory_space<vmem>>
    %dma_start3A_19 = tpu.memref_slice %arg3[%add3A_14] : memref<819200xi32, #tpu.memory_space<hbm>> -> memref<1024xi32, #tpu.memory_space<hbm>>
    %dma_start3A_20 = tpu.memref_slice %arg17[%dma_start3A_15] : memref<2x!tpu.dma_semaphore, #tpu.memory_space<semaphore_mem>> -> memref<1x!tpu.dma_semaphore, #tpu.memory_space<semaphore_mem>>
    %dma_start3A_21 = tpu.memref_squeeze %dma_start3A_20 : memref<1x!tpu.dma_semaphore, #tpu.memory_space<semaphore_mem>> -> memref<!tpu.dma_semaphore, #tpu.memory_space<semaphore_mem>>
    %dma_start3A_22 = arith.constant 0 : i32
    %dma_start3A_23 = tpu.memref_slice %arg9[%dma_start3A, %dma_start3A_22] : memref<2x1024xi32, #tpu.memory_space<vmem>> -> memref<1x1024xi32, #tpu.memory_space<vmem>>
    %dma_start3A_24 = tpu.memref_squeeze %dma_start3A_23 : memref<1x1024xi32, #tpu.memory_space<vmem>> -> memref<1024xi32, #tpu.memory_space<vmem>>
    %dma_start3A_25 = tpu.memref_slice %arg3[%add3A_14] : memref<819200xi32, #tpu.memory_space<hbm>> -> memref<1024xi32, #tpu.memory_space<hbm>>
    tpu.enqueue_dma source(%dma_start3A_25 : memref<1024xi32, #tpu.memory_space<hbm>>) target(%dma_start3A_24 : memref<1024xi32, #tpu.memory_space<vmem>>) target_semaphore(%dma_start3A_21 : memref<!tpu.dma_semaphore, #tpu.memory_space<semaphore_mem>>)
    %add3A_26 = arith.constant 0 : i32
    %add3A_27 = arith.addi %mul3A_2, %add3A_26 : i32
    %dma_start3A_28 = arith.constant 0 : i32
    %dma_start3A_29 = arith.constant 0 : i32
    %dma_start3A_30 = arith.constant 0 : i32
    %dma_start3A_31 = tpu.memref_slice %arg10[%dma_start3A_28, %dma_start3A_30] : memref<2x1024xi32, #tpu.memory_space<vmem>> -> memref<1x1024xi32, #tpu.memory_space<vmem>>
    %dma_start3A_32 = tpu.memref_squeeze %dma_start3A_31 : memref<1x1024xi32, #tpu.memory_space<vmem>> -> memref<1024xi32, #tpu.memory_space<vmem>>
    %dma_start3A_33 = tpu.memref_slice %arg4[%add3A_27] : memref<819200xi32, #tpu.memory_space<hbm>> -> memref<1024xi32, #tpu.memory_space<hbm>>
    %dma_start3A_34 = tpu.memref_slice %arg17[%dma_start3A_29] : memref<2x!tpu.dma_semaphore, #tpu.memory_space<semaphore_mem>> -> memref<1x!tpu.dma_semaphore, #tpu.memory_space<semaphore_mem>>
    %dma_start3A_35 = tpu.memref_squeeze %dma_start3A_34 : memref<1x!tpu.dma_semaphore, #tpu.memory_space<semaphore_mem>> -> memref<!tpu.dma_semaphore, #tpu.memory_space<semaphore_mem>>
    %dma_start3A_36 = arith.constant 0 : i32
    %dma_start3A_37 = tpu.memref_slice %arg10[%dma_start3A_28, %dma_start3A_36] : memref<2x1024xi32, #tpu.memory_space<vmem>> -> memref<1x1024xi32, #tpu.memory_space<vmem>>
    %dma_start3A_38 = tpu.memref_squeeze %dma_start3A_37 : memref<1x1024xi32, #tpu.memory_space<vmem>> -> memref<1024xi32, #tpu.memory_space<vmem>>
    %dma_start3A_39 = tpu.memref_slice %arg4[%add3A_27] : memref<819200xi32, #tpu.memory_space<hbm>> -> memref<1024xi32, #tpu.memory_space<hbm>>
    tpu.enqueue_dma source(%dma_start3A_39 : memref<1024xi32, #tpu.memory_space<hbm>>) target(%dma_start3A_38 : memref<1024xi32, #tpu.memory_space<vmem>>) target_semaphore(%dma_start3A_35 : memref<!tpu.dma_semaphore, #tpu.memory_space<semaphore_mem>>)
    %add3A_40 = arith.constant 0 : i32
    %add3A_41 = arith.addi %mul3A_2, %add3A_40 : i32
    %dma_wait3A = arith.constant 0 : i32
    %dma_wait3A_42 = arith.constant 0 : i32
    %dma_wait3A_43 = arith.constant 0 : i32
    %dma_wait3A_44 = tpu.memref_slice %arg9[%dma_wait3A, %dma_wait3A_43] : memref<2x1024xi32, #tpu.memory_space<vmem>> -> memref<1x1024xi32, #tpu.memory_space<vmem>>
    %dma_wait3A_45 = tpu.memref_squeeze %dma_wait3A_44 : memref<1x1024xi32, #tpu.memory_space<vmem>> -> memref<1024xi32, #tpu.memory_space<vmem>>
    %dma_wait3A_46 = tpu.memref_slice %arg3[%add3A_41] : memref<819200xi32, #tpu.memory_space<hbm>> -> memref<1024xi32, #tpu.memory_space<hbm>>
    %dma_wait3A_47 = tpu.memref_slice %arg17[%dma_wait3A_42] : memref<2x!tpu.dma_semaphore, #tpu.memory_space<semaphore_mem>> -> memref<1x!tpu.dma_semaphore, #tpu.memory_space<semaphore_mem>>
    %dma_wait3A_48 = tpu.memref_squeeze %dma_wait3A_47 : memref<1x!tpu.dma_semaphore, #tpu.memory_space<semaphore_mem>> -> memref<!tpu.dma_semaphore, #tpu.memory_space<semaphore_mem>>
    %dma_wait3A_49 = arith.constant 0 : i32
    %dma_wait3A_50 = tpu.memref_slice %arg9[%dma_wait3A, %dma_wait3A_49] : memref<2x1024xi32, #tpu.memory_space<vmem>> -> memref<1x1024xi32, #tpu.memory_space<vmem>>
    %dma_wait3A_51 = tpu.memref_squeeze %dma_wait3A_50 : memref<1x1024xi32, #tpu.memory_space<vmem>> -> memref<1024xi32, #tpu.memory_space<vmem>>
    %dma_wait3A_52 = tpu.memref_slice %arg3[%add3A_41] : memref<819200xi32, #tpu.memory_space<hbm>> -> memref<1024xi32, #tpu.memory_space<hbm>>
    tpu.wait_dma2 semaphore(%dma_wait3A_48 : memref<!tpu.dma_semaphore, #tpu.memory_space<semaphore_mem>>) src(%dma_wait3A_52 : memref<1024xi32, #tpu.memory_space<hbm>>) dst(%dma_wait3A_51 : memref<1024xi32, #tpu.memory_space<vmem>>)
    %add3A_53 = arith.constant 0 : i32
    %add3A_54 = arith.addi %mul3A_2, %add3A_53 : i32
    %dma_wait3A_55 = arith.constant 0 : i32
    %dma_wait3A_56 = arith.constant 0 : i32
    %dma_wait3A_57 = arith.constant 0 : i32
    %dma_wait3A_58 = tpu.memref_slice %arg10[%dma_wait3A_55, %dma_wait3A_57] : memref<2x1024xi32, #tpu.memory_space<vmem>> -> memref<1x1024xi32, #tpu.memory_space<vmem>>
    %dma_wait3A_59 = tpu.memref_squeeze %dma_wait3A_58 : memref<1x1024xi32, #tpu.memory_space<vmem>> -> memref<1024xi32, #tpu.memory_space<vmem>>
    %dma_wait3A_60 = tpu.memref_slice %arg4[%add3A_54] : memref<819200xi32, #tpu.memory_space<hbm>> -> memref<1024xi32, #tpu.memory_space<hbm>>
    %dma_wait3A_61 = tpu.memref_slice %arg17[%dma_wait3A_56] : memref<2x!tpu.dma_semaphore, #tpu.memory_space<semaphore_mem>> -> memref<1x!tpu.dma_semaphore, #tpu.memory_space<semaphore_mem>>
    %dma_wait3A_62 = tpu.memref_squeeze %dma_wait3A_61 : memref<1x!tpu.dma_semaphore, #tpu.memory_space<semaphore_mem>> -> memref<!tpu.dma_semaphore, #tpu.memory_space<semaphore_mem>>
    %dma_wait3A_63 = arith.constant 0 : i32
    %dma_wait3A_64 = tpu.memref_slice %arg10[%dma_wait3A_55, %dma_wait3A_63] : memref<2x1024xi32, #tpu.memory_space<vmem>> -> memref<1x1024xi32, #tpu.memory_space<vmem>>
    %dma_wait3A_65 = tpu.memref_squeeze %dma_wait3A_64 : memref<1x1024xi32, #tpu.memory_space<vmem>> -> memref<1024xi32, #tpu.memory_space<vmem>>
    %dma_wait3A_66 = tpu.memref_slice %arg4[%add3A_54] : memref<819200xi32, #tpu.memory_space<hbm>> -> memref<1024xi32, #tpu.memory_space<hbm>>
    tpu.wait_dma2 semaphore(%dma_wait3A_62 : memref<!tpu.dma_semaphore, #tpu.memory_space<semaphore_mem>>) src(%dma_wait3A_66 : memref<1024xi32, #tpu.memory_space<hbm>>) dst(%dma_wait3A_65 : memref<1024xi32, #tpu.memory_space<vmem>>)
    %dma_start3A_67 = arith.constant 0 : i32
    %dma_start3A_68 = arith.constant 0 : i32
    %dma_start3A_69 = arith.constant 0 : i32
    %dma_start3A_70 = arith.constant 0 : i32
    %dma_start3A_71 = arith.constant 0 : i32
    %dma_start3A_72 = tpu.memref_slice %arg11[%dma_start3A_68, %dma_start3A_70, %dma_start3A_71] : memref<2x1024x8xf32, #tpu.memory_space<vmem>> -> memref<1x1024x8xf32, #tpu.memory_space<vmem>>
    %dma_start3A_73 = tpu.memref_squeeze %dma_start3A_72 : memref<1x1024x8xf32, #tpu.memory_space<vmem>> -> memref<1024x8xf32, #tpu.memory_space<vmem>>
    %dma_start3A_74 = arith.constant 0 : i32
    %dma_start3A_75 = tpu.memref_slice %arg9[%dma_start3A_67, %dma_start3A_74] : memref<2x1024xi32, #tpu.memory_space<vmem>> -> memref<1x1024xi32, #tpu.memory_space<vmem>>
    %dma_start3A_76 = tpu.memref_squeeze %dma_start3A_75 : memref<1x1024xi32, #tpu.memory_space<vmem>> -> memref<1024xi32, #tpu.memory_space<vmem>>
    %dma_start3A_77 = arith.constant 0 : i32
    %dma_start3A_78 = arith.constant 0 : i32
    %dma_start3A_79 = tpu.memref_slice %arg2[%dma_start3A_77, %dma_start3A_78] : memref<50000x8xf32, #tpu.memory_space<hbm>> -> memref<50000x8xf32, #tpu.memory_space<hbm>>
    %dma_start3A_80 = tpu.memref_slice %arg18[%dma_start3A_69] : memref<2x!tpu.dma_semaphore, #tpu.memory_space<semaphore_mem>> -> memref<1x!tpu.dma_semaphore, #tpu.memory_space<semaphore_mem>>
    %dma_start3A_81 = tpu.memref_squeeze %dma_start3A_80 : memref<1x!tpu.dma_semaphore, #tpu.memory_space<semaphore_mem>> -> memref<!tpu.dma_semaphore, #tpu.memory_space<semaphore_mem>>
    tpu.enqueue_indirect_dma source(%dma_start3A_79 : memref<50000x8xf32, #tpu.memory_space<hbm>>) target(%dma_start3A_73 : memref<1024x8xf32, #tpu.memory_space<vmem>>) offsets(%dma_start3A_76 : memref<1024xi32, #tpu.memory_space<vmem>>) semaphore(%dma_start3A_81 : memref<!tpu.dma_semaphore, #tpu.memory_space<semaphore_mem>>)
    %dma_start3A_82 = arith.constant 0 : i32
    %dma_start3A_83 = arith.constant 0 : i32
    %dma_start3A_84 = arith.constant 0 : i32
    %dma_start3A_85 = arith.constant 0 : i32
    %dma_start3A_86 = arith.constant 0 : i32
    %dma_start3A_87 = tpu.memref_slice %arg12[%dma_start3A_83, %dma_start3A_85, %dma_start3A_86] : memref<2x1024x8xf32, #tpu.memory_space<vmem>> -> memref<1x1024x8xf32, #tpu.memory_space<vmem>>
    %dma_start3A_88 = tpu.memref_squeeze %dma_start3A_87 : memref<1x1024x8xf32, #tpu.memory_space<vmem>> -> memref<1024x8xf32, #tpu.memory_space<vmem>>
    %dma_start3A_89 = arith.constant 0 : i32
    %dma_start3A_90 = tpu.memref_slice %arg10[%dma_start3A_82, %dma_start3A_89] : memref<2x1024xi32, #tpu.memory_space<vmem>> -> memref<1x1024xi32, #tpu.memory_space<vmem>>
    %dma_start3A_91 = tpu.memref_squeeze %dma_start3A_90 : memref<1x1024xi32, #tpu.memory_space<vmem>> -> memref<1024xi32, #tpu.memory_space<vmem>>
    %dma_start3A_92 = arith.constant 0 : i32
    %dma_start3A_93 = arith.constant 0 : i32
    %dma_start3A_94 = tpu.memref_slice %arg2[%dma_start3A_92, %dma_start3A_93] : memref<50000x8xf32, #tpu.memory_space<hbm>> -> memref<50000x8xf32, #tpu.memory_space<hbm>>
    %dma_start3A_95 = tpu.memref_slice %arg18[%dma_start3A_84] : memref<2x!tpu.dma_semaphore, #tpu.memory_space<semaphore_mem>> -> memref<1x!tpu.dma_semaphore, #tpu.memory_space<semaphore_mem>>
    %dma_start3A_96 = tpu.memref_squeeze %dma_start3A_95 : memref<1x!tpu.dma_semaphore, #tpu.memory_space<semaphore_mem>> -> memref<!tpu.dma_semaphore, #tpu.memory_space<semaphore_mem>>
    tpu.enqueue_indirect_dma source(%dma_start3A_94 : memref<50000x8xf32, #tpu.memory_space<hbm>>) target(%dma_start3A_88 : memref<1024x8xf32, #tpu.memory_space<vmem>>) offsets(%dma_start3A_91 : memref<1024xi32, #tpu.memory_space<vmem>>) semaphore(%dma_start3A_96 : memref<!tpu.dma_semaphore, #tpu.memory_space<semaphore_mem>>)
    %add3A_97 = arith.constant 1024 : i32
    %add3A_98 = arith.addi %mul3A_2, %add3A_97 : i32
    %dma_start3A_99 = arith.constant 1 : i32
    %dma_start3A_100 = arith.constant 1 : i32
    %dma_start3A_101 = arith.constant 0 : i32
    %dma_start3A_102 = tpu.memref_slice %arg9[%dma_start3A_99, %dma_start3A_101] : memref<2x1024xi32, #tpu.memory_space<vmem>> -> memref<1x1024xi32, #tpu.memory_space<vmem>>
    %dma_start3A_103 = tpu.memref_squeeze %dma_start3A_102 : memref<1x1024xi32, #tpu.memory_space<vmem>> -> memref<1024xi32, #tpu.memory_space<vmem>>
    %dma_start3A_104 = tpu.memref_slice %arg3[%add3A_98] : memref<819200xi32, #tpu.memory_space<hbm>> -> memref<1024xi32, #tpu.memory_space<hbm>>
    %dma_start3A_105 = tpu.memref_slice %arg17[%dma_start3A_100] : memref<2x!tpu.dma_semaphore, #tpu.memory_space<semaphore_mem>> -> memref<1x!tpu.dma_semaphore, #tpu.memory_space<semaphore_mem>>
    %dma_start3A_106 = tpu.memref_squeeze %dma_start3A_105 : memref<1x!tpu.dma_semaphore, #tpu.memory_space<semaphore_mem>> -> memref<!tpu.dma_semaphore, #tpu.memory_space<semaphore_mem>>
    %dma_start3A_107 = arith.constant 0 : i32
    %dma_start3A_108 = tpu.memref_slice %arg9[%dma_start3A_99, %dma_start3A_107] : memref<2x1024xi32, #tpu.memory_space<vmem>> -> memref<1x1024xi32, #tpu.memory_space<vmem>>
    %dma_start3A_109 = tpu.memref_squeeze %dma_start3A_108 : memref<1x1024xi32, #tpu.memory_space<vmem>> -> memref<1024xi32, #tpu.memory_space<vmem>>
    %dma_start3A_110 = tpu.memref_slice %arg3[%add3A_98] : memref<819200xi32, #tpu.memory_space<hbm>> -> memref<1024xi32, #tpu.memory_space<hbm>>
    tpu.enqueue_dma source(%dma_start3A_110 : memref<1024xi32, #tpu.memory_space<hbm>>) target(%dma_start3A_109 : memref<1024xi32, #tpu.memory_space<vmem>>) target_semaphore(%dma_start3A_106 : memref<!tpu.dma_semaphore, #tpu.memory_space<semaphore_mem>>)
    %add3A_111 = arith.constant 1024 : i32
    %add3A_112 = arith.addi %mul3A_2, %add3A_111 : i32
    %dma_start3A_113 = arith.constant 1 : i32
    %dma_start3A_114 = arith.constant 1 : i32
    %dma_start3A_115 = arith.constant 0 : i32
    %dma_start3A_116 = tpu.memref_slice %arg10[%dma_start3A_113, %dma_start3A_115] : memref<2x1024xi32, #tpu.memory_space<vmem>> -> memref<1x1024xi32, #tpu.memory_space<vmem>>
    %dma_start3A_117 = tpu.memref_squeeze %dma_start3A_116 : memref<1x1024xi32, #tpu.memory_space<vmem>> -> memref<1024xi32, #tpu.memory_space<vmem>>
    %dma_start3A_118 = tpu.memref_slice %arg4[%add3A_112] : memref<819200xi32, #tpu.memory_space<hbm>> -> memref<1024xi32, #tpu.memory_space<hbm>>
    %dma_start3A_119 = tpu.memref_slice %arg17[%dma_start3A_114] : memref<2x!tpu.dma_semaphore, #tpu.memory_space<semaphore_mem>> -> memref<1x!tpu.dma_semaphore, #tpu.memory_space<semaphore_mem>>
    %dma_start3A_120 = tpu.memref_squeeze %dma_start3A_119 : memref<1x!tpu.dma_semaphore, #tpu.memory_space<semaphore_mem>> -> memref<!tpu.dma_semaphore, #tpu.memory_space<semaphore_mem>>
    %dma_start3A_121 = arith.constant 0 : i32
    %dma_start3A_122 = tpu.memref_slice %arg10[%dma_start3A_113, %dma_start3A_121] : memref<2x1024xi32, #tpu.memory_space<vmem>> -> memref<1x1024xi32, #tpu.memory_space<vmem>>
    %dma_start3A_123 = tpu.memref_squeeze %dma_start3A_122 : memref<1x1024xi32, #tpu.memory_space<vmem>> -> memref<1024xi32, #tpu.memory_space<vmem>>
    %dma_start3A_124 = tpu.memref_slice %arg4[%add3A_112] : memref<819200xi32, #tpu.memory_space<hbm>> -> memref<1024xi32, #tpu.memory_space<hbm>>
    tpu.enqueue_dma source(%dma_start3A_124 : memref<1024xi32, #tpu.memory_space<hbm>>) target(%dma_start3A_123 : memref<1024xi32, #tpu.memory_space<vmem>>) target_semaphore(%dma_start3A_120 : memref<!tpu.dma_semaphore, #tpu.memory_space<semaphore_mem>>)
    %scan3A = arith.constant 0 : i32
    %scan3A_125 = arith.constant 0 : i32
    %scan3A_126 = arith.constant 25 : i32
    %scan3A_127 = arith.addi %scan3A_125, %scan3A_126 : i32
    %scan3A_128 = arith.constant 1 : i32
    scf.for %scan3A_242 = %scan3A_125 to %scan3A_127 step %scan3A_128  : i32 {
      %and3A = arith.constant 1 : i32
      %and3A_243 = arith.andi %scan3A_242, %and3A : i32
      %sub3A = arith.constant 1 : i32
      %sub3A_244 = arith.subi %sub3A, %and3A_243 : i32
      %lt3A = arith.constant 24 : i32
      %lt3A_245 = arith.cmpi slt, %scan3A_242, %lt3A : i32
      %convert_element_type3A = arith.extui %lt3A_245 : i1 to i32
      %cond3A = arith.constant 0 : i32
      %cond3A_246 = arith.cmpi ne, %convert_element_type3A, %cond3A : i32
      scf.if %cond3A_246 {
        %add3A_338 = arith.constant 1 : i32
        %add3A_339 = arith.addi %scan3A_242, %add3A_338 : i32
        %mul3A_340 = arith.constant 1024 : i32
        %mul3A_341 = arith.muli %add3A_339, %mul3A_340 : i32
        %add3A_342 = arith.addi %mul3A_2, %mul3A_341 : i32
        %dma_wait3A_343 = arith.constant 0 : i32
        %dma_wait3A_344 = tpu.memref_slice %arg9[%sub3A_244, %dma_wait3A_343] : memref<2x1024xi32, #tpu.memory_space<vmem>> -> memref<1x1024xi32, #tpu.memory_space<vmem>>
        %dma_wait3A_345 = tpu.memref_squeeze %dma_wait3A_344 : memref<1x1024xi32, #tpu.memory_space<vmem>> -> memref<1024xi32, #tpu.memory_space<vmem>>
        %dma_wait3A_346 = tpu.memref_slice %arg3[%add3A_342] : memref<819200xi32, #tpu.memory_space<hbm>> -> memref<1024xi32, #tpu.memory_space<hbm>>
        %dma_wait3A_347 = tpu.memref_slice %arg17[%sub3A_244] : memref<2x!tpu.dma_semaphore, #tpu.memory_space<semaphore_mem>> -> memref<1x!tpu.dma_semaphore, #tpu.memory_space<semaphore_mem>>
        %dma_wait3A_348 = tpu.memref_squeeze %dma_wait3A_347 : memref<1x!tpu.dma_semaphore, #tpu.memory_space<semaphore_mem>> -> memref<!tpu.dma_semaphore, #tpu.memory_space<semaphore_mem>>
        %dma_wait3A_349 = arith.constant 0 : i32
        %dma_wait3A_350 = tpu.memref_slice %arg9[%sub3A_244, %dma_wait3A_349] : memref<2x1024xi32, #tpu.memory_space<vmem>> -> memref<1x1024xi32, #tpu.memory_space<vmem>>
        %dma_wait3A_351 = tpu.memref_squeeze %dma_wait3A_350 : memref<1x1024xi32, #tpu.memory_space<vmem>> -> memref<1024xi32, #tpu.memory_space<vmem>>
        %dma_wait3A_352 = tpu.memref_slice %arg3[%add3A_342] : memref<819200xi32, #tpu.memory_space<hbm>> -> memref<1024xi32, #tpu.memory_space<hbm>>
        tpu.wait_dma2 semaphore(%dma_wait3A_348 : memref<!tpu.dma_semaphore, #tpu.memory_space<semaphore_mem>>) src(%dma_wait3A_352 : memref<1024xi32, #tpu.memory_space<hbm>>) dst(%dma_wait3A_351 : memref<1024xi32, #tpu.memory_space<vmem>>)
        %mul3A_353 = arith.constant 1024 : i32
        %mul3A_354 = arith.muli %add3A_339, %mul3A_353 : i32
        %add3A_355 = arith.addi %mul3A_2, %mul3A_354 : i32
        %dma_wait3A_356 = arith.constant 0 : i32
        %dma_wait3A_357 = tpu.memref_slice %arg10[%sub3A_244, %dma_wait3A_356] : memref<2x1024xi32, #tpu.memory_space<vmem>> -> memref<1x1024xi32, #tpu.memory_space<vmem>>
        %dma_wait3A_358 = tpu.memref_squeeze %dma_wait3A_357 : memref<1x1024xi32, #tpu.memory_space<vmem>> -> memref<1024xi32, #tpu.memory_space<vmem>>
        %dma_wait3A_359 = tpu.memref_slice %arg4[%add3A_355] : memref<819200xi32, #tpu.memory_space<hbm>> -> memref<1024xi32, #tpu.memory_space<hbm>>
        %dma_wait3A_360 = tpu.memref_slice %arg17[%sub3A_244] : memref<2x!tpu.dma_semaphore, #tpu.memory_space<semaphore_mem>> -> memref<1x!tpu.dma_semaphore, #tpu.memory_space<semaphore_mem>>
        %dma_wait3A_361 = tpu.memref_squeeze %dma_wait3A_360 : memref<1x!tpu.dma_semaphore, #tpu.memory_space<semaphore_mem>> -> memref<!tpu.dma_semaphore, #tpu.memory_space<semaphore_mem>>
        %dma_wait3A_362 = arith.constant 0 : i32
        %dma_wait3A_363 = tpu.memref_slice %arg10[%sub3A_244, %dma_wait3A_362] : memref<2x1024xi32, #tpu.memory_space<vmem>> -> memref<1x1024xi32, #tpu.memory_space<vmem>>
        %dma_wait3A_364 = tpu.memref_squeeze %dma_wait3A_363 : memref<1x1024xi32, #tpu.memory_space<vmem>> -> memref<1024xi32, #tpu.memory_space<vmem>>
        %dma_wait3A_365 = tpu.memref_slice %arg4[%add3A_355] : memref<819200xi32, #tpu.memory_space<hbm>> -> memref<1024xi32, #tpu.memory_space<hbm>>
        tpu.wait_dma2 semaphore(%dma_wait3A_361 : memref<!tpu.dma_semaphore, #tpu.memory_space<semaphore_mem>>) src(%dma_wait3A_365 : memref<1024xi32, #tpu.memory_space<hbm>>) dst(%dma_wait3A_364 : memref<1024xi32, #tpu.memory_space<vmem>>)
        %dma_start3A_366 = arith.constant 0 : i32
        %dma_start3A_367 = arith.constant 0 : i32
        %dma_start3A_368 = tpu.memref_slice %arg11[%sub3A_244, %dma_start3A_366, %dma_start3A_367] : memref<2x1024x8xf32, #tpu.memory_space<vmem>> -> memref<1x1024x8xf32, #tpu.memory_space<vmem>>
        %dma_start3A_369 = tpu.memref_squeeze %dma_start3A_368 : memref<1x1024x8xf32, #tpu.memory_space<vmem>> -> memref<1024x8xf32, #tpu.memory_space<vmem>>
        %dma_start3A_370 = arith.constant 0 : i32
        %dma_start3A_371 = tpu.memref_slice %arg9[%sub3A_244, %dma_start3A_370] : memref<2x1024xi32, #tpu.memory_space<vmem>> -> memref<1x1024xi32, #tpu.memory_space<vmem>>
        %dma_start3A_372 = tpu.memref_squeeze %dma_start3A_371 : memref<1x1024xi32, #tpu.memory_space<vmem>> -> memref<1024xi32, #tpu.memory_space<vmem>>
        %dma_start3A_373 = arith.constant 0 : i32
        %dma_start3A_374 = arith.constant 0 : i32
        %dma_start3A_375 = tpu.memref_slice %arg2[%dma_start3A_373, %dma_start3A_374] : memref<50000x8xf32, #tpu.memory_space<hbm>> -> memref<50000x8xf32, #tpu.memory_space<hbm>>
        %dma_start3A_376 = tpu.memref_slice %arg18[%sub3A_244] : memref<2x!tpu.dma_semaphore, #tpu.memory_space<semaphore_mem>> -> memref<1x!tpu.dma_semaphore, #tpu.memory_space<semaphore_mem>>
        %dma_start3A_377 = tpu.memref_squeeze %dma_start3A_376 : memref<1x!tpu.dma_semaphore, #tpu.memory_space<semaphore_mem>> -> memref<!tpu.dma_semaphore, #tpu.memory_space<semaphore_mem>>
        tpu.enqueue_indirect_dma source(%dma_start3A_375 : memref<50000x8xf32, #tpu.memory_space<hbm>>) target(%dma_start3A_369 : memref<1024x8xf32, #tpu.memory_space<vmem>>) offsets(%dma_start3A_372 : memref<1024xi32, #tpu.memory_space<vmem>>) semaphore(%dma_start3A_377 : memref<!tpu.dma_semaphore, #tpu.memory_space<semaphore_mem>>)
        %dma_start3A_378 = arith.constant 0 : i32
        %dma_start3A_379 = arith.constant 0 : i32
        %dma_start3A_380 = tpu.memref_slice %arg12[%sub3A_244, %dma_start3A_378, %dma_start3A_379] : memref<2x1024x8xf32, #tpu.memory_space<vmem>> -> memref<1x1024x8xf32, #tpu.memory_space<vmem>>
        %dma_start3A_381 = tpu.memref_squeeze %dma_start3A_380 : memref<1x1024x8xf32, #tpu.memory_space<vmem>> -> memref<1024x8xf32, #tpu.memory_space<vmem>>
        %dma_start3A_382 = arith.constant 0 : i32
        %dma_start3A_383 = tpu.memref_slice %arg10[%sub3A_244, %dma_start3A_382] : memref<2x1024xi32, #tpu.memory_space<vmem>> -> memref<1x1024xi32, #tpu.memory_space<vmem>>
        %dma_start3A_384 = tpu.memref_squeeze %dma_start3A_383 : memref<1x1024xi32, #tpu.memory_space<vmem>> -> memref<1024xi32, #tpu.memory_space<vmem>>
        %dma_start3A_385 = arith.constant 0 : i32
        %dma_start3A_386 = arith.constant 0 : i32
        %dma_start3A_387 = tpu.memref_slice %arg2[%dma_start3A_385, %dma_start3A_386] : memref<50000x8xf32, #tpu.memory_space<hbm>> -> memref<50000x8xf32, #tpu.memory_space<hbm>>
        %dma_start3A_388 = tpu.memref_slice %arg18[%sub3A_244] : memref<2x!tpu.dma_semaphore, #tpu.memory_space<semaphore_mem>> -> memref<1x!tpu.dma_semaphore, #tpu.memory_space<semaphore_mem>>
        %dma_start3A_389 = tpu.memref_squeeze %dma_start3A_388 : memref<1x!tpu.dma_semaphore, #tpu.memory_space<semaphore_mem>> -> memref<!tpu.dma_semaphore, #tpu.memory_space<semaphore_mem>>
        tpu.enqueue_indirect_dma source(%dma_start3A_387 : memref<50000x8xf32, #tpu.memory_space<hbm>>) target(%dma_start3A_381 : memref<1024x8xf32, #tpu.memory_space<vmem>>) offsets(%dma_start3A_384 : memref<1024xi32, #tpu.memory_space<vmem>>) semaphore(%dma_start3A_389 : memref<!tpu.dma_semaphore, #tpu.memory_space<semaphore_mem>>)
      } else {
      }
      %dma_wait3A_247 = arith.constant 0 : i32
      %dma_wait3A_248 = arith.constant 0 : i32
      %dma_wait3A_249 = tpu.memref_slice %arg11[%and3A_243, %dma_wait3A_247, %dma_wait3A_248] : memref<2x1024x8xf32, #tpu.memory_space<vmem>> -> memref<1x1024x8xf32, #tpu.memory_space<vmem>>
      %dma_wait3A_250 = tpu.memref_squeeze %dma_wait3A_249 : memref<1x1024x8xf32, #tpu.memory_space<vmem>> -> memref<1024x8xf32, #tpu.memory_space<vmem>>
      %dma_wait3A_251 = arith.constant 0 : i32
      %dma_wait3A_252 = tpu.memref_slice %arg9[%and3A_243, %dma_wait3A_251] : memref<2x1024xi32, #tpu.memory_space<vmem>> -> memref<1x1024xi32, #tpu.memory_space<vmem>>
      %dma_wait3A_253 = tpu.memref_squeeze %dma_wait3A_252 : memref<1x1024xi32, #tpu.memory_space<vmem>> -> memref<1024xi32, #tpu.memory_space<vmem>>
      %dma_wait3A_254 = arith.constant 0 : i32
      %dma_wait3A_255 = arith.constant 0 : i32
      %dma_wait3A_256 = tpu.memref_slice %arg2[%dma_wait3A_254, %dma_wait3A_255] : memref<50000x8xf32, #tpu.memory_space<hbm>> -> memref<50000x8xf32, #tpu.memory_space<hbm>>
      %dma_wait3A_257 = tpu.memref_slice %arg18[%and3A_243] : memref<2x!tpu.dma_semaphore, #tpu.memory_space<semaphore_mem>> -> memref<1x!tpu.dma_semaphore, #tpu.memory_space<semaphore_mem>>
      %dma_wait3A_258 = tpu.memref_squeeze %dma_wait3A_257 : memref<1x!tpu.dma_semaphore, #tpu.memory_space<semaphore_mem>> -> memref<!tpu.dma_semaphore, #tpu.memory_space<semaphore_mem>>
      tpu.wait_indirect_dma semaphore(%dma_wait3A_258 : memref<!tpu.dma_semaphore, #tpu.memory_space<semaphore_mem>>) src(%dma_wait3A_256 : memref<50000x8xf32, #tpu.memory_space<hbm>>) dst(%dma_wait3A_250 : memref<1024x8xf32, #tpu.memory_space<vmem>>)
      %dma_wait3A_259 = arith.constant 0 : i32
      %dma_wait3A_260 = arith.constant 0 : i32
      %dma_wait3A_261 = tpu.memref_slice %arg12[%and3A_243, %dma_wait3A_259, %dma_wait3A_260] : memref<2x1024x8xf32, #tpu.memory_space<vmem>> -> memref<1x1024x8xf32, #tpu.memory_space<vmem>>
      %dma_wait3A_262 = tpu.memref_squeeze %dma_wait3A_261 : memref<1x1024x8xf32, #tpu.memory_space<vmem>> -> memref<1024x8xf32, #tpu.memory_space<vmem>>
      %dma_wait3A_263 = arith.constant 0 : i32
      %dma_wait3A_264 = tpu.memref_slice %arg10[%and3A_243, %dma_wait3A_263] : memref<2x1024xi32, #tpu.memory_space<vmem>> -> memref<1x1024xi32, #tpu.memory_space<vmem>>
      %dma_wait3A_265 = tpu.memref_squeeze %dma_wait3A_264 : memref<1x1024xi32, #tpu.memory_space<vmem>> -> memref<1024xi32, #tpu.memory_space<vmem>>
      %dma_wait3A_266 = arith.constant 0 : i32
      %dma_wait3A_267 = arith.constant 0 : i32
      %dma_wait3A_268 = tpu.memref_slice %arg2[%dma_wait3A_266, %dma_wait3A_267] : memref<50000x8xf32, #tpu.memory_space<hbm>> -> memref<50000x8xf32, #tpu.memory_space<hbm>>
      %dma_wait3A_269 = tpu.memref_slice %arg18[%and3A_243] : memref<2x!tpu.dma_semaphore, #tpu.memory_space<semaphore_mem>> -> memref<1x!tpu.dma_semaphore, #tpu.memory_space<semaphore_mem>>
      %dma_wait3A_270 = tpu.memref_squeeze %dma_wait3A_269 : memref<1x!tpu.dma_semaphore, #tpu.memory_space<semaphore_mem>> -> memref<!tpu.dma_semaphore, #tpu.memory_space<semaphore_mem>>
      tpu.wait_indirect_dma semaphore(%dma_wait3A_270 : memref<!tpu.dma_semaphore, #tpu.memory_space<semaphore_mem>>) src(%dma_wait3A_268 : memref<50000x8xf32, #tpu.memory_space<hbm>>) dst(%dma_wait3A_262 : memref<1024x8xf32, #tpu.memory_space<vmem>>)
      %lt3A_271 = arith.constant 23 : i32
      %lt3A_272 = arith.cmpi slt, %scan3A_242, %lt3A_271 : i32
      %convert_element_type3A_273 = arith.extui %lt3A_272 : i1 to i32
      %cond3A_274 = arith.constant 0 : i32
      %cond3A_275 = arith.cmpi ne, %convert_element_type3A_273, %cond3A_274 : i32
      scf.if %cond3A_275 {
        %add3A_338 = arith.constant 2 : i32
        %add3A_339 = arith.addi %scan3A_242, %add3A_338 : i32
        %mul3A_340 = arith.constant 1024 : i32
        %mul3A_341 = arith.muli %add3A_339, %mul3A_340 : i32
        %add3A_342 = arith.addi %mul3A_2, %mul3A_341 : i32
        %dma_start3A_343 = arith.constant 0 : i32
        %dma_start3A_344 = tpu.memref_slice %arg9[%and3A_243, %dma_start3A_343] : memref<2x1024xi32, #tpu.memory_space<vmem>> -> memref<1x1024xi32, #tpu.memory_space<vmem>>
        %dma_start3A_345 = tpu.memref_squeeze %dma_start3A_344 : memref<1x1024xi32, #tpu.memory_space<vmem>> -> memref<1024xi32, #tpu.memory_space<vmem>>
        %dma_start3A_346 = tpu.memref_slice %arg3[%add3A_342] : memref<819200xi32, #tpu.memory_space<hbm>> -> memref<1024xi32, #tpu.memory_space<hbm>>
        %dma_start3A_347 = tpu.memref_slice %arg17[%and3A_243] : memref<2x!tpu.dma_semaphore, #tpu.memory_space<semaphore_mem>> -> memref<1x!tpu.dma_semaphore, #tpu.memory_space<semaphore_mem>>
        %dma_start3A_348 = tpu.memref_squeeze %dma_start3A_347 : memref<1x!tpu.dma_semaphore, #tpu.memory_space<semaphore_mem>> -> memref<!tpu.dma_semaphore, #tpu.memory_space<semaphore_mem>>
        %dma_start3A_349 = arith.constant 0 : i32
        %dma_start3A_350 = tpu.memref_slice %arg9[%and3A_243, %dma_start3A_349] : memref<2x1024xi32, #tpu.memory_space<vmem>> -> memref<1x1024xi32, #tpu.memory_space<vmem>>
        %dma_start3A_351 = tpu.memref_squeeze %dma_start3A_350 : memref<1x1024xi32, #tpu.memory_space<vmem>> -> memref<1024xi32, #tpu.memory_space<vmem>>
        %dma_start3A_352 = tpu.memref_slice %arg3[%add3A_342] : memref<819200xi32, #tpu.memory_space<hbm>> -> memref<1024xi32, #tpu.memory_space<hbm>>
        tpu.enqueue_dma source(%dma_start3A_352 : memref<1024xi32, #tpu.memory_space<hbm>>) target(%dma_start3A_351 : memref<1024xi32, #tpu.memory_space<vmem>>) target_semaphore(%dma_start3A_348 : memref<!tpu.dma_semaphore, #tpu.memory_space<semaphore_mem>>)
        %mul3A_353 = arith.constant 1024 : i32
        %mul3A_354 = arith.muli %add3A_339, %mul3A_353 : i32
        %add3A_355 = arith.addi %mul3A_2, %mul3A_354 : i32
        %dma_start3A_356 = arith.constant 0 : i32
        %dma_start3A_357 = tpu.memref_slice %arg10[%and3A_243, %dma_start3A_356] : memref<2x1024xi32, #tpu.memory_space<vmem>> -> memref<1x1024xi32, #tpu.memory_space<vmem>>
        %dma_start3A_358 = tpu.memref_squeeze %dma_start3A_357 : memref<1x1024xi32, #tpu.memory_space<vmem>> -> memref<1024xi32, #tpu.memory_space<vmem>>
        %dma_start3A_359 = tpu.memref_slice %arg4[%add3A_355] : memref<819200xi32, #tpu.memory_space<hbm>> -> memref<1024xi32, #tpu.memory_space<hbm>>
        %dma_start3A_360 = tpu.memref_slice %arg17[%and3A_243] : memref<2x!tpu.dma_semaphore, #tpu.memory_space<semaphore_mem>> -> memref<1x!tpu.dma_semaphore, #tpu.memory_space<semaphore_mem>>
        %dma_start3A_361 = tpu.memref_squeeze %dma_start3A_360 : memref<1x!tpu.dma_semaphore, #tpu.memory_space<semaphore_mem>> -> memref<!tpu.dma_semaphore, #tpu.memory_space<semaphore_mem>>
        %dma_start3A_362 = arith.constant 0 : i32
        %dma_start3A_363 = tpu.memref_slice %arg10[%and3A_243, %dma_start3A_362] : memref<2x1024xi32, #tpu.memory_space<vmem>> -> memref<1x1024xi32, #tpu.memory_space<vmem>>
        %dma_start3A_364 = tpu.memref_squeeze %dma_start3A_363 : memref<1x1024xi32, #tpu.memory_space<vmem>> -> memref<1024xi32, #tpu.memory_space<vmem>>
        %dma_start3A_365 = tpu.memref_slice %arg4[%add3A_355] : memref<819200xi32, #tpu.memory_space<hbm>> -> memref<1024xi32, #tpu.memory_space<hbm>>
        tpu.enqueue_dma source(%dma_start3A_365 : memref<1024xi32, #tpu.memory_space<hbm>>) target(%dma_start3A_364 : memref<1024xi32, #tpu.memory_space<vmem>>) target_semaphore(%dma_start3A_361 : memref<!tpu.dma_semaphore, #tpu.memory_space<semaphore_mem>>)
      } else {
      }
      %ge3A = arith.constant 2 : i32
      %ge3A_276 = arith.cmpi sge, %scan3A_242, %ge3A : i32
      %convert_element_type3A_277 = arith.extui %ge3A_276 : i1 to i32
      %cond3A_278 = arith.constant 0 : i32
      %cond3A_279 = arith.cmpi ne, %convert_element_type3A_277, %cond3A_278 : i32
      scf.if %cond3A_279 {
        %sub3A_338 = arith.constant 2 : i32
        %sub3A_339 = arith.subi %scan3A_242, %sub3A_338 : i32
        %mul3A_340 = arith.constant 1024 : i32
        %mul3A_341 = arith.muli %sub3A_339, %mul3A_340 : i32
        %add3A_342 = arith.addi %mul3A_2, %mul3A_341 : i32
        %dma_wait3A_343 = arith.constant 0 : i32
        %dma_wait3A_344 = tpu.memref_slice %arg13[%and3A_243, %dma_wait3A_343] : memref<2x1024xf32, #tpu.memory_space<vmem>> -> memref<1x1024xf32, #tpu.memory_space<vmem>>
        %dma_wait3A_345 = tpu.memref_squeeze %dma_wait3A_344 : memref<1x1024xf32, #tpu.memory_space<vmem>> -> memref<1024xf32, #tpu.memory_space<vmem>>
        %dma_wait3A_346 = tpu.memref_slice %arg5[%add3A_342] : memref<819200xf32, #tpu.memory_space<hbm>> -> memref<1024xf32, #tpu.memory_space<hbm>>
        %dma_wait3A_347 = tpu.memref_slice %arg19[%and3A_243] : memref<2x!tpu.dma_semaphore, #tpu.memory_space<semaphore_mem>> -> memref<1x!tpu.dma_semaphore, #tpu.memory_space<semaphore_mem>>
        %dma_wait3A_348 = tpu.memref_squeeze %dma_wait3A_347 : memref<1x!tpu.dma_semaphore, #tpu.memory_space<semaphore_mem>> -> memref<!tpu.dma_semaphore, #tpu.memory_space<semaphore_mem>>
        %dma_wait3A_349 = tpu.memref_slice %arg5[%add3A_342] : memref<819200xf32, #tpu.memory_space<hbm>> -> memref<1024xf32, #tpu.memory_space<hbm>>
        %dma_wait3A_350 = arith.constant 0 : i32
        %dma_wait3A_351 = tpu.memref_slice %arg13[%and3A_243, %dma_wait3A_350] : memref<2x1024xf32, #tpu.memory_space<vmem>> -> memref<1x1024xf32, #tpu.memory_space<vmem>>
        %dma_wait3A_352 = tpu.memref_squeeze %dma_wait3A_351 : memref<1x1024xf32, #tpu.memory_space<vmem>> -> memref<1024xf32, #tpu.memory_space<vmem>>
        tpu.wait_dma2 semaphore(%dma_wait3A_348 : memref<!tpu.dma_semaphore, #tpu.memory_space<semaphore_mem>>) src(%dma_wait3A_352 : memref<1024xf32, #tpu.memory_space<vmem>>) dst(%dma_wait3A_349 : memref<1024xf32, #tpu.memory_space<hbm>>)
        %mul3A_353 = arith.constant 1024 : i32
        %mul3A_354 = arith.muli %sub3A_339, %mul3A_353 : i32
        %add3A_355 = arith.addi %mul3A_2, %mul3A_354 : i32
        %dma_wait3A_356 = arith.constant 0 : i32
        %dma_wait3A_357 = tpu.memref_slice %arg14[%and3A_243, %dma_wait3A_356] : memref<2x1024xf32, #tpu.memory_space<vmem>> -> memref<1x1024xf32, #tpu.memory_space<vmem>>
        %dma_wait3A_358 = tpu.memref_squeeze %dma_wait3A_357 : memref<1x1024xf32, #tpu.memory_space<vmem>> -> memref<1024xf32, #tpu.memory_space<vmem>>
        %dma_wait3A_359 = tpu.memref_slice %arg6[%add3A_355] : memref<819200xf32, #tpu.memory_space<hbm>> -> memref<1024xf32, #tpu.memory_space<hbm>>
        %dma_wait3A_360 = tpu.memref_slice %arg19[%and3A_243] : memref<2x!tpu.dma_semaphore, #tpu.memory_space<semaphore_mem>> -> memref<1x!tpu.dma_semaphore, #tpu.memory_space<semaphore_mem>>
        %dma_wait3A_361 = tpu.memref_squeeze %dma_wait3A_360 : memref<1x!tpu.dma_semaphore, #tpu.memory_space<semaphore_mem>> -> memref<!tpu.dma_semaphore, #tpu.memory_space<semaphore_mem>>
        %dma_wait3A_362 = tpu.memref_slice %arg6[%add3A_355] : memref<819200xf32, #tpu.memory_space<hbm>> -> memref<1024xf32, #tpu.memory_space<hbm>>
        %dma_wait3A_363 = arith.constant 0 : i32
        %dma_wait3A_364 = tpu.memref_slice %arg14[%and3A_243, %dma_wait3A_363] : memref<2x1024xf32, #tpu.memory_space<vmem>> -> memref<1x1024xf32, #tpu.memory_space<vmem>>
        %dma_wait3A_365 = tpu.memref_squeeze %dma_wait3A_364 : memref<1x1024xf32, #tpu.memory_space<vmem>> -> memref<1024xf32, #tpu.memory_space<vmem>>
        tpu.wait_dma2 semaphore(%dma_wait3A_361 : memref<!tpu.dma_semaphore, #tpu.memory_space<semaphore_mem>>) src(%dma_wait3A_365 : memref<1024xf32, #tpu.memory_space<vmem>>) dst(%dma_wait3A_362 : memref<1024xf32, #tpu.memory_space<hbm>>)
        %mul3A_366 = arith.constant 1024 : i32
        %mul3A_367 = arith.muli %sub3A_339, %mul3A_366 : i32
        %add3A_368 = arith.addi %mul3A_2, %mul3A_367 : i32
        %dma_wait3A_369 = arith.constant 0 : i32
        %dma_wait3A_370 = tpu.memref_slice %arg15[%and3A_243, %dma_wait3A_369] : memref<2x1024xf32, #tpu.memory_space<vmem>> -> memref<1x1024xf32, #tpu.memory_space<vmem>>
        %dma_wait3A_371 = tpu.memref_squeeze %dma_wait3A_370 : memref<1x1024xf32, #tpu.memory_space<vmem>> -> memref<1024xf32, #tpu.memory_space<vmem>>
        %dma_wait3A_372 = tpu.memref_slice %arg7[%add3A_368] : memref<819200xf32, #tpu.memory_space<hbm>> -> memref<1024xf32, #tpu.memory_space<hbm>>
        %dma_wait3A_373 = tpu.memref_slice %arg19[%and3A_243] : memref<2x!tpu.dma_semaphore, #tpu.memory_space<semaphore_mem>> -> memref<1x!tpu.dma_semaphore, #tpu.memory_space<semaphore_mem>>
        %dma_wait3A_374 = tpu.memref_squeeze %dma_wait3A_373 : memref<1x!tpu.dma_semaphore, #tpu.memory_space<semaphore_mem>> -> memref<!tpu.dma_semaphore, #tpu.memory_space<semaphore_mem>>
        %dma_wait3A_375 = tpu.memref_slice %arg7[%add3A_368] : memref<819200xf32, #tpu.memory_space<hbm>> -> memref<1024xf32, #tpu.memory_space<hbm>>
        %dma_wait3A_376 = arith.constant 0 : i32
        %dma_wait3A_377 = tpu.memref_slice %arg15[%and3A_243, %dma_wait3A_376] : memref<2x1024xf32, #tpu.memory_space<vmem>> -> memref<1x1024xf32, #tpu.memory_space<vmem>>
        %dma_wait3A_378 = tpu.memref_squeeze %dma_wait3A_377 : memref<1x1024xf32, #tpu.memory_space<vmem>> -> memref<1024xf32, #tpu.memory_space<vmem>>
        tpu.wait_dma2 semaphore(%dma_wait3A_374 : memref<!tpu.dma_semaphore, #tpu.memory_space<semaphore_mem>>) src(%dma_wait3A_378 : memref<1024xf32, #tpu.memory_space<vmem>>) dst(%dma_wait3A_375 : memref<1024xf32, #tpu.memory_space<hbm>>)
        %mul3A_379 = arith.constant 1024 : i32
        %mul3A_380 = arith.muli %sub3A_339, %mul3A_379 : i32
        %add3A_381 = arith.addi %mul3A_2, %mul3A_380 : i32
        %dma_wait3A_382 = arith.constant 0 : i32
        %dma_wait3A_383 = tpu.memref_slice %arg16[%and3A_243, %dma_wait3A_382] : memref<2x1024xf32, #tpu.memory_space<vmem>> -> memref<1x1024xf32, #tpu.memory_space<vmem>>
        %dma_wait3A_384 = tpu.memref_squeeze %dma_wait3A_383 : memref<1x1024xf32, #tpu.memory_space<vmem>> -> memref<1024xf32, #tpu.memory_space<vmem>>
        %dma_wait3A_385 = tpu.memref_slice %arg8[%add3A_381] : memref<819200xf32, #tpu.memory_space<hbm>> -> memref<1024xf32, #tpu.memory_space<hbm>>
        %dma_wait3A_386 = tpu.memref_slice %arg19[%and3A_243] : memref<2x!tpu.dma_semaphore, #tpu.memory_space<semaphore_mem>> -> memref<1x!tpu.dma_semaphore, #tpu.memory_space<semaphore_mem>>
        %dma_wait3A_387 = tpu.memref_squeeze %dma_wait3A_386 : memref<1x!tpu.dma_semaphore, #tpu.memory_space<semaphore_mem>> -> memref<!tpu.dma_semaphore, #tpu.memory_space<semaphore_mem>>
        %dma_wait3A_388 = tpu.memref_slice %arg8[%add3A_381] : memref<819200xf32, #tpu.memory_space<hbm>> -> memref<1024xf32, #tpu.memory_space<hbm>>
        %dma_wait3A_389 = arith.constant 0 : i32
        %dma_wait3A_390 = tpu.memref_slice %arg16[%and3A_243, %dma_wait3A_389] : memref<2x1024xf32, #tpu.memory_space<vmem>> -> memref<1x1024xf32, #tpu.memory_space<vmem>>
        %dma_wait3A_391 = tpu.memref_squeeze %dma_wait3A_390 : memref<1x1024xf32, #tpu.memory_space<vmem>> -> memref<1024xf32, #tpu.memory_space<vmem>>
        tpu.wait_dma2 semaphore(%dma_wait3A_387 : memref<!tpu.dma_semaphore, #tpu.memory_space<semaphore_mem>>) src(%dma_wait3A_391 : memref<1024xf32, #tpu.memory_space<vmem>>) dst(%dma_wait3A_388 : memref<1024xf32, #tpu.memory_space<hbm>>)
      } else {
      }
      %scan3A_280 = arith.constant 0 : i32
      %scan3A_281 = arith.constant 0 : i32
      %scan3A_282 = arith.constant 64 : i32
      %scan3A_283 = arith.addi %scan3A_281, %scan3A_282 : i32
      %scan3A_284 = arith.constant 1 : i32
      scf.for %scan3A_338 = %scan3A_281 to %scan3A_283 step %scan3A_284  : i32 {
        %mul3A_339 = arith.constant 16 : i32
        %mul3A_340 = arith.muli %scan3A_338, %mul3A_339 : i32
        %add3A_341 = vector.broadcast %mul3A_340 : i32 to vector<16xi32>
        %add3A_342 = arith.addi %add3A_341, %iota3A : vector<16xi32>
        %gather3A = arith.constant 0 : i32
        %gather3A_343 = arith.constant 0 : i32
        %gather3A_344 = tpu.memref_slice %arg11[%and3A_243, %gather3A, %gather3A_343] : memref<2x1024x8xf32, #tpu.memory_space<vmem>> -> memref<1x1024x8xf32, #tpu.memory_space<vmem>>
        %gather3A_345 = tpu.memref_squeeze %gather3A_344 : memref<1x1024x8xf32, #tpu.memory_space<vmem>> -> memref<1024x8xf32, #tpu.memory_space<vmem>>
        %gather3A_346 = tpu.vector_load_idx %gather3A_345[%add3A_342, %broadcast_in_dim3A_3] : memref<1024x8xf32, #tpu.memory_space<vmem>>[vector<16xi32>, vector<16xi32>], vector<16xf32>,
        %gather3A_347 = arith.constant 0 : i32
        %gather3A_348 = arith.constant 0 : i32
        %gather3A_349 = tpu.memref_slice %arg11[%and3A_243, %gather3A_347, %gather3A_348] : memref<2x1024x8xf32, #tpu.memory_space<vmem>> -> memref<1x1024x8xf32, #tpu.memory_space<vmem>>
        %gather3A_350 = tpu.memref_squeeze %gather3A_349 : memref<1x1024x8xf32, #tpu.memory_space<vmem>> -> memref<1024x8xf32, #tpu.memory_space<vmem>>
        %gather3A_351 = tpu.vector_load_idx %gather3A_350[%add3A_342, %add3A_6] : memref<1024x8xf32, #tpu.memory_space<vmem>>[vector<16xi32>, vector<16xi32>], vector<16xf32>,
        %gather3A_352 = arith.constant 0 : i32
        %gather3A_353 = arith.constant 0 : i32
        %gather3A_354 = tpu.memref_slice %arg11[%and3A_243, %gather3A_352, %gather3A_353] : memref<2x1024x8xf32, #tpu.memory_space<vmem>> -> memref<1x1024x8xf32, #tpu.memory_space<vmem>>
        %gather3A_355 = tpu.memref_squeeze %gather3A_354 : memref<1x1024x8xf32, #tpu.memory_space<vmem>> -> memref<1024x8xf32, #tpu.memory_space<vmem>>
        %gather3A_356 = tpu.vector_load_idx %gather3A_355[%add3A_342, %add3A_9] : memref<1024x8xf32, #tpu.memory_space<vmem>>[vector<16xi32>, vector<16xi32>], vector<16xf32>,
        %gather3A_357 = arith.constant 0 : i32
        %gather3A_358 = arith.constant 0 : i32
        %gather3A_359 = tpu.memref_slice %arg11[%and3A_243, %gather3A_357, %gather3A_358] : memref<2x1024x8xf32, #tpu.memory_space<vmem>> -> memref<1x1024x8xf32, #tpu.memory_space<vmem>>
        %gather3A_360 = tpu.memref_squeeze %gather3A_359 : memref<1x1024x8xf32, #tpu.memory_space<vmem>> -> memref<1024x8xf32, #tpu.memory_space<vmem>>
        %gather3A_361 = tpu.vector_load_idx %gather3A_360[%add3A_342, %add3A_12] : memref<1024x8xf32, #tpu.memory_space<vmem>>[vector<16xi32>, vector<16xi32>], vector<16xf32>,
        %gather3A_362 = arith.constant 0 : i32
        %gather3A_363 = arith.constant 0 : i32
        %gather3A_364 = tpu.memref_slice %arg12[%and3A_243, %gather3A_362, %gather3A_363] : memref<2x1024x8xf32, #tpu.memory_space<vmem>> -> memref<1x1024x8xf32, #tpu.memory_space<vmem>>
        %gather3A_365 = tpu.memref_squeeze %gather3A_364 : memref<1x1024x8xf32, #tpu.memory_space<vmem>> -> memref<1024x8xf32, #tpu.memory_space<vmem>>
        %gather3A_366 = tpu.vector_load_idx %gather3A_365[%add3A_342, %broadcast_in_dim3A_3] : memref<1024x8xf32, #tpu.memory_space<vmem>>[vector<16xi32>, vector<16xi32>], vector<16xf32>,
        %gather3A_367 = arith.constant 0 : i32
        %gather3A_368 = arith.constant 0 : i32
        %gather3A_369 = tpu.memref_slice %arg12[%and3A_243, %gather3A_367, %gather3A_368] : memref<2x1024x8xf32, #tpu.memory_space<vmem>> -> memref<1x1024x8xf32, #tpu.memory_space<vmem>>
        %gather3A_370 = tpu.memref_squeeze %gather3A_369 : memref<1x1024x8xf32, #tpu.memory_space<vmem>> -> memref<1024x8xf32, #tpu.memory_space<vmem>>
        %gather3A_371 = tpu.vector_load_idx %gather3A_370[%add3A_342, %add3A_6] : memref<1024x8xf32, #tpu.memory_space<vmem>>[vector<16xi32>, vector<16xi32>], vector<16xf32>,
        %gather3A_372 = arith.constant 0 : i32
        %gather3A_373 = arith.constant 0 : i32
        %gather3A_374 = tpu.memref_slice %arg12[%and3A_243, %gather3A_372, %gather3A_373] : memref<2x1024x8xf32, #tpu.memory_space<vmem>> -> memref<1x1024x8xf32, #tpu.memory_space<vmem>>
        %gather3A_375 = tpu.memref_squeeze %gather3A_374 : memref<1x1024x8xf32, #tpu.memory_space<vmem>> -> memref<1024x8xf32, #tpu.memory_space<vmem>>
        %gather3A_376 = tpu.vector_load_idx %gather3A_375[%add3A_342, %add3A_9] : memref<1024x8xf32, #tpu.memory_space<vmem>>[vector<16xi32>, vector<16xi32>], vector<16xf32>,
        %gather3A_377 = arith.constant 0 : i32
        %gather3A_378 = arith.constant 0 : i32
        %gather3A_379 = tpu.memref_slice %arg12[%and3A_243, %gather3A_377, %gather3A_378] : memref<2x1024x8xf32, #tpu.memory_space<vmem>> -> memref<1x1024x8xf32, #tpu.memory_space<vmem>>
        %gather3A_380 = tpu.memref_squeeze %gather3A_379 : memref<1x1024x8xf32, #tpu.memory_space<vmem>> -> memref<1024x8xf32, #tpu.memory_space<vmem>>
        %gather3A_381 = tpu.vector_load_idx %gather3A_380[%add3A_342, %add3A_12] : memref<1024x8xf32, #tpu.memory_space<vmem>>[vector<16xi32>, vector<16xi32>], vector<16xf32>,
        %sub3A_382 = arith.subf %gather3A_346, %gather3A_366 : vector<16xf32>
        %sub3A_383 = arith.subf %gather3A_351, %gather3A_371 : vector<16xf32>
        %sub3A_384 = arith.subf %gather3A_356, %gather3A_376 : vector<16xf32>
        %sub3A_385 = arith.subf %gather3A_361, %gather3A_381 : vector<16xf32>
        %mul3A_386 = arith.constant 16 : i32
        %mul3A_387 = arith.muli %scan3A_338, %mul3A_386 : i32
        %swap3A = arith.constant 0 : i32
        %swap3A_388 = tpu.memref_slice %arg13[%and3A_243, %swap3A] : memref<2x1024xf32, #tpu.memory_space<vmem>> -> memref<1x1024xf32, #tpu.memory_space<vmem>>
        %swap3A_389 = tpu.memref_squeeze %swap3A_388 : memref<1x1024xf32, #tpu.memory_space<vmem>> -> memref<1024xf32, #tpu.memory_space<vmem>>
        %swap3A_390 = arith.index_cast %mul3A_387 : i32 to index
        %swap3A_391 = tpu.vector_load %swap3A_389[%swap3A_390] {strides = array<i32>} : memref<1024xf32, #tpu.memory_space<vmem>>, vector<16xf32>,
        tpu.vector_store %swap3A_389[%swap3A_390], %sub3A_385 {strides = array<i32>} : memref<1024xf32, #tpu.memory_space<vmem>>, vector<16xf32>,
        %swap3A_392 = arith.constant 0 : i32
        %swap3A_393 = tpu.memref_slice %arg14[%and3A_243, %swap3A_392] : memref<2x1024xf32, #tpu.memory_space<vmem>> -> memref<1x1024xf32, #tpu.memory_space<vmem>>
        %swap3A_394 = tpu.memref_squeeze %swap3A_393 : memref<1x1024xf32, #tpu.memory_space<vmem>> -> memref<1024xf32, #tpu.memory_space<vmem>>
        %swap3A_395 = arith.index_cast %mul3A_387 : i32 to index
        %swap3A_396 = tpu.vector_load %swap3A_394[%swap3A_395] {strides = array<i32>} : memref<1024xf32, #tpu.memory_space<vmem>>, vector<16xf32>,
        tpu.vector_store %swap3A_394[%swap3A_395], %sub3A_382 {strides = array<i32>} : memref<1024xf32, #tpu.memory_space<vmem>>, vector<16xf32>,
        %swap3A_397 = arith.constant 0 : i32
        %swap3A_398 = tpu.memref_slice %arg15[%and3A_243, %swap3A_397] : memref<2x1024xf32, #tpu.memory_space<vmem>> -> memref<1x1024xf32, #tpu.memory_space<vmem>>
        %swap3A_399 = tpu.memref_squeeze %swap3A_398 : memref<1x1024xf32, #tpu.memory_space<vmem>> -> memref<1024xf32, #tpu.memory_space<vmem>>
        %swap3A_400 = arith.index_cast %mul3A_387 : i32 to index
        %swap3A_401 = tpu.vector_load %swap3A_399[%swap3A_400] {strides = array<i32>} : memref<1024xf32, #tpu.memory_space<vmem>>, vector<16xf32>,
        tpu.vector_store %swap3A_399[%swap3A_400], %sub3A_383 {strides = array<i32>} : memref<1024xf32, #tpu.memory_space<vmem>>, vector<16xf32>,
        %swap3A_402 = arith.constant 0 : i32
        %swap3A_403 = tpu.memref_slice %arg16[%and3A_243, %swap3A_402] : memref<2x1024xf32, #tpu.memory_space<vmem>> -> memref<1x1024xf32, #tpu.memory_space<vmem>>
        %swap3A_404 = tpu.memref_squeeze %swap3A_403 : memref<1x1024xf32, #tpu.memory_space<vmem>> -> memref<1024xf32, #tpu.memory_space<vmem>>
        %swap3A_405 = arith.index_cast %mul3A_387 : i32 to index
        %swap3A_406 = tpu.vector_load %swap3A_404[%swap3A_405] {strides = array<i32>} : memref<1024xf32, #tpu.memory_space<vmem>>, vector<16xf32>,
        tpu.vector_store %swap3A_404[%swap3A_405], %sub3A_384 {strides = array<i32>} : memref<1024xf32, #tpu.memory_space<vmem>>, vector<16xf32>,
      }
      %scan3A_285 = arith.constant 64 : i32
      %mul3A_286 = arith.constant 1024 : i32
      %mul3A_287 = arith.muli %scan3A_242, %mul3A_286 : i32
      %add3A_288 = arith.addi %mul3A_2, %mul3A_287 : i32
      %dma_start3A_289 = arith.constant 0 : i32
      %dma_start3A_290 = tpu.memref_slice %arg13[%and3A_243, %dma_start3A_289] : memref<2x1024xf32, #tpu.memory_space<vmem>> -> memref<1x1024xf32, #tpu.memory_space<vmem>>
      %dma_start3A_291 = tpu.memref_squeeze %dma_start3A_290 : memref<1x1024xf32, #tpu.memory_space<vmem>> -> memref<1024xf32, #tpu.memory_space<vmem>>
      %dma_start3A_292 = tpu.memref_slice %arg5[%add3A_288] : memref<819200xf32, #tpu.memory_space<hbm>> -> memref<1024xf32, #tpu.memory_space<hbm>>
      %dma_start3A_293 = tpu.memref_slice %arg19[%and3A_243] : memref<2x!tpu.dma_semaphore, #tpu.memory_space<semaphore_mem>> -> memref<1x!tpu.dma_semaphore, #tpu.memory_space<semaphore_mem>>
      %dma_start3A_294 = tpu.memref_squeeze %dma_start3A_293 : memref<1x!tpu.dma_semaphore, #tpu.memory_space<semaphore_mem>> -> memref<!tpu.dma_semaphore, #tpu.memory_space<semaphore_mem>>
      %dma_start3A_295 = tpu.memref_slice %arg5[%add3A_288] : memref<819200xf32, #tpu.memory_space<hbm>> -> memref<1024xf32, #tpu.memory_space<hbm>>
      %dma_start3A_296 = arith.constant 0 : i32
      %dma_start3A_297 = tpu.memref_slice %arg13[%and3A_243, %dma_start3A_296] : memref<2x1024xf32, #tpu.memory_space<vmem>> -> memref<1x1024xf32, #tpu.memory_space<vmem>>
      %dma_start3A_298 = tpu.memref_squeeze %dma_start3A_297 : memref<1x1024xf32, #tpu.memory_space<vmem>> -> memref<1024xf32, #tpu.memory_space<vmem>>
      tpu.enqueue_dma source(%dma_start3A_298 : memref<1024xf32, #tpu.memory_space<vmem>>) target(%dma_start3A_295 : memref<1024xf32, #tpu.memory_space<hbm>>) target_semaphore(%dma_start3A_294 : memref<!tpu.dma_semaphore, #tpu.memory_space<semaphore_mem>>)
      %mul3A_299 = arith.constant 1024 : i32
      %mul3A_300 = arith.muli %scan3A_242, %mul3A_299 : i32
      %add3A_301 = arith.addi %mul3A_2, %mul3A_300 : i32
      %dma_start3A_302 = arith.constant 0 : i32
      %dma_start3A_303 = tpu.memref_slice %arg14[%and3A_243, %dma_start3A_302] : memref<2x1024xf32, #tpu.memory_space<vmem>> -> memref<1x1024xf32, #tpu.memory_space<vmem>>
      %dma_start3A_304 = tpu.memref_squeeze %dma_start3A_303 : memref<1x1024xf32, #tpu.memory_space<vmem>> -> memref<1024xf32, #tpu.memory_space<vmem>>
      %dma_start3A_305 = tpu.memref_slice %arg6[%add3A_301] : memref<819200xf32, #tpu.memory_space<hbm>> -> memref<1024xf32, #tpu.memory_space<hbm>>
      %dma_start3A_306 = tpu.memref_slice %arg19[%and3A_243] : memref<2x!tpu.dma_semaphore, #tpu.memory_space<semaphore_mem>> -> memref<1x!tpu.dma_semaphore, #tpu.memory_space<semaphore_mem>>
      %dma_start3A_307 = tpu.memref_squeeze %dma_start3A_306 : memref<1x!tpu.dma_semaphore, #tpu.memory_space<semaphore_mem>> -> memref<!tpu.dma_semaphore, #tpu.memory_space<semaphore_mem>>
      %dma_start3A_308 = tpu.memref_slice %arg6[%add3A_301] : memref<819200xf32, #tpu.memory_space<hbm>> -> memref<1024xf32, #tpu.memory_space<hbm>>
      %dma_start3A_309 = arith.constant 0 : i32
      %dma_start3A_310 = tpu.memref_slice %arg14[%and3A_243, %dma_start3A_309] : memref<2x1024xf32, #tpu.memory_space<vmem>> -> memref<1x1024xf32, #tpu.memory_space<vmem>>
      %dma_start3A_311 = tpu.memref_squeeze %dma_start3A_310 : memref<1x1024xf32, #tpu.memory_space<vmem>> -> memref<1024xf32, #tpu.memory_space<vmem>>
      tpu.enqueue_dma source(%dma_start3A_311 : memref<1024xf32, #tpu.memory_space<vmem>>) target(%dma_start3A_308 : memref<1024xf32, #tpu.memory_space<hbm>>) target_semaphore(%dma_start3A_307 : memref<!tpu.dma_semaphore, #tpu.memory_space<semaphore_mem>>)
      %mul3A_312 = arith.constant 1024 : i32
      %mul3A_313 = arith.muli %scan3A_242, %mul3A_312 : i32
      %add3A_314 = arith.addi %mul3A_2, %mul3A_313 : i32
      %dma_start3A_315 = arith.constant 0 : i32
      %dma_start3A_316 = tpu.memref_slice %arg15[%and3A_243, %dma_start3A_315] : memref<2x1024xf32, #tpu.memory_space<vmem>> -> memref<1x1024xf32, #tpu.memory_space<vmem>>
      %dma_start3A_317 = tpu.memref_squeeze %dma_start3A_316 : memref<1x1024xf32, #tpu.memory_space<vmem>> -> memref<1024xf32, #tpu.memory_space<vmem>>
      %dma_start3A_318 = tpu.memref_slice %arg7[%add3A_314] : memref<819200xf32, #tpu.memory_space<hbm>> -> memref<1024xf32, #tpu.memory_space<hbm>>
      %dma_start3A_319 = tpu.memref_slice %arg19[%and3A_243] : memref<2x!tpu.dma_semaphore, #tpu.memory_space<semaphore_mem>> -> memref<1x!tpu.dma_semaphore, #tpu.memory_space<semaphore_mem>>
      %dma_start3A_320 = tpu.memref_squeeze %dma_start3A_319 : memref<1x!tpu.dma_semaphore, #tpu.memory_space<semaphore_mem>> -> memref<!tpu.dma_semaphore, #tpu.memory_space<semaphore_mem>>
      %dma_start3A_321 = tpu.memref_slice %arg7[%add3A_314] : memref<819200xf32, #tpu.memory_space<hbm>> -> memref<1024xf32, #tpu.memory_space<hbm>>
      %dma_start3A_322 = arith.constant 0 : i32
      %dma_start3A_323 = tpu.memref_slice %arg15[%and3A_243, %dma_start3A_322] : memref<2x1024xf32, #tpu.memory_space<vmem>> -> memref<1x1024xf32, #tpu.memory_space<vmem>>
      %dma_start3A_324 = tpu.memref_squeeze %dma_start3A_323 : memref<1x1024xf32, #tpu.memory_space<vmem>> -> memref<1024xf32, #tpu.memory_space<vmem>>
      tpu.enqueue_dma source(%dma_start3A_324 : memref<1024xf32, #tpu.memory_space<vmem>>) target(%dma_start3A_321 : memref<1024xf32, #tpu.memory_space<hbm>>) target_semaphore(%dma_start3A_320 : memref<!tpu.dma_semaphore, #tpu.memory_space<semaphore_mem>>)
      %mul3A_325 = arith.constant 1024 : i32
      %mul3A_326 = arith.muli %scan3A_242, %mul3A_325 : i32
      %add3A_327 = arith.addi %mul3A_2, %mul3A_326 : i32
      %dma_start3A_328 = arith.constant 0 : i32
      %dma_start3A_329 = tpu.memref_slice %arg16[%and3A_243, %dma_start3A_328] : memref<2x1024xf32, #tpu.memory_space<vmem>> -> memref<1x1024xf32, #tpu.memory_space<vmem>>
      %dma_start3A_330 = tpu.memref_squeeze %dma_start3A_329 : memref<1x1024xf32, #tpu.memory_space<vmem>> -> memref<1024xf32, #tpu.memory_space<vmem>>
      %dma_start3A_331 = tpu.memref_slice %arg8[%add3A_327] : memref<819200xf32, #tpu.memory_space<hbm>> -> memref<1024xf32, #tpu.memory_space<hbm>>
      %dma_start3A_332 = tpu.memref_slice %arg19[%and3A_243] : memref<2x!tpu.dma_semaphore, #tpu.memory_space<semaphore_mem>> -> memref<1x!tpu.dma_semaphore, #tpu.memory_space<semaphore_mem>>
      %dma_start3A_333 = tpu.memref_squeeze %dma_start3A_332 : memref<1x!tpu.dma_semaphore, #tpu.memory_space<semaphore_mem>> -> memref<!tpu.dma_semaphore, #tpu.memory_space<semaphore_mem>>
      %dma_start3A_334 = tpu.memref_slice %arg8[%add3A_327] : memref<819200xf32, #tpu.memory_space<hbm>> -> memref<1024xf32, #tpu.memory_space<hbm>>
      %dma_start3A_335 = arith.constant 0 : i32
      %dma_start3A_336 = tpu.memref_slice %arg16[%and3A_243, %dma_start3A_335] : memref<2x1024xf32, #tpu.memory_space<vmem>> -> memref<1x1024xf32, #tpu.memory_space<vmem>>
      %dma_start3A_337 = tpu.memref_squeeze %dma_start3A_336 : memref<1x1024xf32, #tpu.memory_space<vmem>> -> memref<1024xf32, #tpu.memory_space<vmem>>
      tpu.enqueue_dma source(%dma_start3A_337 : memref<1024xf32, #tpu.memory_space<vmem>>) target(%dma_start3A_334 : memref<1024xf32, #tpu.memory_space<hbm>>) target_semaphore(%dma_start3A_333 : memref<!tpu.dma_semaphore, #tpu.memory_space<semaphore_mem>>)
    }
    %scan3A_129 = arith.constant 25 : i32
    %add3A_130 = arith.constant 23552 : i32
    %add3A_131 = arith.addi %mul3A_2, %add3A_130 : i32
    %dma_wait3A_132 = arith.constant 1 : i32
    %dma_wait3A_133 = arith.constant 1 : i32
    %dma_wait3A_134 = arith.constant 0 : i32
    %dma_wait3A_135 = tpu.memref_slice %arg13[%dma_wait3A_132, %dma_wait3A_134] : memref<2x1024xf32, #tpu.memory_space<vmem>> -> memref<1x1024xf32, #tpu.memory_space<vmem>>
    %dma_wait3A_136 = tpu.memref_squeeze %dma_wait3A_135 : memref<1x1024xf32, #tpu.memory_space<vmem>> -> memref<1024xf32, #tpu.memory_space<vmem>>
    %dma_wait3A_137 = tpu.memref_slice %arg5[%add3A_131] : memref<819200xf32, #tpu.memory_space<hbm>> -> memref<1024xf32, #tpu.memory_space<hbm>>
    %dma_wait3A_138 = tpu.memref_slice %arg19[%dma_wait3A_133] : memref<2x!tpu.dma_semaphore, #tpu.memory_space<semaphore_mem>> -> memref<1x!tpu.dma_semaphore, #tpu.memory_space<semaphore_mem>>
    %dma_wait3A_139 = tpu.memref_squeeze %dma_wait3A_138 : memref<1x!tpu.dma_semaphore, #tpu.memory_space<semaphore_mem>> -> memref<!tpu.dma_semaphore, #tpu.memory_space<semaphore_mem>>
    %dma_wait3A_140 = tpu.memref_slice %arg5[%add3A_131] : memref<819200xf32, #tpu.memory_space<hbm>> -> memref<1024xf32, #tpu.memory_space<hbm>>
    %dma_wait3A_141 = arith.constant 0 : i32
    %dma_wait3A_142 = tpu.memref_slice %arg13[%dma_wait3A_132, %dma_wait3A_141] : memref<2x1024xf32, #tpu.memory_space<vmem>> -> memref<1x1024xf32, #tpu.memory_space<vmem>>
    %dma_wait3A_143 = tpu.memref_squeeze %dma_wait3A_142 : memref<1x1024xf32, #tpu.memory_space<vmem>> -> memref<1024xf32, #tpu.memory_space<vmem>>
    tpu.wait_dma2 semaphore(%dma_wait3A_139 : memref<!tpu.dma_semaphore, #tpu.memory_space<semaphore_mem>>) src(%dma_wait3A_143 : memref<1024xf32, #tpu.memory_space<vmem>>) dst(%dma_wait3A_140 : memref<1024xf32, #tpu.memory_space<hbm>>)
    %add3A_144 = arith.constant 23552 : i32
    %add3A_145 = arith.addi %mul3A_2, %add3A_144 : i32
    %dma_wait3A_146 = arith.constant 1 : i32
    %dma_wait3A_147 = arith.constant 1 : i32
    %dma_wait3A_148 = arith.constant 0 : i32
    %dma_wait3A_149 = tpu.memref_slice %arg14[%dma_wait3A_146, %dma_wait3A_148] : memref<2x1024xf32, #tpu.memory_space<vmem>> -> memref<1x1024xf32, #tpu.memory_space<vmem>>
    %dma_wait3A_150 = tpu.memref_squeeze %dma_wait3A_149 : memref<1x1024xf32, #tpu.memory_space<vmem>> -> memref<1024xf32, #tpu.memory_space<vmem>>
    %dma_wait3A_151 = tpu.memref_slice %arg6[%add3A_145] : memref<819200xf32, #tpu.memory_space<hbm>> -> memref<1024xf32, #tpu.memory_space<hbm>>
    %dma_wait3A_152 = tpu.memref_slice %arg19[%dma_wait3A_147] : memref<2x!tpu.dma_semaphore, #tpu.memory_space<semaphore_mem>> -> memref<1x!tpu.dma_semaphore, #tpu.memory_space<semaphore_mem>>
    %dma_wait3A_153 = tpu.memref_squeeze %dma_wait3A_152 : memref<1x!tpu.dma_semaphore, #tpu.memory_space<semaphore_mem>> -> memref<!tpu.dma_semaphore, #tpu.memory_space<semaphore_mem>>
    %dma_wait3A_154 = tpu.memref_slice %arg6[%add3A_145] : memref<819200xf32, #tpu.memory_space<hbm>> -> memref<1024xf32, #tpu.memory_space<hbm>>
    %dma_wait3A_155 = arith.constant 0 : i32
    %dma_wait3A_156 = tpu.memref_slice %arg14[%dma_wait3A_146, %dma_wait3A_155] : memref<2x1024xf32, #tpu.memory_space<vmem>> -> memref<1x1024xf32, #tpu.memory_space<vmem>>
    %dma_wait3A_157 = tpu.memref_squeeze %dma_wait3A_156 : memref<1x1024xf32, #tpu.memory_space<vmem>> -> memref<1024xf32, #tpu.memory_space<vmem>>
    tpu.wait_dma2 semaphore(%dma_wait3A_153 : memref<!tpu.dma_semaphore, #tpu.memory_space<semaphore_mem>>) src(%dma_wait3A_157 : memref<1024xf32, #tpu.memory_space<vmem>>) dst(%dma_wait3A_154 : memref<1024xf32, #tpu.memory_space<hbm>>)
    %add3A_158 = arith.constant 23552 : i32
    %add3A_159 = arith.addi %mul3A_2, %add3A_158 : i32
    %dma_wait3A_160 = arith.constant 1 : i32
    %dma_wait3A_161 = arith.constant 1 : i32
    %dma_wait3A_162 = arith.constant 0 : i32
    %dma_wait3A_163 = tpu.memref_slice %arg15[%dma_wait3A_160, %dma_wait3A_162] : memref<2x1024xf32, #tpu.memory_space<vmem>> -> memref<1x1024xf32, #tpu.memory_space<vmem>>
    %dma_wait3A_164 = tpu.memref_squeeze %dma_wait3A_163 : memref<1x1024xf32, #tpu.memory_space<vmem>> -> memref<1024xf32, #tpu.memory_space<vmem>>
    %dma_wait3A_165 = tpu.memref_slice %arg7[%add3A_159] : memref<819200xf32, #tpu.memory_space<hbm>> -> memref<1024xf32, #tpu.memory_space<hbm>>
    %dma_wait3A_166 = tpu.memref_slice %arg19[%dma_wait3A_161] : memref<2x!tpu.dma_semaphore, #tpu.memory_space<semaphore_mem>> -> memref<1x!tpu.dma_semaphore, #tpu.memory_space<semaphore_mem>>
    %dma_wait3A_167 = tpu.memref_squeeze %dma_wait3A_166 : memref<1x!tpu.dma_semaphore, #tpu.memory_space<semaphore_mem>> -> memref<!tpu.dma_semaphore, #tpu.memory_space<semaphore_mem>>
    %dma_wait3A_168 = tpu.memref_slice %arg7[%add3A_159] : memref<819200xf32, #tpu.memory_space<hbm>> -> memref<1024xf32, #tpu.memory_space<hbm>>
    %dma_wait3A_169 = arith.constant 0 : i32
    %dma_wait3A_170 = tpu.memref_slice %arg15[%dma_wait3A_160, %dma_wait3A_169] : memref<2x1024xf32, #tpu.memory_space<vmem>> -> memref<1x1024xf32, #tpu.memory_space<vmem>>
    %dma_wait3A_171 = tpu.memref_squeeze %dma_wait3A_170 : memref<1x1024xf32, #tpu.memory_space<vmem>> -> memref<1024xf32, #tpu.memory_space<vmem>>
    tpu.wait_dma2 semaphore(%dma_wait3A_167 : memref<!tpu.dma_semaphore, #tpu.memory_space<semaphore_mem>>) src(%dma_wait3A_171 : memref<1024xf32, #tpu.memory_space<vmem>>) dst(%dma_wait3A_168 : memref<1024xf32, #tpu.memory_space<hbm>>)
    %add3A_172 = arith.constant 23552 : i32
    %add3A_173 = arith.addi %mul3A_2, %add3A_172 : i32
    %dma_wait3A_174 = arith.constant 1 : i32
    %dma_wait3A_175 = arith.constant 1 : i32
    %dma_wait3A_176 = arith.constant 0 : i32
    %dma_wait3A_177 = tpu.memref_slice %arg16[%dma_wait3A_174, %dma_wait3A_176] : memref<2x1024xf32, #tpu.memory_space<vmem>> -> memref<1x1024xf32, #tpu.memory_space<vmem>>
    %dma_wait3A_178 = tpu.memref_squeeze %dma_wait3A_177 : memref<1x1024xf32, #tpu.memory_space<vmem>> -> memref<1024xf32, #tpu.memory_space<vmem>>
    %dma_wait3A_179 = tpu.memref_slice %arg8[%add3A_173] : memref<819200xf32, #tpu.memory_space<hbm>> -> memref<1024xf32, #tpu.memory_space<hbm>>
    %dma_wait3A_180 = tpu.memref_slice %arg19[%dma_wait3A_175] : memref<2x!tpu.dma_semaphore, #tpu.memory_space<semaphore_mem>> -> memref<1x!tpu.dma_semaphore, #tpu.memory_space<semaphore_mem>>
    %dma_wait3A_181 = tpu.memref_squeeze %dma_wait3A_180 : memref<1x!tpu.dma_semaphore, #tpu.memory_space<semaphore_mem>> -> memref<!tpu.dma_semaphore, #tpu.memory_space<semaphore_mem>>
    %dma_wait3A_182 = tpu.memref_slice %arg8[%add3A_173] : memref<819200xf32, #tpu.memory_space<hbm>> -> memref<1024xf32, #tpu.memory_space<hbm>>
    %dma_wait3A_183 = arith.constant 0 : i32
    %dma_wait3A_184 = tpu.memref_slice %arg16[%dma_wait3A_174, %dma_wait3A_183] : memref<2x1024xf32, #tpu.memory_space<vmem>> -> memref<1x1024xf32, #tpu.memory_space<vmem>>
    %dma_wait3A_185 = tpu.memref_squeeze %dma_wait3A_184 : memref<1x1024xf32, #tpu.memory_space<vmem>> -> memref<1024xf32, #tpu.memory_space<vmem>>
    tpu.wait_dma2 semaphore(%dma_wait3A_181 : memref<!tpu.dma_semaphore, #tpu.memory_space<semaphore_mem>>) src(%dma_wait3A_185 : memref<1024xf32, #tpu.memory_space<vmem>>) dst(%dma_wait3A_182 : memref<1024xf32, #tpu.memory_space<hbm>>)
    %add3A_186 = arith.constant 24576 : i32
    %add3A_187 = arith.addi %mul3A_2, %add3A_186 : i32
    %dma_wait3A_188 = arith.constant 0 : i32
    %dma_wait3A_189 = arith.constant 0 : i32
    %dma_wait3A_190 = arith.constant 0 : i32
    %dma_wait3A_191 = tpu.memref_slice %arg13[%dma_wait3A_188, %dma_wait3A_190] : memref<2x1024xf32, #tpu.memory_space<vmem>> -> memref<1x1024xf32, #tpu.memory_space<vmem>>
    %dma_wait3A_192 = tpu.memref_squeeze %dma_wait3A_191 : memref<1x1024xf32, #tpu.memory_space<vmem>> -> memref<1024xf32, #tpu.memory_space<vmem>>
    %dma_wait3A_193 = tpu.memref_slice %arg5[%add3A_187] : memref<819200xf32, #tpu.memory_space<hbm>> -> memref<1024xf32, #tpu.memory_space<hbm>>
    %dma_wait3A_194 = tpu.memref_slice %arg19[%dma_wait3A_189] : memref<2x!tpu.dma_semaphore, #tpu.memory_space<semaphore_mem>> -> memref<1x!tpu.dma_semaphore, #tpu.memory_space<semaphore_mem>>
    %dma_wait3A_195 = tpu.memref_squeeze %dma_wait3A_194 : memref<1x!tpu.dma_semaphore, #tpu.memory_space<semaphore_mem>> -> memref<!tpu.dma_semaphore, #tpu.memory_space<semaphore_mem>>
    %dma_wait3A_196 = tpu.memref_slice %arg5[%add3A_187] : memref<819200xf32, #tpu.memory_space<hbm>> -> memref<1024xf32, #tpu.memory_space<hbm>>
    %dma_wait3A_197 = arith.constant 0 : i32
    %dma_wait3A_198 = tpu.memref_slice %arg13[%dma_wait3A_188, %dma_wait3A_197] : memref<2x1024xf32, #tpu.memory_space<vmem>> -> memref<1x1024xf32, #tpu.memory_space<vmem>>
    %dma_wait3A_199 = tpu.memref_squeeze %dma_wait3A_198 : memref<1x1024xf32, #tpu.memory_space<vmem>> -> memref<1024xf32, #tpu.memory_space<vmem>>
    tpu.wait_dma2 semaphore(%dma_wait3A_195 : memref<!tpu.dma_semaphore, #tpu.memory_space<semaphore_mem>>) src(%dma_wait3A_199 : memref<1024xf32, #tpu.memory_space<vmem>>) dst(%dma_wait3A_196 : memref<1024xf32, #tpu.memory_space<hbm>>)
    %add3A_200 = arith.constant 24576 : i32
    %add3A_201 = arith.addi %mul3A_2, %add3A_200 : i32
    %dma_wait3A_202 = arith.constant 0 : i32
    %dma_wait3A_203 = arith.constant 0 : i32
    %dma_wait3A_204 = arith.constant 0 : i32
    %dma_wait3A_205 = tpu.memref_slice %arg14[%dma_wait3A_202, %dma_wait3A_204] : memref<2x1024xf32, #tpu.memory_space<vmem>> -> memref<1x1024xf32, #tpu.memory_space<vmem>>
    %dma_wait3A_206 = tpu.memref_squeeze %dma_wait3A_205 : memref<1x1024xf32, #tpu.memory_space<vmem>> -> memref<1024xf32, #tpu.memory_space<vmem>>
    %dma_wait3A_207 = tpu.memref_slice %arg6[%add3A_201] : memref<819200xf32, #tpu.memory_space<hbm>> -> memref<1024xf32, #tpu.memory_space<hbm>>
    %dma_wait3A_208 = tpu.memref_slice %arg19[%dma_wait3A_203] : memref<2x!tpu.dma_semaphore, #tpu.memory_space<semaphore_mem>> -> memref<1x!tpu.dma_semaphore, #tpu.memory_space<semaphore_mem>>
    %dma_wait3A_209 = tpu.memref_squeeze %dma_wait3A_208 : memref<1x!tpu.dma_semaphore, #tpu.memory_space<semaphore_mem>> -> memref<!tpu.dma_semaphore, #tpu.memory_space<semaphore_mem>>
    %dma_wait3A_210 = tpu.memref_slice %arg6[%add3A_201] : memref<819200xf32, #tpu.memory_space<hbm>> -> memref<1024xf32, #tpu.memory_space<hbm>>
    %dma_wait3A_211 = arith.constant 0 : i32
    %dma_wait3A_212 = tpu.memref_slice %arg14[%dma_wait3A_202, %dma_wait3A_211] : memref<2x1024xf32, #tpu.memory_space<vmem>> -> memref<1x1024xf32, #tpu.memory_space<vmem>>
    %dma_wait3A_213 = tpu.memref_squeeze %dma_wait3A_212 : memref<1x1024xf32, #tpu.memory_space<vmem>> -> memref<1024xf32, #tpu.memory_space<vmem>>
    tpu.wait_dma2 semaphore(%dma_wait3A_209 : memref<!tpu.dma_semaphore, #tpu.memory_space<semaphore_mem>>) src(%dma_wait3A_213 : memref<1024xf32, #tpu.memory_space<vmem>>) dst(%dma_wait3A_210 : memref<1024xf32, #tpu.memory_space<hbm>>)
    %add3A_214 = arith.constant 24576 : i32
    %add3A_215 = arith.addi %mul3A_2, %add3A_214 : i32
    %dma_wait3A_216 = arith.constant 0 : i32
    %dma_wait3A_217 = arith.constant 0 : i32
    %dma_wait3A_218 = arith.constant 0 : i32
    %dma_wait3A_219 = tpu.memref_slice %arg15[%dma_wait3A_216, %dma_wait3A_218] : memref<2x1024xf32, #tpu.memory_space<vmem>> -> memref<1x1024xf32, #tpu.memory_space<vmem>>
    %dma_wait3A_220 = tpu.memref_squeeze %dma_wait3A_219 : memref<1x1024xf32, #tpu.memory_space<vmem>> -> memref<1024xf32, #tpu.memory_space<vmem>>
    %dma_wait3A_221 = tpu.memref_slice %arg7[%add3A_215] : memref<819200xf32, #tpu.memory_space<hbm>> -> memref<1024xf32, #tpu.memory_space<hbm>>
    %dma_wait3A_222 = tpu.memref_slice %arg19[%dma_wait3A_217] : memref<2x!tpu.dma_semaphore, #tpu.memory_space<semaphore_mem>> -> memref<1x!tpu.dma_semaphore, #tpu.memory_space<semaphore_mem>>
    %dma_wait3A_223 = tpu.memref_squeeze %dma_wait3A_222 : memref<1x!tpu.dma_semaphore, #tpu.memory_space<semaphore_mem>> -> memref<!tpu.dma_semaphore, #tpu.memory_space<semaphore_mem>>
    %dma_wait3A_224 = tpu.memref_slice %arg7[%add3A_215] : memref<819200xf32, #tpu.memory_space<hbm>> -> memref<1024xf32, #tpu.memory_space<hbm>>
    %dma_wait3A_225 = arith.constant 0 : i32
    %dma_wait3A_226 = tpu.memref_slice %arg15[%dma_wait3A_216, %dma_wait3A_225] : memref<2x1024xf32, #tpu.memory_space<vmem>> -> memref<1x1024xf32, #tpu.memory_space<vmem>>
    %dma_wait3A_227 = tpu.memref_squeeze %dma_wait3A_226 : memref<1x1024xf32, #tpu.memory_space<vmem>> -> memref<1024xf32, #tpu.memory_space<vmem>>
    tpu.wait_dma2 semaphore(%dma_wait3A_223 : memref<!tpu.dma_semaphore, #tpu.memory_space<semaphore_mem>>) src(%dma_wait3A_227 : memref<1024xf32, #tpu.memory_space<vmem>>) dst(%dma_wait3A_224 : memref<1024xf32, #tpu.memory_space<hbm>>)
    %add3A_228 = arith.constant 24576 : i32
    %add3A_229 = arith.addi %mul3A_2, %add3A_228 : i32
    %dma_wait3A_230 = arith.constant 0 : i32
    %dma_wait3A_231 = arith.constant 0 : i32
    %dma_wait3A_232 = arith.constant 0 : i32
    %dma_wait3A_233 = tpu.memref_slice %arg16[%dma_wait3A_230, %dma_wait3A_232] : memref<2x1024xf32, #tpu.memory_space<vmem>> -> memref<1x1024xf32, #tpu.memory_space<vmem>>
    %dma_wait3A_234 = tpu.memref_squeeze %dma_wait3A_233 : memref<1x1024xf32, #tpu.memory_space<vmem>> -> memref<1024xf32, #tpu.memory_space<vmem>>
    %dma_wait3A_235 = tpu.memref_slice %arg8[%add3A_229] : memref<819200xf32, #tpu.memory_space<hbm>> -> memref<1024xf32, #tpu.memory_space<hbm>>
    %dma_wait3A_236 = tpu.memref_slice %arg19[%dma_wait3A_231] : memref<2x!tpu.dma_semaphore, #tpu.memory_space<semaphore_mem>> -> memref<1x!tpu.dma_semaphore, #tpu.memory_space<semaphore_mem>>
    %dma_wait3A_237 = tpu.memref_squeeze %dma_wait3A_236 : memref<1x!tpu.dma_semaphore, #tpu.memory_space<semaphore_mem>> -> memref<!tpu.dma_semaphore, #tpu.memory_space<semaphore_mem>>
    %dma_wait3A_238 = tpu.memref_slice %arg8[%add3A_229] : memref<819200xf32, #tpu.memory_space<hbm>> -> memref<1024xf32, #tpu.memory_space<hbm>>
    %dma_wait3A_239 = arith.constant 0 : i32
    %dma_wait3A_240 = tpu.memref_slice %arg16[%dma_wait3A_230, %dma_wait3A_239] : memref<2x1024xf32, #tpu.memory_space<vmem>> -> memref<1x1024xf32, #tpu.memory_space<vmem>>
    %dma_wait3A_241 = tpu.memref_squeeze %dma_wait3A_240 : memref<1x1024xf32, #tpu.memory_space<vmem>> -> memref<1024xf32, #tpu.memory_space<vmem>>
    tpu.wait_dma2 semaphore(%dma_wait3A_237 : memref<!tpu.dma_semaphore, #tpu.memory_space<semaphore_mem>>) src(%dma_wait3A_241 : memref<1024xf32, #tpu.memory_space<vmem>>) dst(%dma_wait3A_238 : memref<1024xf32, #tpu.memory_space<hbm>>)
    return
  }
}

#map = affine_map<(d0, d1) -> (0)>
#map1 = affine_map<(d0, d1) -> (0, 0, 0)>
module attributes {stable_mosaic.version = 14 : i64} {
  func.func @_scatter_body(%arg0: i32, %arg1: i32, %arg2: memref<819200xf32, #tpu.memory_space<hbm>>, %arg3: memref<819200xf32, #tpu.memory_space<hbm>>, %arg4: memref<819200xf32, #tpu.memory_space<hbm>>, %arg5: memref<819200xf32, #tpu.memory_space<hbm>>, %arg6: memref<819200xi32, #tpu.memory_space<hbm>>, %arg7: memref<2x50176x8xf32, #tpu.memory_space<hbm>>, %arg8: memref<2x1024xi32, #tpu.memory_space<vmem>>, %arg9: memref<2x1024xf32, #tpu.memory_space<vmem>>, %arg10: memref<2x1024xf32, #tpu.memory_space<vmem>>, %arg11: memref<2x1024xf32, #tpu.memory_space<vmem>>, %arg12: memref<2x1024xf32, #tpu.memory_space<vmem>>, %arg13: memref<2x1024x8xf32, #tpu.memory_space<vmem>>, %arg14: memref<3136x8xf32, #tpu.memory_space<vmem>>, %arg15: memref<50176x8xf32, #tpu.memory_space<vmem_shared>>, %arg16: memref<2x!tpu.dma_semaphore, #tpu.memory_space<semaphore_mem>>, %arg17: memref<2x!tpu.dma_semaphore, #tpu.memory_space<semaphore_mem>>) attributes {dimension_semantics = [#tpu.dimension_semantics<core_parallel>, #tpu.dimension_semantics<subcore_parallel>], iteration_bounds = array<i64: 2, 16>, scalar_prefetch = 0 : i64, scratch_operands = 10 : i64, tpu.core_type = #tpu.core_type<sc_vector_subcore>, window_params = [{transform_indices = #map}, {transform_indices = #map}, {transform_indices = #map}, {transform_indices = #map}, {transform_indices = #map}, {transform_indices = #map1}]} {
    %mul3A = arith.constant 2 : i32
    %mul3A_0 = arith.muli %arg1, %mul3A : i32
    %add3A = arith.addi %mul3A_0, %arg0 : i32
    %iota3A = tpu.iota {dimensions = array<i32: 0>} : vector<16xi32>
    %broadcast_in_dim3A = arith.constant 0.000000e+00 : f32
    %broadcast_in_dim3A_1 = vector.broadcast %broadcast_in_dim3A : f32 to vector<16xf32>
    %broadcast_in_dim3A_2 = arith.constant 0 : i32
    %broadcast_in_dim3A_3 = vector.broadcast %broadcast_in_dim3A_2 : i32 to vector<16xi32>
    %add3A_4 = arith.constant 1 : i32
    %add3A_5 = vector.broadcast %add3A_4 : i32 to vector<16xi32>
    %add3A_6 = arith.addi %broadcast_in_dim3A_3, %add3A_5 : vector<16xi32>
    %add3A_7 = arith.constant 2 : i32
    %add3A_8 = vector.broadcast %add3A_7 : i32 to vector<16xi32>
    %add3A_9 = arith.addi %broadcast_in_dim3A_3, %add3A_8 : vector<16xi32>
    %scan3A = arith.constant 0 : i32
    %scan3A_10 = arith.constant 0 : i32
    %scan3A_11 = arith.constant 1568 : i32
    %scan3A_12 = arith.addi %scan3A_10, %scan3A_11 : i32
    %scan3A_13 = arith.constant 1 : i32
    scf.for %scan3A_140 = %scan3A_10 to %scan3A_12 step %scan3A_13  : i32 {
      %mul3A_141 = arith.constant 16 : i32
      %mul3A_142 = arith.muli %scan3A_140, %mul3A_141 : i32
      %add3A_143 = vector.broadcast %mul3A_142 : i32 to vector<16xi32>
      %add3A_144 = arith.addi %add3A_143, %iota3A : vector<16xi32>
      %shift_right_logical3A = arith.constant 3 : i32
      %shift_right_logical3A_145 = vector.broadcast %shift_right_logical3A : i32 to vector<16xi32>
      %shift_right_logical3A_146 = arith.shrui %add3A_144, %shift_right_logical3A_145 : vector<16xi32>
      %and3A = arith.constant 7 : i32
      %and3A_147 = vector.broadcast %and3A : i32 to vector<16xi32>
      %and3A_148 = arith.andi %add3A_144, %and3A_147 : vector<16xi32>
      tpu.vector_store_idx %arg14[%shift_right_logical3A_146, %and3A_148], %broadcast_in_dim3A_1 : memref<3136x8xf32, #tpu.memory_space<vmem>>[vector<16xi32>, vector<16xi32>], vector<16xf32>,
    }
    %scan3A_14 = arith.constant 1568 : i32
    %mul3A_15 = arith.constant 3136 : i32
    %mul3A_16 = arith.muli %arg1, %mul3A_15 : i32
    "tpu.region"() ({
      %run_scoped3A = tpu.sem_alloc : memref<!tpu.dma_semaphore, #tpu.memory_space<semaphore_mem>>
      %dma_start3A_140 = arith.constant 0 : i32
      %dma_start3A_141 = tpu.memref_slice %arg15[%mul3A_16, %dma_start3A_140] : memref<50176x8xf32, #tpu.memory_space<vmem_shared>> -> memref<3136x8xf32, #tpu.memory_space<vmem_shared>>
      %dma_start3A_142 = arith.constant 0 : i32
      %dma_start3A_143 = tpu.memref_slice %arg15[%mul3A_16, %dma_start3A_142] : memref<50176x8xf32, #tpu.memory_space<vmem_shared>> -> memref<3136x8xf32, #tpu.memory_space<vmem_shared>>
      tpu.enqueue_dma source(%arg14 : memref<3136x8xf32, #tpu.memory_space<vmem>>) target(%dma_start3A_143 : memref<3136x8xf32, #tpu.memory_space<vmem_shared>>) target_semaphore(%run_scoped3A : memref<!tpu.dma_semaphore, #tpu.memory_space<semaphore_mem>>)
      %dma_wait3A_144 = arith.constant 0 : i32
      %dma_wait3A_145 = tpu.memref_slice %arg15[%mul3A_16, %dma_wait3A_144] : memref<50176x8xf32, #tpu.memory_space<vmem_shared>> -> memref<3136x8xf32, #tpu.memory_space<vmem_shared>>
      %dma_wait3A_146 = arith.constant 0 : i32
      %dma_wait3A_147 = tpu.memref_slice %arg15[%mul3A_16, %dma_wait3A_146] : memref<50176x8xf32, #tpu.memory_space<vmem_shared>> -> memref<3136x8xf32, #tpu.memory_space<vmem_shared>>
      tpu.wait_dma2 semaphore(%run_scoped3A : memref<!tpu.dma_semaphore, #tpu.memory_space<semaphore_mem>>) src(%arg14 : memref<3136x8xf32, #tpu.memory_space<vmem>>) dst(%dma_wait3A_147 : memref<3136x8xf32, #tpu.memory_space<vmem_shared>>)
      tpu.yield
    }) : () -> ()
    %scan3A_17 = arith.constant 0 : i32
    %scan3A_18 = arith.constant 0 : i32
    %scan3A_19 = arith.constant 512 : i32
    %scan3A_20 = arith.addi %scan3A_18, %scan3A_19 : i32
    %scan3A_21 = arith.constant 1 : i32
    scf.for %scan3A_140 = %scan3A_18 to %scan3A_20 step %scan3A_21  : i32 {
      %mul3A_141 = arith.constant 16 : i32
      %mul3A_142 = arith.muli %scan3A_140, %mul3A_141 : i32
      %add3A_143 = vector.broadcast %mul3A_142 : i32 to vector<16xi32>
      %add3A_144 = arith.addi %add3A_143, %iota3A : vector<16xi32>
      %shift_right_logical3A = arith.constant 3 : i32
      %shift_right_logical3A_145 = vector.broadcast %shift_right_logical3A : i32 to vector<16xi32>
      %shift_right_logical3A_146 = arith.shrui %add3A_144, %shift_right_logical3A_145 : vector<16xi32>
      %and3A = arith.constant 7 : i32
      %and3A_147 = vector.broadcast %and3A : i32 to vector<16xi32>
      %and3A_148 = arith.andi %add3A_144, %and3A_147 : vector<16xi32>
      %scatter3A = arith.constant 0 : i32
      %scatter3A_149 = arith.constant 0 : i32
      %scatter3A_150 = arith.constant 0 : i32
      %scatter3A_151 = tpu.memref_slice %arg13[%scatter3A, %scatter3A_149, %scatter3A_150] : memref<2x1024x8xf32, #tpu.memory_space<vmem>> -> memref<1x1024x8xf32, #tpu.memory_space<vmem>>
      %scatter3A_152 = tpu.memref_squeeze %scatter3A_151 : memref<1x1024x8xf32, #tpu.memory_space<vmem>> -> memref<1024x8xf32, #tpu.memory_space<vmem>>
      tpu.vector_store_idx %scatter3A_152[%shift_right_logical3A_146, %and3A_148], %broadcast_in_dim3A_1 : memref<1024x8xf32, #tpu.memory_space<vmem>>[vector<16xi32>, vector<16xi32>], vector<16xf32>,
    }
    %scan3A_22 = arith.constant 512 : i32
    %scan3A_23 = arith.constant 0 : i32
    %scan3A_24 = arith.constant 0 : i32
    %scan3A_25 = arith.constant 512 : i32
    %scan3A_26 = arith.addi %scan3A_24, %scan3A_25 : i32
    %scan3A_27 = arith.constant 1 : i32
    scf.for %scan3A_140 = %scan3A_24 to %scan3A_26 step %scan3A_27  : i32 {
      %mul3A_141 = arith.constant 16 : i32
      %mul3A_142 = arith.muli %scan3A_140, %mul3A_141 : i32
      %add3A_143 = vector.broadcast %mul3A_142 : i32 to vector<16xi32>
      %add3A_144 = arith.addi %add3A_143, %iota3A : vector<16xi32>
      %shift_right_logical3A = arith.constant 3 : i32
      %shift_right_logical3A_145 = vector.broadcast %shift_right_logical3A : i32 to vector<16xi32>
      %shift_right_logical3A_146 = arith.shrui %add3A_144, %shift_right_logical3A_145 : vector<16xi32>
      %and3A = arith.constant 7 : i32
      %and3A_147 = vector.broadcast %and3A : i32 to vector<16xi32>
      %and3A_148 = arith.andi %add3A_144, %and3A_147 : vector<16xi32>
      %scatter3A = arith.constant 1 : i32
      %scatter3A_149 = arith.constant 0 : i32
      %scatter3A_150 = arith.constant 0 : i32
      %scatter3A_151 = tpu.memref_slice %arg13[%scatter3A, %scatter3A_149, %scatter3A_150] : memref<2x1024x8xf32, #tpu.memory_space<vmem>> -> memref<1x1024x8xf32, #tpu.memory_space<vmem>>
      %scatter3A_152 = tpu.memref_squeeze %scatter3A_151 : memref<1x1024x8xf32, #tpu.memory_space<vmem>> -> memref<1024x8xf32, #tpu.memory_space<vmem>>
      tpu.vector_store_idx %scatter3A_152[%shift_right_logical3A_146, %and3A_148], %broadcast_in_dim3A_1 : memref<1024x8xf32, #tpu.memory_space<vmem>>[vector<16xi32>, vector<16xi32>], vector<16xf32>,
    }
    %scan3A_28 = arith.constant 512 : i32
    %barrier3A = arith.constant 0 : index
    tpu.barrier barrier_id(%barrier3A)
    %mul3A_29 = arith.constant 25600 : i32
    %mul3A_30 = arith.muli %add3A, %mul3A_29 : i32
    %add3A_31 = arith.constant 0 : i32
    %add3A_32 = arith.addi %mul3A_30, %add3A_31 : i32
    %dma_start3A = arith.constant 0 : i32
    %dma_start3A_33 = arith.constant 0 : i32
    %dma_start3A_34 = arith.constant 0 : i32
    %dma_start3A_35 = tpu.memref_slice %arg8[%dma_start3A, %dma_start3A_34] : memref<2x1024xi32, #tpu.memory_space<vmem>> -> memref<1x1024xi32, #tpu.memory_space<vmem>>
    %dma_start3A_36 = tpu.memref_squeeze %dma_start3A_35 : memref<1x1024xi32, #tpu.memory_space<vmem>> -> memref<1024xi32, #tpu.memory_space<vmem>>
    %dma_start3A_37 = tpu.memref_slice %arg6[%add3A_32] : memref<819200xi32, #tpu.memory_space<hbm>> -> memref<1024xi32, #tpu.memory_space<hbm>>
    %dma_start3A_38 = tpu.memref_slice %arg16[%dma_start3A_33] : memref<2x!tpu.dma_semaphore, #tpu.memory_space<semaphore_mem>> -> memref<1x!tpu.dma_semaphore, #tpu.memory_space<semaphore_mem>>
    %dma_start3A_39 = tpu.memref_squeeze %dma_start3A_38 : memref<1x!tpu.dma_semaphore, #tpu.memory_space<semaphore_mem>> -> memref<!tpu.dma_semaphore, #tpu.memory_space<semaphore_mem>>
    %dma_start3A_40 = arith.constant 0 : i32
    %dma_start3A_41 = tpu.memref_slice %arg8[%dma_start3A, %dma_start3A_40] : memref<2x1024xi32, #tpu.memory_space<vmem>> -> memref<1x1024xi32, #tpu.memory_space<vmem>>
    %dma_start3A_42 = tpu.memref_squeeze %dma_start3A_41 : memref<1x1024xi32, #tpu.memory_space<vmem>> -> memref<1024xi32, #tpu.memory_space<vmem>>
    %dma_start3A_43 = tpu.memref_slice %arg6[%add3A_32] : memref<819200xi32, #tpu.memory_space<hbm>> -> memref<1024xi32, #tpu.memory_space<hbm>>
    tpu.enqueue_dma source(%dma_start3A_43 : memref<1024xi32, #tpu.memory_space<hbm>>) target(%dma_start3A_42 : memref<1024xi32, #tpu.memory_space<vmem>>) target_semaphore(%dma_start3A_39 : memref<!tpu.dma_semaphore, #tpu.memory_space<semaphore_mem>>)
    %add3A_44 = arith.constant 0 : i32
    %add3A_45 = arith.addi %mul3A_30, %add3A_44 : i32
    %dma_start3A_46 = arith.constant 0 : i32
    %dma_start3A_47 = arith.constant 0 : i32
    %dma_start3A_48 = arith.constant 0 : i32
    %dma_start3A_49 = tpu.memref_slice %arg9[%dma_start3A_46, %dma_start3A_48] : memref<2x1024xf32, #tpu.memory_space<vmem>> -> memref<1x1024xf32, #tpu.memory_space<vmem>>
    %dma_start3A_50 = tpu.memref_squeeze %dma_start3A_49 : memref<1x1024xf32, #tpu.memory_space<vmem>> -> memref<1024xf32, #tpu.memory_space<vmem>>
    %dma_start3A_51 = tpu.memref_slice %arg2[%add3A_45] : memref<819200xf32, #tpu.memory_space<hbm>> -> memref<1024xf32, #tpu.memory_space<hbm>>
    %dma_start3A_52 = tpu.memref_slice %arg16[%dma_start3A_47] : memref<2x!tpu.dma_semaphore, #tpu.memory_space<semaphore_mem>> -> memref<1x!tpu.dma_semaphore, #tpu.memory_space<semaphore_mem>>
    %dma_start3A_53 = tpu.memref_squeeze %dma_start3A_52 : memref<1x!tpu.dma_semaphore, #tpu.memory_space<semaphore_mem>> -> memref<!tpu.dma_semaphore, #tpu.memory_space<semaphore_mem>>
    %dma_start3A_54 = arith.constant 0 : i32
    %dma_start3A_55 = tpu.memref_slice %arg9[%dma_start3A_46, %dma_start3A_54] : memref<2x1024xf32, #tpu.memory_space<vmem>> -> memref<1x1024xf32, #tpu.memory_space<vmem>>
    %dma_start3A_56 = tpu.memref_squeeze %dma_start3A_55 : memref<1x1024xf32, #tpu.memory_space<vmem>> -> memref<1024xf32, #tpu.memory_space<vmem>>
    %dma_start3A_57 = tpu.memref_slice %arg2[%add3A_45] : memref<819200xf32, #tpu.memory_space<hbm>> -> memref<1024xf32, #tpu.memory_space<hbm>>
    tpu.enqueue_dma source(%dma_start3A_57 : memref<1024xf32, #tpu.memory_space<hbm>>) target(%dma_start3A_56 : memref<1024xf32, #tpu.memory_space<vmem>>) target_semaphore(%dma_start3A_53 : memref<!tpu.dma_semaphore, #tpu.memory_space<semaphore_mem>>)
    %add3A_58 = arith.constant 0 : i32
    %add3A_59 = arith.addi %mul3A_30, %add3A_58 : i32
    %dma_start3A_60 = arith.constant 0 : i32
    %dma_start3A_61 = arith.constant 0 : i32
    %dma_start3A_62 = arith.constant 0 : i32
    %dma_start3A_63 = tpu.memref_slice %arg10[%dma_start3A_60, %dma_start3A_62] : memref<2x1024xf32, #tpu.memory_space<vmem>> -> memref<1x1024xf32, #tpu.memory_space<vmem>>
    %dma_start3A_64 = tpu.memref_squeeze %dma_start3A_63 : memref<1x1024xf32, #tpu.memory_space<vmem>> -> memref<1024xf32, #tpu.memory_space<vmem>>
    %dma_start3A_65 = tpu.memref_slice %arg3[%add3A_59] : memref<819200xf32, #tpu.memory_space<hbm>> -> memref<1024xf32, #tpu.memory_space<hbm>>
    %dma_start3A_66 = tpu.memref_slice %arg16[%dma_start3A_61] : memref<2x!tpu.dma_semaphore, #tpu.memory_space<semaphore_mem>> -> memref<1x!tpu.dma_semaphore, #tpu.memory_space<semaphore_mem>>
    %dma_start3A_67 = tpu.memref_squeeze %dma_start3A_66 : memref<1x!tpu.dma_semaphore, #tpu.memory_space<semaphore_mem>> -> memref<!tpu.dma_semaphore, #tpu.memory_space<semaphore_mem>>
    %dma_start3A_68 = arith.constant 0 : i32
    %dma_start3A_69 = tpu.memref_slice %arg10[%dma_start3A_60, %dma_start3A_68] : memref<2x1024xf32, #tpu.memory_space<vmem>> -> memref<1x1024xf32, #tpu.memory_space<vmem>>
    %dma_start3A_70 = tpu.memref_squeeze %dma_start3A_69 : memref<1x1024xf32, #tpu.memory_space<vmem>> -> memref<1024xf32, #tpu.memory_space<vmem>>
    %dma_start3A_71 = tpu.memref_slice %arg3[%add3A_59] : memref<819200xf32, #tpu.memory_space<hbm>> -> memref<1024xf32, #tpu.memory_space<hbm>>
    tpu.enqueue_dma source(%dma_start3A_71 : memref<1024xf32, #tpu.memory_space<hbm>>) target(%dma_start3A_70 : memref<1024xf32, #tpu.memory_space<vmem>>) target_semaphore(%dma_start3A_67 : memref<!tpu.dma_semaphore, #tpu.memory_space<semaphore_mem>>)
    %add3A_72 = arith.constant 0 : i32
    %add3A_73 = arith.addi %mul3A_30, %add3A_72 : i32
    %dma_start3A_74 = arith.constant 0 : i32
    %dma_start3A_75 = arith.constant 0 : i32
    %dma_start3A_76 = arith.constant 0 : i32
    %dma_start3A_77 = tpu.memref_slice %arg11[%dma_start3A_74, %dma_start3A_76] : memref<2x1024xf32, #tpu.memory_space<vmem>> -> memref<1x1024xf32, #tpu.memory_space<vmem>>
    %dma_start3A_78 = tpu.memref_squeeze %dma_start3A_77 : memref<1x1024xf32, #tpu.memory_space<vmem>> -> memref<1024xf32, #tpu.memory_space<vmem>>
    %dma_start3A_79 = tpu.memref_slice %arg4[%add3A_73] : memref<819200xf32, #tpu.memory_space<hbm>> -> memref<1024xf32, #tpu.memory_space<hbm>>
    %dma_start3A_80 = tpu.memref_slice %arg16[%dma_start3A_75] : memref<2x!tpu.dma_semaphore, #tpu.memory_space<semaphore_mem>> -> memref<1x!tpu.dma_semaphore, #tpu.memory_space<semaphore_mem>>
    %dma_start3A_81 = tpu.memref_squeeze %dma_start3A_80 : memref<1x!tpu.dma_semaphore, #tpu.memory_space<semaphore_mem>> -> memref<!tpu.dma_semaphore, #tpu.memory_space<semaphore_mem>>
    %dma_start3A_82 = arith.constant 0 : i32
    %dma_start3A_83 = tpu.memref_slice %arg11[%dma_start3A_74, %dma_start3A_82] : memref<2x1024xf32, #tpu.memory_space<vmem>> -> memref<1x1024xf32, #tpu.memory_space<vmem>>
    %dma_start3A_84 = tpu.memref_squeeze %dma_start3A_83 : memref<1x1024xf32, #tpu.memory_space<vmem>> -> memref<1024xf32, #tpu.memory_space<vmem>>
    %dma_start3A_85 = tpu.memref_slice %arg4[%add3A_73] : memref<819200xf32, #tpu.memory_space<hbm>> -> memref<1024xf32, #tpu.memory_space<hbm>>
    tpu.enqueue_dma source(%dma_start3A_85 : memref<1024xf32, #tpu.memory_space<hbm>>) target(%dma_start3A_84 : memref<1024xf32, #tpu.memory_space<vmem>>) target_semaphore(%dma_start3A_81 : memref<!tpu.dma_semaphore, #tpu.memory_space<semaphore_mem>>)
    %add3A_86 = arith.constant 0 : i32
    %add3A_87 = arith.addi %mul3A_30, %add3A_86 : i32
    %dma_start3A_88 = arith.constant 0 : i32
    %dma_start3A_89 = arith.constant 0 : i32
    %dma_start3A_90 = arith.constant 0 : i32
    %dma_start3A_91 = tpu.memref_slice %arg12[%dma_start3A_88, %dma_start3A_90] : memref<2x1024xf32, #tpu.memory_space<vmem>> -> memref<1x1024xf32, #tpu.memory_space<vmem>>
    %dma_start3A_92 = tpu.memref_squeeze %dma_start3A_91 : memref<1x1024xf32, #tpu.memory_space<vmem>> -> memref<1024xf32, #tpu.memory_space<vmem>>
    %dma_start3A_93 = tpu.memref_slice %arg5[%add3A_87] : memref<819200xf32, #tpu.memory_space<hbm>> -> memref<1024xf32, #tpu.memory_space<hbm>>
    %dma_start3A_94 = tpu.memref_slice %arg16[%dma_start3A_89] : memref<2x!tpu.dma_semaphore, #tpu.memory_space<semaphore_mem>> -> memref<1x!tpu.dma_semaphore, #tpu.memory_space<semaphore_mem>>
    %dma_start3A_95 = tpu.memref_squeeze %dma_start3A_94 : memref<1x!tpu.dma_semaphore, #tpu.memory_space<semaphore_mem>> -> memref<!tpu.dma_semaphore, #tpu.memory_space<semaphore_mem>>
    %dma_start3A_96 = arith.constant 0 : i32
    %dma_start3A_97 = tpu.memref_slice %arg12[%dma_start3A_88, %dma_start3A_96] : memref<2x1024xf32, #tpu.memory_space<vmem>> -> memref<1x1024xf32, #tpu.memory_space<vmem>>
    %dma_start3A_98 = tpu.memref_squeeze %dma_start3A_97 : memref<1x1024xf32, #tpu.memory_space<vmem>> -> memref<1024xf32, #tpu.memory_space<vmem>>
    %dma_start3A_99 = tpu.memref_slice %arg5[%add3A_87] : memref<819200xf32, #tpu.memory_space<hbm>> -> memref<1024xf32, #tpu.memory_space<hbm>>
    tpu.enqueue_dma source(%dma_start3A_99 : memref<1024xf32, #tpu.memory_space<hbm>>) target(%dma_start3A_98 : memref<1024xf32, #tpu.memory_space<vmem>>) target_semaphore(%dma_start3A_95 : memref<!tpu.dma_semaphore, #tpu.memory_space<semaphore_mem>>)
    %scan3A_100 = arith.constant 0 : i32
    %scan3A_101 = arith.constant 0 : i32
    %scan3A_102 = arith.constant 25 : i32
    %scan3A_103 = arith.addi %scan3A_101, %scan3A_102 : i32
    %scan3A_104 = arith.constant 1 : i32
    scf.for %scan3A_140 = %scan3A_101 to %scan3A_103 step %scan3A_104  : i32 {
      %and3A = arith.constant 1 : i32
      %and3A_141 = arith.andi %scan3A_140, %and3A : i32
      %sub3A = arith.constant 1 : i32
      %sub3A_142 = arith.subi %sub3A, %and3A_141 : i32
      %mul3A_143 = arith.constant 1024 : i32
      %mul3A_144 = arith.muli %scan3A_140, %mul3A_143 : i32
      %add3A_145 = arith.addi %mul3A_30, %mul3A_144 : i32
      %dma_wait3A_146 = arith.constant 0 : i32
      %dma_wait3A_147 = tpu.memref_slice %arg8[%and3A_141, %dma_wait3A_146] : memref<2x1024xi32, #tpu.memory_space<vmem>> -> memref<1x1024xi32, #tpu.memory_space<vmem>>
      %dma_wait3A_148 = tpu.memref_squeeze %dma_wait3A_147 : memref<1x1024xi32, #tpu.memory_space<vmem>> -> memref<1024xi32, #tpu.memory_space<vmem>>
      %dma_wait3A_149 = tpu.memref_slice %arg6[%add3A_145] : memref<819200xi32, #tpu.memory_space<hbm>> -> memref<1024xi32, #tpu.memory_space<hbm>>
      %dma_wait3A_150 = tpu.memref_slice %arg16[%and3A_141] : memref<2x!tpu.dma_semaphore, #tpu.memory_space<semaphore_mem>> -> memref<1x!tpu.dma_semaphore, #tpu.memory_space<semaphore_mem>>
      %dma_wait3A_151 = tpu.memref_squeeze %dma_wait3A_150 : memref<1x!tpu.dma_semaphore, #tpu.memory_space<semaphore_mem>> -> memref<!tpu.dma_semaphore, #tpu.memory_space<semaphore_mem>>
      %dma_wait3A_152 = arith.constant 0 : i32
      %dma_wait3A_153 = tpu.memref_slice %arg8[%and3A_141, %dma_wait3A_152] : memref<2x1024xi32, #tpu.memory_space<vmem>> -> memref<1x1024xi32, #tpu.memory_space<vmem>>
      %dma_wait3A_154 = tpu.memref_squeeze %dma_wait3A_153 : memref<1x1024xi32, #tpu.memory_space<vmem>> -> memref<1024xi32, #tpu.memory_space<vmem>>
      %dma_wait3A_155 = tpu.memref_slice %arg6[%add3A_145] : memref<819200xi32, #tpu.memory_space<hbm>> -> memref<1024xi32, #tpu.memory_space<hbm>>
      tpu.wait_dma2 semaphore(%dma_wait3A_151 : memref<!tpu.dma_semaphore, #tpu.memory_space<semaphore_mem>>) src(%dma_wait3A_155 : memref<1024xi32, #tpu.memory_space<hbm>>) dst(%dma_wait3A_154 : memref<1024xi32, #tpu.memory_space<vmem>>)
      %mul3A_156 = arith.constant 1024 : i32
      %mul3A_157 = arith.muli %scan3A_140, %mul3A_156 : i32
      %add3A_158 = arith.addi %mul3A_30, %mul3A_157 : i32
      %dma_wait3A_159 = arith.constant 0 : i32
      %dma_wait3A_160 = tpu.memref_slice %arg9[%and3A_141, %dma_wait3A_159] : memref<2x1024xf32, #tpu.memory_space<vmem>> -> memref<1x1024xf32, #tpu.memory_space<vmem>>
      %dma_wait3A_161 = tpu.memref_squeeze %dma_wait3A_160 : memref<1x1024xf32, #tpu.memory_space<vmem>> -> memref<1024xf32, #tpu.memory_space<vmem>>
      %dma_wait3A_162 = tpu.memref_slice %arg2[%add3A_158] : memref<819200xf32, #tpu.memory_space<hbm>> -> memref<1024xf32, #tpu.memory_space<hbm>>
      %dma_wait3A_163 = tpu.memref_slice %arg16[%and3A_141] : memref<2x!tpu.dma_semaphore, #tpu.memory_space<semaphore_mem>> -> memref<1x!tpu.dma_semaphore, #tpu.memory_space<semaphore_mem>>
      %dma_wait3A_164 = tpu.memref_squeeze %dma_wait3A_163 : memref<1x!tpu.dma_semaphore, #tpu.memory_space<semaphore_mem>> -> memref<!tpu.dma_semaphore, #tpu.memory_space<semaphore_mem>>
      %dma_wait3A_165 = arith.constant 0 : i32
      %dma_wait3A_166 = tpu.memref_slice %arg9[%and3A_141, %dma_wait3A_165] : memref<2x1024xf32, #tpu.memory_space<vmem>> -> memref<1x1024xf32, #tpu.memory_space<vmem>>
      %dma_wait3A_167 = tpu.memref_squeeze %dma_wait3A_166 : memref<1x1024xf32, #tpu.memory_space<vmem>> -> memref<1024xf32, #tpu.memory_space<vmem>>
      %dma_wait3A_168 = tpu.memref_slice %arg2[%add3A_158] : memref<819200xf32, #tpu.memory_space<hbm>> -> memref<1024xf32, #tpu.memory_space<hbm>>
      tpu.wait_dma2 semaphore(%dma_wait3A_164 : memref<!tpu.dma_semaphore, #tpu.memory_space<semaphore_mem>>) src(%dma_wait3A_168 : memref<1024xf32, #tpu.memory_space<hbm>>) dst(%dma_wait3A_167 : memref<1024xf32, #tpu.memory_space<vmem>>)
      %mul3A_169 = arith.constant 1024 : i32
      %mul3A_170 = arith.muli %scan3A_140, %mul3A_169 : i32
      %add3A_171 = arith.addi %mul3A_30, %mul3A_170 : i32
      %dma_wait3A_172 = arith.constant 0 : i32
      %dma_wait3A_173 = tpu.memref_slice %arg10[%and3A_141, %dma_wait3A_172] : memref<2x1024xf32, #tpu.memory_space<vmem>> -> memref<1x1024xf32, #tpu.memory_space<vmem>>
      %dma_wait3A_174 = tpu.memref_squeeze %dma_wait3A_173 : memref<1x1024xf32, #tpu.memory_space<vmem>> -> memref<1024xf32, #tpu.memory_space<vmem>>
      %dma_wait3A_175 = tpu.memref_slice %arg3[%add3A_171] : memref<819200xf32, #tpu.memory_space<hbm>> -> memref<1024xf32, #tpu.memory_space<hbm>>
      %dma_wait3A_176 = tpu.memref_slice %arg16[%and3A_141] : memref<2x!tpu.dma_semaphore, #tpu.memory_space<semaphore_mem>> -> memref<1x!tpu.dma_semaphore, #tpu.memory_space<semaphore_mem>>
      %dma_wait3A_177 = tpu.memref_squeeze %dma_wait3A_176 : memref<1x!tpu.dma_semaphore, #tpu.memory_space<semaphore_mem>> -> memref<!tpu.dma_semaphore, #tpu.memory_space<semaphore_mem>>
      %dma_wait3A_178 = arith.constant 0 : i32
      %dma_wait3A_179 = tpu.memref_slice %arg10[%and3A_141, %dma_wait3A_178] : memref<2x1024xf32, #tpu.memory_space<vmem>> -> memref<1x1024xf32, #tpu.memory_space<vmem>>
      %dma_wait3A_180 = tpu.memref_squeeze %dma_wait3A_179 : memref<1x1024xf32, #tpu.memory_space<vmem>> -> memref<1024xf32, #tpu.memory_space<vmem>>
      %dma_wait3A_181 = tpu.memref_slice %arg3[%add3A_171] : memref<819200xf32, #tpu.memory_space<hbm>> -> memref<1024xf32, #tpu.memory_space<hbm>>
      tpu.wait_dma2 semaphore(%dma_wait3A_177 : memref<!tpu.dma_semaphore, #tpu.memory_space<semaphore_mem>>) src(%dma_wait3A_181 : memref<1024xf32, #tpu.memory_space<hbm>>) dst(%dma_wait3A_180 : memref<1024xf32, #tpu.memory_space<vmem>>)
      %mul3A_182 = arith.constant 1024 : i32
      %mul3A_183 = arith.muli %scan3A_140, %mul3A_182 : i32
      %add3A_184 = arith.addi %mul3A_30, %mul3A_183 : i32
      %dma_wait3A_185 = arith.constant 0 : i32
      %dma_wait3A_186 = tpu.memref_slice %arg11[%and3A_141, %dma_wait3A_185] : memref<2x1024xf32, #tpu.memory_space<vmem>> -> memref<1x1024xf32, #tpu.memory_space<vmem>>
      %dma_wait3A_187 = tpu.memref_squeeze %dma_wait3A_186 : memref<1x1024xf32, #tpu.memory_space<vmem>> -> memref<1024xf32, #tpu.memory_space<vmem>>
      %dma_wait3A_188 = tpu.memref_slice %arg4[%add3A_184] : memref<819200xf32, #tpu.memory_space<hbm>> -> memref<1024xf32, #tpu.memory_space<hbm>>
      %dma_wait3A_189 = tpu.memref_slice %arg16[%and3A_141] : memref<2x!tpu.dma_semaphore, #tpu.memory_space<semaphore_mem>> -> memref<1x!tpu.dma_semaphore, #tpu.memory_space<semaphore_mem>>
      %dma_wait3A_190 = tpu.memref_squeeze %dma_wait3A_189 : memref<1x!tpu.dma_semaphore, #tpu.memory_space<semaphore_mem>> -> memref<!tpu.dma_semaphore, #tpu.memory_space<semaphore_mem>>
      %dma_wait3A_191 = arith.constant 0 : i32
      %dma_wait3A_192 = tpu.memref_slice %arg11[%and3A_141, %dma_wait3A_191] : memref<2x1024xf32, #tpu.memory_space<vmem>> -> memref<1x1024xf32, #tpu.memory_space<vmem>>
      %dma_wait3A_193 = tpu.memref_squeeze %dma_wait3A_192 : memref<1x1024xf32, #tpu.memory_space<vmem>> -> memref<1024xf32, #tpu.memory_space<vmem>>
      %dma_wait3A_194 = tpu.memref_slice %arg4[%add3A_184] : memref<819200xf32, #tpu.memory_space<hbm>> -> memref<1024xf32, #tpu.memory_space<hbm>>
      tpu.wait_dma2 semaphore(%dma_wait3A_190 : memref<!tpu.dma_semaphore, #tpu.memory_space<semaphore_mem>>) src(%dma_wait3A_194 : memref<1024xf32, #tpu.memory_space<hbm>>) dst(%dma_wait3A_193 : memref<1024xf32, #tpu.memory_space<vmem>>)
      %mul3A_195 = arith.constant 1024 : i32
      %mul3A_196 = arith.muli %scan3A_140, %mul3A_195 : i32
      %add3A_197 = arith.addi %mul3A_30, %mul3A_196 : i32
      %dma_wait3A_198 = arith.constant 0 : i32
      %dma_wait3A_199 = tpu.memref_slice %arg12[%and3A_141, %dma_wait3A_198] : memref<2x1024xf32, #tpu.memory_space<vmem>> -> memref<1x1024xf32, #tpu.memory_space<vmem>>
      %dma_wait3A_200 = tpu.memref_squeeze %dma_wait3A_199 : memref<1x1024xf32, #tpu.memory_space<vmem>> -> memref<1024xf32, #tpu.memory_space<vmem>>
      %dma_wait3A_201 = tpu.memref_slice %arg5[%add3A_197] : memref<819200xf32, #tpu.memory_space<hbm>> -> memref<1024xf32, #tpu.memory_space<hbm>>
      %dma_wait3A_202 = tpu.memref_slice %arg16[%and3A_141] : memref<2x!tpu.dma_semaphore, #tpu.memory_space<semaphore_mem>> -> memref<1x!tpu.dma_semaphore, #tpu.memory_space<semaphore_mem>>
      %dma_wait3A_203 = tpu.memref_squeeze %dma_wait3A_202 : memref<1x!tpu.dma_semaphore, #tpu.memory_space<semaphore_mem>> -> memref<!tpu.dma_semaphore, #tpu.memory_space<semaphore_mem>>
      %dma_wait3A_204 = arith.constant 0 : i32
      %dma_wait3A_205 = tpu.memref_slice %arg12[%and3A_141, %dma_wait3A_204] : memref<2x1024xf32, #tpu.memory_space<vmem>> -> memref<1x1024xf32, #tpu.memory_space<vmem>>
      %dma_wait3A_206 = tpu.memref_squeeze %dma_wait3A_205 : memref<1x1024xf32, #tpu.memory_space<vmem>> -> memref<1024xf32, #tpu.memory_space<vmem>>
      %dma_wait3A_207 = tpu.memref_slice %arg5[%add3A_197] : memref<819200xf32, #tpu.memory_space<hbm>> -> memref<1024xf32, #tpu.memory_space<hbm>>
      tpu.wait_dma2 semaphore(%dma_wait3A_203 : memref<!tpu.dma_semaphore, #tpu.memory_space<semaphore_mem>>) src(%dma_wait3A_207 : memref<1024xf32, #tpu.memory_space<hbm>>) dst(%dma_wait3A_206 : memref<1024xf32, #tpu.memory_space<vmem>>)
      %ge3A = arith.constant 1 : i32
      %ge3A_208 = arith.cmpi sge, %scan3A_140, %ge3A : i32
      %lt3A = arith.constant 24 : i32
      %lt3A_209 = arith.cmpi slt, %scan3A_140, %lt3A : i32
      %and3A_210 = arith.andi %ge3A_208, %lt3A_209 : i1
      %convert_element_type3A = arith.extui %and3A_210 : i1 to i32
      %cond3A = arith.constant 0 : i32
      %cond3A_211 = arith.cmpi ne, %convert_element_type3A, %cond3A : i32
      scf.if %cond3A_211 {
        %dma_wait3A_235 = arith.constant 0 : i32
        %dma_wait3A_236 = arith.constant 0 : i32
        %dma_wait3A_237 = tpu.memref_slice %arg13[%sub3A_142, %dma_wait3A_235, %dma_wait3A_236] : memref<2x1024x8xf32, #tpu.memory_space<vmem>> -> memref<1x1024x8xf32, #tpu.memory_space<vmem>>
        %dma_wait3A_238 = tpu.memref_squeeze %dma_wait3A_237 : memref<1x1024x8xf32, #tpu.memory_space<vmem>> -> memref<1024x8xf32, #tpu.memory_space<vmem>>
        %dma_wait3A_239 = arith.constant 0 : i32
        %dma_wait3A_240 = tpu.memref_slice %arg8[%sub3A_142, %dma_wait3A_239] : memref<2x1024xi32, #tpu.memory_space<vmem>> -> memref<1x1024xi32, #tpu.memory_space<vmem>>
        %dma_wait3A_241 = tpu.memref_squeeze %dma_wait3A_240 : memref<1x1024xi32, #tpu.memory_space<vmem>> -> memref<1024xi32, #tpu.memory_space<vmem>>
        %dma_wait3A_242 = arith.constant 0 : i32
        %dma_wait3A_243 = arith.constant 0 : i32
        %dma_wait3A_244 = tpu.memref_slice %arg15[%dma_wait3A_242, %dma_wait3A_243] : memref<50176x8xf32, #tpu.memory_space<vmem_shared>> -> memref<50176x8xf32, #tpu.memory_space<vmem_shared>>
        %dma_wait3A_245 = tpu.memref_slice %arg17[%sub3A_142] : memref<2x!tpu.dma_semaphore, #tpu.memory_space<semaphore_mem>> -> memref<1x!tpu.dma_semaphore, #tpu.memory_space<semaphore_mem>>
        %dma_wait3A_246 = tpu.memref_squeeze %dma_wait3A_245 : memref<1x!tpu.dma_semaphore, #tpu.memory_space<semaphore_mem>> -> memref<!tpu.dma_semaphore, #tpu.memory_space<semaphore_mem>>
        tpu.wait_indirect_dma semaphore(%dma_wait3A_246 : memref<!tpu.dma_semaphore, #tpu.memory_space<semaphore_mem>>) src(%dma_wait3A_238 : memref<1024x8xf32, #tpu.memory_space<vmem>>) dst(%dma_wait3A_244 : memref<50176x8xf32, #tpu.memory_space<vmem_shared>>)
      } else {
      }
      %lt3A_212 = arith.constant 24 : i32
      %lt3A_213 = arith.cmpi slt, %scan3A_140, %lt3A_212 : i32
      %convert_element_type3A_214 = arith.extui %lt3A_213 : i1 to i32
      %cond3A_215 = arith.constant 0 : i32
      %cond3A_216 = arith.cmpi ne, %convert_element_type3A_214, %cond3A_215 : i32
      scf.if %cond3A_216 {
        %add3A_235 = arith.constant 1 : i32
        %add3A_236 = arith.addi %scan3A_140, %add3A_235 : i32
        %mul3A_237 = arith.constant 1024 : i32
        %mul3A_238 = arith.muli %add3A_236, %mul3A_237 : i32
        %add3A_239 = arith.addi %mul3A_30, %mul3A_238 : i32
        %dma_start3A_240 = arith.constant 0 : i32
        %dma_start3A_241 = tpu.memref_slice %arg8[%sub3A_142, %dma_start3A_240] : memref<2x1024xi32, #tpu.memory_space<vmem>> -> memref<1x1024xi32, #tpu.memory_space<vmem>>
        %dma_start3A_242 = tpu.memref_squeeze %dma_start3A_241 : memref<1x1024xi32, #tpu.memory_space<vmem>> -> memref<1024xi32, #tpu.memory_space<vmem>>
        %dma_start3A_243 = tpu.memref_slice %arg6[%add3A_239] : memref<819200xi32, #tpu.memory_space<hbm>> -> memref<1024xi32, #tpu.memory_space<hbm>>
        %dma_start3A_244 = tpu.memref_slice %arg16[%sub3A_142] : memref<2x!tpu.dma_semaphore, #tpu.memory_space<semaphore_mem>> -> memref<1x!tpu.dma_semaphore, #tpu.memory_space<semaphore_mem>>
        %dma_start3A_245 = tpu.memref_squeeze %dma_start3A_244 : memref<1x!tpu.dma_semaphore, #tpu.memory_space<semaphore_mem>> -> memref<!tpu.dma_semaphore, #tpu.memory_space<semaphore_mem>>
        %dma_start3A_246 = arith.constant 0 : i32
        %dma_start3A_247 = tpu.memref_slice %arg8[%sub3A_142, %dma_start3A_246] : memref<2x1024xi32, #tpu.memory_space<vmem>> -> memref<1x1024xi32, #tpu.memory_space<vmem>>
        %dma_start3A_248 = tpu.memref_squeeze %dma_start3A_247 : memref<1x1024xi32, #tpu.memory_space<vmem>> -> memref<1024xi32, #tpu.memory_space<vmem>>
        %dma_start3A_249 = tpu.memref_slice %arg6[%add3A_239] : memref<819200xi32, #tpu.memory_space<hbm>> -> memref<1024xi32, #tpu.memory_space<hbm>>
        tpu.enqueue_dma source(%dma_start3A_249 : memref<1024xi32, #tpu.memory_space<hbm>>) target(%dma_start3A_248 : memref<1024xi32, #tpu.memory_space<vmem>>) target_semaphore(%dma_start3A_245 : memref<!tpu.dma_semaphore, #tpu.memory_space<semaphore_mem>>)
        %mul3A_250 = arith.constant 1024 : i32
        %mul3A_251 = arith.muli %add3A_236, %mul3A_250 : i32
        %add3A_252 = arith.addi %mul3A_30, %mul3A_251 : i32
        %dma_start3A_253 = arith.constant 0 : i32
        %dma_start3A_254 = tpu.memref_slice %arg9[%sub3A_142, %dma_start3A_253] : memref<2x1024xf32, #tpu.memory_space<vmem>> -> memref<1x1024xf32, #tpu.memory_space<vmem>>
        %dma_start3A_255 = tpu.memref_squeeze %dma_start3A_254 : memref<1x1024xf32, #tpu.memory_space<vmem>> -> memref<1024xf32, #tpu.memory_space<vmem>>
        %dma_start3A_256 = tpu.memref_slice %arg2[%add3A_252] : memref<819200xf32, #tpu.memory_space<hbm>> -> memref<1024xf32, #tpu.memory_space<hbm>>
        %dma_start3A_257 = tpu.memref_slice %arg16[%sub3A_142] : memref<2x!tpu.dma_semaphore, #tpu.memory_space<semaphore_mem>> -> memref<1x!tpu.dma_semaphore, #tpu.memory_space<semaphore_mem>>
        %dma_start3A_258 = tpu.memref_squeeze %dma_start3A_257 : memref<1x!tpu.dma_semaphore, #tpu.memory_space<semaphore_mem>> -> memref<!tpu.dma_semaphore, #tpu.memory_space<semaphore_mem>>
        %dma_start3A_259 = arith.constant 0 : i32
        %dma_start3A_260 = tpu.memref_slice %arg9[%sub3A_142, %dma_start3A_259] : memref<2x1024xf32, #tpu.memory_space<vmem>> -> memref<1x1024xf32, #tpu.memory_space<vmem>>
        %dma_start3A_261 = tpu.memref_squeeze %dma_start3A_260 : memref<1x1024xf32, #tpu.memory_space<vmem>> -> memref<1024xf32, #tpu.memory_space<vmem>>
        %dma_start3A_262 = tpu.memref_slice %arg2[%add3A_252] : memref<819200xf32, #tpu.memory_space<hbm>> -> memref<1024xf32, #tpu.memory_space<hbm>>
        tpu.enqueue_dma source(%dma_start3A_262 : memref<1024xf32, #tpu.memory_space<hbm>>) target(%dma_start3A_261 : memref<1024xf32, #tpu.memory_space<vmem>>) target_semaphore(%dma_start3A_258 : memref<!tpu.dma_semaphore, #tpu.memory_space<semaphore_mem>>)
        %mul3A_263 = arith.constant 1024 : i32
        %mul3A_264 = arith.muli %add3A_236, %mul3A_263 : i32
        %add3A_265 = arith.addi %mul3A_30, %mul3A_264 : i32
        %dma_start3A_266 = arith.constant 0 : i32
        %dma_start3A_267 = tpu.memref_slice %arg10[%sub3A_142, %dma_start3A_266] : memref<2x1024xf32, #tpu.memory_space<vmem>> -> memref<1x1024xf32, #tpu.memory_space<vmem>>
        %dma_start3A_268 = tpu.memref_squeeze %dma_start3A_267 : memref<1x1024xf32, #tpu.memory_space<vmem>> -> memref<1024xf32, #tpu.memory_space<vmem>>
        %dma_start3A_269 = tpu.memref_slice %arg3[%add3A_265] : memref<819200xf32, #tpu.memory_space<hbm>> -> memref<1024xf32, #tpu.memory_space<hbm>>
        %dma_start3A_270 = tpu.memref_slice %arg16[%sub3A_142] : memref<2x!tpu.dma_semaphore, #tpu.memory_space<semaphore_mem>> -> memref<1x!tpu.dma_semaphore, #tpu.memory_space<semaphore_mem>>
        %dma_start3A_271 = tpu.memref_squeeze %dma_start3A_270 : memref<1x!tpu.dma_semaphore, #tpu.memory_space<semaphore_mem>> -> memref<!tpu.dma_semaphore, #tpu.memory_space<semaphore_mem>>
        %dma_start3A_272 = arith.constant 0 : i32
        %dma_start3A_273 = tpu.memref_slice %arg10[%sub3A_142, %dma_start3A_272] : memref<2x1024xf32, #tpu.memory_space<vmem>> -> memref<1x1024xf32, #tpu.memory_space<vmem>>
        %dma_start3A_274 = tpu.memref_squeeze %dma_start3A_273 : memref<1x1024xf32, #tpu.memory_space<vmem>> -> memref<1024xf32, #tpu.memory_space<vmem>>
        %dma_start3A_275 = tpu.memref_slice %arg3[%add3A_265] : memref<819200xf32, #tpu.memory_space<hbm>> -> memref<1024xf32, #tpu.memory_space<hbm>>
        tpu.enqueue_dma source(%dma_start3A_275 : memref<1024xf32, #tpu.memory_space<hbm>>) target(%dma_start3A_274 : memref<1024xf32, #tpu.memory_space<vmem>>) target_semaphore(%dma_start3A_271 : memref<!tpu.dma_semaphore, #tpu.memory_space<semaphore_mem>>)
        %mul3A_276 = arith.constant 1024 : i32
        %mul3A_277 = arith.muli %add3A_236, %mul3A_276 : i32
        %add3A_278 = arith.addi %mul3A_30, %mul3A_277 : i32
        %dma_start3A_279 = arith.constant 0 : i32
        %dma_start3A_280 = tpu.memref_slice %arg11[%sub3A_142, %dma_start3A_279] : memref<2x1024xf32, #tpu.memory_space<vmem>> -> memref<1x1024xf32, #tpu.memory_space<vmem>>
        %dma_start3A_281 = tpu.memref_squeeze %dma_start3A_280 : memref<1x1024xf32, #tpu.memory_space<vmem>> -> memref<1024xf32, #tpu.memory_space<vmem>>
        %dma_start3A_282 = tpu.memref_slice %arg4[%add3A_278] : memref<819200xf32, #tpu.memory_space<hbm>> -> memref<1024xf32, #tpu.memory_space<hbm>>
        %dma_start3A_283 = tpu.memref_slice %arg16[%sub3A_142] : memref<2x!tpu.dma_semaphore, #tpu.memory_space<semaphore_mem>> -> memref<1x!tpu.dma_semaphore, #tpu.memory_space<semaphore_mem>>
        %dma_start3A_284 = tpu.memref_squeeze %dma_start3A_283 : memref<1x!tpu.dma_semaphore, #tpu.memory_space<semaphore_mem>> -> memref<!tpu.dma_semaphore, #tpu.memory_space<semaphore_mem>>
        %dma_start3A_285 = arith.constant 0 : i32
        %dma_start3A_286 = tpu.memref_slice %arg11[%sub3A_142, %dma_start3A_285] : memref<2x1024xf32, #tpu.memory_space<vmem>> -> memref<1x1024xf32, #tpu.memory_space<vmem>>
        %dma_start3A_287 = tpu.memref_squeeze %dma_start3A_286 : memref<1x1024xf32, #tpu.memory_space<vmem>> -> memref<1024xf32, #tpu.memory_space<vmem>>
        %dma_start3A_288 = tpu.memref_slice %arg4[%add3A_278] : memref<819200xf32, #tpu.memory_space<hbm>> -> memref<1024xf32, #tpu.memory_space<hbm>>
        tpu.enqueue_dma source(%dma_start3A_288 : memref<1024xf32, #tpu.memory_space<hbm>>) target(%dma_start3A_287 : memref<1024xf32, #tpu.memory_space<vmem>>) target_semaphore(%dma_start3A_284 : memref<!tpu.dma_semaphore, #tpu.memory_space<semaphore_mem>>)
        %mul3A_289 = arith.constant 1024 : i32
        %mul3A_290 = arith.muli %add3A_236, %mul3A_289 : i32
        %add3A_291 = arith.addi %mul3A_30, %mul3A_290 : i32
        %dma_start3A_292 = arith.constant 0 : i32
        %dma_start3A_293 = tpu.memref_slice %arg12[%sub3A_142, %dma_start3A_292] : memref<2x1024xf32, #tpu.memory_space<vmem>> -> memref<1x1024xf32, #tpu.memory_space<vmem>>
        %dma_start3A_294 = tpu.memref_squeeze %dma_start3A_293 : memref<1x1024xf32, #tpu.memory_space<vmem>> -> memref<1024xf32, #tpu.memory_space<vmem>>
        %dma_start3A_295 = tpu.memref_slice %arg5[%add3A_291] : memref<819200xf32, #tpu.memory_space<hbm>> -> memref<1024xf32, #tpu.memory_space<hbm>>
        %dma_start3A_296 = tpu.memref_slice %arg16[%sub3A_142] : memref<2x!tpu.dma_semaphore, #tpu.memory_space<semaphore_mem>> -> memref<1x!tpu.dma_semaphore, #tpu.memory_space<semaphore_mem>>
        %dma_start3A_297 = tpu.memref_squeeze %dma_start3A_296 : memref<1x!tpu.dma_semaphore, #tpu.memory_space<semaphore_mem>> -> memref<!tpu.dma_semaphore, #tpu.memory_space<semaphore_mem>>
        %dma_start3A_298 = arith.constant 0 : i32
        %dma_start3A_299 = tpu.memref_slice %arg12[%sub3A_142, %dma_start3A_298] : memref<2x1024xf32, #tpu.memory_space<vmem>> -> memref<1x1024xf32, #tpu.memory_space<vmem>>
        %dma_start3A_300 = tpu.memref_squeeze %dma_start3A_299 : memref<1x1024xf32, #tpu.memory_space<vmem>> -> memref<1024xf32, #tpu.memory_space<vmem>>
        %dma_start3A_301 = tpu.memref_slice %arg5[%add3A_291] : memref<819200xf32, #tpu.memory_space<hbm>> -> memref<1024xf32, #tpu.memory_space<hbm>>
        tpu.enqueue_dma source(%dma_start3A_301 : memref<1024xf32, #tpu.memory_space<hbm>>) target(%dma_start3A_300 : memref<1024xf32, #tpu.memory_space<vmem>>) target_semaphore(%dma_start3A_297 : memref<!tpu.dma_semaphore, #tpu.memory_space<semaphore_mem>>)
      } else {
      }
      %scan3A_217 = arith.constant 0 : i32
      %scan3A_218 = arith.constant 0 : i32
      %scan3A_219 = arith.constant 64 : i32
      %scan3A_220 = arith.addi %scan3A_218, %scan3A_219 : i32
      %scan3A_221 = arith.constant 1 : i32
      scf.for %scan3A_235 = %scan3A_218 to %scan3A_220 step %scan3A_221  : i32 {
        %mul3A_236 = arith.constant 16 : i32
        %mul3A_237 = arith.muli %scan3A_235, %mul3A_236 : i32
        %add3A_238 = vector.broadcast %mul3A_237 : i32 to vector<16xi32>
        %add3A_239 = arith.addi %add3A_238, %iota3A : vector<16xi32>
        %mul3A_240 = arith.constant 16 : i32
        %mul3A_241 = arith.muli %scan3A_235, %mul3A_240 : i32
        %get3A = arith.constant 0 : i32
        %get3A_242 = tpu.memref_slice %arg9[%and3A_141, %get3A] : memref<2x1024xf32, #tpu.memory_space<vmem>> -> memref<1x1024xf32, #tpu.memory_space<vmem>>
        %get3A_243 = tpu.memref_squeeze %get3A_242 : memref<1x1024xf32, #tpu.memory_space<vmem>> -> memref<1024xf32, #tpu.memory_space<vmem>>
        %get3A_244 = arith.index_cast %mul3A_241 : i32 to index
        %get3A_245 = tpu.vector_load %get3A_243[%get3A_244] {strides = array<i32>} : memref<1024xf32, #tpu.memory_space<vmem>>, vector<16xf32>,
        %get3A_246 = arith.constant 0 : i32
        %get3A_247 = tpu.memref_slice %arg10[%and3A_141, %get3A_246] : memref<2x1024xf32, #tpu.memory_space<vmem>> -> memref<1x1024xf32, #tpu.memory_space<vmem>>
        %get3A_248 = tpu.memref_squeeze %get3A_247 : memref<1x1024xf32, #tpu.memory_space<vmem>> -> memref<1024xf32, #tpu.memory_space<vmem>>
        %get3A_249 = arith.index_cast %mul3A_241 : i32 to index
        %get3A_250 = tpu.vector_load %get3A_248[%get3A_249] {strides = array<i32>} : memref<1024xf32, #tpu.memory_space<vmem>>, vector<16xf32>,
        %mul3A_251 = arith.mulf %get3A_250, %get3A_245 : vector<16xf32>
        %scatter3A = arith.constant 0 : i32
        %scatter3A_252 = arith.constant 0 : i32
        %scatter3A_253 = tpu.memref_slice %arg13[%and3A_141, %scatter3A, %scatter3A_252] : memref<2x1024x8xf32, #tpu.memory_space<vmem>> -> memref<1x1024x8xf32, #tpu.memory_space<vmem>>
        %scatter3A_254 = tpu.memref_squeeze %scatter3A_253 : memref<1x1024x8xf32, #tpu.memory_space<vmem>> -> memref<1024x8xf32, #tpu.memory_space<vmem>>
        tpu.vector_store_idx %scatter3A_254[%add3A_239, %broadcast_in_dim3A_3], %mul3A_251 : memref<1024x8xf32, #tpu.memory_space<vmem>>[vector<16xi32>, vector<16xi32>], vector<16xf32>,
        %get3A_255 = arith.constant 0 : i32
        %get3A_256 = tpu.memref_slice %arg11[%and3A_141, %get3A_255] : memref<2x1024xf32, #tpu.memory_space<vmem>> -> memref<1x1024xf32, #tpu.memory_space<vmem>>
        %get3A_257 = tpu.memref_squeeze %get3A_256 : memref<1x1024xf32, #tpu.memory_space<vmem>> -> memref<1024xf32, #tpu.memory_space<vmem>>
        %get3A_258 = arith.index_cast %mul3A_241 : i32 to index
        %get3A_259 = tpu.vector_load %get3A_257[%get3A_258] {strides = array<i32>} : memref<1024xf32, #tpu.memory_space<vmem>>, vector<16xf32>,
        %mul3A_260 = arith.mulf %get3A_259, %get3A_245 : vector<16xf32>
        %scatter3A_261 = arith.constant 0 : i32
        %scatter3A_262 = arith.constant 0 : i32
        %scatter3A_263 = tpu.memref_slice %arg13[%and3A_141, %scatter3A_261, %scatter3A_262] : memref<2x1024x8xf32, #tpu.memory_space<vmem>> -> memref<1x1024x8xf32, #tpu.memory_space<vmem>>
        %scatter3A_264 = tpu.memref_squeeze %scatter3A_263 : memref<1x1024x8xf32, #tpu.memory_space<vmem>> -> memref<1024x8xf32, #tpu.memory_space<vmem>>
        tpu.vector_store_idx %scatter3A_264[%add3A_239, %add3A_6], %mul3A_260 : memref<1024x8xf32, #tpu.memory_space<vmem>>[vector<16xi32>, vector<16xi32>], vector<16xf32>,
        %get3A_265 = arith.constant 0 : i32
        %get3A_266 = tpu.memref_slice %arg12[%and3A_141, %get3A_265] : memref<2x1024xf32, #tpu.memory_space<vmem>> -> memref<1x1024xf32, #tpu.memory_space<vmem>>
        %get3A_267 = tpu.memref_squeeze %get3A_266 : memref<1x1024xf32, #tpu.memory_space<vmem>> -> memref<1024xf32, #tpu.memory_space<vmem>>
        %get3A_268 = arith.index_cast %mul3A_241 : i32 to index
        %get3A_269 = tpu.vector_load %get3A_267[%get3A_268] {strides = array<i32>} : memref<1024xf32, #tpu.memory_space<vmem>>, vector<16xf32>,
        %mul3A_270 = arith.mulf %get3A_269, %get3A_245 : vector<16xf32>
        %scatter3A_271 = arith.constant 0 : i32
        %scatter3A_272 = arith.constant 0 : i32
        %scatter3A_273 = tpu.memref_slice %arg13[%and3A_141, %scatter3A_271, %scatter3A_272] : memref<2x1024x8xf32, #tpu.memory_space<vmem>> -> memref<1x1024x8xf32, #tpu.memory_space<vmem>>
        %scatter3A_274 = tpu.memref_squeeze %scatter3A_273 : memref<1x1024x8xf32, #tpu.memory_space<vmem>> -> memref<1024x8xf32, #tpu.memory_space<vmem>>
        tpu.vector_store_idx %scatter3A_274[%add3A_239, %add3A_9], %mul3A_270 : memref<1024x8xf32, #tpu.memory_space<vmem>>[vector<16xi32>, vector<16xi32>], vector<16xf32>,
      }
      %scan3A_222 = arith.constant 64 : i32
      %dma_start3A_223 = arith.constant 0 : i32
      %dma_start3A_224 = arith.constant 0 : i32
      %dma_start3A_225 = tpu.memref_slice %arg13[%and3A_141, %dma_start3A_223, %dma_start3A_224] : memref<2x1024x8xf32, #tpu.memory_space<vmem>> -> memref<1x1024x8xf32, #tpu.memory_space<vmem>>
      %dma_start3A_226 = tpu.memref_squeeze %dma_start3A_225 : memref<1x1024x8xf32, #tpu.memory_space<vmem>> -> memref<1024x8xf32, #tpu.memory_space<vmem>>
      %dma_start3A_227 = arith.constant 0 : i32
      %dma_start3A_228 = tpu.memref_slice %arg8[%and3A_141, %dma_start3A_227] : memref<2x1024xi32, #tpu.memory_space<vmem>> -> memref<1x1024xi32, #tpu.memory_space<vmem>>
      %dma_start3A_229 = tpu.memref_squeeze %dma_start3A_228 : memref<1x1024xi32, #tpu.memory_space<vmem>> -> memref<1024xi32, #tpu.memory_space<vmem>>
      %dma_start3A_230 = arith.constant 0 : i32
      %dma_start3A_231 = arith.constant 0 : i32
      %dma_start3A_232 = tpu.memref_slice %arg15[%dma_start3A_230, %dma_start3A_231] : memref<50176x8xf32, #tpu.memory_space<vmem_shared>> -> memref<50176x8xf32, #tpu.memory_space<vmem_shared>>
      %dma_start3A_233 = tpu.memref_slice %arg17[%and3A_141] : memref<2x!tpu.dma_semaphore, #tpu.memory_space<semaphore_mem>> -> memref<1x!tpu.dma_semaphore, #tpu.memory_space<semaphore_mem>>
      %dma_start3A_234 = tpu.memref_squeeze %dma_start3A_233 : memref<1x!tpu.dma_semaphore, #tpu.memory_space<semaphore_mem>> -> memref<!tpu.dma_semaphore, #tpu.memory_space<semaphore_mem>>
      tpu.enqueue_indirect_dma source(%dma_start3A_226 : memref<1024x8xf32, #tpu.memory_space<vmem>>) target(%dma_start3A_232 : memref<50176x8xf32, #tpu.memory_space<vmem_shared>>) offsets(%dma_start3A_229 : memref<1024xi32, #tpu.memory_space<vmem>>) semaphore(%dma_start3A_234 : memref<!tpu.dma_semaphore, #tpu.memory_space<semaphore_mem>>) {add = true}
    }
    %scan3A_105 = arith.constant 25 : i32
    %dma_wait3A = arith.constant 0 : i32
    %dma_wait3A_106 = arith.constant 0 : i32
    %dma_wait3A_107 = arith.constant 0 : i32
    %dma_wait3A_108 = arith.constant 0 : i32
    %dma_wait3A_109 = arith.constant 0 : i32
    %dma_wait3A_110 = tpu.memref_slice %arg13[%dma_wait3A, %dma_wait3A_108, %dma_wait3A_109] : memref<2x1024x8xf32, #tpu.memory_space<vmem>> -> memref<1x1024x8xf32, #tpu.memory_space<vmem>>
    %dma_wait3A_111 = tpu.memref_squeeze %dma_wait3A_110 : memref<1x1024x8xf32, #tpu.memory_space<vmem>> -> memref<1024x8xf32, #tpu.memory_space<vmem>>
    %dma_wait3A_112 = arith.constant 0 : i32
    %dma_wait3A_113 = tpu.memref_slice %arg8[%dma_wait3A_106, %dma_wait3A_112] : memref<2x1024xi32, #tpu.memory_space<vmem>> -> memref<1x1024xi32, #tpu.memory_space<vmem>>
    %dma_wait3A_114 = tpu.memref_squeeze %dma_wait3A_113 : memref<1x1024xi32, #tpu.memory_space<vmem>> -> memref<1024xi32, #tpu.memory_space<vmem>>
    %dma_wait3A_115 = arith.constant 0 : i32
    %dma_wait3A_116 = arith.constant 0 : i32
    %dma_wait3A_117 = tpu.memref_slice %arg15[%dma_wait3A_115, %dma_wait3A_116] : memref<50176x8xf32, #tpu.memory_space<vmem_shared>> -> memref<50176x8xf32, #tpu.memory_space<vmem_shared>>
    %dma_wait3A_118 = tpu.memref_slice %arg17[%dma_wait3A_107] : memref<2x!tpu.dma_semaphore, #tpu.memory_space<semaphore_mem>> -> memref<1x!tpu.dma_semaphore, #tpu.memory_space<semaphore_mem>>
    %dma_wait3A_119 = tpu.memref_squeeze %dma_wait3A_118 : memref<1x!tpu.dma_semaphore, #tpu.memory_space<semaphore_mem>> -> memref<!tpu.dma_semaphore, #tpu.memory_space<semaphore_mem>>
    tpu.wait_indirect_dma semaphore(%dma_wait3A_119 : memref<!tpu.dma_semaphore, #tpu.memory_space<semaphore_mem>>) src(%dma_wait3A_111 : memref<1024x8xf32, #tpu.memory_space<vmem>>) dst(%dma_wait3A_117 : memref<50176x8xf32, #tpu.memory_space<vmem_shared>>)
    %dma_wait3A_120 = arith.constant 1 : i32
    %dma_wait3A_121 = arith.constant 1 : i32
    %dma_wait3A_122 = arith.constant 1 : i32
    %dma_wait3A_123 = arith.constant 0 : i32
    %dma_wait3A_124 = arith.constant 0 : i32
    %dma_wait3A_125 = tpu.memref_slice %arg13[%dma_wait3A_120, %dma_wait3A_123, %dma_wait3A_124] : memref<2x1024x8xf32, #tpu.memory_space<vmem>> -> memref<1x1024x8xf32, #tpu.memory_space<vmem>>
    %dma_wait3A_126 = tpu.memref_squeeze %dma_wait3A_125 : memref<1x1024x8xf32, #tpu.memory_space<vmem>> -> memref<1024x8xf32, #tpu.memory_space<vmem>>
    %dma_wait3A_127 = arith.constant 0 : i32
    %dma_wait3A_128 = tpu.memref_slice %arg8[%dma_wait3A_121, %dma_wait3A_127] : memref<2x1024xi32, #tpu.memory_space<vmem>> -> memref<1x1024xi32, #tpu.memory_space<vmem>>
    %dma_wait3A_129 = tpu.memref_squeeze %dma_wait3A_128 : memref<1x1024xi32, #tpu.memory_space<vmem>> -> memref<1024xi32, #tpu.memory_space<vmem>>
    %dma_wait3A_130 = arith.constant 0 : i32
    %dma_wait3A_131 = arith.constant 0 : i32
    %dma_wait3A_132 = tpu.memref_slice %arg15[%dma_wait3A_130, %dma_wait3A_131] : memref<50176x8xf32, #tpu.memory_space<vmem_shared>> -> memref<50176x8xf32, #tpu.memory_space<vmem_shared>>
    %dma_wait3A_133 = tpu.memref_slice %arg17[%dma_wait3A_122] : memref<2x!tpu.dma_semaphore, #tpu.memory_space<semaphore_mem>> -> memref<1x!tpu.dma_semaphore, #tpu.memory_space<semaphore_mem>>
    %dma_wait3A_134 = tpu.memref_squeeze %dma_wait3A_133 : memref<1x!tpu.dma_semaphore, #tpu.memory_space<semaphore_mem>> -> memref<!tpu.dma_semaphore, #tpu.memory_space<semaphore_mem>>
    tpu.wait_indirect_dma semaphore(%dma_wait3A_134 : memref<!tpu.dma_semaphore, #tpu.memory_space<semaphore_mem>>) src(%dma_wait3A_126 : memref<1024x8xf32, #tpu.memory_space<vmem>>) dst(%dma_wait3A_132 : memref<50176x8xf32, #tpu.memory_space<vmem_shared>>)
    %barrier3A_135 = arith.constant 0 : index
    tpu.barrier barrier_id(%barrier3A_135)
    %mul3A_136 = arith.constant 3136 : i32
    %mul3A_137 = arith.muli %arg1, %mul3A_136 : i32
    %mul3A_138 = arith.constant 3136 : i32
    %mul3A_139 = arith.muli %arg1, %mul3A_138 : i32
    "tpu.region"() ({
      %run_scoped3A = tpu.sem_alloc : memref<!tpu.dma_semaphore, #tpu.memory_space<semaphore_mem>>
      %dma_start3A_140 = arith.constant 0 : i32
      %dma_start3A_141 = tpu.memref_slice %arg7[%arg0, %mul3A_139, %dma_start3A_140] : memref<2x50176x8xf32, #tpu.memory_space<hbm>> -> memref<1x3136x8xf32, #tpu.memory_space<hbm>>
      %dma_start3A_142 = tpu.memref_squeeze %dma_start3A_141 : memref<1x3136x8xf32, #tpu.memory_space<hbm>> -> memref<3136x8xf32, #tpu.memory_space<hbm>>
      %dma_start3A_143 = arith.constant 0 : i32
      %dma_start3A_144 = tpu.memref_slice %arg15[%mul3A_137, %dma_start3A_143] : memref<50176x8xf32, #tpu.memory_space<vmem_shared>> -> memref<3136x8xf32, #tpu.memory_space<vmem_shared>>
      tpu.enqueue_dma source(%dma_start3A_144 : memref<3136x8xf32, #tpu.memory_space<vmem_shared>>) target(%dma_start3A_142 : memref<3136x8xf32, #tpu.memory_space<hbm>>) target_semaphore(%run_scoped3A : memref<!tpu.dma_semaphore, #tpu.memory_space<semaphore_mem>>)
      %dma_wait3A_145 = arith.constant 0 : i32
      %dma_wait3A_146 = tpu.memref_slice %arg7[%arg0, %mul3A_139, %dma_wait3A_145] : memref<2x50176x8xf32, #tpu.memory_space<hbm>> -> memref<1x3136x8xf32, #tpu.memory_space<hbm>>
      %dma_wait3A_147 = tpu.memref_squeeze %dma_wait3A_146 : memref<1x3136x8xf32, #tpu.memory_space<hbm>> -> memref<3136x8xf32, #tpu.memory_space<hbm>>
      %dma_wait3A_148 = arith.constant 0 : i32
      %dma_wait3A_149 = tpu.memref_slice %arg15[%mul3A_137, %dma_wait3A_148] : memref<50176x8xf32, #tpu.memory_space<vmem_shared>> -> memref<3136x8xf32, #tpu.memory_space<vmem_shared>>
      tpu.wait_dma2 semaphore(%run_scoped3A : memref<!tpu.dma_semaphore, #tpu.memory_space<semaphore_mem>>) src(%dma_wait3A_149 : memref<3136x8xf32, #tpu.memory_space<vmem_shared>>) dst(%dma_wait3A_147 : memref<3136x8xf32, #tpu.memory_space<hbm>>)
      tpu.yield
    }) : () -> ()
    return
  }
}

#map = affine_map<(d0, d1) -> (0, 0)>
#map1 = affine_map<(d0, d1) -> (0)>
module attributes {stable_mosaic.version = 14 : i64} {
  func.func @_gather_body(%arg0: i32, %arg1: i32, %arg2: memref<50000x8xf32, #tpu.memory_space<hbm>>, %arg3: memref<819200xi32, #tpu.memory_space<hbm>>, %arg4: memref<819200xi32, #tpu.memory_space<hbm>>, %arg5: memref<819200xf32, #tpu.memory_space<hbm>>, %arg6: memref<819200xf32, #tpu.memory_space<hbm>>, %arg7: memref<819200xf32, #tpu.memory_space<hbm>>, %arg8: memref<819200xf32, #tpu.memory_space<hbm>>, %arg9: memref<2x1024xi32, #tpu.memory_space<vmem>>, %arg10: memref<2x1024xi32, #tpu.memory_space<vmem>>, %arg11: memref<2x1024x8xf32, #tpu.memory_space<vmem>>, %arg12: memref<2x1024x8xf32, #tpu.memory_space<vmem>>, %arg13: memref<2x1024xf32, #tpu.memory_space<vmem>>, %arg14: memref<2x1024xf32, #tpu.memory_space<vmem>>, %arg15: memref<2x1024xf32, #tpu.memory_space<vmem>>, %arg16: memref<2x1024xf32, #tpu.memory_space<vmem>>, %arg17: memref<2x!tpu.dma_semaphore, #tpu.memory_space<semaphore_mem>>, %arg18: memref<2x!tpu.dma_semaphore, #tpu.memory_space<semaphore_mem>>, %arg19: memref<2x!tpu.dma_semaphore, #tpu.memory_space<semaphore_mem>>) attributes {dimension_semantics = [#tpu.dimension_semantics<core_parallel>, #tpu.dimension_semantics<subcore_parallel>], iteration_bounds = array<i64: 2, 16>, scalar_prefetch = 0 : i64, scratch_operands = 11 : i64, tpu.core_type = #tpu.core_type<sc_vector_subcore>, window_params = [{transform_indices = #map}, {transform_indices = #map1}, {transform_indices = #map1}, {transform_indices = #map1}, {transform_indices = #map1}, {transform_indices = #map1}, {transform_indices = #map1}]} {
    %mul3A = arith.constant 2 : i32
    %mul3A_0 = arith.muli %arg1, %mul3A : i32
    %add3A = arith.addi %mul3A_0, %arg0 : i32
    %mul3A_1 = arith.constant 25600 : i32
    %mul3A_2 = arith.muli %add3A, %mul3A_1 : i32
    %iota3A = tpu.iota {dimensions = array<i32: 0>} : vector<16xi32>
    %broadcast_in_dim3A = arith.constant 0 : i32
    %broadcast_in_dim3A_3 = vector.broadcast %broadcast_in_dim3A : i32 to vector<16xi32>
    %add3A_4 = arith.constant 1 : i32
    %add3A_5 = vector.broadcast %add3A_4 : i32 to vector<16xi32>
    %add3A_6 = arith.addi %broadcast_in_dim3A_3, %add3A_5 : vector<16xi32>
    %add3A_7 = arith.constant 2 : i32
    %add3A_8 = vector.broadcast %add3A_7 : i32 to vector<16xi32>
    %add3A_9 = arith.addi %broadcast_in_dim3A_3, %add3A_8 : vector<16xi32>
    %add3A_10 = arith.constant 3 : i32
    %add3A_11 = vector.broadcast %add3A_10 : i32 to vector<16xi32>
    %add3A_12 = arith.addi %broadcast_in_dim3A_3, %add3A_11 : vector<16xi32>
    %add3A_13 = arith.constant 0 : i32
    %add3A_14 = arith.addi %mul3A_2, %add3A_13 : i32
    %dma_start3A = arith.constant 0 : i32
    %dma_start3A_15 = arith.constant 0 : i32
    %dma_start3A_16 = arith.constant 0 : i32
    %dma_start3A_17 = tpu.memref_slice %arg9[%dma_start3A, %dma_start3A_16] : memref<2x1024xi32, #tpu.memory_space<vmem>> -> memref<1x1024xi32, #tpu.memory_space<vmem>>
    %dma_start3A_18 = tpu.memref_squeeze %dma_start3A_17 : memref<1x1024xi32, #tpu.memory_space<vmem>> -> memref<1024xi32, #tpu.memory_space<vmem>>
    %dma_start3A_19 = tpu.memref_slice %arg3[%add3A_14] : memref<819200xi32, #tpu.memory_space<hbm>> -> memref<1024xi32, #tpu.memory_space<hbm>>
    %dma_start3A_20 = tpu.memref_slice %arg17[%dma_start3A_15] : memref<2x!tpu.dma_semaphore, #tpu.memory_space<semaphore_mem>> -> memref<1x!tpu.dma_semaphore, #tpu.memory_space<semaphore_mem>>
    %dma_start3A_21 = tpu.memref_squeeze %dma_start3A_20 : memref<1x!tpu.dma_semaphore, #tpu.memory_space<semaphore_mem>> -> memref<!tpu.dma_semaphore, #tpu.memory_space<semaphore_mem>>
    %dma_start3A_22 = arith.constant 0 : i32
    %dma_start3A_23 = tpu.memref_slice %arg9[%dma_start3A, %dma_start3A_22] : memref<2x1024xi32, #tpu.memory_space<vmem>> -> memref<1x1024xi32, #tpu.memory_space<vmem>>
    %dma_start3A_24 = tpu.memref_squeeze %dma_start3A_23 : memref<1x1024xi32, #tpu.memory_space<vmem>> -> memref<1024xi32, #tpu.memory_space<vmem>>
    %dma_start3A_25 = tpu.memref_slice %arg3[%add3A_14] : memref<819200xi32, #tpu.memory_space<hbm>> -> memref<1024xi32, #tpu.memory_space<hbm>>
    tpu.enqueue_dma source(%dma_start3A_25 : memref<1024xi32, #tpu.memory_space<hbm>>) target(%dma_start3A_24 : memref<1024xi32, #tpu.memory_space<vmem>>) target_semaphore(%dma_start3A_21 : memref<!tpu.dma_semaphore, #tpu.memory_space<semaphore_mem>>)
    %add3A_26 = arith.constant 0 : i32
    %add3A_27 = arith.addi %mul3A_2, %add3A_26 : i32
    %dma_start3A_28 = arith.constant 0 : i32
    %dma_start3A_29 = arith.constant 0 : i32
    %dma_start3A_30 = arith.constant 0 : i32
    %dma_start3A_31 = tpu.memref_slice %arg10[%dma_start3A_28, %dma_start3A_30] : memref<2x1024xi32, #tpu.memory_space<vmem>> -> memref<1x1024xi32, #tpu.memory_space<vmem>>
    %dma_start3A_32 = tpu.memref_squeeze %dma_start3A_31 : memref<1x1024xi32, #tpu.memory_space<vmem>> -> memref<1024xi32, #tpu.memory_space<vmem>>
    %dma_start3A_33 = tpu.memref_slice %arg4[%add3A_27] : memref<819200xi32, #tpu.memory_space<hbm>> -> memref<1024xi32, #tpu.memory_space<hbm>>
    %dma_start3A_34 = tpu.memref_slice %arg17[%dma_start3A_29] : memref<2x!tpu.dma_semaphore, #tpu.memory_space<semaphore_mem>> -> memref<1x!tpu.dma_semaphore, #tpu.memory_space<semaphore_mem>>
    %dma_start3A_35 = tpu.memref_squeeze %dma_start3A_34 : memref<1x!tpu.dma_semaphore, #tpu.memory_space<semaphore_mem>> -> memref<!tpu.dma_semaphore, #tpu.memory_space<semaphore_mem>>
    %dma_start3A_36 = arith.constant 0 : i32
    %dma_start3A_37 = tpu.memref_slice %arg10[%dma_start3A_28, %dma_start3A_36] : memref<2x1024xi32, #tpu.memory_space<vmem>> -> memref<1x1024xi32, #tpu.memory_space<vmem>>
    %dma_start3A_38 = tpu.memref_squeeze %dma_start3A_37 : memref<1x1024xi32, #tpu.memory_space<vmem>> -> memref<1024xi32, #tpu.memory_space<vmem>>
    %dma_start3A_39 = tpu.memref_slice %arg4[%add3A_27] : memref<819200xi32, #tpu.memory_space<hbm>> -> memref<1024xi32, #tpu.memory_space<hbm>>
    tpu.enqueue_dma source(%dma_start3A_39 : memref<1024xi32, #tpu.memory_space<hbm>>) target(%dma_start3A_38 : memref<1024xi32, #tpu.memory_space<vmem>>) target_semaphore(%dma_start3A_35 : memref<!tpu.dma_semaphore, #tpu.memory_space<semaphore_mem>>)
    %add3A_40 = arith.constant 0 : i32
    %add3A_41 = arith.addi %mul3A_2, %add3A_40 : i32
    %dma_wait3A = arith.constant 0 : i32
    %dma_wait3A_42 = arith.constant 0 : i32
    %dma_wait3A_43 = arith.constant 0 : i32
    %dma_wait3A_44 = tpu.memref_slice %arg9[%dma_wait3A, %dma_wait3A_43] : memref<2x1024xi32, #tpu.memory_space<vmem>> -> memref<1x1024xi32, #tpu.memory_space<vmem>>
    %dma_wait3A_45 = tpu.memref_squeeze %dma_wait3A_44 : memref<1x1024xi32, #tpu.memory_space<vmem>> -> memref<1024xi32, #tpu.memory_space<vmem>>
    %dma_wait3A_46 = tpu.memref_slice %arg3[%add3A_41] : memref<819200xi32, #tpu.memory_space<hbm>> -> memref<1024xi32, #tpu.memory_space<hbm>>
    %dma_wait3A_47 = tpu.memref_slice %arg17[%dma_wait3A_42] : memref<2x!tpu.dma_semaphore, #tpu.memory_space<semaphore_mem>> -> memref<1x!tpu.dma_semaphore, #tpu.memory_space<semaphore_mem>>
    %dma_wait3A_48 = tpu.memref_squeeze %dma_wait3A_47 : memref<1x!tpu.dma_semaphore, #tpu.memory_space<semaphore_mem>> -> memref<!tpu.dma_semaphore, #tpu.memory_space<semaphore_mem>>
    %dma_wait3A_49 = arith.constant 0 : i32
    %dma_wait3A_50 = tpu.memref_slice %arg9[%dma_wait3A, %dma_wait3A_49] : memref<2x1024xi32, #tpu.memory_space<vmem>> -> memref<1x1024xi32, #tpu.memory_space<vmem>>
    %dma_wait3A_51 = tpu.memref_squeeze %dma_wait3A_50 : memref<1x1024xi32, #tpu.memory_space<vmem>> -> memref<1024xi32, #tpu.memory_space<vmem>>
    %dma_wait3A_52 = tpu.memref_slice %arg3[%add3A_41] : memref<819200xi32, #tpu.memory_space<hbm>> -> memref<1024xi32, #tpu.memory_space<hbm>>
    tpu.wait_dma2 semaphore(%dma_wait3A_48 : memref<!tpu.dma_semaphore, #tpu.memory_space<semaphore_mem>>) src(%dma_wait3A_52 : memref<1024xi32, #tpu.memory_space<hbm>>) dst(%dma_wait3A_51 : memref<1024xi32, #tpu.memory_space<vmem>>)
    %add3A_53 = arith.constant 0 : i32
    %add3A_54 = arith.addi %mul3A_2, %add3A_53 : i32
    %dma_wait3A_55 = arith.constant 0 : i32
    %dma_wait3A_56 = arith.constant 0 : i32
    %dma_wait3A_57 = arith.constant 0 : i32
    %dma_wait3A_58 = tpu.memref_slice %arg10[%dma_wait3A_55, %dma_wait3A_57] : memref<2x1024xi32, #tpu.memory_space<vmem>> -> memref<1x1024xi32, #tpu.memory_space<vmem>>
    %dma_wait3A_59 = tpu.memref_squeeze %dma_wait3A_58 : memref<1x1024xi32, #tpu.memory_space<vmem>> -> memref<1024xi32, #tpu.memory_space<vmem>>
    %dma_wait3A_60 = tpu.memref_slice %arg4[%add3A_54] : memref<819200xi32, #tpu.memory_space<hbm>> -> memref<1024xi32, #tpu.memory_space<hbm>>
    %dma_wait3A_61 = tpu.memref_slice %arg17[%dma_wait3A_56] : memref<2x!tpu.dma_semaphore, #tpu.memory_space<semaphore_mem>> -> memref<1x!tpu.dma_semaphore, #tpu.memory_space<semaphore_mem>>
    %dma_wait3A_62 = tpu.memref_squeeze %dma_wait3A_61 : memref<1x!tpu.dma_semaphore, #tpu.memory_space<semaphore_mem>> -> memref<!tpu.dma_semaphore, #tpu.memory_space<semaphore_mem>>
    %dma_wait3A_63 = arith.constant 0 : i32
    %dma_wait3A_64 = tpu.memref_slice %arg10[%dma_wait3A_55, %dma_wait3A_63] : memref<2x1024xi32, #tpu.memory_space<vmem>> -> memref<1x1024xi32, #tpu.memory_space<vmem>>
    %dma_wait3A_65 = tpu.memref_squeeze %dma_wait3A_64 : memref<1x1024xi32, #tpu.memory_space<vmem>> -> memref<1024xi32, #tpu.memory_space<vmem>>
    %dma_wait3A_66 = tpu.memref_slice %arg4[%add3A_54] : memref<819200xi32, #tpu.memory_space<hbm>> -> memref<1024xi32, #tpu.memory_space<hbm>>
    tpu.wait_dma2 semaphore(%dma_wait3A_62 : memref<!tpu.dma_semaphore, #tpu.memory_space<semaphore_mem>>) src(%dma_wait3A_66 : memref<1024xi32, #tpu.memory_space<hbm>>) dst(%dma_wait3A_65 : memref<1024xi32, #tpu.memory_space<vmem>>)
    %dma_start3A_67 = arith.constant 0 : i32
    %dma_start3A_68 = arith.constant 0 : i32
    %dma_start3A_69 = arith.constant 0 : i32
    %dma_start3A_70 = arith.constant 0 : i32
    %dma_start3A_71 = arith.constant 0 : i32
    %dma_start3A_72 = tpu.memref_slice %arg11[%dma_start3A_68, %dma_start3A_70, %dma_start3A_71] : memref<2x1024x8xf32, #tpu.memory_space<vmem>> -> memref<1x1024x8xf32, #tpu.memory_space<vmem>>
    %dma_start3A_73 = tpu.memref_squeeze %dma_start3A_72 : memref<1x1024x8xf32, #tpu.memory_space<vmem>> -> memref<1024x8xf32, #tpu.memory_space<vmem>>
    %dma_start3A_74 = arith.constant 0 : i32
    %dma_start3A_75 = tpu.memref_slice %arg9[%dma_start3A_67, %dma_start3A_74] : memref<2x1024xi32, #tpu.memory_space<vmem>> -> memref<1x1024xi32, #tpu.memory_space<vmem>>
    %dma_start3A_76 = tpu.memref_squeeze %dma_start3A_75 : memref<1x1024xi32, #tpu.memory_space<vmem>> -> memref<1024xi32, #tpu.memory_space<vmem>>
    %dma_start3A_77 = arith.constant 0 : i32
    %dma_start3A_78 = arith.constant 0 : i32
    %dma_start3A_79 = tpu.memref_slice %arg2[%dma_start3A_77, %dma_start3A_78] : memref<50000x8xf32, #tpu.memory_space<hbm>> -> memref<50000x8xf32, #tpu.memory_space<hbm>>
    %dma_start3A_80 = tpu.memref_slice %arg18[%dma_start3A_69] : memref<2x!tpu.dma_semaphore, #tpu.memory_space<semaphore_mem>> -> memref<1x!tpu.dma_semaphore, #tpu.memory_space<semaphore_mem>>
    %dma_start3A_81 = tpu.memref_squeeze %dma_start3A_80 : memref<1x!tpu.dma_semaphore, #tpu.memory_space<semaphore_mem>> -> memref<!tpu.dma_semaphore, #tpu.memory_space<semaphore_mem>>
    tpu.enqueue_indirect_dma source(%dma_start3A_79 : memref<50000x8xf32, #tpu.memory_space<hbm>>) target(%dma_start3A_73 : memref<1024x8xf32, #tpu.memory_space<vmem>>) offsets(%dma_start3A_76 : memref<1024xi32, #tpu.memory_space<vmem>>) semaphore(%dma_start3A_81 : memref<!tpu.dma_semaphore, #tpu.memory_space<semaphore_mem>>)
    %dma_start3A_82 = arith.constant 0 : i32
    %dma_start3A_83 = arith.constant 0 : i32
    %dma_start3A_84 = arith.constant 0 : i32
    %dma_start3A_85 = arith.constant 0 : i32
    %dma_start3A_86 = arith.constant 0 : i32
    %dma_start3A_87 = tpu.memref_slice %arg12[%dma_start3A_83, %dma_start3A_85, %dma_start3A_86] : memref<2x1024x8xf32, #tpu.memory_space<vmem>> -> memref<1x1024x8xf32, #tpu.memory_space<vmem>>
    %dma_start3A_88 = tpu.memref_squeeze %dma_start3A_87 : memref<1x1024x8xf32, #tpu.memory_space<vmem>> -> memref<1024x8xf32, #tpu.memory_space<vmem>>
    %dma_start3A_89 = arith.constant 0 : i32
    %dma_start3A_90 = tpu.memref_slice %arg10[%dma_start3A_82, %dma_start3A_89] : memref<2x1024xi32, #tpu.memory_space<vmem>> -> memref<1x1024xi32, #tpu.memory_space<vmem>>
    %dma_start3A_91 = tpu.memref_squeeze %dma_start3A_90 : memref<1x1024xi32, #tpu.memory_space<vmem>> -> memref<1024xi32, #tpu.memory_space<vmem>>
    %dma_start3A_92 = arith.constant 0 : i32
    %dma_start3A_93 = arith.constant 0 : i32
    %dma_start3A_94 = tpu.memref_slice %arg2[%dma_start3A_92, %dma_start3A_93] : memref<50000x8xf32, #tpu.memory_space<hbm>> -> memref<50000x8xf32, #tpu.memory_space<hbm>>
    %dma_start3A_95 = tpu.memref_slice %arg18[%dma_start3A_84] : memref<2x!tpu.dma_semaphore, #tpu.memory_space<semaphore_mem>> -> memref<1x!tpu.dma_semaphore, #tpu.memory_space<semaphore_mem>>
    %dma_start3A_96 = tpu.memref_squeeze %dma_start3A_95 : memref<1x!tpu.dma_semaphore, #tpu.memory_space<semaphore_mem>> -> memref<!tpu.dma_semaphore, #tpu.memory_space<semaphore_mem>>
    tpu.enqueue_indirect_dma source(%dma_start3A_94 : memref<50000x8xf32, #tpu.memory_space<hbm>>) target(%dma_start3A_88 : memref<1024x8xf32, #tpu.memory_space<vmem>>) offsets(%dma_start3A_91 : memref<1024xi32, #tpu.memory_space<vmem>>) semaphore(%dma_start3A_96 : memref<!tpu.dma_semaphore, #tpu.memory_space<semaphore_mem>>)
    %add3A_97 = arith.constant 1024 : i32
    %add3A_98 = arith.addi %mul3A_2, %add3A_97 : i32
    %dma_start3A_99 = arith.constant 1 : i32
    %dma_start3A_100 = arith.constant 1 : i32
    %dma_start3A_101 = arith.constant 0 : i32
    %dma_start3A_102 = tpu.memref_slice %arg9[%dma_start3A_99, %dma_start3A_101] : memref<2x1024xi32, #tpu.memory_space<vmem>> -> memref<1x1024xi32, #tpu.memory_space<vmem>>
    %dma_start3A_103 = tpu.memref_squeeze %dma_start3A_102 : memref<1x1024xi32, #tpu.memory_space<vmem>> -> memref<1024xi32, #tpu.memory_space<vmem>>
    %dma_start3A_104 = tpu.memref_slice %arg3[%add3A_98] : memref<819200xi32, #tpu.memory_space<hbm>> -> memref<1024xi32, #tpu.memory_space<hbm>>
    %dma_start3A_105 = tpu.memref_slice %arg17[%dma_start3A_100] : memref<2x!tpu.dma_semaphore, #tpu.memory_space<semaphore_mem>> -> memref<1x!tpu.dma_semaphore, #tpu.memory_space<semaphore_mem>>
    %dma_start3A_106 = tpu.memref_squeeze %dma_start3A_105 : memref<1x!tpu.dma_semaphore, #tpu.memory_space<semaphore_mem>> -> memref<!tpu.dma_semaphore, #tpu.memory_space<semaphore_mem>>
    %dma_start3A_107 = arith.constant 0 : i32
    %dma_start3A_108 = tpu.memref_slice %arg9[%dma_start3A_99, %dma_start3A_107] : memref<2x1024xi32, #tpu.memory_space<vmem>> -> memref<1x1024xi32, #tpu.memory_space<vmem>>
    %dma_start3A_109 = tpu.memref_squeeze %dma_start3A_108 : memref<1x1024xi32, #tpu.memory_space<vmem>> -> memref<1024xi32, #tpu.memory_space<vmem>>
    %dma_start3A_110 = tpu.memref_slice %arg3[%add3A_98] : memref<819200xi32, #tpu.memory_space<hbm>> -> memref<1024xi32, #tpu.memory_space<hbm>>
    tpu.enqueue_dma source(%dma_start3A_110 : memref<1024xi32, #tpu.memory_space<hbm>>) target(%dma_start3A_109 : memref<1024xi32, #tpu.memory_space<vmem>>) target_semaphore(%dma_start3A_106 : memref<!tpu.dma_semaphore, #tpu.memory_space<semaphore_mem>>)
    %add3A_111 = arith.constant 1024 : i32
    %add3A_112 = arith.addi %mul3A_2, %add3A_111 : i32
    %dma_start3A_113 = arith.constant 1 : i32
    %dma_start3A_114 = arith.constant 1 : i32
    %dma_start3A_115 = arith.constant 0 : i32
    %dma_start3A_116 = tpu.memref_slice %arg10[%dma_start3A_113, %dma_start3A_115] : memref<2x1024xi32, #tpu.memory_space<vmem>> -> memref<1x1024xi32, #tpu.memory_space<vmem>>
    %dma_start3A_117 = tpu.memref_squeeze %dma_start3A_116 : memref<1x1024xi32, #tpu.memory_space<vmem>> -> memref<1024xi32, #tpu.memory_space<vmem>>
    %dma_start3A_118 = tpu.memref_slice %arg4[%add3A_112] : memref<819200xi32, #tpu.memory_space<hbm>> -> memref<1024xi32, #tpu.memory_space<hbm>>
    %dma_start3A_119 = tpu.memref_slice %arg17[%dma_start3A_114] : memref<2x!tpu.dma_semaphore, #tpu.memory_space<semaphore_mem>> -> memref<1x!tpu.dma_semaphore, #tpu.memory_space<semaphore_mem>>
    %dma_start3A_120 = tpu.memref_squeeze %dma_start3A_119 : memref<1x!tpu.dma_semaphore, #tpu.memory_space<semaphore_mem>> -> memref<!tpu.dma_semaphore, #tpu.memory_space<semaphore_mem>>
    %dma_start3A_121 = arith.constant 0 : i32
    %dma_start3A_122 = tpu.memref_slice %arg10[%dma_start3A_113, %dma_start3A_121] : memref<2x1024xi32, #tpu.memory_space<vmem>> -> memref<1x1024xi32, #tpu.memory_space<vmem>>
    %dma_start3A_123 = tpu.memref_squeeze %dma_start3A_122 : memref<1x1024xi32, #tpu.memory_space<vmem>> -> memref<1024xi32, #tpu.memory_space<vmem>>
    %dma_start3A_124 = tpu.memref_slice %arg4[%add3A_112] : memref<819200xi32, #tpu.memory_space<hbm>> -> memref<1024xi32, #tpu.memory_space<hbm>>
    tpu.enqueue_dma source(%dma_start3A_124 : memref<1024xi32, #tpu.memory_space<hbm>>) target(%dma_start3A_123 : memref<1024xi32, #tpu.memory_space<vmem>>) target_semaphore(%dma_start3A_120 : memref<!tpu.dma_semaphore, #tpu.memory_space<semaphore_mem>>)
    %scan3A = arith.constant 0 : i32
    %scan3A_125 = arith.constant 0 : i32
    %scan3A_126 = arith.constant 25 : i32
    %scan3A_127 = arith.addi %scan3A_125, %scan3A_126 : i32
    %scan3A_128 = arith.constant 1 : i32
    scf.for %scan3A_242 = %scan3A_125 to %scan3A_127 step %scan3A_128  : i32 {
      %and3A = arith.constant 1 : i32
      %and3A_243 = arith.andi %scan3A_242, %and3A : i32
      %sub3A = arith.constant 1 : i32
      %sub3A_244 = arith.subi %sub3A, %and3A_243 : i32
      %lt3A = arith.constant 24 : i32
      %lt3A_245 = arith.cmpi slt, %scan3A_242, %lt3A : i32
      %convert_element_type3A = arith.extui %lt3A_245 : i1 to i32
      %cond3A = arith.constant 0 : i32
      %cond3A_246 = arith.cmpi ne, %convert_element_type3A, %cond3A : i32
      scf.if %cond3A_246 {
        %add3A_338 = arith.constant 1 : i32
        %add3A_339 = arith.addi %scan3A_242, %add3A_338 : i32
        %mul3A_340 = arith.constant 1024 : i32
        %mul3A_341 = arith.muli %add3A_339, %mul3A_340 : i32
        %add3A_342 = arith.addi %mul3A_2, %mul3A_341 : i32
        %dma_wait3A_343 = arith.constant 0 : i32
        %dma_wait3A_344 = tpu.memref_slice %arg9[%sub3A_244, %dma_wait3A_343] : memref<2x1024xi32, #tpu.memory_space<vmem>> -> memref<1x1024xi32, #tpu.memory_space<vmem>>
        %dma_wait3A_345 = tpu.memref_squeeze %dma_wait3A_344 : memref<1x1024xi32, #tpu.memory_space<vmem>> -> memref<1024xi32, #tpu.memory_space<vmem>>
        %dma_wait3A_346 = tpu.memref_slice %arg3[%add3A_342] : memref<819200xi32, #tpu.memory_space<hbm>> -> memref<1024xi32, #tpu.memory_space<hbm>>
        %dma_wait3A_347 = tpu.memref_slice %arg17[%sub3A_244] : memref<2x!tpu.dma_semaphore, #tpu.memory_space<semaphore_mem>> -> memref<1x!tpu.dma_semaphore, #tpu.memory_space<semaphore_mem>>
        %dma_wait3A_348 = tpu.memref_squeeze %dma_wait3A_347 : memref<1x!tpu.dma_semaphore, #tpu.memory_space<semaphore_mem>> -> memref<!tpu.dma_semaphore, #tpu.memory_space<semaphore_mem>>
        %dma_wait3A_349 = arith.constant 0 : i32
        %dma_wait3A_350 = tpu.memref_slice %arg9[%sub3A_244, %dma_wait3A_349] : memref<2x1024xi32, #tpu.memory_space<vmem>> -> memref<1x1024xi32, #tpu.memory_space<vmem>>
        %dma_wait3A_351 = tpu.memref_squeeze %dma_wait3A_350 : memref<1x1024xi32, #tpu.memory_space<vmem>> -> memref<1024xi32, #tpu.memory_space<vmem>>
        %dma_wait3A_352 = tpu.memref_slice %arg3[%add3A_342] : memref<819200xi32, #tpu.memory_space<hbm>> -> memref<1024xi32, #tpu.memory_space<hbm>>
        tpu.wait_dma2 semaphore(%dma_wait3A_348 : memref<!tpu.dma_semaphore, #tpu.memory_space<semaphore_mem>>) src(%dma_wait3A_352 : memref<1024xi32, #tpu.memory_space<hbm>>) dst(%dma_wait3A_351 : memref<1024xi32, #tpu.memory_space<vmem>>)
        %mul3A_353 = arith.constant 1024 : i32
        %mul3A_354 = arith.muli %add3A_339, %mul3A_353 : i32
        %add3A_355 = arith.addi %mul3A_2, %mul3A_354 : i32
        %dma_wait3A_356 = arith.constant 0 : i32
        %dma_wait3A_357 = tpu.memref_slice %arg10[%sub3A_244, %dma_wait3A_356] : memref<2x1024xi32, #tpu.memory_space<vmem>> -> memref<1x1024xi32, #tpu.memory_space<vmem>>
        %dma_wait3A_358 = tpu.memref_squeeze %dma_wait3A_357 : memref<1x1024xi32, #tpu.memory_space<vmem>> -> memref<1024xi32, #tpu.memory_space<vmem>>
        %dma_wait3A_359 = tpu.memref_slice %arg4[%add3A_355] : memref<819200xi32, #tpu.memory_space<hbm>> -> memref<1024xi32, #tpu.memory_space<hbm>>
        %dma_wait3A_360 = tpu.memref_slice %arg17[%sub3A_244] : memref<2x!tpu.dma_semaphore, #tpu.memory_space<semaphore_mem>> -> memref<1x!tpu.dma_semaphore, #tpu.memory_space<semaphore_mem>>
        %dma_wait3A_361 = tpu.memref_squeeze %dma_wait3A_360 : memref<1x!tpu.dma_semaphore, #tpu.memory_space<semaphore_mem>> -> memref<!tpu.dma_semaphore, #tpu.memory_space<semaphore_mem>>
        %dma_wait3A_362 = arith.constant 0 : i32
        %dma_wait3A_363 = tpu.memref_slice %arg10[%sub3A_244, %dma_wait3A_362] : memref<2x1024xi32, #tpu.memory_space<vmem>> -> memref<1x1024xi32, #tpu.memory_space<vmem>>
        %dma_wait3A_364 = tpu.memref_squeeze %dma_wait3A_363 : memref<1x1024xi32, #tpu.memory_space<vmem>> -> memref<1024xi32, #tpu.memory_space<vmem>>
        %dma_wait3A_365 = tpu.memref_slice %arg4[%add3A_355] : memref<819200xi32, #tpu.memory_space<hbm>> -> memref<1024xi32, #tpu.memory_space<hbm>>
        tpu.wait_dma2 semaphore(%dma_wait3A_361 : memref<!tpu.dma_semaphore, #tpu.memory_space<semaphore_mem>>) src(%dma_wait3A_365 : memref<1024xi32, #tpu.memory_space<hbm>>) dst(%dma_wait3A_364 : memref<1024xi32, #tpu.memory_space<vmem>>)
        %dma_start3A_366 = arith.constant 0 : i32
        %dma_start3A_367 = arith.constant 0 : i32
        %dma_start3A_368 = tpu.memref_slice %arg11[%sub3A_244, %dma_start3A_366, %dma_start3A_367] : memref<2x1024x8xf32, #tpu.memory_space<vmem>> -> memref<1x1024x8xf32, #tpu.memory_space<vmem>>
        %dma_start3A_369 = tpu.memref_squeeze %dma_start3A_368 : memref<1x1024x8xf32, #tpu.memory_space<vmem>> -> memref<1024x8xf32, #tpu.memory_space<vmem>>
        %dma_start3A_370 = arith.constant 0 : i32
        %dma_start3A_371 = tpu.memref_slice %arg9[%sub3A_244, %dma_start3A_370] : memref<2x1024xi32, #tpu.memory_space<vmem>> -> memref<1x1024xi32, #tpu.memory_space<vmem>>
        %dma_start3A_372 = tpu.memref_squeeze %dma_start3A_371 : memref<1x1024xi32, #tpu.memory_space<vmem>> -> memref<1024xi32, #tpu.memory_space<vmem>>
        %dma_start3A_373 = arith.constant 0 : i32
        %dma_start3A_374 = arith.constant 0 : i32
        %dma_start3A_375 = tpu.memref_slice %arg2[%dma_start3A_373, %dma_start3A_374] : memref<50000x8xf32, #tpu.memory_space<hbm>> -> memref<50000x8xf32, #tpu.memory_space<hbm>>
        %dma_start3A_376 = tpu.memref_slice %arg18[%sub3A_244] : memref<2x!tpu.dma_semaphore, #tpu.memory_space<semaphore_mem>> -> memref<1x!tpu.dma_semaphore, #tpu.memory_space<semaphore_mem>>
        %dma_start3A_377 = tpu.memref_squeeze %dma_start3A_376 : memref<1x!tpu.dma_semaphore, #tpu.memory_space<semaphore_mem>> -> memref<!tpu.dma_semaphore, #tpu.memory_space<semaphore_mem>>
        tpu.enqueue_indirect_dma source(%dma_start3A_375 : memref<50000x8xf32, #tpu.memory_space<hbm>>) target(%dma_start3A_369 : memref<1024x8xf32, #tpu.memory_space<vmem>>) offsets(%dma_start3A_372 : memref<1024xi32, #tpu.memory_space<vmem>>) semaphore(%dma_start3A_377 : memref<!tpu.dma_semaphore, #tpu.memory_space<semaphore_mem>>)
        %dma_start3A_378 = arith.constant 0 : i32
        %dma_start3A_379 = arith.constant 0 : i32
        %dma_start3A_380 = tpu.memref_slice %arg12[%sub3A_244, %dma_start3A_378, %dma_start3A_379] : memref<2x1024x8xf32, #tpu.memory_space<vmem>> -> memref<1x1024x8xf32, #tpu.memory_space<vmem>>
        %dma_start3A_381 = tpu.memref_squeeze %dma_start3A_380 : memref<1x1024x8xf32, #tpu.memory_space<vmem>> -> memref<1024x8xf32, #tpu.memory_space<vmem>>
        %dma_start3A_382 = arith.constant 0 : i32
        %dma_start3A_383 = tpu.memref_slice %arg10[%sub3A_244, %dma_start3A_382] : memref<2x1024xi32, #tpu.memory_space<vmem>> -> memref<1x1024xi32, #tpu.memory_space<vmem>>
        %dma_start3A_384 = tpu.memref_squeeze %dma_start3A_383 : memref<1x1024xi32, #tpu.memory_space<vmem>> -> memref<1024xi32, #tpu.memory_space<vmem>>
        %dma_start3A_385 = arith.constant 0 : i32
        %dma_start3A_386 = arith.constant 0 : i32
        %dma_start3A_387 = tpu.memref_slice %arg2[%dma_start3A_385, %dma_start3A_386] : memref<50000x8xf32, #tpu.memory_space<hbm>> -> memref<50000x8xf32, #tpu.memory_space<hbm>>
        %dma_start3A_388 = tpu.memref_slice %arg18[%sub3A_244] : memref<2x!tpu.dma_semaphore, #tpu.memory_space<semaphore_mem>> -> memref<1x!tpu.dma_semaphore, #tpu.memory_space<semaphore_mem>>
        %dma_start3A_389 = tpu.memref_squeeze %dma_start3A_388 : memref<1x!tpu.dma_semaphore, #tpu.memory_space<semaphore_mem>> -> memref<!tpu.dma_semaphore, #tpu.memory_space<semaphore_mem>>
        tpu.enqueue_indirect_dma source(%dma_start3A_387 : memref<50000x8xf32, #tpu.memory_space<hbm>>) target(%dma_start3A_381 : memref<1024x8xf32, #tpu.memory_space<vmem>>) offsets(%dma_start3A_384 : memref<1024xi32, #tpu.memory_space<vmem>>) semaphore(%dma_start3A_389 : memref<!tpu.dma_semaphore, #tpu.memory_space<semaphore_mem>>)
      } else {
      }
      %dma_wait3A_247 = arith.constant 0 : i32
      %dma_wait3A_248 = arith.constant 0 : i32
      %dma_wait3A_249 = tpu.memref_slice %arg11[%and3A_243, %dma_wait3A_247, %dma_wait3A_248] : memref<2x1024x8xf32, #tpu.memory_space<vmem>> -> memref<1x1024x8xf32, #tpu.memory_space<vmem>>
      %dma_wait3A_250 = tpu.memref_squeeze %dma_wait3A_249 : memref<1x1024x8xf32, #tpu.memory_space<vmem>> -> memref<1024x8xf32, #tpu.memory_space<vmem>>
      %dma_wait3A_251 = arith.constant 0 : i32
      %dma_wait3A_252 = tpu.memref_slice %arg9[%and3A_243, %dma_wait3A_251] : memref<2x1024xi32, #tpu.memory_space<vmem>> -> memref<1x1024xi32, #tpu.memory_space<vmem>>
      %dma_wait3A_253 = tpu.memref_squeeze %dma_wait3A_252 : memref<1x1024xi32, #tpu.memory_space<vmem>> -> memref<1024xi32, #tpu.memory_space<vmem>>
      %dma_wait3A_254 = arith.constant 0 : i32
      %dma_wait3A_255 = arith.constant 0 : i32
      %dma_wait3A_256 = tpu.memref_slice %arg2[%dma_wait3A_254, %dma_wait3A_255] : memref<50000x8xf32, #tpu.memory_space<hbm>> -> memref<50000x8xf32, #tpu.memory_space<hbm>>
      %dma_wait3A_257 = tpu.memref_slice %arg18[%and3A_243] : memref<2x!tpu.dma_semaphore, #tpu.memory_space<semaphore_mem>> -> memref<1x!tpu.dma_semaphore, #tpu.memory_space<semaphore_mem>>
      %dma_wait3A_258 = tpu.memref_squeeze %dma_wait3A_257 : memref<1x!tpu.dma_semaphore, #tpu.memory_space<semaphore_mem>> -> memref<!tpu.dma_semaphore, #tpu.memory_space<semaphore_mem>>
      tpu.wait_indirect_dma semaphore(%dma_wait3A_258 : memref<!tpu.dma_semaphore, #tpu.memory_space<semaphore_mem>>) src(%dma_wait3A_256 : memref<50000x8xf32, #tpu.memory_space<hbm>>) dst(%dma_wait3A_250 : memref<1024x8xf32, #tpu.memory_space<vmem>>)
      %dma_wait3A_259 = arith.constant 0 : i32
      %dma_wait3A_260 = arith.constant 0 : i32
      %dma_wait3A_261 = tpu.memref_slice %arg12[%and3A_243, %dma_wait3A_259, %dma_wait3A_260] : memref<2x1024x8xf32, #tpu.memory_space<vmem>> -> memref<1x1024x8xf32, #tpu.memory_space<vmem>>
      %dma_wait3A_262 = tpu.memref_squeeze %dma_wait3A_261 : memref<1x1024x8xf32, #tpu.memory_space<vmem>> -> memref<1024x8xf32, #tpu.memory_space<vmem>>
      %dma_wait3A_263 = arith.constant 0 : i32
      %dma_wait3A_264 = tpu.memref_slice %arg10[%and3A_243, %dma_wait3A_263] : memref<2x1024xi32, #tpu.memory_space<vmem>> -> memref<1x1024xi32, #tpu.memory_space<vmem>>
      %dma_wait3A_265 = tpu.memref_squeeze %dma_wait3A_264 : memref<1x1024xi32, #tpu.memory_space<vmem>> -> memref<1024xi32, #tpu.memory_space<vmem>>
      %dma_wait3A_266 = arith.constant 0 : i32
      %dma_wait3A_267 = arith.constant 0 : i32
      %dma_wait3A_268 = tpu.memref_slice %arg2[%dma_wait3A_266, %dma_wait3A_267] : memref<50000x8xf32, #tpu.memory_space<hbm>> -> memref<50000x8xf32, #tpu.memory_space<hbm>>
      %dma_wait3A_269 = tpu.memref_slice %arg18[%and3A_243] : memref<2x!tpu.dma_semaphore, #tpu.memory_space<semaphore_mem>> -> memref<1x!tpu.dma_semaphore, #tpu.memory_space<semaphore_mem>>
      %dma_wait3A_270 = tpu.memref_squeeze %dma_wait3A_269 : memref<1x!tpu.dma_semaphore, #tpu.memory_space<semaphore_mem>> -> memref<!tpu.dma_semaphore, #tpu.memory_space<semaphore_mem>>
      tpu.wait_indirect_dma semaphore(%dma_wait3A_270 : memref<!tpu.dma_semaphore, #tpu.memory_space<semaphore_mem>>) src(%dma_wait3A_268 : memref<50000x8xf32, #tpu.memory_space<hbm>>) dst(%dma_wait3A_262 : memref<1024x8xf32, #tpu.memory_space<vmem>>)
      %lt3A_271 = arith.constant 23 : i32
      %lt3A_272 = arith.cmpi slt, %scan3A_242, %lt3A_271 : i32
      %convert_element_type3A_273 = arith.extui %lt3A_272 : i1 to i32
      %cond3A_274 = arith.constant 0 : i32
      %cond3A_275 = arith.cmpi ne, %convert_element_type3A_273, %cond3A_274 : i32
      scf.if %cond3A_275 {
        %add3A_338 = arith.constant 2 : i32
        %add3A_339 = arith.addi %scan3A_242, %add3A_338 : i32
        %mul3A_340 = arith.constant 1024 : i32
        %mul3A_341 = arith.muli %add3A_339, %mul3A_340 : i32
        %add3A_342 = arith.addi %mul3A_2, %mul3A_341 : i32
        %dma_start3A_343 = arith.constant 0 : i32
        %dma_start3A_344 = tpu.memref_slice %arg9[%and3A_243, %dma_start3A_343] : memref<2x1024xi32, #tpu.memory_space<vmem>> -> memref<1x1024xi32, #tpu.memory_space<vmem>>
        %dma_start3A_345 = tpu.memref_squeeze %dma_start3A_344 : memref<1x1024xi32, #tpu.memory_space<vmem>> -> memref<1024xi32, #tpu.memory_space<vmem>>
        %dma_start3A_346 = tpu.memref_slice %arg3[%add3A_342] : memref<819200xi32, #tpu.memory_space<hbm>> -> memref<1024xi32, #tpu.memory_space<hbm>>
        %dma_start3A_347 = tpu.memref_slice %arg17[%and3A_243] : memref<2x!tpu.dma_semaphore, #tpu.memory_space<semaphore_mem>> -> memref<1x!tpu.dma_semaphore, #tpu.memory_space<semaphore_mem>>
        %dma_start3A_348 = tpu.memref_squeeze %dma_start3A_347 : memref<1x!tpu.dma_semaphore, #tpu.memory_space<semaphore_mem>> -> memref<!tpu.dma_semaphore, #tpu.memory_space<semaphore_mem>>
        %dma_start3A_349 = arith.constant 0 : i32
        %dma_start3A_350 = tpu.memref_slice %arg9[%and3A_243, %dma_start3A_349] : memref<2x1024xi32, #tpu.memory_space<vmem>> -> memref<1x1024xi32, #tpu.memory_space<vmem>>
        %dma_start3A_351 = tpu.memref_squeeze %dma_start3A_350 : memref<1x1024xi32, #tpu.memory_space<vmem>> -> memref<1024xi32, #tpu.memory_space<vmem>>
        %dma_start3A_352 = tpu.memref_slice %arg3[%add3A_342] : memref<819200xi32, #tpu.memory_space<hbm>> -> memref<1024xi32, #tpu.memory_space<hbm>>
        tpu.enqueue_dma source(%dma_start3A_352 : memref<1024xi32, #tpu.memory_space<hbm>>) target(%dma_start3A_351 : memref<1024xi32, #tpu.memory_space<vmem>>) target_semaphore(%dma_start3A_348 : memref<!tpu.dma_semaphore, #tpu.memory_space<semaphore_mem>>)
        %mul3A_353 = arith.constant 1024 : i32
        %mul3A_354 = arith.muli %add3A_339, %mul3A_353 : i32
        %add3A_355 = arith.addi %mul3A_2, %mul3A_354 : i32
        %dma_start3A_356 = arith.constant 0 : i32
        %dma_start3A_357 = tpu.memref_slice %arg10[%and3A_243, %dma_start3A_356] : memref<2x1024xi32, #tpu.memory_space<vmem>> -> memref<1x1024xi32, #tpu.memory_space<vmem>>
        %dma_start3A_358 = tpu.memref_squeeze %dma_start3A_357 : memref<1x1024xi32, #tpu.memory_space<vmem>> -> memref<1024xi32, #tpu.memory_space<vmem>>
        %dma_start3A_359 = tpu.memref_slice %arg4[%add3A_355] : memref<819200xi32, #tpu.memory_space<hbm>> -> memref<1024xi32, #tpu.memory_space<hbm>>
        %dma_start3A_360 = tpu.memref_slice %arg17[%and3A_243] : memref<2x!tpu.dma_semaphore, #tpu.memory_space<semaphore_mem>> -> memref<1x!tpu.dma_semaphore, #tpu.memory_space<semaphore_mem>>
        %dma_start3A_361 = tpu.memref_squeeze %dma_start3A_360 : memref<1x!tpu.dma_semaphore, #tpu.memory_space<semaphore_mem>> -> memref<!tpu.dma_semaphore, #tpu.memory_space<semaphore_mem>>
        %dma_start3A_362 = arith.constant 0 : i32
        %dma_start3A_363 = tpu.memref_slice %arg10[%and3A_243, %dma_start3A_362] : memref<2x1024xi32, #tpu.memory_space<vmem>> -> memref<1x1024xi32, #tpu.memory_space<vmem>>
        %dma_start3A_364 = tpu.memref_squeeze %dma_start3A_363 : memref<1x1024xi32, #tpu.memory_space<vmem>> -> memref<1024xi32, #tpu.memory_space<vmem>>
        %dma_start3A_365 = tpu.memref_slice %arg4[%add3A_355] : memref<819200xi32, #tpu.memory_space<hbm>> -> memref<1024xi32, #tpu.memory_space<hbm>>
        tpu.enqueue_dma source(%dma_start3A_365 : memref<1024xi32, #tpu.memory_space<hbm>>) target(%dma_start3A_364 : memref<1024xi32, #tpu.memory_space<vmem>>) target_semaphore(%dma_start3A_361 : memref<!tpu.dma_semaphore, #tpu.memory_space<semaphore_mem>>)
      } else {
      }
      %ge3A = arith.constant 2 : i32
      %ge3A_276 = arith.cmpi sge, %scan3A_242, %ge3A : i32
      %convert_element_type3A_277 = arith.extui %ge3A_276 : i1 to i32
      %cond3A_278 = arith.constant 0 : i32
      %cond3A_279 = arith.cmpi ne, %convert_element_type3A_277, %cond3A_278 : i32
      scf.if %cond3A_279 {
        %sub3A_338 = arith.constant 2 : i32
        %sub3A_339 = arith.subi %scan3A_242, %sub3A_338 : i32
        %mul3A_340 = arith.constant 1024 : i32
        %mul3A_341 = arith.muli %sub3A_339, %mul3A_340 : i32
        %add3A_342 = arith.addi %mul3A_2, %mul3A_341 : i32
        %dma_wait3A_343 = arith.constant 0 : i32
        %dma_wait3A_344 = tpu.memref_slice %arg13[%and3A_243, %dma_wait3A_343] : memref<2x1024xf32, #tpu.memory_space<vmem>> -> memref<1x1024xf32, #tpu.memory_space<vmem>>
        %dma_wait3A_345 = tpu.memref_squeeze %dma_wait3A_344 : memref<1x1024xf32, #tpu.memory_space<vmem>> -> memref<1024xf32, #tpu.memory_space<vmem>>
        %dma_wait3A_346 = tpu.memref_slice %arg5[%add3A_342] : memref<819200xf32, #tpu.memory_space<hbm>> -> memref<1024xf32, #tpu.memory_space<hbm>>
        %dma_wait3A_347 = tpu.memref_slice %arg19[%and3A_243] : memref<2x!tpu.dma_semaphore, #tpu.memory_space<semaphore_mem>> -> memref<1x!tpu.dma_semaphore, #tpu.memory_space<semaphore_mem>>
        %dma_wait3A_348 = tpu.memref_squeeze %dma_wait3A_347 : memref<1x!tpu.dma_semaphore, #tpu.memory_space<semaphore_mem>> -> memref<!tpu.dma_semaphore, #tpu.memory_space<semaphore_mem>>
        %dma_wait3A_349 = tpu.memref_slice %arg5[%add3A_342] : memref<819200xf32, #tpu.memory_space<hbm>> -> memref<1024xf32, #tpu.memory_space<hbm>>
        %dma_wait3A_350 = arith.constant 0 : i32
        %dma_wait3A_351 = tpu.memref_slice %arg13[%and3A_243, %dma_wait3A_350] : memref<2x1024xf32, #tpu.memory_space<vmem>> -> memref<1x1024xf32, #tpu.memory_space<vmem>>
        %dma_wait3A_352 = tpu.memref_squeeze %dma_wait3A_351 : memref<1x1024xf32, #tpu.memory_space<vmem>> -> memref<1024xf32, #tpu.memory_space<vmem>>
        tpu.wait_dma2 semaphore(%dma_wait3A_348 : memref<!tpu.dma_semaphore, #tpu.memory_space<semaphore_mem>>) src(%dma_wait3A_352 : memref<1024xf32, #tpu.memory_space<vmem>>) dst(%dma_wait3A_349 : memref<1024xf32, #tpu.memory_space<hbm>>)
        %mul3A_353 = arith.constant 1024 : i32
        %mul3A_354 = arith.muli %sub3A_339, %mul3A_353 : i32
        %add3A_355 = arith.addi %mul3A_2, %mul3A_354 : i32
        %dma_wait3A_356 = arith.constant 0 : i32
        %dma_wait3A_357 = tpu.memref_slice %arg14[%and3A_243, %dma_wait3A_356] : memref<2x1024xf32, #tpu.memory_space<vmem>> -> memref<1x1024xf32, #tpu.memory_space<vmem>>
        %dma_wait3A_358 = tpu.memref_squeeze %dma_wait3A_357 : memref<1x1024xf32, #tpu.memory_space<vmem>> -> memref<1024xf32, #tpu.memory_space<vmem>>
        %dma_wait3A_359 = tpu.memref_slice %arg6[%add3A_355] : memref<819200xf32, #tpu.memory_space<hbm>> -> memref<1024xf32, #tpu.memory_space<hbm>>
        %dma_wait3A_360 = tpu.memref_slice %arg19[%and3A_243] : memref<2x!tpu.dma_semaphore, #tpu.memory_space<semaphore_mem>> -> memref<1x!tpu.dma_semaphore, #tpu.memory_space<semaphore_mem>>
        %dma_wait3A_361 = tpu.memref_squeeze %dma_wait3A_360 : memref<1x!tpu.dma_semaphore, #tpu.memory_space<semaphore_mem>> -> memref<!tpu.dma_semaphore, #tpu.memory_space<semaphore_mem>>
        %dma_wait3A_362 = tpu.memref_slice %arg6[%add3A_355] : memref<819200xf32, #tpu.memory_space<hbm>> -> memref<1024xf32, #tpu.memory_space<hbm>>
        %dma_wait3A_363 = arith.constant 0 : i32
        %dma_wait3A_364 = tpu.memref_slice %arg14[%and3A_243, %dma_wait3A_363] : memref<2x1024xf32, #tpu.memory_space<vmem>> -> memref<1x1024xf32, #tpu.memory_space<vmem>>
        %dma_wait3A_365 = tpu.memref_squeeze %dma_wait3A_364 : memref<1x1024xf32, #tpu.memory_space<vmem>> -> memref<1024xf32, #tpu.memory_space<vmem>>
        tpu.wait_dma2 semaphore(%dma_wait3A_361 : memref<!tpu.dma_semaphore, #tpu.memory_space<semaphore_mem>>) src(%dma_wait3A_365 : memref<1024xf32, #tpu.memory_space<vmem>>) dst(%dma_wait3A_362 : memref<1024xf32, #tpu.memory_space<hbm>>)
        %mul3A_366 = arith.constant 1024 : i32
        %mul3A_367 = arith.muli %sub3A_339, %mul3A_366 : i32
        %add3A_368 = arith.addi %mul3A_2, %mul3A_367 : i32
        %dma_wait3A_369 = arith.constant 0 : i32
        %dma_wait3A_370 = tpu.memref_slice %arg15[%and3A_243, %dma_wait3A_369] : memref<2x1024xf32, #tpu.memory_space<vmem>> -> memref<1x1024xf32, #tpu.memory_space<vmem>>
        %dma_wait3A_371 = tpu.memref_squeeze %dma_wait3A_370 : memref<1x1024xf32, #tpu.memory_space<vmem>> -> memref<1024xf32, #tpu.memory_space<vmem>>
        %dma_wait3A_372 = tpu.memref_slice %arg7[%add3A_368] : memref<819200xf32, #tpu.memory_space<hbm>> -> memref<1024xf32, #tpu.memory_space<hbm>>
        %dma_wait3A_373 = tpu.memref_slice %arg19[%and3A_243] : memref<2x!tpu.dma_semaphore, #tpu.memory_space<semaphore_mem>> -> memref<1x!tpu.dma_semaphore, #tpu.memory_space<semaphore_mem>>
        %dma_wait3A_374 = tpu.memref_squeeze %dma_wait3A_373 : memref<1x!tpu.dma_semaphore, #tpu.memory_space<semaphore_mem>> -> memref<!tpu.dma_semaphore, #tpu.memory_space<semaphore_mem>>
        %dma_wait3A_375 = tpu.memref_slice %arg7[%add3A_368] : memref<819200xf32, #tpu.memory_space<hbm>> -> memref<1024xf32, #tpu.memory_space<hbm>>
        %dma_wait3A_376 = arith.constant 0 : i32
        %dma_wait3A_377 = tpu.memref_slice %arg15[%and3A_243, %dma_wait3A_376] : memref<2x1024xf32, #tpu.memory_space<vmem>> -> memref<1x1024xf32, #tpu.memory_space<vmem>>
        %dma_wait3A_378 = tpu.memref_squeeze %dma_wait3A_377 : memref<1x1024xf32, #tpu.memory_space<vmem>> -> memref<1024xf32, #tpu.memory_space<vmem>>
        tpu.wait_dma2 semaphore(%dma_wait3A_374 : memref<!tpu.dma_semaphore, #tpu.memory_space<semaphore_mem>>) src(%dma_wait3A_378 : memref<1024xf32, #tpu.memory_space<vmem>>) dst(%dma_wait3A_375 : memref<1024xf32, #tpu.memory_space<hbm>>)
        %mul3A_379 = arith.constant 1024 : i32
        %mul3A_380 = arith.muli %sub3A_339, %mul3A_379 : i32
        %add3A_381 = arith.addi %mul3A_2, %mul3A_380 : i32
        %dma_wait3A_382 = arith.constant 0 : i32
        %dma_wait3A_383 = tpu.memref_slice %arg16[%and3A_243, %dma_wait3A_382] : memref<2x1024xf32, #tpu.memory_space<vmem>> -> memref<1x1024xf32, #tpu.memory_space<vmem>>
        %dma_wait3A_384 = tpu.memref_squeeze %dma_wait3A_383 : memref<1x1024xf32, #tpu.memory_space<vmem>> -> memref<1024xf32, #tpu.memory_space<vmem>>
        %dma_wait3A_385 = tpu.memref_slice %arg8[%add3A_381] : memref<819200xf32, #tpu.memory_space<hbm>> -> memref<1024xf32, #tpu.memory_space<hbm>>
        %dma_wait3A_386 = tpu.memref_slice %arg19[%and3A_243] : memref<2x!tpu.dma_semaphore, #tpu.memory_space<semaphore_mem>> -> memref<1x!tpu.dma_semaphore, #tpu.memory_space<semaphore_mem>>
        %dma_wait3A_387 = tpu.memref_squeeze %dma_wait3A_386 : memref<1x!tpu.dma_semaphore, #tpu.memory_space<semaphore_mem>> -> memref<!tpu.dma_semaphore, #tpu.memory_space<semaphore_mem>>
        %dma_wait3A_388 = tpu.memref_slice %arg8[%add3A_381] : memref<819200xf32, #tpu.memory_space<hbm>> -> memref<1024xf32, #tpu.memory_space<hbm>>
        %dma_wait3A_389 = arith.constant 0 : i32
        %dma_wait3A_390 = tpu.memref_slice %arg16[%and3A_243, %dma_wait3A_389] : memref<2x1024xf32, #tpu.memory_space<vmem>> -> memref<1x1024xf32, #tpu.memory_space<vmem>>
        %dma_wait3A_391 = tpu.memref_squeeze %dma_wait3A_390 : memref<1x1024xf32, #tpu.memory_space<vmem>> -> memref<1024xf32, #tpu.memory_space<vmem>>
        tpu.wait_dma2 semaphore(%dma_wait3A_387 : memref<!tpu.dma_semaphore, #tpu.memory_space<semaphore_mem>>) src(%dma_wait3A_391 : memref<1024xf32, #tpu.memory_space<vmem>>) dst(%dma_wait3A_388 : memref<1024xf32, #tpu.memory_space<hbm>>)
      } else {
      }
      %scan3A_280 = arith.constant 0 : i32
      %scan3A_281 = arith.constant 0 : i32
      %scan3A_282 = arith.constant 64 : i32
      %scan3A_283 = arith.addi %scan3A_281, %scan3A_282 : i32
      %scan3A_284 = arith.constant 1 : i32
      scf.for %scan3A_338 = %scan3A_281 to %scan3A_283 step %scan3A_284  : i32 {
        %mul3A_339 = arith.constant 16 : i32
        %mul3A_340 = arith.muli %scan3A_338, %mul3A_339 : i32
        %add3A_341 = vector.broadcast %mul3A_340 : i32 to vector<16xi32>
        %add3A_342 = arith.addi %add3A_341, %iota3A : vector<16xi32>
        %gather3A = arith.constant 0 : i32
        %gather3A_343 = arith.constant 0 : i32
        %gather3A_344 = tpu.memref_slice %arg11[%and3A_243, %gather3A, %gather3A_343] : memref<2x1024x8xf32, #tpu.memory_space<vmem>> -> memref<1x1024x8xf32, #tpu.memory_space<vmem>>
        %gather3A_345 = tpu.memref_squeeze %gather3A_344 : memref<1x1024x8xf32, #tpu.memory_space<vmem>> -> memref<1024x8xf32, #tpu.memory_space<vmem>>
        %gather3A_346 = tpu.vector_load_idx %gather3A_345[%add3A_342, %broadcast_in_dim3A_3] : memref<1024x8xf32, #tpu.memory_space<vmem>>[vector<16xi32>, vector<16xi32>], vector<16xf32>,
        %gather3A_347 = arith.constant 0 : i32
        %gather3A_348 = arith.constant 0 : i32
        %gather3A_349 = tpu.memref_slice %arg11[%and3A_243, %gather3A_347, %gather3A_348] : memref<2x1024x8xf32, #tpu.memory_space<vmem>> -> memref<1x1024x8xf32, #tpu.memory_space<vmem>>
        %gather3A_350 = tpu.memref_squeeze %gather3A_349 : memref<1x1024x8xf32, #tpu.memory_space<vmem>> -> memref<1024x8xf32, #tpu.memory_space<vmem>>
        %gather3A_351 = tpu.vector_load_idx %gather3A_350[%add3A_342, %add3A_6] : memref<1024x8xf32, #tpu.memory_space<vmem>>[vector<16xi32>, vector<16xi32>], vector<16xf32>,
        %gather3A_352 = arith.constant 0 : i32
        %gather3A_353 = arith.constant 0 : i32
        %gather3A_354 = tpu.memref_slice %arg11[%and3A_243, %gather3A_352, %gather3A_353] : memref<2x1024x8xf32, #tpu.memory_space<vmem>> -> memref<1x1024x8xf32, #tpu.memory_space<vmem>>
        %gather3A_355 = tpu.memref_squeeze %gather3A_354 : memref<1x1024x8xf32, #tpu.memory_space<vmem>> -> memref<1024x8xf32, #tpu.memory_space<vmem>>
        %gather3A_356 = tpu.vector_load_idx %gather3A_355[%add3A_342, %add3A_9] : memref<1024x8xf32, #tpu.memory_space<vmem>>[vector<16xi32>, vector<16xi32>], vector<16xf32>,
        %gather3A_357 = arith.constant 0 : i32
        %gather3A_358 = arith.constant 0 : i32
        %gather3A_359 = tpu.memref_slice %arg11[%and3A_243, %gather3A_357, %gather3A_358] : memref<2x1024x8xf32, #tpu.memory_space<vmem>> -> memref<1x1024x8xf32, #tpu.memory_space<vmem>>
        %gather3A_360 = tpu.memref_squeeze %gather3A_359 : memref<1x1024x8xf32, #tpu.memory_space<vmem>> -> memref<1024x8xf32, #tpu.memory_space<vmem>>
        %gather3A_361 = tpu.vector_load_idx %gather3A_360[%add3A_342, %add3A_12] : memref<1024x8xf32, #tpu.memory_space<vmem>>[vector<16xi32>, vector<16xi32>], vector<16xf32>,
        %gather3A_362 = arith.constant 0 : i32
        %gather3A_363 = arith.constant 0 : i32
        %gather3A_364 = tpu.memref_slice %arg12[%and3A_243, %gather3A_362, %gather3A_363] : memref<2x1024x8xf32, #tpu.memory_space<vmem>> -> memref<1x1024x8xf32, #tpu.memory_space<vmem>>
        %gather3A_365 = tpu.memref_squeeze %gather3A_364 : memref<1x1024x8xf32, #tpu.memory_space<vmem>> -> memref<1024x8xf32, #tpu.memory_space<vmem>>
        %gather3A_366 = tpu.vector_load_idx %gather3A_365[%add3A_342, %broadcast_in_dim3A_3] : memref<1024x8xf32, #tpu.memory_space<vmem>>[vector<16xi32>, vector<16xi32>], vector<16xf32>,
        %gather3A_367 = arith.constant 0 : i32
        %gather3A_368 = arith.constant 0 : i32
        %gather3A_369 = tpu.memref_slice %arg12[%and3A_243, %gather3A_367, %gather3A_368] : memref<2x1024x8xf32, #tpu.memory_space<vmem>> -> memref<1x1024x8xf32, #tpu.memory_space<vmem>>
        %gather3A_370 = tpu.memref_squeeze %gather3A_369 : memref<1x1024x8xf32, #tpu.memory_space<vmem>> -> memref<1024x8xf32, #tpu.memory_space<vmem>>
        %gather3A_371 = tpu.vector_load_idx %gather3A_370[%add3A_342, %add3A_6] : memref<1024x8xf32, #tpu.memory_space<vmem>>[vector<16xi32>, vector<16xi32>], vector<16xf32>,
        %gather3A_372 = arith.constant 0 : i32
        %gather3A_373 = arith.constant 0 : i32
        %gather3A_374 = tpu.memref_slice %arg12[%and3A_243, %gather3A_372, %gather3A_373] : memref<2x1024x8xf32, #tpu.memory_space<vmem>> -> memref<1x1024x8xf32, #tpu.memory_space<vmem>>
        %gather3A_375 = tpu.memref_squeeze %gather3A_374 : memref<1x1024x8xf32, #tpu.memory_space<vmem>> -> memref<1024x8xf32, #tpu.memory_space<vmem>>
        %gather3A_376 = tpu.vector_load_idx %gather3A_375[%add3A_342, %add3A_9] : memref<1024x8xf32, #tpu.memory_space<vmem>>[vector<16xi32>, vector<16xi32>], vector<16xf32>,
        %gather3A_377 = arith.constant 0 : i32
        %gather3A_378 = arith.constant 0 : i32
        %gather3A_379 = tpu.memref_slice %arg12[%and3A_243, %gather3A_377, %gather3A_378] : memref<2x1024x8xf32, #tpu.memory_space<vmem>> -> memref<1x1024x8xf32, #tpu.memory_space<vmem>>
        %gather3A_380 = tpu.memref_squeeze %gather3A_379 : memref<1x1024x8xf32, #tpu.memory_space<vmem>> -> memref<1024x8xf32, #tpu.memory_space<vmem>>
        %gather3A_381 = tpu.vector_load_idx %gather3A_380[%add3A_342, %add3A_12] : memref<1024x8xf32, #tpu.memory_space<vmem>>[vector<16xi32>, vector<16xi32>], vector<16xf32>,
        %sub3A_382 = arith.subf %gather3A_346, %gather3A_366 : vector<16xf32>
        %sub3A_383 = arith.subf %gather3A_351, %gather3A_371 : vector<16xf32>
        %sub3A_384 = arith.subf %gather3A_356, %gather3A_376 : vector<16xf32>
        %sub3A_385 = arith.subf %gather3A_361, %gather3A_381 : vector<16xf32>
        %mul3A_386 = arith.constant 16 : i32
        %mul3A_387 = arith.muli %scan3A_338, %mul3A_386 : i32
        %swap3A = arith.constant 0 : i32
        %swap3A_388 = tpu.memref_slice %arg13[%and3A_243, %swap3A] : memref<2x1024xf32, #tpu.memory_space<vmem>> -> memref<1x1024xf32, #tpu.memory_space<vmem>>
        %swap3A_389 = tpu.memref_squeeze %swap3A_388 : memref<1x1024xf32, #tpu.memory_space<vmem>> -> memref<1024xf32, #tpu.memory_space<vmem>>
        %swap3A_390 = arith.index_cast %mul3A_387 : i32 to index
        %swap3A_391 = tpu.vector_load %swap3A_389[%swap3A_390] {strides = array<i32>} : memref<1024xf32, #tpu.memory_space<vmem>>, vector<16xf32>,
        tpu.vector_store %swap3A_389[%swap3A_390], %sub3A_385 {strides = array<i32>} : memref<1024xf32, #tpu.memory_space<vmem>>, vector<16xf32>,
        %swap3A_392 = arith.constant 0 : i32
        %swap3A_393 = tpu.memref_slice %arg14[%and3A_243, %swap3A_392] : memref<2x1024xf32, #tpu.memory_space<vmem>> -> memref<1x1024xf32, #tpu.memory_space<vmem>>
        %swap3A_394 = tpu.memref_squeeze %swap3A_393 : memref<1x1024xf32, #tpu.memory_space<vmem>> -> memref<1024xf32, #tpu.memory_space<vmem>>
        %swap3A_395 = arith.index_cast %mul3A_387 : i32 to index
        %swap3A_396 = tpu.vector_load %swap3A_394[%swap3A_395] {strides = array<i32>} : memref<1024xf32, #tpu.memory_space<vmem>>, vector<16xf32>,
        tpu.vector_store %swap3A_394[%swap3A_395], %sub3A_382 {strides = array<i32>} : memref<1024xf32, #tpu.memory_space<vmem>>, vector<16xf32>,
        %swap3A_397 = arith.constant 0 : i32
        %swap3A_398 = tpu.memref_slice %arg15[%and3A_243, %swap3A_397] : memref<2x1024xf32, #tpu.memory_space<vmem>> -> memref<1x1024xf32, #tpu.memory_space<vmem>>
        %swap3A_399 = tpu.memref_squeeze %swap3A_398 : memref<1x1024xf32, #tpu.memory_space<vmem>> -> memref<1024xf32, #tpu.memory_space<vmem>>
        %swap3A_400 = arith.index_cast %mul3A_387 : i32 to index
        %swap3A_401 = tpu.vector_load %swap3A_399[%swap3A_400] {strides = array<i32>} : memref<1024xf32, #tpu.memory_space<vmem>>, vector<16xf32>,
        tpu.vector_store %swap3A_399[%swap3A_400], %sub3A_383 {strides = array<i32>} : memref<1024xf32, #tpu.memory_space<vmem>>, vector<16xf32>,
        %swap3A_402 = arith.constant 0 : i32
        %swap3A_403 = tpu.memref_slice %arg16[%and3A_243, %swap3A_402] : memref<2x1024xf32, #tpu.memory_space<vmem>> -> memref<1x1024xf32, #tpu.memory_space<vmem>>
        %swap3A_404 = tpu.memref_squeeze %swap3A_403 : memref<1x1024xf32, #tpu.memory_space<vmem>> -> memref<1024xf32, #tpu.memory_space<vmem>>
        %swap3A_405 = arith.index_cast %mul3A_387 : i32 to index
        %swap3A_406 = tpu.vector_load %swap3A_404[%swap3A_405] {strides = array<i32>} : memref<1024xf32, #tpu.memory_space<vmem>>, vector<16xf32>,
        tpu.vector_store %swap3A_404[%swap3A_405], %sub3A_384 {strides = array<i32>} : memref<1024xf32, #tpu.memory_space<vmem>>, vector<16xf32>,
      }
      %scan3A_285 = arith.constant 64 : i32
      %mul3A_286 = arith.constant 1024 : i32
      %mul3A_287 = arith.muli %scan3A_242, %mul3A_286 : i32
      %add3A_288 = arith.addi %mul3A_2, %mul3A_287 : i32
      %dma_start3A_289 = arith.constant 0 : i32
      %dma_start3A_290 = tpu.memref_slice %arg13[%and3A_243, %dma_start3A_289] : memref<2x1024xf32, #tpu.memory_space<vmem>> -> memref<1x1024xf32, #tpu.memory_space<vmem>>
      %dma_start3A_291 = tpu.memref_squeeze %dma_start3A_290 : memref<1x1024xf32, #tpu.memory_space<vmem>> -> memref<1024xf32, #tpu.memory_space<vmem>>
      %dma_start3A_292 = tpu.memref_slice %arg5[%add3A_288] : memref<819200xf32, #tpu.memory_space<hbm>> -> memref<1024xf32, #tpu.memory_space<hbm>>
      %dma_start3A_293 = tpu.memref_slice %arg19[%and3A_243] : memref<2x!tpu.dma_semaphore, #tpu.memory_space<semaphore_mem>> -> memref<1x!tpu.dma_semaphore, #tpu.memory_space<semaphore_mem>>
      %dma_start3A_294 = tpu.memref_squeeze %dma_start3A_293 : memref<1x!tpu.dma_semaphore, #tpu.memory_space<semaphore_mem>> -> memref<!tpu.dma_semaphore, #tpu.memory_space<semaphore_mem>>
      %dma_start3A_295 = tpu.memref_slice %arg5[%add3A_288] : memref<819200xf32, #tpu.memory_space<hbm>> -> memref<1024xf32, #tpu.memory_space<hbm>>
      %dma_start3A_296 = arith.constant 0 : i32
      %dma_start3A_297 = tpu.memref_slice %arg13[%and3A_243, %dma_start3A_296] : memref<2x1024xf32, #tpu.memory_space<vmem>> -> memref<1x1024xf32, #tpu.memory_space<vmem>>
      %dma_start3A_298 = tpu.memref_squeeze %dma_start3A_297 : memref<1x1024xf32, #tpu.memory_space<vmem>> -> memref<1024xf32, #tpu.memory_space<vmem>>
      tpu.enqueue_dma source(%dma_start3A_298 : memref<1024xf32, #tpu.memory_space<vmem>>) target(%dma_start3A_295 : memref<1024xf32, #tpu.memory_space<hbm>>) target_semaphore(%dma_start3A_294 : memref<!tpu.dma_semaphore, #tpu.memory_space<semaphore_mem>>)
      %mul3A_299 = arith.constant 1024 : i32
      %mul3A_300 = arith.muli %scan3A_242, %mul3A_299 : i32
      %add3A_301 = arith.addi %mul3A_2, %mul3A_300 : i32
      %dma_start3A_302 = arith.constant 0 : i32
      %dma_start3A_303 = tpu.memref_slice %arg14[%and3A_243, %dma_start3A_302] : memref<2x1024xf32, #tpu.memory_space<vmem>> -> memref<1x1024xf32, #tpu.memory_space<vmem>>
      %dma_start3A_304 = tpu.memref_squeeze %dma_start3A_303 : memref<1x1024xf32, #tpu.memory_space<vmem>> -> memref<1024xf32, #tpu.memory_space<vmem>>
      %dma_start3A_305 = tpu.memref_slice %arg6[%add3A_301] : memref<819200xf32, #tpu.memory_space<hbm>> -> memref<1024xf32, #tpu.memory_space<hbm>>
      %dma_start3A_306 = tpu.memref_slice %arg19[%and3A_243] : memref<2x!tpu.dma_semaphore, #tpu.memory_space<semaphore_mem>> -> memref<1x!tpu.dma_semaphore, #tpu.memory_space<semaphore_mem>>
      %dma_start3A_307 = tpu.memref_squeeze %dma_start3A_306 : memref<1x!tpu.dma_semaphore, #tpu.memory_space<semaphore_mem>> -> memref<!tpu.dma_semaphore, #tpu.memory_space<semaphore_mem>>
      %dma_start3A_308 = tpu.memref_slice %arg6[%add3A_301] : memref<819200xf32, #tpu.memory_space<hbm>> -> memref<1024xf32, #tpu.memory_space<hbm>>
      %dma_start3A_309 = arith.constant 0 : i32
      %dma_start3A_310 = tpu.memref_slice %arg14[%and3A_243, %dma_start3A_309] : memref<2x1024xf32, #tpu.memory_space<vmem>> -> memref<1x1024xf32, #tpu.memory_space<vmem>>
      %dma_start3A_311 = tpu.memref_squeeze %dma_start3A_310 : memref<1x1024xf32, #tpu.memory_space<vmem>> -> memref<1024xf32, #tpu.memory_space<vmem>>
      tpu.enqueue_dma source(%dma_start3A_311 : memref<1024xf32, #tpu.memory_space<vmem>>) target(%dma_start3A_308 : memref<1024xf32, #tpu.memory_space<hbm>>) target_semaphore(%dma_start3A_307 : memref<!tpu.dma_semaphore, #tpu.memory_space<semaphore_mem>>)
      %mul3A_312 = arith.constant 1024 : i32
      %mul3A_313 = arith.muli %scan3A_242, %mul3A_312 : i32
      %add3A_314 = arith.addi %mul3A_2, %mul3A_313 : i32
      %dma_start3A_315 = arith.constant 0 : i32
      %dma_start3A_316 = tpu.memref_slice %arg15[%and3A_243, %dma_start3A_315] : memref<2x1024xf32, #tpu.memory_space<vmem>> -> memref<1x1024xf32, #tpu.memory_space<vmem>>
      %dma_start3A_317 = tpu.memref_squeeze %dma_start3A_316 : memref<1x1024xf32, #tpu.memory_space<vmem>> -> memref<1024xf32, #tpu.memory_space<vmem>>
      %dma_start3A_318 = tpu.memref_slice %arg7[%add3A_314] : memref<819200xf32, #tpu.memory_space<hbm>> -> memref<1024xf32, #tpu.memory_space<hbm>>
      %dma_start3A_319 = tpu.memref_slice %arg19[%and3A_243] : memref<2x!tpu.dma_semaphore, #tpu.memory_space<semaphore_mem>> -> memref<1x!tpu.dma_semaphore, #tpu.memory_space<semaphore_mem>>
      %dma_start3A_320 = tpu.memref_squeeze %dma_start3A_319 : memref<1x!tpu.dma_semaphore, #tpu.memory_space<semaphore_mem>> -> memref<!tpu.dma_semaphore, #tpu.memory_space<semaphore_mem>>
      %dma_start3A_321 = tpu.memref_slice %arg7[%add3A_314] : memref<819200xf32, #tpu.memory_space<hbm>> -> memref<1024xf32, #tpu.memory_space<hbm>>
      %dma_start3A_322 = arith.constant 0 : i32
      %dma_start3A_323 = tpu.memref_slice %arg15[%and3A_243, %dma_start3A_322] : memref<2x1024xf32, #tpu.memory_space<vmem>> -> memref<1x1024xf32, #tpu.memory_space<vmem>>
      %dma_start3A_324 = tpu.memref_squeeze %dma_start3A_323 : memref<1x1024xf32, #tpu.memory_space<vmem>> -> memref<1024xf32, #tpu.memory_space<vmem>>
      tpu.enqueue_dma source(%dma_start3A_324 : memref<1024xf32, #tpu.memory_space<vmem>>) target(%dma_start3A_321 : memref<1024xf32, #tpu.memory_space<hbm>>) target_semaphore(%dma_start3A_320 : memref<!tpu.dma_semaphore, #tpu.memory_space<semaphore_mem>>)
      %mul3A_325 = arith.constant 1024 : i32
      %mul3A_326 = arith.muli %scan3A_242, %mul3A_325 : i32
      %add3A_327 = arith.addi %mul3A_2, %mul3A_326 : i32
      %dma_start3A_328 = arith.constant 0 : i32
      %dma_start3A_329 = tpu.memref_slice %arg16[%and3A_243, %dma_start3A_328] : memref<2x1024xf32, #tpu.memory_space<vmem>> -> memref<1x1024xf32, #tpu.memory_space<vmem>>
      %dma_start3A_330 = tpu.memref_squeeze %dma_start3A_329 : memref<1x1024xf32, #tpu.memory_space<vmem>> -> memref<1024xf32, #tpu.memory_space<vmem>>
      %dma_start3A_331 = tpu.memref_slice %arg8[%add3A_327] : memref<819200xf32, #tpu.memory_space<hbm>> -> memref<1024xf32, #tpu.memory_space<hbm>>
      %dma_start3A_332 = tpu.memref_slice %arg19[%and3A_243] : memref<2x!tpu.dma_semaphore, #tpu.memory_space<semaphore_mem>> -> memref<1x!tpu.dma_semaphore, #tpu.memory_space<semaphore_mem>>
      %dma_start3A_333 = tpu.memref_squeeze %dma_start3A_332 : memref<1x!tpu.dma_semaphore, #tpu.memory_space<semaphore_mem>> -> memref<!tpu.dma_semaphore, #tpu.memory_space<semaphore_mem>>
      %dma_start3A_334 = tpu.memref_slice %arg8[%add3A_327] : memref<819200xf32, #tpu.memory_space<hbm>> -> memref<1024xf32, #tpu.memory_space<hbm>>
      %dma_start3A_335 = arith.constant 0 : i32
      %dma_start3A_336 = tpu.memref_slice %arg16[%and3A_243, %dma_start3A_335] : memref<2x1024xf32, #tpu.memory_space<vmem>> -> memref<1x1024xf32, #tpu.memory_space<vmem>>
      %dma_start3A_337 = tpu.memref_squeeze %dma_start3A_336 : memref<1x1024xf32, #tpu.memory_space<vmem>> -> memref<1024xf32, #tpu.memory_space<vmem>>
      tpu.enqueue_dma source(%dma_start3A_337 : memref<1024xf32, #tpu.memory_space<vmem>>) target(%dma_start3A_334 : memref<1024xf32, #tpu.memory_space<hbm>>) target_semaphore(%dma_start3A_333 : memref<!tpu.dma_semaphore, #tpu.memory_space<semaphore_mem>>)
    }
    %scan3A_129 = arith.constant 25 : i32
    %add3A_130 = arith.constant 23552 : i32
    %add3A_131 = arith.addi %mul3A_2, %add3A_130 : i32
    %dma_wait3A_132 = arith.constant 1 : i32
    %dma_wait3A_133 = arith.constant 1 : i32
    %dma_wait3A_134 = arith.constant 0 : i32
    %dma_wait3A_135 = tpu.memref_slice %arg13[%dma_wait3A_132, %dma_wait3A_134] : memref<2x1024xf32, #tpu.memory_space<vmem>> -> memref<1x1024xf32, #tpu.memory_space<vmem>>
    %dma_wait3A_136 = tpu.memref_squeeze %dma_wait3A_135 : memref<1x1024xf32, #tpu.memory_space<vmem>> -> memref<1024xf32, #tpu.memory_space<vmem>>
    %dma_wait3A_137 = tpu.memref_slice %arg5[%add3A_131] : memref<819200xf32, #tpu.memory_space<hbm>> -> memref<1024xf32, #tpu.memory_space<hbm>>
    %dma_wait3A_138 = tpu.memref_slice %arg19[%dma_wait3A_133] : memref<2x!tpu.dma_semaphore, #tpu.memory_space<semaphore_mem>> -> memref<1x!tpu.dma_semaphore, #tpu.memory_space<semaphore_mem>>
    %dma_wait3A_139 = tpu.memref_squeeze %dma_wait3A_138 : memref<1x!tpu.dma_semaphore, #tpu.memory_space<semaphore_mem>> -> memref<!tpu.dma_semaphore, #tpu.memory_space<semaphore_mem>>
    %dma_wait3A_140 = tpu.memref_slice %arg5[%add3A_131] : memref<819200xf32, #tpu.memory_space<hbm>> -> memref<1024xf32, #tpu.memory_space<hbm>>
    %dma_wait3A_141 = arith.constant 0 : i32
    %dma_wait3A_142 = tpu.memref_slice %arg13[%dma_wait3A_132, %dma_wait3A_141] : memref<2x1024xf32, #tpu.memory_space<vmem>> -> memref<1x1024xf32, #tpu.memory_space<vmem>>
    %dma_wait3A_143 = tpu.memref_squeeze %dma_wait3A_142 : memref<1x1024xf32, #tpu.memory_space<vmem>> -> memref<1024xf32, #tpu.memory_space<vmem>>
    tpu.wait_dma2 semaphore(%dma_wait3A_139 : memref<!tpu.dma_semaphore, #tpu.memory_space<semaphore_mem>>) src(%dma_wait3A_143 : memref<1024xf32, #tpu.memory_space<vmem>>) dst(%dma_wait3A_140 : memref<1024xf32, #tpu.memory_space<hbm>>)
    %add3A_144 = arith.constant 23552 : i32
    %add3A_145 = arith.addi %mul3A_2, %add3A_144 : i32
    %dma_wait3A_146 = arith.constant 1 : i32
    %dma_wait3A_147 = arith.constant 1 : i32
    %dma_wait3A_148 = arith.constant 0 : i32
    %dma_wait3A_149 = tpu.memref_slice %arg14[%dma_wait3A_146, %dma_wait3A_148] : memref<2x1024xf32, #tpu.memory_space<vmem>> -> memref<1x1024xf32, #tpu.memory_space<vmem>>
    %dma_wait3A_150 = tpu.memref_squeeze %dma_wait3A_149 : memref<1x1024xf32, #tpu.memory_space<vmem>> -> memref<1024xf32, #tpu.memory_space<vmem>>
    %dma_wait3A_151 = tpu.memref_slice %arg6[%add3A_145] : memref<819200xf32, #tpu.memory_space<hbm>> -> memref<1024xf32, #tpu.memory_space<hbm>>
    %dma_wait3A_152 = tpu.memref_slice %arg19[%dma_wait3A_147] : memref<2x!tpu.dma_semaphore, #tpu.memory_space<semaphore_mem>> -> memref<1x!tpu.dma_semaphore, #tpu.memory_space<semaphore_mem>>
    %dma_wait3A_153 = tpu.memref_squeeze %dma_wait3A_152 : memref<1x!tpu.dma_semaphore, #tpu.memory_space<semaphore_mem>> -> memref<!tpu.dma_semaphore, #tpu.memory_space<semaphore_mem>>
    %dma_wait3A_154 = tpu.memref_slice %arg6[%add3A_145] : memref<819200xf32, #tpu.memory_space<hbm>> -> memref<1024xf32, #tpu.memory_space<hbm>>
    %dma_wait3A_155 = arith.constant 0 : i32
    %dma_wait3A_156 = tpu.memref_slice %arg14[%dma_wait3A_146, %dma_wait3A_155] : memref<2x1024xf32, #tpu.memory_space<vmem>> -> memref<1x1024xf32, #tpu.memory_space<vmem>>
    %dma_wait3A_157 = tpu.memref_squeeze %dma_wait3A_156 : memref<1x1024xf32, #tpu.memory_space<vmem>> -> memref<1024xf32, #tpu.memory_space<vmem>>
    tpu.wait_dma2 semaphore(%dma_wait3A_153 : memref<!tpu.dma_semaphore, #tpu.memory_space<semaphore_mem>>) src(%dma_wait3A_157 : memref<1024xf32, #tpu.memory_space<vmem>>) dst(%dma_wait3A_154 : memref<1024xf32, #tpu.memory_space<hbm>>)
    %add3A_158 = arith.constant 23552 : i32
    %add3A_159 = arith.addi %mul3A_2, %add3A_158 : i32
    %dma_wait3A_160 = arith.constant 1 : i32
    %dma_wait3A_161 = arith.constant 1 : i32
    %dma_wait3A_162 = arith.constant 0 : i32
    %dma_wait3A_163 = tpu.memref_slice %arg15[%dma_wait3A_160, %dma_wait3A_162] : memref<2x1024xf32, #tpu.memory_space<vmem>> -> memref<1x1024xf32, #tpu.memory_space<vmem>>
    %dma_wait3A_164 = tpu.memref_squeeze %dma_wait3A_163 : memref<1x1024xf32, #tpu.memory_space<vmem>> -> memref<1024xf32, #tpu.memory_space<vmem>>
    %dma_wait3A_165 = tpu.memref_slice %arg7[%add3A_159] : memref<819200xf32, #tpu.memory_space<hbm>> -> memref<1024xf32, #tpu.memory_space<hbm>>
    %dma_wait3A_166 = tpu.memref_slice %arg19[%dma_wait3A_161] : memref<2x!tpu.dma_semaphore, #tpu.memory_space<semaphore_mem>> -> memref<1x!tpu.dma_semaphore, #tpu.memory_space<semaphore_mem>>
    %dma_wait3A_167 = tpu.memref_squeeze %dma_wait3A_166 : memref<1x!tpu.dma_semaphore, #tpu.memory_space<semaphore_mem>> -> memref<!tpu.dma_semaphore, #tpu.memory_space<semaphore_mem>>
    %dma_wait3A_168 = tpu.memref_slice %arg7[%add3A_159] : memref<819200xf32, #tpu.memory_space<hbm>> -> memref<1024xf32, #tpu.memory_space<hbm>>
    %dma_wait3A_169 = arith.constant 0 : i32
    %dma_wait3A_170 = tpu.memref_slice %arg15[%dma_wait3A_160, %dma_wait3A_169] : memref<2x1024xf32, #tpu.memory_space<vmem>> -> memref<1x1024xf32, #tpu.memory_space<vmem>>
    %dma_wait3A_171 = tpu.memref_squeeze %dma_wait3A_170 : memref<1x1024xf32, #tpu.memory_space<vmem>> -> memref<1024xf32, #tpu.memory_space<vmem>>
    tpu.wait_dma2 semaphore(%dma_wait3A_167 : memref<!tpu.dma_semaphore, #tpu.memory_space<semaphore_mem>>) src(%dma_wait3A_171 : memref<1024xf32, #tpu.memory_space<vmem>>) dst(%dma_wait3A_168 : memref<1024xf32, #tpu.memory_space<hbm>>)
    %add3A_172 = arith.constant 23552 : i32
    %add3A_173 = arith.addi %mul3A_2, %add3A_172 : i32
    %dma_wait3A_174 = arith.constant 1 : i32
    %dma_wait3A_175 = arith.constant 1 : i32
    %dma_wait3A_176 = arith.constant 0 : i32
    %dma_wait3A_177 = tpu.memref_slice %arg16[%dma_wait3A_174, %dma_wait3A_176] : memref<2x1024xf32, #tpu.memory_space<vmem>> -> memref<1x1024xf32, #tpu.memory_space<vmem>>
    %dma_wait3A_178 = tpu.memref_squeeze %dma_wait3A_177 : memref<1x1024xf32, #tpu.memory_space<vmem>> -> memref<1024xf32, #tpu.memory_space<vmem>>
    %dma_wait3A_179 = tpu.memref_slice %arg8[%add3A_173] : memref<819200xf32, #tpu.memory_space<hbm>> -> memref<1024xf32, #tpu.memory_space<hbm>>
    %dma_wait3A_180 = tpu.memref_slice %arg19[%dma_wait3A_175] : memref<2x!tpu.dma_semaphore, #tpu.memory_space<semaphore_mem>> -> memref<1x!tpu.dma_semaphore, #tpu.memory_space<semaphore_mem>>
    %dma_wait3A_181 = tpu.memref_squeeze %dma_wait3A_180 : memref<1x!tpu.dma_semaphore, #tpu.memory_space<semaphore_mem>> -> memref<!tpu.dma_semaphore, #tpu.memory_space<semaphore_mem>>
    %dma_wait3A_182 = tpu.memref_slice %arg8[%add3A_173] : memref<819200xf32, #tpu.memory_space<hbm>> -> memref<1024xf32, #tpu.memory_space<hbm>>
    %dma_wait3A_183 = arith.constant 0 : i32
    %dma_wait3A_184 = tpu.memref_slice %arg16[%dma_wait3A_174, %dma_wait3A_183] : memref<2x1024xf32, #tpu.memory_space<vmem>> -> memref<1x1024xf32, #tpu.memory_space<vmem>>
    %dma_wait3A_185 = tpu.memref_squeeze %dma_wait3A_184 : memref<1x1024xf32, #tpu.memory_space<vmem>> -> memref<1024xf32, #tpu.memory_space<vmem>>
    tpu.wait_dma2 semaphore(%dma_wait3A_181 : memref<!tpu.dma_semaphore, #tpu.memory_space<semaphore_mem>>) src(%dma_wait3A_185 : memref<1024xf32, #tpu.memory_space<vmem>>) dst(%dma_wait3A_182 : memref<1024xf32, #tpu.memory_space<hbm>>)
    %add3A_186 = arith.constant 24576 : i32
    %add3A_187 = arith.addi %mul3A_2, %add3A_186 : i32
    %dma_wait3A_188 = arith.constant 0 : i32
    %dma_wait3A_189 = arith.constant 0 : i32
    %dma_wait3A_190 = arith.constant 0 : i32
    %dma_wait3A_191 = tpu.memref_slice %arg13[%dma_wait3A_188, %dma_wait3A_190] : memref<2x1024xf32, #tpu.memory_space<vmem>> -> memref<1x1024xf32, #tpu.memory_space<vmem>>
    %dma_wait3A_192 = tpu.memref_squeeze %dma_wait3A_191 : memref<1x1024xf32, #tpu.memory_space<vmem>> -> memref<1024xf32, #tpu.memory_space<vmem>>
    %dma_wait3A_193 = tpu.memref_slice %arg5[%add3A_187] : memref<819200xf32, #tpu.memory_space<hbm>> -> memref<1024xf32, #tpu.memory_space<hbm>>
    %dma_wait3A_194 = tpu.memref_slice %arg19[%dma_wait3A_189] : memref<2x!tpu.dma_semaphore, #tpu.memory_space<semaphore_mem>> -> memref<1x!tpu.dma_semaphore, #tpu.memory_space<semaphore_mem>>
    %dma_wait3A_195 = tpu.memref_squeeze %dma_wait3A_194 : memref<1x!tpu.dma_semaphore, #tpu.memory_space<semaphore_mem>> -> memref<!tpu.dma_semaphore, #tpu.memory_space<semaphore_mem>>
    %dma_wait3A_196 = tpu.memref_slice %arg5[%add3A_187] : memref<819200xf32, #tpu.memory_space<hbm>> -> memref<1024xf32, #tpu.memory_space<hbm>>
    %dma_wait3A_197 = arith.constant 0 : i32
    %dma_wait3A_198 = tpu.memref_slice %arg13[%dma_wait3A_188, %dma_wait3A_197] : memref<2x1024xf32, #tpu.memory_space<vmem>> -> memref<1x1024xf32, #tpu.memory_space<vmem>>
    %dma_wait3A_199 = tpu.memref_squeeze %dma_wait3A_198 : memref<1x1024xf32, #tpu.memory_space<vmem>> -> memref<1024xf32, #tpu.memory_space<vmem>>
    tpu.wait_dma2 semaphore(%dma_wait3A_195 : memref<!tpu.dma_semaphore, #tpu.memory_space<semaphore_mem>>) src(%dma_wait3A_199 : memref<1024xf32, #tpu.memory_space<vmem>>) dst(%dma_wait3A_196 : memref<1024xf32, #tpu.memory_space<hbm>>)
    %add3A_200 = arith.constant 24576 : i32
    %add3A_201 = arith.addi %mul3A_2, %add3A_200 : i32
    %dma_wait3A_202 = arith.constant 0 : i32
    %dma_wait3A_203 = arith.constant 0 : i32
    %dma_wait3A_204 = arith.constant 0 : i32
    %dma_wait3A_205 = tpu.memref_slice %arg14[%dma_wait3A_202, %dma_wait3A_204] : memref<2x1024xf32, #tpu.memory_space<vmem>> -> memref<1x1024xf32, #tpu.memory_space<vmem>>
    %dma_wait3A_206 = tpu.memref_squeeze %dma_wait3A_205 : memref<1x1024xf32, #tpu.memory_space<vmem>> -> memref<1024xf32, #tpu.memory_space<vmem>>
    %dma_wait3A_207 = tpu.memref_slice %arg6[%add3A_201] : memref<819200xf32, #tpu.memory_space<hbm>> -> memref<1024xf32, #tpu.memory_space<hbm>>
    %dma_wait3A_208 = tpu.memref_slice %arg19[%dma_wait3A_203] : memref<2x!tpu.dma_semaphore, #tpu.memory_space<semaphore_mem>> -> memref<1x!tpu.dma_semaphore, #tpu.memory_space<semaphore_mem>>
    %dma_wait3A_209 = tpu.memref_squeeze %dma_wait3A_208 : memref<1x!tpu.dma_semaphore, #tpu.memory_space<semaphore_mem>> -> memref<!tpu.dma_semaphore, #tpu.memory_space<semaphore_mem>>
    %dma_wait3A_210 = tpu.memref_slice %arg6[%add3A_201] : memref<819200xf32, #tpu.memory_space<hbm>> -> memref<1024xf32, #tpu.memory_space<hbm>>
    %dma_wait3A_211 = arith.constant 0 : i32
    %dma_wait3A_212 = tpu.memref_slice %arg14[%dma_wait3A_202, %dma_wait3A_211] : memref<2x1024xf32, #tpu.memory_space<vmem>> -> memref<1x1024xf32, #tpu.memory_space<vmem>>
    %dma_wait3A_213 = tpu.memref_squeeze %dma_wait3A_212 : memref<1x1024xf32, #tpu.memory_space<vmem>> -> memref<1024xf32, #tpu.memory_space<vmem>>
    tpu.wait_dma2 semaphore(%dma_wait3A_209 : memref<!tpu.dma_semaphore, #tpu.memory_space<semaphore_mem>>) src(%dma_wait3A_213 : memref<1024xf32, #tpu.memory_space<vmem>>) dst(%dma_wait3A_210 : memref<1024xf32, #tpu.memory_space<hbm>>)
    %add3A_214 = arith.constant 24576 : i32
    %add3A_215 = arith.addi %mul3A_2, %add3A_214 : i32
    %dma_wait3A_216 = arith.constant 0 : i32
    %dma_wait3A_217 = arith.constant 0 : i32
    %dma_wait3A_218 = arith.constant 0 : i32
    %dma_wait3A_219 = tpu.memref_slice %arg15[%dma_wait3A_216, %dma_wait3A_218] : memref<2x1024xf32, #tpu.memory_space<vmem>> -> memref<1x1024xf32, #tpu.memory_space<vmem>>
    %dma_wait3A_220 = tpu.memref_squeeze %dma_wait3A_219 : memref<1x1024xf32, #tpu.memory_space<vmem>> -> memref<1024xf32, #tpu.memory_space<vmem>>
    %dma_wait3A_221 = tpu.memref_slice %arg7[%add3A_215] : memref<819200xf32, #tpu.memory_space<hbm>> -> memref<1024xf32, #tpu.memory_space<hbm>>
    %dma_wait3A_222 = tpu.memref_slice %arg19[%dma_wait3A_217] : memref<2x!tpu.dma_semaphore, #tpu.memory_space<semaphore_mem>> -> memref<1x!tpu.dma_semaphore, #tpu.memory_space<semaphore_mem>>
    %dma_wait3A_223 = tpu.memref_squeeze %dma_wait3A_222 : memref<1x!tpu.dma_semaphore, #tpu.memory_space<semaphore_mem>> -> memref<!tpu.dma_semaphore, #tpu.memory_space<semaphore_mem>>
    %dma_wait3A_224 = tpu.memref_slice %arg7[%add3A_215] : memref<819200xf32, #tpu.memory_space<hbm>> -> memref<1024xf32, #tpu.memory_space<hbm>>
    %dma_wait3A_225 = arith.constant 0 : i32
    %dma_wait3A_226 = tpu.memref_slice %arg15[%dma_wait3A_216, %dma_wait3A_225] : memref<2x1024xf32, #tpu.memory_space<vmem>> -> memref<1x1024xf32, #tpu.memory_space<vmem>>
    %dma_wait3A_227 = tpu.memref_squeeze %dma_wait3A_226 : memref<1x1024xf32, #tpu.memory_space<vmem>> -> memref<1024xf32, #tpu.memory_space<vmem>>
    tpu.wait_dma2 semaphore(%dma_wait3A_223 : memref<!tpu.dma_semaphore, #tpu.memory_space<semaphore_mem>>) src(%dma_wait3A_227 : memref<1024xf32, #tpu.memory_space<vmem>>) dst(%dma_wait3A_224 : memref<1024xf32, #tpu.memory_space<hbm>>)
    %add3A_228 = arith.constant 24576 : i32
    %add3A_229 = arith.addi %mul3A_2, %add3A_228 : i32
    %dma_wait3A_230 = arith.constant 0 : i32
    %dma_wait3A_231 = arith.constant 0 : i32
    %dma_wait3A_232 = arith.constant 0 : i32
    %dma_wait3A_233 = tpu.memref_slice %arg16[%dma_wait3A_230, %dma_wait3A_232] : memref<2x1024xf32, #tpu.memory_space<vmem>> -> memref<1x1024xf32, #tpu.memory_space<vmem>>
    %dma_wait3A_234 = tpu.memref_squeeze %dma_wait3A_233 : memref<1x1024xf32, #tpu.memory_space<vmem>> -> memref<1024xf32, #tpu.memory_space<vmem>>
    %dma_wait3A_235 = tpu.memref_slice %arg8[%add3A_229] : memref<819200xf32, #tpu.memory_space<hbm>> -> memref<1024xf32, #tpu.memory_space<hbm>>
    %dma_wait3A_236 = tpu.memref_slice %arg19[%dma_wait3A_231] : memref<2x!tpu.dma_semaphore, #tpu.memory_space<semaphore_mem>> -> memref<1x!tpu.dma_semaphore, #tpu.memory_space<semaphore_mem>>
    %dma_wait3A_237 = tpu.memref_squeeze %dma_wait3A_236 : memref<1x!tpu.dma_semaphore, #tpu.memory_space<semaphore_mem>> -> memref<!tpu.dma_semaphore, #tpu.memory_space<semaphore_mem>>
    %dma_wait3A_238 = tpu.memref_slice %arg8[%add3A_229] : memref<819200xf32, #tpu.memory_space<hbm>> -> memref<1024xf32, #tpu.memory_space<hbm>>
    %dma_wait3A_239 = arith.constant 0 : i32
    %dma_wait3A_240 = tpu.memref_slice %arg16[%dma_wait3A_230, %dma_wait3A_239] : memref<2x1024xf32, #tpu.memory_space<vmem>> -> memref<1x1024xf32, #tpu.memory_space<vmem>>
    %dma_wait3A_241 = tpu.memref_squeeze %dma_wait3A_240 : memref<1x1024xf32, #tpu.memory_space<vmem>> -> memref<1024xf32, #tpu.memory_space<vmem>>
    tpu.wait_dma2 semaphore(%dma_wait3A_237 : memref<!tpu.dma_semaphore, #tpu.memory_space<semaphore_mem>>) src(%dma_wait3A_241 : memref<1024xf32, #tpu.memory_space<vmem>>) dst(%dma_wait3A_238 : memref<1024xf32, #tpu.memory_space<hbm>>)
    return
  }
}

#map = affine_map<(d0, d1) -> (0)>
#map1 = affine_map<(d0, d1) -> (0, 0, 0)>
module attributes {stable_mosaic.version = 14 : i64} {
  func.func @_scatter_body(%arg0: i32, %arg1: i32, %arg2: memref<819200xf32, #tpu.memory_space<hbm>>, %arg3: memref<819200xf32, #tpu.memory_space<hbm>>, %arg4: memref<819200xf32, #tpu.memory_space<hbm>>, %arg5: memref<819200xf32, #tpu.memory_space<hbm>>, %arg6: memref<819200xi32, #tpu.memory_space<hbm>>, %arg7: memref<2x50176x8xf32, #tpu.memory_space<hbm>>, %arg8: memref<2x1024xi32, #tpu.memory_space<vmem>>, %arg9: memref<2x1024xf32, #tpu.memory_space<vmem>>, %arg10: memref<2x1024xf32, #tpu.memory_space<vmem>>, %arg11: memref<2x1024xf32, #tpu.memory_space<vmem>>, %arg12: memref<2x1024xf32, #tpu.memory_space<vmem>>, %arg13: memref<2x1024x8xf32, #tpu.memory_space<vmem>>, %arg14: memref<3136x8xf32, #tpu.memory_space<vmem>>, %arg15: memref<50176x8xf32, #tpu.memory_space<vmem_shared>>, %arg16: memref<2x!tpu.dma_semaphore, #tpu.memory_space<semaphore_mem>>, %arg17: memref<2x!tpu.dma_semaphore, #tpu.memory_space<semaphore_mem>>) attributes {dimension_semantics = [#tpu.dimension_semantics<core_parallel>, #tpu.dimension_semantics<subcore_parallel>], iteration_bounds = array<i64: 2, 16>, scalar_prefetch = 0 : i64, scratch_operands = 10 : i64, tpu.core_type = #tpu.core_type<sc_vector_subcore>, window_params = [{transform_indices = #map}, {transform_indices = #map}, {transform_indices = #map}, {transform_indices = #map}, {transform_indices = #map}, {transform_indices = #map1}]} {
    %mul3A = arith.constant 2 : i32
    %mul3A_0 = arith.muli %arg1, %mul3A : i32
    %add3A = arith.addi %mul3A_0, %arg0 : i32
    %iota3A = tpu.iota {dimensions = array<i32: 0>} : vector<16xi32>
    %broadcast_in_dim3A = arith.constant 0.000000e+00 : f32
    %broadcast_in_dim3A_1 = vector.broadcast %broadcast_in_dim3A : f32 to vector<16xf32>
    %broadcast_in_dim3A_2 = arith.constant 0 : i32
    %broadcast_in_dim3A_3 = vector.broadcast %broadcast_in_dim3A_2 : i32 to vector<16xi32>
    %add3A_4 = arith.constant 1 : i32
    %add3A_5 = vector.broadcast %add3A_4 : i32 to vector<16xi32>
    %add3A_6 = arith.addi %broadcast_in_dim3A_3, %add3A_5 : vector<16xi32>
    %add3A_7 = arith.constant 2 : i32
    %add3A_8 = vector.broadcast %add3A_7 : i32 to vector<16xi32>
    %add3A_9 = arith.addi %broadcast_in_dim3A_3, %add3A_8 : vector<16xi32>
    %scan3A = arith.constant 0 : i32
    %scan3A_10 = arith.constant 0 : i32
    %scan3A_11 = arith.constant 1568 : i32
    %scan3A_12 = arith.addi %scan3A_10, %scan3A_11 : i32
    %scan3A_13 = arith.constant 1 : i32
    scf.for %scan3A_140 = %scan3A_10 to %scan3A_12 step %scan3A_13  : i32 {
      %mul3A_141 = arith.constant 16 : i32
      %mul3A_142 = arith.muli %scan3A_140, %mul3A_141 : i32
      %add3A_143 = vector.broadcast %mul3A_142 : i32 to vector<16xi32>
      %add3A_144 = arith.addi %add3A_143, %iota3A : vector<16xi32>
      %shift_right_logical3A = arith.constant 3 : i32
      %shift_right_logical3A_145 = vector.broadcast %shift_right_logical3A : i32 to vector<16xi32>
      %shift_right_logical3A_146 = arith.shrui %add3A_144, %shift_right_logical3A_145 : vector<16xi32>
      %and3A = arith.constant 7 : i32
      %and3A_147 = vector.broadcast %and3A : i32 to vector<16xi32>
      %and3A_148 = arith.andi %add3A_144, %and3A_147 : vector<16xi32>
      tpu.vector_store_idx %arg14[%shift_right_logical3A_146, %and3A_148], %broadcast_in_dim3A_1 : memref<3136x8xf32, #tpu.memory_space<vmem>>[vector<16xi32>, vector<16xi32>], vector<16xf32>,
    }
    %scan3A_14 = arith.constant 1568 : i32
    %mul3A_15 = arith.constant 3136 : i32
    %mul3A_16 = arith.muli %arg1, %mul3A_15 : i32
    "tpu.region"() ({
      %run_scoped3A = tpu.sem_alloc : memref<!tpu.dma_semaphore, #tpu.memory_space<semaphore_mem>>
      %dma_start3A_140 = arith.constant 0 : i32
      %dma_start3A_141 = tpu.memref_slice %arg15[%mul3A_16, %dma_start3A_140] : memref<50176x8xf32, #tpu.memory_space<vmem_shared>> -> memref<3136x8xf32, #tpu.memory_space<vmem_shared>>
      %dma_start3A_142 = arith.constant 0 : i32
      %dma_start3A_143 = tpu.memref_slice %arg15[%mul3A_16, %dma_start3A_142] : memref<50176x8xf32, #tpu.memory_space<vmem_shared>> -> memref<3136x8xf32, #tpu.memory_space<vmem_shared>>
      tpu.enqueue_dma source(%arg14 : memref<3136x8xf32, #tpu.memory_space<vmem>>) target(%dma_start3A_143 : memref<3136x8xf32, #tpu.memory_space<vmem_shared>>) target_semaphore(%run_scoped3A : memref<!tpu.dma_semaphore, #tpu.memory_space<semaphore_mem>>)
      %dma_wait3A_144 = arith.constant 0 : i32
      %dma_wait3A_145 = tpu.memref_slice %arg15[%mul3A_16, %dma_wait3A_144] : memref<50176x8xf32, #tpu.memory_space<vmem_shared>> -> memref<3136x8xf32, #tpu.memory_space<vmem_shared>>
      %dma_wait3A_146 = arith.constant 0 : i32
      %dma_wait3A_147 = tpu.memref_slice %arg15[%mul3A_16, %dma_wait3A_146] : memref<50176x8xf32, #tpu.memory_space<vmem_shared>> -> memref<3136x8xf32, #tpu.memory_space<vmem_shared>>
      tpu.wait_dma2 semaphore(%run_scoped3A : memref<!tpu.dma_semaphore, #tpu.memory_space<semaphore_mem>>) src(%arg14 : memref<3136x8xf32, #tpu.memory_space<vmem>>) dst(%dma_wait3A_147 : memref<3136x8xf32, #tpu.memory_space<vmem_shared>>)
      tpu.yield
    }) : () -> ()
    %scan3A_17 = arith.constant 0 : i32
    %scan3A_18 = arith.constant 0 : i32
    %scan3A_19 = arith.constant 512 : i32
    %scan3A_20 = arith.addi %scan3A_18, %scan3A_19 : i32
    %scan3A_21 = arith.constant 1 : i32
    scf.for %scan3A_140 = %scan3A_18 to %scan3A_20 step %scan3A_21  : i32 {
      %mul3A_141 = arith.constant 16 : i32
      %mul3A_142 = arith.muli %scan3A_140, %mul3A_141 : i32
      %add3A_143 = vector.broadcast %mul3A_142 : i32 to vector<16xi32>
      %add3A_144 = arith.addi %add3A_143, %iota3A : vector<16xi32>
      %shift_right_logical3A = arith.constant 3 : i32
      %shift_right_logical3A_145 = vector.broadcast %shift_right_logical3A : i32 to vector<16xi32>
      %shift_right_logical3A_146 = arith.shrui %add3A_144, %shift_right_logical3A_145 : vector<16xi32>
      %and3A = arith.constant 7 : i32
      %and3A_147 = vector.broadcast %and3A : i32 to vector<16xi32>
      %and3A_148 = arith.andi %add3A_144, %and3A_147 : vector<16xi32>
      %scatter3A = arith.constant 0 : i32
      %scatter3A_149 = arith.constant 0 : i32
      %scatter3A_150 = arith.constant 0 : i32
      %scatter3A_151 = tpu.memref_slice %arg13[%scatter3A, %scatter3A_149, %scatter3A_150] : memref<2x1024x8xf32, #tpu.memory_space<vmem>> -> memref<1x1024x8xf32, #tpu.memory_space<vmem>>
      %scatter3A_152 = tpu.memref_squeeze %scatter3A_151 : memref<1x1024x8xf32, #tpu.memory_space<vmem>> -> memref<1024x8xf32, #tpu.memory_space<vmem>>
      tpu.vector_store_idx %scatter3A_152[%shift_right_logical3A_146, %and3A_148], %broadcast_in_dim3A_1 : memref<1024x8xf32, #tpu.memory_space<vmem>>[vector<16xi32>, vector<16xi32>], vector<16xf32>,
    }
    %scan3A_22 = arith.constant 512 : i32
    %scan3A_23 = arith.constant 0 : i32
    %scan3A_24 = arith.constant 0 : i32
    %scan3A_25 = arith.constant 512 : i32
    %scan3A_26 = arith.addi %scan3A_24, %scan3A_25 : i32
    %scan3A_27 = arith.constant 1 : i32
    scf.for %scan3A_140 = %scan3A_24 to %scan3A_26 step %scan3A_27  : i32 {
      %mul3A_141 = arith.constant 16 : i32
      %mul3A_142 = arith.muli %scan3A_140, %mul3A_141 : i32
      %add3A_143 = vector.broadcast %mul3A_142 : i32 to vector<16xi32>
      %add3A_144 = arith.addi %add3A_143, %iota3A : vector<16xi32>
      %shift_right_logical3A = arith.constant 3 : i32
      %shift_right_logical3A_145 = vector.broadcast %shift_right_logical3A : i32 to vector<16xi32>
      %shift_right_logical3A_146 = arith.shrui %add3A_144, %shift_right_logical3A_145 : vector<16xi32>
      %and3A = arith.constant 7 : i32
      %and3A_147 = vector.broadcast %and3A : i32 to vector<16xi32>
      %and3A_148 = arith.andi %add3A_144, %and3A_147 : vector<16xi32>
      %scatter3A = arith.constant 1 : i32
      %scatter3A_149 = arith.constant 0 : i32
      %scatter3A_150 = arith.constant 0 : i32
      %scatter3A_151 = tpu.memref_slice %arg13[%scatter3A, %scatter3A_149, %scatter3A_150] : memref<2x1024x8xf32, #tpu.memory_space<vmem>> -> memref<1x1024x8xf32, #tpu.memory_space<vmem>>
      %scatter3A_152 = tpu.memref_squeeze %scatter3A_151 : memref<1x1024x8xf32, #tpu.memory_space<vmem>> -> memref<1024x8xf32, #tpu.memory_space<vmem>>
      tpu.vector_store_idx %scatter3A_152[%shift_right_logical3A_146, %and3A_148], %broadcast_in_dim3A_1 : memref<1024x8xf32, #tpu.memory_space<vmem>>[vector<16xi32>, vector<16xi32>], vector<16xf32>,
    }
    %scan3A_28 = arith.constant 512 : i32
    %barrier3A = arith.constant 0 : index
    tpu.barrier barrier_id(%barrier3A)
    %mul3A_29 = arith.constant 25600 : i32
    %mul3A_30 = arith.muli %add3A, %mul3A_29 : i32
    %add3A_31 = arith.constant 0 : i32
    %add3A_32 = arith.addi %mul3A_30, %add3A_31 : i32
    %dma_start3A = arith.constant 0 : i32
    %dma_start3A_33 = arith.constant 0 : i32
    %dma_start3A_34 = arith.constant 0 : i32
    %dma_start3A_35 = tpu.memref_slice %arg8[%dma_start3A, %dma_start3A_34] : memref<2x1024xi32, #tpu.memory_space<vmem>> -> memref<1x1024xi32, #tpu.memory_space<vmem>>
    %dma_start3A_36 = tpu.memref_squeeze %dma_start3A_35 : memref<1x1024xi32, #tpu.memory_space<vmem>> -> memref<1024xi32, #tpu.memory_space<vmem>>
    %dma_start3A_37 = tpu.memref_slice %arg6[%add3A_32] : memref<819200xi32, #tpu.memory_space<hbm>> -> memref<1024xi32, #tpu.memory_space<hbm>>
    %dma_start3A_38 = tpu.memref_slice %arg16[%dma_start3A_33] : memref<2x!tpu.dma_semaphore, #tpu.memory_space<semaphore_mem>> -> memref<1x!tpu.dma_semaphore, #tpu.memory_space<semaphore_mem>>
    %dma_start3A_39 = tpu.memref_squeeze %dma_start3A_38 : memref<1x!tpu.dma_semaphore, #tpu.memory_space<semaphore_mem>> -> memref<!tpu.dma_semaphore, #tpu.memory_space<semaphore_mem>>
    %dma_start3A_40 = arith.constant 0 : i32
    %dma_start3A_41 = tpu.memref_slice %arg8[%dma_start3A, %dma_start3A_40] : memref<2x1024xi32, #tpu.memory_space<vmem>> -> memref<1x1024xi32, #tpu.memory_space<vmem>>
    %dma_start3A_42 = tpu.memref_squeeze %dma_start3A_41 : memref<1x1024xi32, #tpu.memory_space<vmem>> -> memref<1024xi32, #tpu.memory_space<vmem>>
    %dma_start3A_43 = tpu.memref_slice %arg6[%add3A_32] : memref<819200xi32, #tpu.memory_space<hbm>> -> memref<1024xi32, #tpu.memory_space<hbm>>
    tpu.enqueue_dma source(%dma_start3A_43 : memref<1024xi32, #tpu.memory_space<hbm>>) target(%dma_start3A_42 : memref<1024xi32, #tpu.memory_space<vmem>>) target_semaphore(%dma_start3A_39 : memref<!tpu.dma_semaphore, #tpu.memory_space<semaphore_mem>>)
    %add3A_44 = arith.constant 0 : i32
    %add3A_45 = arith.addi %mul3A_30, %add3A_44 : i32
    %dma_start3A_46 = arith.constant 0 : i32
    %dma_start3A_47 = arith.constant 0 : i32
    %dma_start3A_48 = arith.constant 0 : i32
    %dma_start3A_49 = tpu.memref_slice %arg9[%dma_start3A_46, %dma_start3A_48] : memref<2x1024xf32, #tpu.memory_space<vmem>> -> memref<1x1024xf32, #tpu.memory_space<vmem>>
    %dma_start3A_50 = tpu.memref_squeeze %dma_start3A_49 : memref<1x1024xf32, #tpu.memory_space<vmem>> -> memref<1024xf32, #tpu.memory_space<vmem>>
    %dma_start3A_51 = tpu.memref_slice %arg2[%add3A_45] : memref<819200xf32, #tpu.memory_space<hbm>> -> memref<1024xf32, #tpu.memory_space<hbm>>
    %dma_start3A_52 = tpu.memref_slice %arg16[%dma_start3A_47] : memref<2x!tpu.dma_semaphore, #tpu.memory_space<semaphore_mem>> -> memref<1x!tpu.dma_semaphore, #tpu.memory_space<semaphore_mem>>
    %dma_start3A_53 = tpu.memref_squeeze %dma_start3A_52 : memref<1x!tpu.dma_semaphore, #tpu.memory_space<semaphore_mem>> -> memref<!tpu.dma_semaphore, #tpu.memory_space<semaphore_mem>>
    %dma_start3A_54 = arith.constant 0 : i32
    %dma_start3A_55 = tpu.memref_slice %arg9[%dma_start3A_46, %dma_start3A_54] : memref<2x1024xf32, #tpu.memory_space<vmem>> -> memref<1x1024xf32, #tpu.memory_space<vmem>>
    %dma_start3A_56 = tpu.memref_squeeze %dma_start3A_55 : memref<1x1024xf32, #tpu.memory_space<vmem>> -> memref<1024xf32, #tpu.memory_space<vmem>>
    %dma_start3A_57 = tpu.memref_slice %arg2[%add3A_45] : memref<819200xf32, #tpu.memory_space<hbm>> -> memref<1024xf32, #tpu.memory_space<hbm>>
    tpu.enqueue_dma source(%dma_start3A_57 : memref<1024xf32, #tpu.memory_space<hbm>>) target(%dma_start3A_56 : memref<1024xf32, #tpu.memory_space<vmem>>) target_semaphore(%dma_start3A_53 : memref<!tpu.dma_semaphore, #tpu.memory_space<semaphore_mem>>)
    %add3A_58 = arith.constant 0 : i32
    %add3A_59 = arith.addi %mul3A_30, %add3A_58 : i32
    %dma_start3A_60 = arith.constant 0 : i32
    %dma_start3A_61 = arith.constant 0 : i32
    %dma_start3A_62 = arith.constant 0 : i32
    %dma_start3A_63 = tpu.memref_slice %arg10[%dma_start3A_60, %dma_start3A_62] : memref<2x1024xf32, #tpu.memory_space<vmem>> -> memref<1x1024xf32, #tpu.memory_space<vmem>>
    %dma_start3A_64 = tpu.memref_squeeze %dma_start3A_63 : memref<1x1024xf32, #tpu.memory_space<vmem>> -> memref<1024xf32, #tpu.memory_space<vmem>>
    %dma_start3A_65 = tpu.memref_slice %arg3[%add3A_59] : memref<819200xf32, #tpu.memory_space<hbm>> -> memref<1024xf32, #tpu.memory_space<hbm>>
    %dma_start3A_66 = tpu.memref_slice %arg16[%dma_start3A_61] : memref<2x!tpu.dma_semaphore, #tpu.memory_space<semaphore_mem>> -> memref<1x!tpu.dma_semaphore, #tpu.memory_space<semaphore_mem>>
    %dma_start3A_67 = tpu.memref_squeeze %dma_start3A_66 : memref<1x!tpu.dma_semaphore, #tpu.memory_space<semaphore_mem>> -> memref<!tpu.dma_semaphore, #tpu.memory_space<semaphore_mem>>
    %dma_start3A_68 = arith.constant 0 : i32
    %dma_start3A_69 = tpu.memref_slice %arg10[%dma_start3A_60, %dma_start3A_68] : memref<2x1024xf32, #tpu.memory_space<vmem>> -> memref<1x1024xf32, #tpu.memory_space<vmem>>
    %dma_start3A_70 = tpu.memref_squeeze %dma_start3A_69 : memref<1x1024xf32, #tpu.memory_space<vmem>> -> memref<1024xf32, #tpu.memory_space<vmem>>
    %dma_start3A_71 = tpu.memref_slice %arg3[%add3A_59] : memref<819200xf32, #tpu.memory_space<hbm>> -> memref<1024xf32, #tpu.memory_space<hbm>>
    tpu.enqueue_dma source(%dma_start3A_71 : memref<1024xf32, #tpu.memory_space<hbm>>) target(%dma_start3A_70 : memref<1024xf32, #tpu.memory_space<vmem>>) target_semaphore(%dma_start3A_67 : memref<!tpu.dma_semaphore, #tpu.memory_space<semaphore_mem>>)
    %add3A_72 = arith.constant 0 : i32
    %add3A_73 = arith.addi %mul3A_30, %add3A_72 : i32
    %dma_start3A_74 = arith.constant 0 : i32
    %dma_start3A_75 = arith.constant 0 : i32
    %dma_start3A_76 = arith.constant 0 : i32
    %dma_start3A_77 = tpu.memref_slice %arg11[%dma_start3A_74, %dma_start3A_76] : memref<2x1024xf32, #tpu.memory_space<vmem>> -> memref<1x1024xf32, #tpu.memory_space<vmem>>
    %dma_start3A_78 = tpu.memref_squeeze %dma_start3A_77 : memref<1x1024xf32, #tpu.memory_space<vmem>> -> memref<1024xf32, #tpu.memory_space<vmem>>
    %dma_start3A_79 = tpu.memref_slice %arg4[%add3A_73] : memref<819200xf32, #tpu.memory_space<hbm>> -> memref<1024xf32, #tpu.memory_space<hbm>>
    %dma_start3A_80 = tpu.memref_slice %arg16[%dma_start3A_75] : memref<2x!tpu.dma_semaphore, #tpu.memory_space<semaphore_mem>> -> memref<1x!tpu.dma_semaphore, #tpu.memory_space<semaphore_mem>>
    %dma_start3A_81 = tpu.memref_squeeze %dma_start3A_80 : memref<1x!tpu.dma_semaphore, #tpu.memory_space<semaphore_mem>> -> memref<!tpu.dma_semaphore, #tpu.memory_space<semaphore_mem>>
    %dma_start3A_82 = arith.constant 0 : i32
    %dma_start3A_83 = tpu.memref_slice %arg11[%dma_start3A_74, %dma_start3A_82] : memref<2x1024xf32, #tpu.memory_space<vmem>> -> memref<1x1024xf32, #tpu.memory_space<vmem>>
    %dma_start3A_84 = tpu.memref_squeeze %dma_start3A_83 : memref<1x1024xf32, #tpu.memory_space<vmem>> -> memref<1024xf32, #tpu.memory_space<vmem>>
    %dma_start3A_85 = tpu.memref_slice %arg4[%add3A_73] : memref<819200xf32, #tpu.memory_space<hbm>> -> memref<1024xf32, #tpu.memory_space<hbm>>
    tpu.enqueue_dma source(%dma_start3A_85 : memref<1024xf32, #tpu.memory_space<hbm>>) target(%dma_start3A_84 : memref<1024xf32, #tpu.memory_space<vmem>>) target_semaphore(%dma_start3A_81 : memref<!tpu.dma_semaphore, #tpu.memory_space<semaphore_mem>>)
    %add3A_86 = arith.constant 0 : i32
    %add3A_87 = arith.addi %mul3A_30, %add3A_86 : i32
    %dma_start3A_88 = arith.constant 0 : i32
    %dma_start3A_89 = arith.constant 0 : i32
    %dma_start3A_90 = arith.constant 0 : i32
    %dma_start3A_91 = tpu.memref_slice %arg12[%dma_start3A_88, %dma_start3A_90] : memref<2x1024xf32, #tpu.memory_space<vmem>> -> memref<1x1024xf32, #tpu.memory_space<vmem>>
    %dma_start3A_92 = tpu.memref_squeeze %dma_start3A_91 : memref<1x1024xf32, #tpu.memory_space<vmem>> -> memref<1024xf32, #tpu.memory_space<vmem>>
    %dma_start3A_93 = tpu.memref_slice %arg5[%add3A_87] : memref<819200xf32, #tpu.memory_space<hbm>> -> memref<1024xf32, #tpu.memory_space<hbm>>
    %dma_start3A_94 = tpu.memref_slice %arg16[%dma_start3A_89] : memref<2x!tpu.dma_semaphore, #tpu.memory_space<semaphore_mem>> -> memref<1x!tpu.dma_semaphore, #tpu.memory_space<semaphore_mem>>
    %dma_start3A_95 = tpu.memref_squeeze %dma_start3A_94 : memref<1x!tpu.dma_semaphore, #tpu.memory_space<semaphore_mem>> -> memref<!tpu.dma_semaphore, #tpu.memory_space<semaphore_mem>>
    %dma_start3A_96 = arith.constant 0 : i32
    %dma_start3A_97 = tpu.memref_slice %arg12[%dma_start3A_88, %dma_start3A_96] : memref<2x1024xf32, #tpu.memory_space<vmem>> -> memref<1x1024xf32, #tpu.memory_space<vmem>>
    %dma_start3A_98 = tpu.memref_squeeze %dma_start3A_97 : memref<1x1024xf32, #tpu.memory_space<vmem>> -> memref<1024xf32, #tpu.memory_space<vmem>>
    %dma_start3A_99 = tpu.memref_slice %arg5[%add3A_87] : memref<819200xf32, #tpu.memory_space<hbm>> -> memref<1024xf32, #tpu.memory_space<hbm>>
    tpu.enqueue_dma source(%dma_start3A_99 : memref<1024xf32, #tpu.memory_space<hbm>>) target(%dma_start3A_98 : memref<1024xf32, #tpu.memory_space<vmem>>) target_semaphore(%dma_start3A_95 : memref<!tpu.dma_semaphore, #tpu.memory_space<semaphore_mem>>)
    %scan3A_100 = arith.constant 0 : i32
    %scan3A_101 = arith.constant 0 : i32
    %scan3A_102 = arith.constant 25 : i32
    %scan3A_103 = arith.addi %scan3A_101, %scan3A_102 : i32
    %scan3A_104 = arith.constant 1 : i32
    scf.for %scan3A_140 = %scan3A_101 to %scan3A_103 step %scan3A_104  : i32 {
      %and3A = arith.constant 1 : i32
      %and3A_141 = arith.andi %scan3A_140, %and3A : i32
      %sub3A = arith.constant 1 : i32
      %sub3A_142 = arith.subi %sub3A, %and3A_141 : i32
      %mul3A_143 = arith.constant 1024 : i32
      %mul3A_144 = arith.muli %scan3A_140, %mul3A_143 : i32
      %add3A_145 = arith.addi %mul3A_30, %mul3A_144 : i32
      %dma_wait3A_146 = arith.constant 0 : i32
      %dma_wait3A_147 = tpu.memref_slice %arg8[%and3A_141, %dma_wait3A_146] : memref<2x1024xi32, #tpu.memory_space<vmem>> -> memref<1x1024xi32, #tpu.memory_space<vmem>>
      %dma_wait3A_148 = tpu.memref_squeeze %dma_wait3A_147 : memref<1x1024xi32, #tpu.memory_space<vmem>> -> memref<1024xi32, #tpu.memory_space<vmem>>
      %dma_wait3A_149 = tpu.memref_slice %arg6[%add3A_145] : memref<819200xi32, #tpu.memory_space<hbm>> -> memref<1024xi32, #tpu.memory_space<hbm>>
      %dma_wait3A_150 = tpu.memref_slice %arg16[%and3A_141] : memref<2x!tpu.dma_semaphore, #tpu.memory_space<semaphore_mem>> -> memref<1x!tpu.dma_semaphore, #tpu.memory_space<semaphore_mem>>
      %dma_wait3A_151 = tpu.memref_squeeze %dma_wait3A_150 : memref<1x!tpu.dma_semaphore, #tpu.memory_space<semaphore_mem>> -> memref<!tpu.dma_semaphore, #tpu.memory_space<semaphore_mem>>
      %dma_wait3A_152 = arith.constant 0 : i32
      %dma_wait3A_153 = tpu.memref_slice %arg8[%and3A_141, %dma_wait3A_152] : memref<2x1024xi32, #tpu.memory_space<vmem>> -> memref<1x1024xi32, #tpu.memory_space<vmem>>
      %dma_wait3A_154 = tpu.memref_squeeze %dma_wait3A_153 : memref<1x1024xi32, #tpu.memory_space<vmem>> -> memref<1024xi32, #tpu.memory_space<vmem>>
      %dma_wait3A_155 = tpu.memref_slice %arg6[%add3A_145] : memref<819200xi32, #tpu.memory_space<hbm>> -> memref<1024xi32, #tpu.memory_space<hbm>>
      tpu.wait_dma2 semaphore(%dma_wait3A_151 : memref<!tpu.dma_semaphore, #tpu.memory_space<semaphore_mem>>) src(%dma_wait3A_155 : memref<1024xi32, #tpu.memory_space<hbm>>) dst(%dma_wait3A_154 : memref<1024xi32, #tpu.memory_space<vmem>>)
      %mul3A_156 = arith.constant 1024 : i32
      %mul3A_157 = arith.muli %scan3A_140, %mul3A_156 : i32
      %add3A_158 = arith.addi %mul3A_30, %mul3A_157 : i32
      %dma_wait3A_159 = arith.constant 0 : i32
      %dma_wait3A_160 = tpu.memref_slice %arg9[%and3A_141, %dma_wait3A_159] : memref<2x1024xf32, #tpu.memory_space<vmem>> -> memref<1x1024xf32, #tpu.memory_space<vmem>>
      %dma_wait3A_161 = tpu.memref_squeeze %dma_wait3A_160 : memref<1x1024xf32, #tpu.memory_space<vmem>> -> memref<1024xf32, #tpu.memory_space<vmem>>
      %dma_wait3A_162 = tpu.memref_slice %arg2[%add3A_158] : memref<819200xf32, #tpu.memory_space<hbm>> -> memref<1024xf32, #tpu.memory_space<hbm>>
      %dma_wait3A_163 = tpu.memref_slice %arg16[%and3A_141] : memref<2x!tpu.dma_semaphore, #tpu.memory_space<semaphore_mem>> -> memref<1x!tpu.dma_semaphore, #tpu.memory_space<semaphore_mem>>
      %dma_wait3A_164 = tpu.memref_squeeze %dma_wait3A_163 : memref<1x!tpu.dma_semaphore, #tpu.memory_space<semaphore_mem>> -> memref<!tpu.dma_semaphore, #tpu.memory_space<semaphore_mem>>
      %dma_wait3A_165 = arith.constant 0 : i32
      %dma_wait3A_166 = tpu.memref_slice %arg9[%and3A_141, %dma_wait3A_165] : memref<2x1024xf32, #tpu.memory_space<vmem>> -> memref<1x1024xf32, #tpu.memory_space<vmem>>
      %dma_wait3A_167 = tpu.memref_squeeze %dma_wait3A_166 : memref<1x1024xf32, #tpu.memory_space<vmem>> -> memref<1024xf32, #tpu.memory_space<vmem>>
      %dma_wait3A_168 = tpu.memref_slice %arg2[%add3A_158] : memref<819200xf32, #tpu.memory_space<hbm>> -> memref<1024xf32, #tpu.memory_space<hbm>>
      tpu.wait_dma2 semaphore(%dma_wait3A_164 : memref<!tpu.dma_semaphore, #tpu.memory_space<semaphore_mem>>) src(%dma_wait3A_168 : memref<1024xf32, #tpu.memory_space<hbm>>) dst(%dma_wait3A_167 : memref<1024xf32, #tpu.memory_space<vmem>>)
      %mul3A_169 = arith.constant 1024 : i32
      %mul3A_170 = arith.muli %scan3A_140, %mul3A_169 : i32
      %add3A_171 = arith.addi %mul3A_30, %mul3A_170 : i32
      %dma_wait3A_172 = arith.constant 0 : i32
      %dma_wait3A_173 = tpu.memref_slice %arg10[%and3A_141, %dma_wait3A_172] : memref<2x1024xf32, #tpu.memory_space<vmem>> -> memref<1x1024xf32, #tpu.memory_space<vmem>>
      %dma_wait3A_174 = tpu.memref_squeeze %dma_wait3A_173 : memref<1x1024xf32, #tpu.memory_space<vmem>> -> memref<1024xf32, #tpu.memory_space<vmem>>
      %dma_wait3A_175 = tpu.memref_slice %arg3[%add3A_171] : memref<819200xf32, #tpu.memory_space<hbm>> -> memref<1024xf32, #tpu.memory_space<hbm>>
      %dma_wait3A_176 = tpu.memref_slice %arg16[%and3A_141] : memref<2x!tpu.dma_semaphore, #tpu.memory_space<semaphore_mem>> -> memref<1x!tpu.dma_semaphore, #tpu.memory_space<semaphore_mem>>
      %dma_wait3A_177 = tpu.memref_squeeze %dma_wait3A_176 : memref<1x!tpu.dma_semaphore, #tpu.memory_space<semaphore_mem>> -> memref<!tpu.dma_semaphore, #tpu.memory_space<semaphore_mem>>
      %dma_wait3A_178 = arith.constant 0 : i32
      %dma_wait3A_179 = tpu.memref_slice %arg10[%and3A_141, %dma_wait3A_178] : memref<2x1024xf32, #tpu.memory_space<vmem>> -> memref<1x1024xf32, #tpu.memory_space<vmem>>
      %dma_wait3A_180 = tpu.memref_squeeze %dma_wait3A_179 : memref<1x1024xf32, #tpu.memory_space<vmem>> -> memref<1024xf32, #tpu.memory_space<vmem>>
      %dma_wait3A_181 = tpu.memref_slice %arg3[%add3A_171] : memref<819200xf32, #tpu.memory_space<hbm>> -> memref<1024xf32, #tpu.memory_space<hbm>>
      tpu.wait_dma2 semaphore(%dma_wait3A_177 : memref<!tpu.dma_semaphore, #tpu.memory_space<semaphore_mem>>) src(%dma_wait3A_181 : memref<1024xf32, #tpu.memory_space<hbm>>) dst(%dma_wait3A_180 : memref<1024xf32, #tpu.memory_space<vmem>>)
      %mul3A_182 = arith.constant 1024 : i32
      %mul3A_183 = arith.muli %scan3A_140, %mul3A_182 : i32
      %add3A_184 = arith.addi %mul3A_30, %mul3A_183 : i32
      %dma_wait3A_185 = arith.constant 0 : i32
      %dma_wait3A_186 = tpu.memref_slice %arg11[%and3A_141, %dma_wait3A_185] : memref<2x1024xf32, #tpu.memory_space<vmem>> -> memref<1x1024xf32, #tpu.memory_space<vmem>>
      %dma_wait3A_187 = tpu.memref_squeeze %dma_wait3A_186 : memref<1x1024xf32, #tpu.memory_space<vmem>> -> memref<1024xf32, #tpu.memory_space<vmem>>
      %dma_wait3A_188 = tpu.memref_slice %arg4[%add3A_184] : memref<819200xf32, #tpu.memory_space<hbm>> -> memref<1024xf32, #tpu.memory_space<hbm>>
      %dma_wait3A_189 = tpu.memref_slice %arg16[%and3A_141] : memref<2x!tpu.dma_semaphore, #tpu.memory_space<semaphore_mem>> -> memref<1x!tpu.dma_semaphore, #tpu.memory_space<semaphore_mem>>
      %dma_wait3A_190 = tpu.memref_squeeze %dma_wait3A_189 : memref<1x!tpu.dma_semaphore, #tpu.memory_space<semaphore_mem>> -> memref<!tpu.dma_semaphore, #tpu.memory_space<semaphore_mem>>
      %dma_wait3A_191 = arith.constant 0 : i32
      %dma_wait3A_192 = tpu.memref_slice %arg11[%and3A_141, %dma_wait3A_191] : memref<2x1024xf32, #tpu.memory_space<vmem>> -> memref<1x1024xf32, #tpu.memory_space<vmem>>
      %dma_wait3A_193 = tpu.memref_squeeze %dma_wait3A_192 : memref<1x1024xf32, #tpu.memory_space<vmem>> -> memref<1024xf32, #tpu.memory_space<vmem>>
      %dma_wait3A_194 = tpu.memref_slice %arg4[%add3A_184] : memref<819200xf32, #tpu.memory_space<hbm>> -> memref<1024xf32, #tpu.memory_space<hbm>>
      tpu.wait_dma2 semaphore(%dma_wait3A_190 : memref<!tpu.dma_semaphore, #tpu.memory_space<semaphore_mem>>) src(%dma_wait3A_194 : memref<1024xf32, #tpu.memory_space<hbm>>) dst(%dma_wait3A_193 : memref<1024xf32, #tpu.memory_space<vmem>>)
      %mul3A_195 = arith.constant 1024 : i32
      %mul3A_196 = arith.muli %scan3A_140, %mul3A_195 : i32
      %add3A_197 = arith.addi %mul3A_30, %mul3A_196 : i32
      %dma_wait3A_198 = arith.constant 0 : i32
      %dma_wait3A_199 = tpu.memref_slice %arg12[%and3A_141, %dma_wait3A_198] : memref<2x1024xf32, #tpu.memory_space<vmem>> -> memref<1x1024xf32, #tpu.memory_space<vmem>>
      %dma_wait3A_200 = tpu.memref_squeeze %dma_wait3A_199 : memref<1x1024xf32, #tpu.memory_space<vmem>> -> memref<1024xf32, #tpu.memory_space<vmem>>
      %dma_wait3A_201 = tpu.memref_slice %arg5[%add3A_197] : memref<819200xf32, #tpu.memory_space<hbm>> -> memref<1024xf32, #tpu.memory_space<hbm>>
      %dma_wait3A_202 = tpu.memref_slice %arg16[%and3A_141] : memref<2x!tpu.dma_semaphore, #tpu.memory_space<semaphore_mem>> -> memref<1x!tpu.dma_semaphore, #tpu.memory_space<semaphore_mem>>
      %dma_wait3A_203 = tpu.memref_squeeze %dma_wait3A_202 : memref<1x!tpu.dma_semaphore, #tpu.memory_space<semaphore_mem>> -> memref<!tpu.dma_semaphore, #tpu.memory_space<semaphore_mem>>
      %dma_wait3A_204 = arith.constant 0 : i32
      %dma_wait3A_205 = tpu.memref_slice %arg12[%and3A_141, %dma_wait3A_204] : memref<2x1024xf32, #tpu.memory_space<vmem>> -> memref<1x1024xf32, #tpu.memory_space<vmem>>
      %dma_wait3A_206 = tpu.memref_squeeze %dma_wait3A_205 : memref<1x1024xf32, #tpu.memory_space<vmem>> -> memref<1024xf32, #tpu.memory_space<vmem>>
      %dma_wait3A_207 = tpu.memref_slice %arg5[%add3A_197] : memref<819200xf32, #tpu.memory_space<hbm>> -> memref<1024xf32, #tpu.memory_space<hbm>>
      tpu.wait_dma2 semaphore(%dma_wait3A_203 : memref<!tpu.dma_semaphore, #tpu.memory_space<semaphore_mem>>) src(%dma_wait3A_207 : memref<1024xf32, #tpu.memory_space<hbm>>) dst(%dma_wait3A_206 : memref<1024xf32, #tpu.memory_space<vmem>>)
      %ge3A = arith.constant 1 : i32
      %ge3A_208 = arith.cmpi sge, %scan3A_140, %ge3A : i32
      %lt3A = arith.constant 24 : i32
      %lt3A_209 = arith.cmpi slt, %scan3A_140, %lt3A : i32
      %and3A_210 = arith.andi %ge3A_208, %lt3A_209 : i1
      %convert_element_type3A = arith.extui %and3A_210 : i1 to i32
      %cond3A = arith.constant 0 : i32
      %cond3A_211 = arith.cmpi ne, %convert_element_type3A, %cond3A : i32
      scf.if %cond3A_211 {
        %dma_wait3A_235 = arith.constant 0 : i32
        %dma_wait3A_236 = arith.constant 0 : i32
        %dma_wait3A_237 = tpu.memref_slice %arg13[%sub3A_142, %dma_wait3A_235, %dma_wait3A_236] : memref<2x1024x8xf32, #tpu.memory_space<vmem>> -> memref<1x1024x8xf32, #tpu.memory_space<vmem>>
        %dma_wait3A_238 = tpu.memref_squeeze %dma_wait3A_237 : memref<1x1024x8xf32, #tpu.memory_space<vmem>> -> memref<1024x8xf32, #tpu.memory_space<vmem>>
        %dma_wait3A_239 = arith.constant 0 : i32
        %dma_wait3A_240 = tpu.memref_slice %arg8[%sub3A_142, %dma_wait3A_239] : memref<2x1024xi32, #tpu.memory_space<vmem>> -> memref<1x1024xi32, #tpu.memory_space<vmem>>
        %dma_wait3A_241 = tpu.memref_squeeze %dma_wait3A_240 : memref<1x1024xi32, #tpu.memory_space<vmem>> -> memref<1024xi32, #tpu.memory_space<vmem>>
        %dma_wait3A_242 = arith.constant 0 : i32
        %dma_wait3A_243 = arith.constant 0 : i32
        %dma_wait3A_244 = tpu.memref_slice %arg15[%dma_wait3A_242, %dma_wait3A_243] : memref<50176x8xf32, #tpu.memory_space<vmem_shared>> -> memref<50176x8xf32, #tpu.memory_space<vmem_shared>>
        %dma_wait3A_245 = tpu.memref_slice %arg17[%sub3A_142] : memref<2x!tpu.dma_semaphore, #tpu.memory_space<semaphore_mem>> -> memref<1x!tpu.dma_semaphore, #tpu.memory_space<semaphore_mem>>
        %dma_wait3A_246 = tpu.memref_squeeze %dma_wait3A_245 : memref<1x!tpu.dma_semaphore, #tpu.memory_space<semaphore_mem>> -> memref<!tpu.dma_semaphore, #tpu.memory_space<semaphore_mem>>
        tpu.wait_indirect_dma semaphore(%dma_wait3A_246 : memref<!tpu.dma_semaphore, #tpu.memory_space<semaphore_mem>>) src(%dma_wait3A_238 : memref<1024x8xf32, #tpu.memory_space<vmem>>) dst(%dma_wait3A_244 : memref<50176x8xf32, #tpu.memory_space<vmem_shared>>)
      } else {
      }
      %lt3A_212 = arith.constant 24 : i32
      %lt3A_213 = arith.cmpi slt, %scan3A_140, %lt3A_212 : i32
      %convert_element_type3A_214 = arith.extui %lt3A_213 : i1 to i32
      %cond3A_215 = arith.constant 0 : i32
      %cond3A_216 = arith.cmpi ne, %convert_element_type3A_214, %cond3A_215 : i32
      scf.if %cond3A_216 {
        %add3A_235 = arith.constant 1 : i32
        %add3A_236 = arith.addi %scan3A_140, %add3A_235 : i32
        %mul3A_237 = arith.constant 1024 : i32
        %mul3A_238 = arith.muli %add3A_236, %mul3A_237 : i32
        %add3A_239 = arith.addi %mul3A_30, %mul3A_238 : i32
        %dma_start3A_240 = arith.constant 0 : i32
        %dma_start3A_241 = tpu.memref_slice %arg8[%sub3A_142, %dma_start3A_240] : memref<2x1024xi32, #tpu.memory_space<vmem>> -> memref<1x1024xi32, #tpu.memory_space<vmem>>
        %dma_start3A_242 = tpu.memref_squeeze %dma_start3A_241 : memref<1x1024xi32, #tpu.memory_space<vmem>> -> memref<1024xi32, #tpu.memory_space<vmem>>
        %dma_start3A_243 = tpu.memref_slice %arg6[%add3A_239] : memref<819200xi32, #tpu.memory_space<hbm>> -> memref<1024xi32, #tpu.memory_space<hbm>>
        %dma_start3A_244 = tpu.memref_slice %arg16[%sub3A_142] : memref<2x!tpu.dma_semaphore, #tpu.memory_space<semaphore_mem>> -> memref<1x!tpu.dma_semaphore, #tpu.memory_space<semaphore_mem>>
        %dma_start3A_245 = tpu.memref_squeeze %dma_start3A_244 : memref<1x!tpu.dma_semaphore, #tpu.memory_space<semaphore_mem>> -> memref<!tpu.dma_semaphore, #tpu.memory_space<semaphore_mem>>
        %dma_start3A_246 = arith.constant 0 : i32
        %dma_start3A_247 = tpu.memref_slice %arg8[%sub3A_142, %dma_start3A_246] : memref<2x1024xi32, #tpu.memory_space<vmem>> -> memref<1x1024xi32, #tpu.memory_space<vmem>>
        %dma_start3A_248 = tpu.memref_squeeze %dma_start3A_247 : memref<1x1024xi32, #tpu.memory_space<vmem>> -> memref<1024xi32, #tpu.memory_space<vmem>>
        %dma_start3A_249 = tpu.memref_slice %arg6[%add3A_239] : memref<819200xi32, #tpu.memory_space<hbm>> -> memref<1024xi32, #tpu.memory_space<hbm>>
        tpu.enqueue_dma source(%dma_start3A_249 : memref<1024xi32, #tpu.memory_space<hbm>>) target(%dma_start3A_248 : memref<1024xi32, #tpu.memory_space<vmem>>) target_semaphore(%dma_start3A_245 : memref<!tpu.dma_semaphore, #tpu.memory_space<semaphore_mem>>)
        %mul3A_250 = arith.constant 1024 : i32
        %mul3A_251 = arith.muli %add3A_236, %mul3A_250 : i32
        %add3A_252 = arith.addi %mul3A_30, %mul3A_251 : i32
        %dma_start3A_253 = arith.constant 0 : i32
        %dma_start3A_254 = tpu.memref_slice %arg9[%sub3A_142, %dma_start3A_253] : memref<2x1024xf32, #tpu.memory_space<vmem>> -> memref<1x1024xf32, #tpu.memory_space<vmem>>
        %dma_start3A_255 = tpu.memref_squeeze %dma_start3A_254 : memref<1x1024xf32, #tpu.memory_space<vmem>> -> memref<1024xf32, #tpu.memory_space<vmem>>
        %dma_start3A_256 = tpu.memref_slice %arg2[%add3A_252] : memref<819200xf32, #tpu.memory_space<hbm>> -> memref<1024xf32, #tpu.memory_space<hbm>>
        %dma_start3A_257 = tpu.memref_slice %arg16[%sub3A_142] : memref<2x!tpu.dma_semaphore, #tpu.memory_space<semaphore_mem>> -> memref<1x!tpu.dma_semaphore, #tpu.memory_space<semaphore_mem>>
        %dma_start3A_258 = tpu.memref_squeeze %dma_start3A_257 : memref<1x!tpu.dma_semaphore, #tpu.memory_space<semaphore_mem>> -> memref<!tpu.dma_semaphore, #tpu.memory_space<semaphore_mem>>
        %dma_start3A_259 = arith.constant 0 : i32
        %dma_start3A_260 = tpu.memref_slice %arg9[%sub3A_142, %dma_start3A_259] : memref<2x1024xf32, #tpu.memory_space<vmem>> -> memref<1x1024xf32, #tpu.memory_space<vmem>>
        %dma_start3A_261 = tpu.memref_squeeze %dma_start3A_260 : memref<1x1024xf32, #tpu.memory_space<vmem>> -> memref<1024xf32, #tpu.memory_space<vmem>>
        %dma_start3A_262 = tpu.memref_slice %arg2[%add3A_252] : memref<819200xf32, #tpu.memory_space<hbm>> -> memref<1024xf32, #tpu.memory_space<hbm>>
        tpu.enqueue_dma source(%dma_start3A_262 : memref<1024xf32, #tpu.memory_space<hbm>>) target(%dma_start3A_261 : memref<1024xf32, #tpu.memory_space<vmem>>) target_semaphore(%dma_start3A_258 : memref<!tpu.dma_semaphore, #tpu.memory_space<semaphore_mem>>)
        %mul3A_263 = arith.constant 1024 : i32
        %mul3A_264 = arith.muli %add3A_236, %mul3A_263 : i32
        %add3A_265 = arith.addi %mul3A_30, %mul3A_264 : i32
        %dma_start3A_266 = arith.constant 0 : i32
        %dma_start3A_267 = tpu.memref_slice %arg10[%sub3A_142, %dma_start3A_266] : memref<2x1024xf32, #tpu.memory_space<vmem>> -> memref<1x1024xf32, #tpu.memory_space<vmem>>
        %dma_start3A_268 = tpu.memref_squeeze %dma_start3A_267 : memref<1x1024xf32, #tpu.memory_space<vmem>> -> memref<1024xf32, #tpu.memory_space<vmem>>
        %dma_start3A_269 = tpu.memref_slice %arg3[%add3A_265] : memref<819200xf32, #tpu.memory_space<hbm>> -> memref<1024xf32, #tpu.memory_space<hbm>>
        %dma_start3A_270 = tpu.memref_slice %arg16[%sub3A_142] : memref<2x!tpu.dma_semaphore, #tpu.memory_space<semaphore_mem>> -> memref<1x!tpu.dma_semaphore, #tpu.memory_space<semaphore_mem>>
        %dma_start3A_271 = tpu.memref_squeeze %dma_start3A_270 : memref<1x!tpu.dma_semaphore, #tpu.memory_space<semaphore_mem>> -> memref<!tpu.dma_semaphore, #tpu.memory_space<semaphore_mem>>
        %dma_start3A_272 = arith.constant 0 : i32
        %dma_start3A_273 = tpu.memref_slice %arg10[%sub3A_142, %dma_start3A_272] : memref<2x1024xf32, #tpu.memory_space<vmem>> -> memref<1x1024xf32, #tpu.memory_space<vmem>>
        %dma_start3A_274 = tpu.memref_squeeze %dma_start3A_273 : memref<1x1024xf32, #tpu.memory_space<vmem>> -> memref<1024xf32, #tpu.memory_space<vmem>>
        %dma_start3A_275 = tpu.memref_slice %arg3[%add3A_265] : memref<819200xf32, #tpu.memory_space<hbm>> -> memref<1024xf32, #tpu.memory_space<hbm>>
        tpu.enqueue_dma source(%dma_start3A_275 : memref<1024xf32, #tpu.memory_space<hbm>>) target(%dma_start3A_274 : memref<1024xf32, #tpu.memory_space<vmem>>) target_semaphore(%dma_start3A_271 : memref<!tpu.dma_semaphore, #tpu.memory_space<semaphore_mem>>)
        %mul3A_276 = arith.constant 1024 : i32
        %mul3A_277 = arith.muli %add3A_236, %mul3A_276 : i32
        %add3A_278 = arith.addi %mul3A_30, %mul3A_277 : i32
        %dma_start3A_279 = arith.constant 0 : i32
        %dma_start3A_280 = tpu.memref_slice %arg11[%sub3A_142, %dma_start3A_279] : memref<2x1024xf32, #tpu.memory_space<vmem>> -> memref<1x1024xf32, #tpu.memory_space<vmem>>
        %dma_start3A_281 = tpu.memref_squeeze %dma_start3A_280 : memref<1x1024xf32, #tpu.memory_space<vmem>> -> memref<1024xf32, #tpu.memory_space<vmem>>
        %dma_start3A_282 = tpu.memref_slice %arg4[%add3A_278] : memref<819200xf32, #tpu.memory_space<hbm>> -> memref<1024xf32, #tpu.memory_space<hbm>>
        %dma_start3A_283 = tpu.memref_slice %arg16[%sub3A_142] : memref<2x!tpu.dma_semaphore, #tpu.memory_space<semaphore_mem>> -> memref<1x!tpu.dma_semaphore, #tpu.memory_space<semaphore_mem>>
        %dma_start3A_284 = tpu.memref_squeeze %dma_start3A_283 : memref<1x!tpu.dma_semaphore, #tpu.memory_space<semaphore_mem>> -> memref<!tpu.dma_semaphore, #tpu.memory_space<semaphore_mem>>
        %dma_start3A_285 = arith.constant 0 : i32
        %dma_start3A_286 = tpu.memref_slice %arg11[%sub3A_142, %dma_start3A_285] : memref<2x1024xf32, #tpu.memory_space<vmem>> -> memref<1x1024xf32, #tpu.memory_space<vmem>>
        %dma_start3A_287 = tpu.memref_squeeze %dma_start3A_286 : memref<1x1024xf32, #tpu.memory_space<vmem>> -> memref<1024xf32, #tpu.memory_space<vmem>>
        %dma_start3A_288 = tpu.memref_slice %arg4[%add3A_278] : memref<819200xf32, #tpu.memory_space<hbm>> -> memref<1024xf32, #tpu.memory_space<hbm>>
        tpu.enqueue_dma source(%dma_start3A_288 : memref<1024xf32, #tpu.memory_space<hbm>>) target(%dma_start3A_287 : memref<1024xf32, #tpu.memory_space<vmem>>) target_semaphore(%dma_start3A_284 : memref<!tpu.dma_semaphore, #tpu.memory_space<semaphore_mem>>)
        %mul3A_289 = arith.constant 1024 : i32
        %mul3A_290 = arith.muli %add3A_236, %mul3A_289 : i32
        %add3A_291 = arith.addi %mul3A_30, %mul3A_290 : i32
        %dma_start3A_292 = arith.constant 0 : i32
        %dma_start3A_293 = tpu.memref_slice %arg12[%sub3A_142, %dma_start3A_292] : memref<2x1024xf32, #tpu.memory_space<vmem>> -> memref<1x1024xf32, #tpu.memory_space<vmem>>
        %dma_start3A_294 = tpu.memref_squeeze %dma_start3A_293 : memref<1x1024xf32, #tpu.memory_space<vmem>> -> memref<1024xf32, #tpu.memory_space<vmem>>
        %dma_start3A_295 = tpu.memref_slice %arg5[%add3A_291] : memref<819200xf32, #tpu.memory_space<hbm>> -> memref<1024xf32, #tpu.memory_space<hbm>>
        %dma_start3A_296 = tpu.memref_slice %arg16[%sub3A_142] : memref<2x!tpu.dma_semaphore, #tpu.memory_space<semaphore_mem>> -> memref<1x!tpu.dma_semaphore, #tpu.memory_space<semaphore_mem>>
        %dma_start3A_297 = tpu.memref_squeeze %dma_start3A_296 : memref<1x!tpu.dma_semaphore, #tpu.memory_space<semaphore_mem>> -> memref<!tpu.dma_semaphore, #tpu.memory_space<semaphore_mem>>
        %dma_start3A_298 = arith.constant 0 : i32
        %dma_start3A_299 = tpu.memref_slice %arg12[%sub3A_142, %dma_start3A_298] : memref<2x1024xf32, #tpu.memory_space<vmem>> -> memref<1x1024xf32, #tpu.memory_space<vmem>>
        %dma_start3A_300 = tpu.memref_squeeze %dma_start3A_299 : memref<1x1024xf32, #tpu.memory_space<vmem>> -> memref<1024xf32, #tpu.memory_space<vmem>>
        %dma_start3A_301 = tpu.memref_slice %arg5[%add3A_291] : memref<819200xf32, #tpu.memory_space<hbm>> -> memref<1024xf32, #tpu.memory_space<hbm>>
        tpu.enqueue_dma source(%dma_start3A_301 : memref<1024xf32, #tpu.memory_space<hbm>>) target(%dma_start3A_300 : memref<1024xf32, #tpu.memory_space<vmem>>) target_semaphore(%dma_start3A_297 : memref<!tpu.dma_semaphore, #tpu.memory_space<semaphore_mem>>)
      } else {
      }
      %scan3A_217 = arith.constant 0 : i32
      %scan3A_218 = arith.constant 0 : i32
      %scan3A_219 = arith.constant 64 : i32
      %scan3A_220 = arith.addi %scan3A_218, %scan3A_219 : i32
      %scan3A_221 = arith.constant 1 : i32
      scf.for %scan3A_235 = %scan3A_218 to %scan3A_220 step %scan3A_221  : i32 {
        %mul3A_236 = arith.constant 16 : i32
        %mul3A_237 = arith.muli %scan3A_235, %mul3A_236 : i32
        %add3A_238 = vector.broadcast %mul3A_237 : i32 to vector<16xi32>
        %add3A_239 = arith.addi %add3A_238, %iota3A : vector<16xi32>
        %mul3A_240 = arith.constant 16 : i32
        %mul3A_241 = arith.muli %scan3A_235, %mul3A_240 : i32
        %get3A = arith.constant 0 : i32
        %get3A_242 = tpu.memref_slice %arg9[%and3A_141, %get3A] : memref<2x1024xf32, #tpu.memory_space<vmem>> -> memref<1x1024xf32, #tpu.memory_space<vmem>>
        %get3A_243 = tpu.memref_squeeze %get3A_242 : memref<1x1024xf32, #tpu.memory_space<vmem>> -> memref<1024xf32, #tpu.memory_space<vmem>>
        %get3A_244 = arith.index_cast %mul3A_241 : i32 to index
        %get3A_245 = tpu.vector_load %get3A_243[%get3A_244] {strides = array<i32>} : memref<1024xf32, #tpu.memory_space<vmem>>, vector<16xf32>,
        %get3A_246 = arith.constant 0 : i32
        %get3A_247 = tpu.memref_slice %arg10[%and3A_141, %get3A_246] : memref<2x1024xf32, #tpu.memory_space<vmem>> -> memref<1x1024xf32, #tpu.memory_space<vmem>>
        %get3A_248 = tpu.memref_squeeze %get3A_247 : memref<1x1024xf32, #tpu.memory_space<vmem>> -> memref<1024xf32, #tpu.memory_space<vmem>>
        %get3A_249 = arith.index_cast %mul3A_241 : i32 to index
        %get3A_250 = tpu.vector_load %get3A_248[%get3A_249] {strides = array<i32>} : memref<1024xf32, #tpu.memory_space<vmem>>, vector<16xf32>,
        %mul3A_251 = arith.mulf %get3A_250, %get3A_245 : vector<16xf32>
        %scatter3A = arith.constant 0 : i32
        %scatter3A_252 = arith.constant 0 : i32
        %scatter3A_253 = tpu.memref_slice %arg13[%and3A_141, %scatter3A, %scatter3A_252] : memref<2x1024x8xf32, #tpu.memory_space<vmem>> -> memref<1x1024x8xf32, #tpu.memory_space<vmem>>
        %scatter3A_254 = tpu.memref_squeeze %scatter3A_253 : memref<1x1024x8xf32, #tpu.memory_space<vmem>> -> memref<1024x8xf32, #tpu.memory_space<vmem>>
        tpu.vector_store_idx %scatter3A_254[%add3A_239, %broadcast_in_dim3A_3], %mul3A_251 : memref<1024x8xf32, #tpu.memory_space<vmem>>[vector<16xi32>, vector<16xi32>], vector<16xf32>,
        %get3A_255 = arith.constant 0 : i32
        %get3A_256 = tpu.memref_slice %arg11[%and3A_141, %get3A_255] : memref<2x1024xf32, #tpu.memory_space<vmem>> -> memref<1x1024xf32, #tpu.memory_space<vmem>>
        %get3A_257 = tpu.memref_squeeze %get3A_256 : memref<1x1024xf32, #tpu.memory_space<vmem>> -> memref<1024xf32, #tpu.memory_space<vmem>>
        %get3A_258 = arith.index_cast %mul3A_241 : i32 to index
        %get3A_259 = tpu.vector_load %get3A_257[%get3A_258] {strides = array<i32>} : memref<1024xf32, #tpu.memory_space<vmem>>, vector<16xf32>,
        %mul3A_260 = arith.mulf %get3A_259, %get3A_245 : vector<16xf32>
        %scatter3A_261 = arith.constant 0 : i32
        %scatter3A_262 = arith.constant 0 : i32
        %scatter3A_263 = tpu.memref_slice %arg13[%and3A_141, %scatter3A_261, %scatter3A_262] : memref<2x1024x8xf32, #tpu.memory_space<vmem>> -> memref<1x1024x8xf32, #tpu.memory_space<vmem>>
        %scatter3A_264 = tpu.memref_squeeze %scatter3A_263 : memref<1x1024x8xf32, #tpu.memory_space<vmem>> -> memref<1024x8xf32, #tpu.memory_space<vmem>>
        tpu.vector_store_idx %scatter3A_264[%add3A_239, %add3A_6], %mul3A_260 : memref<1024x8xf32, #tpu.memory_space<vmem>>[vector<16xi32>, vector<16xi32>], vector<16xf32>,
        %get3A_265 = arith.constant 0 : i32
        %get3A_266 = tpu.memref_slice %arg12[%and3A_141, %get3A_265] : memref<2x1024xf32, #tpu.memory_space<vmem>> -> memref<1x1024xf32, #tpu.memory_space<vmem>>
        %get3A_267 = tpu.memref_squeeze %get3A_266 : memref<1x1024xf32, #tpu.memory_space<vmem>> -> memref<1024xf32, #tpu.memory_space<vmem>>
        %get3A_268 = arith.index_cast %mul3A_241 : i32 to index
        %get3A_269 = tpu.vector_load %get3A_267[%get3A_268] {strides = array<i32>} : memref<1024xf32, #tpu.memory_space<vmem>>, vector<16xf32>,
        %mul3A_270 = arith.mulf %get3A_269, %get3A_245 : vector<16xf32>
        %scatter3A_271 = arith.constant 0 : i32
        %scatter3A_272 = arith.constant 0 : i32
        %scatter3A_273 = tpu.memref_slice %arg13[%and3A_141, %scatter3A_271, %scatter3A_272] : memref<2x1024x8xf32, #tpu.memory_space<vmem>> -> memref<1x1024x8xf32, #tpu.memory_space<vmem>>
        %scatter3A_274 = tpu.memref_squeeze %scatter3A_273 : memref<1x1024x8xf32, #tpu.memory_space<vmem>> -> memref<1024x8xf32, #tpu.memory_space<vmem>>
        tpu.vector_store_idx %scatter3A_274[%add3A_239, %add3A_9], %mul3A_270 : memref<1024x8xf32, #tpu.memory_space<vmem>>[vector<16xi32>, vector<16xi32>], vector<16xf32>,
      }
      %scan3A_222 = arith.constant 64 : i32
      %dma_start3A_223 = arith.constant 0 : i32
      %dma_start3A_224 = arith.constant 0 : i32
      %dma_start3A_225 = tpu.memref_slice %arg13[%and3A_141, %dma_start3A_223, %dma_start3A_224] : memref<2x1024x8xf32, #tpu.memory_space<vmem>> -> memref<1x1024x8xf32, #tpu.memory_space<vmem>>
      %dma_start3A_226 = tpu.memref_squeeze %dma_start3A_225 : memref<1x1024x8xf32, #tpu.memory_space<vmem>> -> memref<1024x8xf32, #tpu.memory_space<vmem>>
      %dma_start3A_227 = arith.constant 0 : i32
      %dma_start3A_228 = tpu.memref_slice %arg8[%and3A_141, %dma_start3A_227] : memref<2x1024xi32, #tpu.memory_space<vmem>> -> memref<1x1024xi32, #tpu.memory_space<vmem>>
      %dma_start3A_229 = tpu.memref_squeeze %dma_start3A_228 : memref<1x1024xi32, #tpu.memory_space<vmem>> -> memref<1024xi32, #tpu.memory_space<vmem>>
      %dma_start3A_230 = arith.constant 0 : i32
      %dma_start3A_231 = arith.constant 0 : i32
      %dma_start3A_232 = tpu.memref_slice %arg15[%dma_start3A_230, %dma_start3A_231] : memref<50176x8xf32, #tpu.memory_space<vmem_shared>> -> memref<50176x8xf32, #tpu.memory_space<vmem_shared>>
      %dma_start3A_233 = tpu.memref_slice %arg17[%and3A_141] : memref<2x!tpu.dma_semaphore, #tpu.memory_space<semaphore_mem>> -> memref<1x!tpu.dma_semaphore, #tpu.memory_space<semaphore_mem>>
      %dma_start3A_234 = tpu.memref_squeeze %dma_start3A_233 : memref<1x!tpu.dma_semaphore, #tpu.memory_space<semaphore_mem>> -> memref<!tpu.dma_semaphore, #tpu.memory_space<semaphore_mem>>
      tpu.enqueue_indirect_dma source(%dma_start3A_226 : memref<1024x8xf32, #tpu.memory_space<vmem>>) target(%dma_start3A_232 : memref<50176x8xf32, #tpu.memory_space<vmem_shared>>) offsets(%dma_start3A_229 : memref<1024xi32, #tpu.memory_space<vmem>>) semaphore(%dma_start3A_234 : memref<!tpu.dma_semaphore, #tpu.memory_space<semaphore_mem>>) {add = true}
    }
    %scan3A_105 = arith.constant 25 : i32
    %dma_wait3A = arith.constant 0 : i32
    %dma_wait3A_106 = arith.constant 0 : i32
    %dma_wait3A_107 = arith.constant 0 : i32
    %dma_wait3A_108 = arith.constant 0 : i32
    %dma_wait3A_109 = arith.constant 0 : i32
    %dma_wait3A_110 = tpu.memref_slice %arg13[%dma_wait3A, %dma_wait3A_108, %dma_wait3A_109] : memref<2x1024x8xf32, #tpu.memory_space<vmem>> -> memref<1x1024x8xf32, #tpu.memory_space<vmem>>
    %dma_wait3A_111 = tpu.memref_squeeze %dma_wait3A_110 : memref<1x1024x8xf32, #tpu.memory_space<vmem>> -> memref<1024x8xf32, #tpu.memory_space<vmem>>
    %dma_wait3A_112 = arith.constant 0 : i32
    %dma_wait3A_113 = tpu.memref_slice %arg8[%dma_wait3A_106, %dma_wait3A_112] : memref<2x1024xi32, #tpu.memory_space<vmem>> -> memref<1x1024xi32, #tpu.memory_space<vmem>>
    %dma_wait3A_114 = tpu.memref_squeeze %dma_wait3A_113 : memref<1x1024xi32, #tpu.memory_space<vmem>> -> memref<1024xi32, #tpu.memory_space<vmem>>
    %dma_wait3A_115 = arith.constant 0 : i32
    %dma_wait3A_116 = arith.constant 0 : i32
    %dma_wait3A_117 = tpu.memref_slice %arg15[%dma_wait3A_115, %dma_wait3A_116] : memref<50176x8xf32, #tpu.memory_space<vmem_shared>> -> memref<50176x8xf32, #tpu.memory_space<vmem_shared>>
    %dma_wait3A_118 = tpu.memref_slice %arg17[%dma_wait3A_107] : memref<2x!tpu.dma_semaphore, #tpu.memory_space<semaphore_mem>> -> memref<1x!tpu.dma_semaphore, #tpu.memory_space<semaphore_mem>>
    %dma_wait3A_119 = tpu.memref_squeeze %dma_wait3A_118 : memref<1x!tpu.dma_semaphore, #tpu.memory_space<semaphore_mem>> -> memref<!tpu.dma_semaphore, #tpu.memory_space<semaphore_mem>>
    tpu.wait_indirect_dma semaphore(%dma_wait3A_119 : memref<!tpu.dma_semaphore, #tpu.memory_space<semaphore_mem>>) src(%dma_wait3A_111 : memref<1024x8xf32, #tpu.memory_space<vmem>>) dst(%dma_wait3A_117 : memref<50176x8xf32, #tpu.memory_space<vmem_shared>>)
    %dma_wait3A_120 = arith.constant 1 : i32
    %dma_wait3A_121 = arith.constant 1 : i32
    %dma_wait3A_122 = arith.constant 1 : i32
    %dma_wait3A_123 = arith.constant 0 : i32
    %dma_wait3A_124 = arith.constant 0 : i32
    %dma_wait3A_125 = tpu.memref_slice %arg13[%dma_wait3A_120, %dma_wait3A_123, %dma_wait3A_124] : memref<2x1024x8xf32, #tpu.memory_space<vmem>> -> memref<1x1024x8xf32, #tpu.memory_space<vmem>>
    %dma_wait3A_126 = tpu.memref_squeeze %dma_wait3A_125 : memref<1x1024x8xf32, #tpu.memory_space<vmem>> -> memref<1024x8xf32, #tpu.memory_space<vmem>>
    %dma_wait3A_127 = arith.constant 0 : i32
    %dma_wait3A_128 = tpu.memref_slice %arg8[%dma_wait3A_121, %dma_wait3A_127] : memref<2x1024xi32, #tpu.memory_space<vmem>> -> memref<1x1024xi32, #tpu.memory_space<vmem>>
    %dma_wait3A_129 = tpu.memref_squeeze %dma_wait3A_128 : memref<1x1024xi32, #tpu.memory_space<vmem>> -> memref<1024xi32, #tpu.memory_space<vmem>>
    %dma_wait3A_130 = arith.constant 0 : i32
    %dma_wait3A_131 = arith.constant 0 : i32
    %dma_wait3A_132 = tpu.memref_slice %arg15[%dma_wait3A_130, %dma_wait3A_131] : memref<50176x8xf32, #tpu.memory_space<vmem_shared>> -> memref<50176x8xf32, #tpu.memory_space<vmem_shared>>
    %dma_wait3A_133 = tpu.memref_slice %arg17[%dma_wait3A_122] : memref<2x!tpu.dma_semaphore, #tpu.memory_space<semaphore_mem>> -> memref<1x!tpu.dma_semaphore, #tpu.memory_space<semaphore_mem>>
    %dma_wait3A_134 = tpu.memref_squeeze %dma_wait3A_133 : memref<1x!tpu.dma_semaphore, #tpu.memory_space<semaphore_mem>> -> memref<!tpu.dma_semaphore, #tpu.memory_space<semaphore_mem>>
    tpu.wait_indirect_dma semaphore(%dma_wait3A_134 : memref<!tpu.dma_semaphore, #tpu.memory_space<semaphore_mem>>) src(%dma_wait3A_126 : memref<1024x8xf32, #tpu.memory_space<vmem>>) dst(%dma_wait3A_132 : memref<50176x8xf32, #tpu.memory_space<vmem_shared>>)
    %barrier3A_135 = arith.constant 0 : index
    tpu.barrier barrier_id(%barrier3A_135)
    %mul3A_136 = arith.constant 3136 : i32
    %mul3A_137 = arith.muli %arg1, %mul3A_136 : i32
    %mul3A_138 = arith.constant 3136 : i32
    %mul3A_139 = arith.muli %arg1, %mul3A_138 : i32
    "tpu.region"() ({
      %run_scoped3A = tpu.sem_alloc : memref<!tpu.dma_semaphore, #tpu.memory_space<semaphore_mem>>
      %dma_start3A_140 = arith.constant 0 : i32
      %dma_start3A_141 = tpu.memref_slice %arg7[%arg0, %mul3A_139, %dma_start3A_140] : memref<2x50176x8xf32, #tpu.memory_space<hbm>> -> memref<1x3136x8xf32, #tpu.memory_space<hbm>>
      %dma_start3A_142 = tpu.memref_squeeze %dma_start3A_141 : memref<1x3136x8xf32, #tpu.memory_space<hbm>> -> memref<3136x8xf32, #tpu.memory_space<hbm>>
      %dma_start3A_143 = arith.constant 0 : i32
      %dma_start3A_144 = tpu.memref_slice %arg15[%mul3A_137, %dma_start3A_143] : memref<50176x8xf32, #tpu.memory_space<vmem_shared>> -> memref<3136x8xf32, #tpu.memory_space<vmem_shared>>
      tpu.enqueue_dma source(%dma_start3A_144 : memref<3136x8xf32, #tpu.memory_space<vmem_shared>>) target(%dma_start3A_142 : memref<3136x8xf32, #tpu.memory_space<hbm>>) target_semaphore(%run_scoped3A : memref<!tpu.dma_semaphore, #tpu.memory_space<semaphore_mem>>)
      %dma_wait3A_145 = arith.constant 0 : i32
      %dma_wait3A_146 = tpu.memref_slice %arg7[%arg0, %mul3A_139, %dma_wait3A_145] : memref<2x50176x8xf32, #tpu.memory_space<hbm>> -> memref<1x3136x8xf32, #tpu.memory_space<hbm>>
      %dma_wait3A_147 = tpu.memref_squeeze %dma_wait3A_146 : memref<1x3136x8xf32, #tpu.memory_space<hbm>> -> memref<3136x8xf32, #tpu.memory_space<hbm>>
      %dma_wait3A_148 = arith.constant 0 : i32
      %dma_wait3A_149 = tpu.memref_slice %arg15[%mul3A_137, %dma_wait3A_148] : memref<50176x8xf32, #tpu.memory_space<vmem_shared>> -> memref<3136x8xf32, #tpu.memory_space<vmem_shared>>
      tpu.wait_dma2 semaphore(%run_scoped3A : memref<!tpu.dma_semaphore, #tpu.memory_space<semaphore_mem>>) src(%dma_wait3A_149 : memref<3136x8xf32, #tpu.memory_space<vmem_shared>>) dst(%dma_wait3A_147 : memref<3136x8xf32, #tpu.memory_space<hbm>>)
      tpu.yield
    }) : () -> ()
    return
  }
}

#map = affine_map<(d0, d1) -> (0, 0, 0)>
#map1 = affine_map<(d0, d1) -> (0, 0)>
module attributes {stable_mosaic.version = 14 : i64} {
  func.func @_combine_body(%arg0: i32, %arg1: i32, %arg2: memref<2x50176x8xf32, #tpu.memory_space<hbm>>, %arg3: memref<2x50176x8xf32, #tpu.memory_space<hbm>>, %arg4: memref<50000x3xf32, #tpu.memory_space<hbm>>, %arg5: memref<1568x8xf32, #tpu.memory_space<vmem>>, %arg6: memref<1568x8xf32, #tpu.memory_space<vmem>>, %arg7: memref<1568x8xf32, #tpu.memory_space<vmem>>, %arg8: memref<1568x8xf32, #tpu.memory_space<vmem>>, %arg9: memref<1568x3xf32, #tpu.memory_space<vmem>>) attributes {dimension_semantics = [#tpu.dimension_semantics<core_parallel>, #tpu.dimension_semantics<subcore_parallel>], iteration_bounds = array<i64: 2, 16>, scalar_prefetch = 0 : i64, scratch_operands = 5 : i64, tpu.core_type = #tpu.core_type<sc_vector_subcore>, window_params = [{transform_indices = #map}, {transform_indices = #map}, {transform_indices = #map1}]} {
    %mul3A = arith.constant 2 : i32
    %mul3A_0 = arith.muli %arg1, %mul3A : i32
    %add3A = arith.addi %mul3A_0, %arg0 : i32
    %mul3A_1 = arith.constant 1568 : i32
    %mul3A_2 = arith.muli %add3A, %mul3A_1 : i32
    %iota3A = tpu.iota {dimensions = array<i32: 0>} : vector<16xi32>
    %run_scoped3A = arith.constant 0 : i32
    "tpu.region"() ({
      %run_scoped3A_17 = tpu.sem_alloc : memref<!tpu.dma_semaphore, #tpu.memory_space<semaphore_mem>>
      %dma_start3A = arith.constant 0 : i32
      %dma_start3A_18 = tpu.memref_slice %arg2[%run_scoped3A, %mul3A_2, %dma_start3A] : memref<2x50176x8xf32, #tpu.memory_space<hbm>> -> memref<1x1568x8xf32, #tpu.memory_space<hbm>>
      %dma_start3A_19 = tpu.memref_squeeze %dma_start3A_18 : memref<1x1568x8xf32, #tpu.memory_space<hbm>> -> memref<1568x8xf32, #tpu.memory_space<hbm>>
      %dma_start3A_20 = arith.constant 0 : i32
      %dma_start3A_21 = tpu.memref_slice %arg2[%run_scoped3A, %mul3A_2, %dma_start3A_20] : memref<2x50176x8xf32, #tpu.memory_space<hbm>> -> memref<1x1568x8xf32, #tpu.memory_space<hbm>>
      %dma_start3A_22 = tpu.memref_squeeze %dma_start3A_21 : memref<1x1568x8xf32, #tpu.memory_space<hbm>> -> memref<1568x8xf32, #tpu.memory_space<hbm>>
      tpu.enqueue_dma source(%dma_start3A_22 : memref<1568x8xf32, #tpu.memory_space<hbm>>) target(%arg5 : memref<1568x8xf32, #tpu.memory_space<vmem>>) target_semaphore(%run_scoped3A_17 : memref<!tpu.dma_semaphore, #tpu.memory_space<semaphore_mem>>)
      %dma_wait3A = arith.constant 0 : i32
      %dma_wait3A_23 = tpu.memref_slice %arg2[%run_scoped3A, %mul3A_2, %dma_wait3A] : memref<2x50176x8xf32, #tpu.memory_space<hbm>> -> memref<1x1568x8xf32, #tpu.memory_space<hbm>>
      %dma_wait3A_24 = tpu.memref_squeeze %dma_wait3A_23 : memref<1x1568x8xf32, #tpu.memory_space<hbm>> -> memref<1568x8xf32, #tpu.memory_space<hbm>>
      %dma_wait3A_25 = arith.constant 0 : i32
      %dma_wait3A_26 = tpu.memref_slice %arg2[%run_scoped3A, %mul3A_2, %dma_wait3A_25] : memref<2x50176x8xf32, #tpu.memory_space<hbm>> -> memref<1x1568x8xf32, #tpu.memory_space<hbm>>
      %dma_wait3A_27 = tpu.memref_squeeze %dma_wait3A_26 : memref<1x1568x8xf32, #tpu.memory_space<hbm>> -> memref<1568x8xf32, #tpu.memory_space<hbm>>
      tpu.wait_dma2 semaphore(%run_scoped3A_17 : memref<!tpu.dma_semaphore, #tpu.memory_space<semaphore_mem>>) src(%dma_wait3A_27 : memref<1568x8xf32, #tpu.memory_space<hbm>>) dst(%arg5 : memref<1568x8xf32, #tpu.memory_space<vmem>>)
      tpu.yield
    }) : () -> ()
    %run_scoped3A_3 = arith.constant 1 : i32
    "tpu.region"() ({
      %run_scoped3A_17 = tpu.sem_alloc : memref<!tpu.dma_semaphore, #tpu.memory_space<semaphore_mem>>
      %dma_start3A = arith.constant 0 : i32
      %dma_start3A_18 = tpu.memref_slice %arg2[%run_scoped3A_3, %mul3A_2, %dma_start3A] : memref<2x50176x8xf32, #tpu.memory_space<hbm>> -> memref<1x1568x8xf32, #tpu.memory_space<hbm>>
      %dma_start3A_19 = tpu.memref_squeeze %dma_start3A_18 : memref<1x1568x8xf32, #tpu.memory_space<hbm>> -> memref<1568x8xf32, #tpu.memory_space<hbm>>
      %dma_start3A_20 = arith.constant 0 : i32
      %dma_start3A_21 = tpu.memref_slice %arg2[%run_scoped3A_3, %mul3A_2, %dma_start3A_20] : memref<2x50176x8xf32, #tpu.memory_space<hbm>> -> memref<1x1568x8xf32, #tpu.memory_space<hbm>>
      %dma_start3A_22 = tpu.memref_squeeze %dma_start3A_21 : memref<1x1568x8xf32, #tpu.memory_space<hbm>> -> memref<1568x8xf32, #tpu.memory_space<hbm>>
      tpu.enqueue_dma source(%dma_start3A_22 : memref<1568x8xf32, #tpu.memory_space<hbm>>) target(%arg6 : memref<1568x8xf32, #tpu.memory_space<vmem>>) target_semaphore(%run_scoped3A_17 : memref<!tpu.dma_semaphore, #tpu.memory_space<semaphore_mem>>)
      %dma_wait3A = arith.constant 0 : i32
      %dma_wait3A_23 = tpu.memref_slice %arg2[%run_scoped3A_3, %mul3A_2, %dma_wait3A] : memref<2x50176x8xf32, #tpu.memory_space<hbm>> -> memref<1x1568x8xf32, #tpu.memory_space<hbm>>
      %dma_wait3A_24 = tpu.memref_squeeze %dma_wait3A_23 : memref<1x1568x8xf32, #tpu.memory_space<hbm>> -> memref<1568x8xf32, #tpu.memory_space<hbm>>
      %dma_wait3A_25 = arith.constant 0 : i32
      %dma_wait3A_26 = tpu.memref_slice %arg2[%run_scoped3A_3, %mul3A_2, %dma_wait3A_25] : memref<2x50176x8xf32, #tpu.memory_space<hbm>> -> memref<1x1568x8xf32, #tpu.memory_space<hbm>>
      %dma_wait3A_27 = tpu.memref_squeeze %dma_wait3A_26 : memref<1x1568x8xf32, #tpu.memory_space<hbm>> -> memref<1568x8xf32, #tpu.memory_space<hbm>>
      tpu.wait_dma2 semaphore(%run_scoped3A_17 : memref<!tpu.dma_semaphore, #tpu.memory_space<semaphore_mem>>) src(%dma_wait3A_27 : memref<1568x8xf32, #tpu.memory_space<hbm>>) dst(%arg6 : memref<1568x8xf32, #tpu.memory_space<vmem>>)
      tpu.yield
    }) : () -> ()
    %run_scoped3A_4 = arith.constant 0 : i32
    "tpu.region"() ({
      %run_scoped3A_17 = tpu.sem_alloc : memref<!tpu.dma_semaphore, #tpu.memory_space<semaphore_mem>>
      %dma_start3A = arith.constant 0 : i32
      %dma_start3A_18 = tpu.memref_slice %arg3[%run_scoped3A_4, %mul3A_2, %dma_start3A] : memref<2x50176x8xf32, #tpu.memory_space<hbm>> -> memref<1x1568x8xf32, #tpu.memory_space<hbm>>
      %dma_start3A_19 = tpu.memref_squeeze %dma_start3A_18 : memref<1x1568x8xf32, #tpu.memory_space<hbm>> -> memref<1568x8xf32, #tpu.memory_space<hbm>>
      %dma_start3A_20 = arith.constant 0 : i32
      %dma_start3A_21 = tpu.memref_slice %arg3[%run_scoped3A_4, %mul3A_2, %dma_start3A_20] : memref<2x50176x8xf32, #tpu.memory_space<hbm>> -> memref<1x1568x8xf32, #tpu.memory_space<hbm>>
      %dma_start3A_22 = tpu.memref_squeeze %dma_start3A_21 : memref<1x1568x8xf32, #tpu.memory_space<hbm>> -> memref<1568x8xf32, #tpu.memory_space<hbm>>
      tpu.enqueue_dma source(%dma_start3A_22 : memref<1568x8xf32, #tpu.memory_space<hbm>>) target(%arg7 : memref<1568x8xf32, #tpu.memory_space<vmem>>) target_semaphore(%run_scoped3A_17 : memref<!tpu.dma_semaphore, #tpu.memory_space<semaphore_mem>>)
      %dma_wait3A = arith.constant 0 : i32
      %dma_wait3A_23 = tpu.memref_slice %arg3[%run_scoped3A_4, %mul3A_2, %dma_wait3A] : memref<2x50176x8xf32, #tpu.memory_space<hbm>> -> memref<1x1568x8xf32, #tpu.memory_space<hbm>>
      %dma_wait3A_24 = tpu.memref_squeeze %dma_wait3A_23 : memref<1x1568x8xf32, #tpu.memory_space<hbm>> -> memref<1568x8xf32, #tpu.memory_space<hbm>>
      %dma_wait3A_25 = arith.constant 0 : i32
      %dma_wait3A_26 = tpu.memref_slice %arg3[%run_scoped3A_4, %mul3A_2, %dma_wait3A_25] : memref<2x50176x8xf32, #tpu.memory_space<hbm>> -> memref<1x1568x8xf32, #tpu.memory_space<hbm>>
      %dma_wait3A_27 = tpu.memref_squeeze %dma_wait3A_26 : memref<1x1568x8xf32, #tpu.memory_space<hbm>> -> memref<1568x8xf32, #tpu.memory_space<hbm>>
      tpu.wait_dma2 semaphore(%run_scoped3A_17 : memref<!tpu.dma_semaphore, #tpu.memory_space<semaphore_mem>>) src(%dma_wait3A_27 : memref<1568x8xf32, #tpu.memory_space<hbm>>) dst(%arg7 : memref<1568x8xf32, #tpu.memory_space<vmem>>)
      tpu.yield
    }) : () -> ()
    %run_scoped3A_5 = arith.constant 1 : i32
    "tpu.region"() ({
      %run_scoped3A_17 = tpu.sem_alloc : memref<!tpu.dma_semaphore, #tpu.memory_space<semaphore_mem>>
      %dma_start3A = arith.constant 0 : i32
      %dma_start3A_18 = tpu.memref_slice %arg3[%run_scoped3A_5, %mul3A_2, %dma_start3A] : memref<2x50176x8xf32, #tpu.memory_space<hbm>> -> memref<1x1568x8xf32, #tpu.memory_space<hbm>>
      %dma_start3A_19 = tpu.memref_squeeze %dma_start3A_18 : memref<1x1568x8xf32, #tpu.memory_space<hbm>> -> memref<1568x8xf32, #tpu.memory_space<hbm>>
      %dma_start3A_20 = arith.constant 0 : i32
      %dma_start3A_21 = tpu.memref_slice %arg3[%run_scoped3A_5, %mul3A_2, %dma_start3A_20] : memref<2x50176x8xf32, #tpu.memory_space<hbm>> -> memref<1x1568x8xf32, #tpu.memory_space<hbm>>
      %dma_start3A_22 = tpu.memref_squeeze %dma_start3A_21 : memref<1x1568x8xf32, #tpu.memory_space<hbm>> -> memref<1568x8xf32, #tpu.memory_space<hbm>>
      tpu.enqueue_dma source(%dma_start3A_22 : memref<1568x8xf32, #tpu.memory_space<hbm>>) target(%arg8 : memref<1568x8xf32, #tpu.memory_space<vmem>>) target_semaphore(%run_scoped3A_17 : memref<!tpu.dma_semaphore, #tpu.memory_space<semaphore_mem>>)
      %dma_wait3A = arith.constant 0 : i32
      %dma_wait3A_23 = tpu.memref_slice %arg3[%run_scoped3A_5, %mul3A_2, %dma_wait3A] : memref<2x50176x8xf32, #tpu.memory_space<hbm>> -> memref<1x1568x8xf32, #tpu.memory_space<hbm>>
      %dma_wait3A_24 = tpu.memref_squeeze %dma_wait3A_23 : memref<1x1568x8xf32, #tpu.memory_space<hbm>> -> memref<1568x8xf32, #tpu.memory_space<hbm>>
      %dma_wait3A_25 = arith.constant 0 : i32
      %dma_wait3A_26 = tpu.memref_slice %arg3[%run_scoped3A_5, %mul3A_2, %dma_wait3A_25] : memref<2x50176x8xf32, #tpu.memory_space<hbm>> -> memref<1x1568x8xf32, #tpu.memory_space<hbm>>
      %dma_wait3A_27 = tpu.memref_squeeze %dma_wait3A_26 : memref<1x1568x8xf32, #tpu.memory_space<hbm>> -> memref<1568x8xf32, #tpu.memory_space<hbm>>
      tpu.wait_dma2 semaphore(%run_scoped3A_17 : memref<!tpu.dma_semaphore, #tpu.memory_space<semaphore_mem>>) src(%dma_wait3A_27 : memref<1568x8xf32, #tpu.memory_space<hbm>>) dst(%arg8 : memref<1568x8xf32, #tpu.memory_space<vmem>>)
      tpu.yield
    }) : () -> ()
    %scan3A = arith.constant 0 : i32
    %scan3A_6 = arith.constant 0 : i32
    %scan3A_7 = arith.constant 294 : i32
    %scan3A_8 = arith.addi %scan3A_6, %scan3A_7 : i32
    %scan3A_9 = arith.constant 1 : i32
    scf.for %scan3A_17 = %scan3A_6 to %scan3A_8 step %scan3A_9  : i32 {
      %mul3A_18 = arith.constant 16 : i32
      %mul3A_19 = arith.muli %scan3A_17, %mul3A_18 : i32
      %add3A_20 = vector.broadcast %mul3A_19 : i32 to vector<16xi32>
      %add3A_21 = arith.addi %add3A_20, %iota3A : vector<16xi32>
      %div3A = arith.constant 3 : i32
      %div3A_22 = vector.broadcast %div3A : i32 to vector<16xi32>
      %div3A_23 = arith.divsi %add3A_21, %div3A_22 : vector<16xi32>
      %mul3A_24 = arith.constant 3 : i32
      %mul3A_25 = vector.broadcast %mul3A_24 : i32 to vector<16xi32>
      %mul3A_26 = arith.muli %div3A_23, %mul3A_25 : vector<16xi32>
      %sub3A = arith.subi %add3A_21, %mul3A_26 : vector<16xi32>
      %gather3A = tpu.vector_load_idx %arg5[%div3A_23, %sub3A] : memref<1568x8xf32, #tpu.memory_space<vmem>>[vector<16xi32>, vector<16xi32>], vector<16xf32>,
      %gather3A_27 = tpu.vector_load_idx %arg6[%div3A_23, %sub3A] : memref<1568x8xf32, #tpu.memory_space<vmem>>[vector<16xi32>, vector<16xi32>], vector<16xf32>,
      %gather3A_28 = tpu.vector_load_idx %arg7[%div3A_23, %sub3A] : memref<1568x8xf32, #tpu.memory_space<vmem>>[vector<16xi32>, vector<16xi32>], vector<16xf32>,
      %gather3A_29 = tpu.vector_load_idx %arg8[%div3A_23, %sub3A] : memref<1568x8xf32, #tpu.memory_space<vmem>>[vector<16xi32>, vector<16xi32>], vector<16xf32>,
      %add3A_30 = arith.addf %gather3A, %gather3A_27 : vector<16xf32>
      %add3A_31 = arith.addf %gather3A_28, %gather3A_29 : vector<16xf32>
      %add3A_32 = arith.addf %add3A_30, %add3A_31 : vector<16xf32>
      tpu.vector_store_idx %arg9[%div3A_23, %sub3A], %add3A_32 : memref<1568x3xf32, #tpu.memory_space<vmem>>[vector<16xi32>, vector<16xi32>], vector<16xf32>,
    }
    %scan3A_10 = arith.constant 294 : i32
    %ne3A = arith.constant 31 : i32
    %ne3A_11 = arith.cmpi ne, %add3A, %ne3A : i32
    %convert_element_type3A = arith.extui %ne3A_11 : i1 to i32
    %cond3A = arith.constant 0 : i32
    %cond3A_12 = arith.cmpi ne, %convert_element_type3A, %cond3A : i32
    scf.if %cond3A_12 {
      "tpu.region"() ({
        %run_scoped3A_17 = tpu.sem_alloc : memref<!tpu.dma_semaphore, #tpu.memory_space<semaphore_mem>>
        %dma_start3A = arith.constant 0 : i32
        %dma_start3A_18 = tpu.memref_slice %arg4[%mul3A_2, %dma_start3A] : memref<50000x3xf32, #tpu.memory_space<hbm>> -> memref<1568x3xf32, #tpu.memory_space<hbm>>
        %dma_start3A_19 = arith.constant 0 : i32
        %dma_start3A_20 = tpu.memref_slice %arg4[%mul3A_2, %dma_start3A_19] : memref<50000x3xf32, #tpu.memory_space<hbm>> -> memref<1568x3xf32, #tpu.memory_space<hbm>>
        tpu.enqueue_dma source(%arg9 : memref<1568x3xf32, #tpu.memory_space<vmem>>) target(%dma_start3A_20 : memref<1568x3xf32, #tpu.memory_space<hbm>>) target_semaphore(%run_scoped3A_17 : memref<!tpu.dma_semaphore, #tpu.memory_space<semaphore_mem>>)
        %dma_wait3A = arith.constant 0 : i32
        %dma_wait3A_21 = tpu.memref_slice %arg4[%mul3A_2, %dma_wait3A] : memref<50000x3xf32, #tpu.memory_space<hbm>> -> memref<1568x3xf32, #tpu.memory_space<hbm>>
        %dma_wait3A_22 = arith.constant 0 : i32
        %dma_wait3A_23 = tpu.memref_slice %arg4[%mul3A_2, %dma_wait3A_22] : memref<50000x3xf32, #tpu.memory_space<hbm>> -> memref<1568x3xf32, #tpu.memory_space<hbm>>
        tpu.wait_dma2 semaphore(%run_scoped3A_17 : memref<!tpu.dma_semaphore, #tpu.memory_space<semaphore_mem>>) src(%arg9 : memref<1568x3xf32, #tpu.memory_space<vmem>>) dst(%dma_wait3A_23 : memref<1568x3xf32, #tpu.memory_space<hbm>>)
        tpu.yield
      }) : () -> ()
    } else {
    }
    %eq3A = arith.constant 31 : i32
    %eq3A_13 = arith.cmpi eq, %add3A, %eq3A : i32
    %convert_element_type3A_14 = arith.extui %eq3A_13 : i1 to i32
    %cond3A_15 = arith.constant 0 : i32
    %cond3A_16 = arith.cmpi ne, %convert_element_type3A_14, %cond3A_15 : i32
    scf.if %cond3A_16 {
      "tpu.region"() ({
        %run_scoped3A_17 = tpu.sem_alloc : memref<!tpu.dma_semaphore, #tpu.memory_space<semaphore_mem>>
        %dma_start3A = arith.constant 0 : i32
        %dma_start3A_18 = arith.constant 0 : i32
        %dma_start3A_19 = tpu.memref_slice %arg9[%dma_start3A, %dma_start3A_18] : memref<1568x3xf32, #tpu.memory_space<vmem>> -> memref<1392x3xf32, #tpu.memory_space<vmem>>
        %dma_start3A_20 = arith.constant 48608 : i32
        %dma_start3A_21 = arith.constant 0 : i32
        %dma_start3A_22 = tpu.memref_slice %arg4[%dma_start3A_20, %dma_start3A_21] : memref<50000x3xf32, #tpu.memory_space<hbm>> -> memref<1392x3xf32, #tpu.memory_space<hbm>>
        %dma_start3A_23 = arith.constant 48608 : i32
        %dma_start3A_24 = arith.constant 0 : i32
        %dma_start3A_25 = tpu.memref_slice %arg4[%dma_start3A_23, %dma_start3A_24] : memref<50000x3xf32, #tpu.memory_space<hbm>> -> memref<1392x3xf32, #tpu.memory_space<hbm>>
        %dma_start3A_26 = arith.constant 0 : i32
        %dma_start3A_27 = arith.constant 0 : i32
        %dma_start3A_28 = tpu.memref_slice %arg9[%dma_start3A_26, %dma_start3A_27] : memref<1568x3xf32, #tpu.memory_space<vmem>> -> memref<1392x3xf32, #tpu.memory_space<vmem>>
        tpu.enqueue_dma source(%dma_start3A_28 : memref<1392x3xf32, #tpu.memory_space<vmem>>) target(%dma_start3A_25 : memref<1392x3xf32, #tpu.memory_space<hbm>>) target_semaphore(%run_scoped3A_17 : memref<!tpu.dma_semaphore, #tpu.memory_space<semaphore_mem>>)
        %dma_wait3A = arith.constant 0 : i32
        %dma_wait3A_29 = arith.constant 0 : i32
        %dma_wait3A_30 = tpu.memref_slice %arg9[%dma_wait3A, %dma_wait3A_29] : memref<1568x3xf32, #tpu.memory_space<vmem>> -> memref<1392x3xf32, #tpu.memory_space<vmem>>
        %dma_wait3A_31 = arith.constant 48608 : i32
        %dma_wait3A_32 = arith.constant 0 : i32
        %dma_wait3A_33 = tpu.memref_slice %arg4[%dma_wait3A_31, %dma_wait3A_32] : memref<50000x3xf32, #tpu.memory_space<hbm>> -> memref<1392x3xf32, #tpu.memory_space<hbm>>
        %dma_wait3A_34 = arith.constant 48608 : i32
        %dma_wait3A_35 = arith.constant 0 : i32
        %dma_wait3A_36 = tpu.memref_slice %arg4[%dma_wait3A_34, %dma_wait3A_35] : memref<50000x3xf32, #tpu.memory_space<hbm>> -> memref<1392x3xf32, #tpu.memory_space<hbm>>
        %dma_wait3A_37 = arith.constant 0 : i32
        %dma_wait3A_38 = arith.constant 0 : i32
        %dma_wait3A_39 = tpu.memref_slice %arg9[%dma_wait3A_37, %dma_wait3A_38] : memref<1568x3xf32, #tpu.memory_space<vmem>> -> memref<1392x3xf32, #tpu.memory_space<vmem>>
        tpu.wait_dma2 semaphore(%run_scoped3A_17 : memref<!tpu.dma_semaphore, #tpu.memory_space<semaphore_mem>>) src(%dma_wait3A_39 : memref<1392x3xf32, #tpu.memory_space<vmem>>) dst(%dma_wait3A_36 : memref<1392x3xf32, #tpu.memory_space<hbm>>)
        tpu.yield
      }) : () -> ()
    } else {
    }
    return
  }
}

module attributes {stable_mosaic.version = 14 : i64} {
  func.func @_mlp_body(%arg0: i32, %arg1: memref<256x128xf32, #tpu.memory_space<vmem>>, %arg2: memref<256x128xf32, #tpu.memory_space<vmem>>, %arg3: memref<256x128xf32, #tpu.memory_space<vmem>>, %arg4: memref<256x128xf32, #tpu.memory_space<vmem>>, %arg5: memref<20x2xf32, #tpu.memory_space<vmem>>, %arg6: memref<20xf32, #tpu.memory_space<vmem>>, %arg7: memref<20x20xf32, #tpu.memory_space<vmem>>, %arg8: memref<20xf32, #tpu.memory_space<vmem>>, %arg9: memref<1x20xf32, #tpu.memory_space<vmem>>, %arg10: memref<1xf32, #tpu.memory_space<vmem>>, %arg11: memref<256x128xf32, #tpu.memory_space<vmem>>) attributes {dimension_semantics = [#tpu.dimension_semantics<arbitrary>], iteration_bounds = array<i64: 25>, scalar_prefetch = 0 : i64, scratch_operands = 0 : i64, tpu.core_type = #tpu.core_type<tc>, window_params = [{transform_indices = @transform_0, window_bounds = array<i64: 256, 128>}, {transform_indices = @transform_1, window_bounds = array<i64: 256, 128>}, {transform_indices = @transform_2, window_bounds = array<i64: 256, 128>}, {transform_indices = @transform_3, window_bounds = array<i64: 256, 128>}, {pipeline_mode = #tpu.pipeline_mode<synchronous>, transform_indices = @transform_4, window_bounds = array<i64: 20, 2>}, {pipeline_mode = #tpu.pipeline_mode<synchronous>, transform_indices = @transform_5, window_bounds = array<i64: 20>}, {pipeline_mode = #tpu.pipeline_mode<synchronous>, transform_indices = @transform_6, window_bounds = array<i64: 20, 20>}, {pipeline_mode = #tpu.pipeline_mode<synchronous>, transform_indices = @transform_7, window_bounds = array<i64: 20>}, {pipeline_mode = #tpu.pipeline_mode<synchronous>, transform_indices = @transform_8, window_bounds = array<i64: 1, 20>}, {pipeline_mode = #tpu.pipeline_mode<synchronous>, transform_indices = @transform_9, window_bounds = array<i64: 1>}, {transform_indices = @transform_10, window_bounds = array<i64: 256, 128>}]} {
    %get3A = arith.constant 0 : index
    %get3A_0 = arith.constant 0 : index
    %get3A_1 = vector.load %arg2[%get3A, %get3A_0] : memref<256x128xf32, #tpu.memory_space<vmem>>, vector<256x128xf32>
    %get3A_2 = arith.constant 0 : index
    %get3A_3 = arith.constant 0 : index
    %get3A_4 = vector.load %arg3[%get3A_2, %get3A_3] : memref<256x128xf32, #tpu.memory_space<vmem>>, vector<256x128xf32>
    %get3A_5 = arith.constant 0 : index
    %get3A_6 = arith.constant 0 : index
    %get3A_7 = vector.load %arg4[%get3A_5, %get3A_6] : memref<256x128xf32, #tpu.memory_space<vmem>>, vector<256x128xf32>
    %mul3A = arith.mulf %get3A_1, %get3A_1 : vector<256x128xf32>
    %mul3A_8 = arith.mulf %get3A_4, %get3A_4 : vector<256x128xf32>
    %add3A = arith.addf %mul3A, %mul3A_8 : vector<256x128xf32>
    %mul3A_9 = arith.mulf %get3A_7, %get3A_7 : vector<256x128xf32>
    %add3A_10 = arith.addf %add3A, %mul3A_9 : vector<256x128xf32>
    %get3A_11 = arith.constant 0 : index
    %get3A_12 = arith.constant 0 : index
    %get3A_13 = vector.load %arg1[%get3A_11, %get3A_12] : memref<256x128xf32, #tpu.memory_space<vmem>>, vector<256x128xf32>
    %reshape3A = vector.shape_cast %get3A_13 : vector<256x128xf32> to vector<1x32768xf32>
    %reshape3A_14 = vector.shape_cast %add3A_10 : vector<256x128xf32> to vector<1x32768xf32>
    %concatenate3A = tpu.concatenate %reshape3A, %reshape3A_14 in 0 : vector<1x32768xf32>, vector<1x32768xf32> -> vector<2x32768xf32>
    %get3A_15 = arith.constant 0 : index
    %get3A_16 = arith.constant 0 : index
    %get3A_17 = vector.load %arg5[%get3A_15, %get3A_16] : memref<20x2xf32, #tpu.memory_space<vmem>>, vector<20x2xf32>
    %dot_general3A = arith.constant dense<0.000000e+00> : vector<20x32768xf32>
    %dot_general3A_18 = tpu.matmul %get3A_17, %concatenate3A, %dot_general3A {dimension_numbers = #tpu.dot_dimension_numbers<[1], [0], [0], [1], [0, 0, 1, 1], [], []>, transpose_lhs_hint = false} : vector<20x2xf32>, vector<2x32768xf32>, vector<20x32768xf32> -> vector<20x32768xf32>
    %get3A_19 = arith.constant 0 : index
    %get3A_20 = vector.load %arg6[%get3A_19] : memref<20xf32, #tpu.memory_space<vmem>>, vector<20xf32>
    %broadcast_in_dim3A = vector.shape_cast %get3A_20 : vector<20xf32> to vector<20x1xf32>
    %add3A_21 = vector.broadcast %broadcast_in_dim3A : vector<20x1xf32> to vector<20x32768xf32>
    %add3A_22 = arith.addf %dot_general3A_18, %add3A_21 : vector<20x32768xf32>
    %max3A = arith.constant 0.000000e+00 : f32
    %max3A_23 = vector.broadcast %max3A : f32 to vector<20x32768xf32>
    %max3A_24 = arith.maximumf %add3A_22, %max3A_23 : vector<20x32768xf32>
    %get3A_25 = arith.constant 0 : index
    %get3A_26 = arith.constant 0 : index
    %get3A_27 = vector.load %arg7[%get3A_25, %get3A_26] : memref<20x20xf32, #tpu.memory_space<vmem>>, vector<20x20xf32>
    %dot_general3A_28 = arith.constant dense<0.000000e+00> : vector<20x32768xf32>
    %dot_general3A_29 = tpu.matmul %get3A_27, %max3A_24, %dot_general3A_28 {dimension_numbers = #tpu.dot_dimension_numbers<[1], [0], [0], [1], [0, 0, 1, 1], [], []>, transpose_lhs_hint = false} : vector<20x20xf32>, vector<20x32768xf32>, vector<20x32768xf32> -> vector<20x32768xf32>
    %get3A_30 = arith.constant 0 : index
    %get3A_31 = vector.load %arg8[%get3A_30] : memref<20xf32, #tpu.memory_space<vmem>>, vector<20xf32>
    %broadcast_in_dim3A_32 = vector.shape_cast %get3A_31 : vector<20xf32> to vector<20x1xf32>
    %add3A_33 = vector.broadcast %broadcast_in_dim3A_32 : vector<20x1xf32> to vector<20x32768xf32>
    %add3A_34 = arith.addf %dot_general3A_29, %add3A_33 : vector<20x32768xf32>
    %max3A_35 = arith.constant 0.000000e+00 : f32
    %max3A_36 = vector.broadcast %max3A_35 : f32 to vector<20x32768xf32>
    %max3A_37 = arith.maximumf %add3A_34, %max3A_36 : vector<20x32768xf32>
    %get3A_38 = arith.constant 0 : index
    %get3A_39 = arith.constant 0 : index
    %get3A_40 = vector.load %arg9[%get3A_38, %get3A_39] : memref<1x20xf32, #tpu.memory_space<vmem>>, vector<1x20xf32>
    %dot_general3A_41 = arith.constant dense<0.000000e+00> : vector<1x32768xf32>
    %dot_general3A_42 = tpu.matmul %get3A_40, %max3A_37, %dot_general3A_41 {dimension_numbers = #tpu.dot_dimension_numbers<[1], [0], [0], [1], [0, 0, 1, 1], [], []>, transpose_lhs_hint = false} : vector<1x20xf32>, vector<20x32768xf32>, vector<1x32768xf32> -> vector<1x32768xf32>
    %get3A_43 = arith.constant 0 : index
    %get3A_44 = vector.load %arg10[%get3A_43] : memref<1xf32, #tpu.memory_space<vmem>>, vector<1xf32>
    %broadcast_in_dim3A_45 = vector.shape_cast %get3A_44 : vector<1xf32> to vector<1x1xf32>
    %add3A_46 = vector.broadcast %broadcast_in_dim3A_45 : vector<1x1xf32> to vector<1x32768xf32>
    %add3A_47 = arith.addf %dot_general3A_42, %add3A_46 : vector<1x32768xf32>
    %max3A_48 = arith.constant 1.000000e-24 : f32
    %max3A_49 = vector.broadcast %max3A_48 : f32 to vector<1x32768xf32>
    %max3A_50 = arith.maximumf %reshape3A_14, %max3A_49 : vector<1x32768xf32>
    %rsqrt3A = math.rsqrt %max3A_50 : vector<1x32768xf32>
    %mul3A_51 = arith.mulf %add3A_47, %rsqrt3A : vector<1x32768xf32>
    %reshape3A_52 = vector.shape_cast %mul3A_51 : vector<1x32768xf32> to vector<256x128xf32>
    %swap3A = arith.constant 0 : index
    %swap3A_53 = arith.constant 0 : index
    %swap3A_54 = vector.load %arg11[%swap3A, %swap3A_53] : memref<256x128xf32, #tpu.memory_space<vmem>>, vector<256x128xf32>
    tpu.vector_store %arg11[%swap3A, %swap3A_53], %reshape3A_52 {strides = array<i32>} : memref<256x128xf32, #tpu.memory_space<vmem>>, vector<256x128xf32>,
    return
  }
  func.func @transform_0(%arg0: i32) -> (i32, i32) {
    %c0_i32 = arith.constant 0 : i32
    %c0_i32_0 = arith.constant 0 : i32
    return %arg0, %c0_i32 : i32, i32
  }
  func.func @transform_1(%arg0: i32) -> (i32, i32) {
    %c0_i32 = arith.constant 0 : i32
    %c0_i32_0 = arith.constant 0 : i32
    return %arg0, %c0_i32 : i32, i32
  }
  func.func @transform_2(%arg0: i32) -> (i32, i32) {
    %c0_i32 = arith.constant 0 : i32
    %c0_i32_0 = arith.constant 0 : i32
    return %arg0, %c0_i32 : i32, i32
  }
  func.func @transform_3(%arg0: i32) -> (i32, i32) {
    %c0_i32 = arith.constant 0 : i32
    %c0_i32_0 = arith.constant 0 : i32
    return %arg0, %c0_i32 : i32, i32
  }
  func.func @transform_4(%arg0: i32) -> (i32, i32) {
    %c0_i32 = arith.constant 0 : i32
    %c0_i32_0 = arith.constant 0 : i32
    %c0_i32_1 = arith.constant 0 : i32
    return %c0_i32, %c0_i32_0 : i32, i32
  }
  func.func @transform_5(%arg0: i32) -> i32 {
    %c0_i32 = arith.constant 0 : i32
    %c0_i32_0 = arith.constant 0 : i32
    return %c0_i32 : i32
  }
  func.func @transform_6(%arg0: i32) -> (i32, i32) {
    %c0_i32 = arith.constant 0 : i32
    %c0_i32_0 = arith.constant 0 : i32
    %c0_i32_1 = arith.constant 0 : i32
    return %c0_i32, %c0_i32_0 : i32, i32
  }
  func.func @transform_7(%arg0: i32) -> i32 {
    %c0_i32 = arith.constant 0 : i32
    %c0_i32_0 = arith.constant 0 : i32
    return %c0_i32 : i32
  }
  func.func @transform_8(%arg0: i32) -> (i32, i32) {
    %c0_i32 = arith.constant 0 : i32
    %c0_i32_0 = arith.constant 0 : i32
    %c0_i32_1 = arith.constant 0 : i32
    return %c0_i32, %c0_i32_0 : i32, i32
  }
  func.func @transform_9(%arg0: i32) -> i32 {
    %c0_i32 = arith.constant 0 : i32
    %c0_i32_0 = arith.constant 0 : i32
    return %c0_i32 : i32
  }
  func.func @transform_10(%arg0: i32) -> (i32, i32) {
    %c0_i32 = arith.constant 0 : i32
    %c0_i32_0 = arith.constant 0 : i32
    return %arg0, %c0_i32 : i32, i32
  }
}

</mosaic_0001>

<sc_bundles>
// kernel: kernel.12.cloned.1.call-start
scs
__scs_entry_jumppad:
0x0: {  	(pc) =	sbr.rel $0x88, $3  }
0x1: {  	(tag) =	ssettag $0x0;
	lr =	simm.s32 $0x1  }
0x2: {  	[smem:$0x3F98] =	sst lr;
	_ =	strace $0xD0000000  }
0x3: {  	_ = 	snop  }
0x4: {  	_ = 	snop  }
0x5: {  	_ = 	snop  }
0x6: {  	_ = 	snop  }
0x7: {  	_ = 	snop  }
__scs_overlays_trampoline_lowered:
0x8: {  	[smem:$0x3FA7] =	sst s0  }
0x9: {  	[smem:$0x3FA8] =	sst s1  }
0xa: {  	[smem:$0x3FA9] =	sst s2  }
0xb: {  	[smem:$0x3FAA] =	sst s3  }
0xc: {  	[smem:$0x3FAB] =	sst s4  }
0xd: {  	[smem:$0x3FAC] =	sst s5  }
0xe: {  	[smem:$0x3FAD] =	sst s6  }
0xf: {  	[smem:$0x3FAE] =	sst s7  }
0x10: {  	[smem:$0x3FAF] =	sst s8  }
0x11: {  	[smem:$0x3FB0] =	sst s9;
	s0 =	simm.s32 @!p0 $0x0  }
0x12: {  	s1 =	sld [smem:$0x3F96];
	s0 =	simm.s32 @p0 $0x1  }
0x13: {  	[smem:$0x3FB1] =	sst s0;
	s0 =	simm.s32 @!p1 $0x0  }
0x14: {  	s2 =	sld [smem:$0x3F95];
	s0 =	simm.s32 @p1 $0x1  }
0x15: {  	[smem:$0x3FB2] =	sst s0;
	s0 =	simm.s32 @!p2 $0x0  }
0x16: {  	s3 =	sld [smem:$0x3FDB];
	s0 =	simm.s32 @p2 $0x1  }
0x17: {  	s4 =	simm.s32 $0x1BF5;
	[smem:$0x3FB4] =	sst s0  }
0x18: {  	s0 =	sld [smem:$0x3F97];
	_ =	swait.ge [sflag:s4], $0x0  }
0x19: {  	s7 =	sld [smem:$0x3F98]  }
0x1a: {  	s8 =	sadd.s32 $0xFFFFE003, lr  }
0x1b: {  	s9 =	sadd.s32 $0xFFFFFEF7, lr;
	s5 =	simm.s32 $0xFFFFFFFF;
	p2 =	slt.u32 s8, $0xFFFFF086  }
0x1c: {  	p1 =	slt.u32 s9, $0xF7A;
	s5 =	simm.s32 @!p2 $0x0  }
0x1d: {  	s5 =	simm.s32 @p1 $0x1;
	p0 =	seq.s32 s7, s2  }
0x1e: {  	s7 =	smul.u32 @!p0 $0xF7A, s2;
	p2 =	seq.s32 @!p0 s5, $0x0  }
0x1f: {  	s9 =	smul.u32 $0xF7A, s1;
	s8 =	simm.s32 @!p0 $0x1BF5;
	p2 =	por !p2, p0  }
0x20: {  	[sflag:s8] =	ssyncset.s32 @!p0 $0xFFFFF086;
	s6 =	sadd.s32 @!p0 s3, s7;
	s7 =	simm.s32 @!p0 $0x108  }
0x21: {  	s3 =	sadd.s32 s3, s9;
	s6 =	sadd.s32 @!p0 $0x88, s6;
	s7 =	simm.s32 @p2 $0x1082  }
0x22: {  	[simem:s7], [sflag:s8] =	dma.local @!p0 [hbm:s6], $0xF7A  }
0x23: {  	s9 =	sor.u32 $0xD0000000, s2;
	s6 =	simm.s32 $0x108;
	_ =	swait.ge @!p0 [sflag:s8], $0x0  }
0x24: {  	s3 =	sadd.s32 $0x88, s3;
	s6 =	simm.s32 @!p1 $0x1082;
	[sflag:s4] =	ssyncset.s32 $0xFFFFF086  }
0x25: {  	[simem:s6], [sflag:s4] =	dma.local [hbm:s3], $0xF7A  }
0x26: {  	[smem:$0x3F98] =	sst s1;
	(tag) =	ssettag s2;
	_ =	strace s9  }
0x27: {  	s1 =	sld [smem:$0x3FA8]  }
0x28: {  	s2 =	sld [smem:$0x3FA9]  }
0x29: {  	s4 =	sld [smem:$0x3FAB]  }
0x2a: {  	p0 =	seq.s32 s5, $0x0;
	s5 =	sld [smem:$0x3FAC]  }
0x2b: {  	s6 =	sld [smem:$0x3FAD]  }
0x2c: {  	s7 =	sld [smem:$0x3FAE]  }
0x2d: {  	s3 =	simm.s32 $0x108;
	s8 =	sld [smem:$0x3FAF]  }
0x2e: {  	s3 =	simm.s32 @!p0 $0x1082;
	s9 =	sld [smem:$0x3FB0]  }
0x2f: {  	lr =	sadd.s32 s0, s3;
	s0 =	sld [smem:$0x3FA7]  }
0x30: {  	s3 =	sld [smem:$0x3FAA]  }
0x31: {  	[smem:$0x3FB3] =	sst s10  }
0x32: {  	s10 =	sld [smem:$0x3FB1];
	_ =	sdelay $0x3  }
0x33: {  	p0 =	seq.s32 s10, $0x1;
	s10 =	sld [smem:$0x3FB3];
	_ =	sdelay $0x3  }
0x34: {  	[smem:$0x3FB3] =	sst s10  }
0x35: {  	s10 =	sld [smem:$0x3FB2];
	_ =	sdelay $0x3  }
0x36: {  	p1 =	seq.s32 s10, $0x1;
	s10 =	sld [smem:$0x3FB3];
	_ =	sdelay $0x3  }
0x37: {  	[smem:$0x3FB3] =	sst s10  }
0x38: {  	s10 =	sld [smem:$0x3FB4]  }
0x39: {  	_ = 	snop;
	(pc) =	sbr.ind lr, $3  }
0x3a: {  	_ = 	snop  }
0x3b: {  	_ = 	snop  }
0x3c: {  	p2 =	seq.s32 s10, $0x1;
	s10 =	sld [smem:$0x3FB3]  }
0x3d: {  	_ =	shalt  }
0x3e: {  	_ =	shalt  }
0x3f: {  	_ =	shalt  }
0x40: {  	_ =	shalt  }
0x41: {  	_ =	shalt  }
0x42: {  	_ =	shalt  }
0x43: {  	_ =	shalt  }
0x44: {  	_ =	shalt  }
0x45: {  	_ =	shalt  }
0x46: {  	_ =	shalt  }
0x47: {  	_ =	shalt  }
0x48: {  	_ =	shalt  }
0x49: {  	_ =	shalt  }
0x4a: {  	_ =	shalt  }
0x4b: {  	_ =	shalt  }
0x4c: {  	_ =	shalt  }
0x4d: {  	_ =	shalt  }
0x4e: {  	_ =	shalt  }
0x4f: {  	_ =	shalt  }
0x50: {  	_ =	shalt  }
0x51: {  	_ =	shalt  }
0x52: {  	_ =	shalt  }
0x53: {  	_ =	shalt  }
0x54: {  	_ =	shalt  }
0x55: {  	_ =	shalt  }
0x56: {  	_ =	shalt  }
0x57: {  	_ =	shalt  }
0x58: {  	_ =	shalt  }
0x59: {  	_ =	shalt  }
0x5a: {  	_ =	shalt  }
0x5b: {  	_ =	shalt  }
0x5c: {  	_ =	shalt  }
0x5d: {  	_ =	shalt  }
0x5e: {  	_ =	shalt  }
0x5f: {  	_ =	shalt  }
0x60: {  	_ =	shalt  }
0x61: {  	_ =	shalt  }
0x62: {  	_ =	shalt  }
0x63: {  	_ =	shalt  }
0x64: {  	_ =	shalt  }
0x65: {  	_ =	shalt  }
0x66: {  	_ =	shalt  }
0x67: {  	_ =	shalt  }
0x68: {  	_ =	shalt  }
0x69: {  	_ =	shalt  }
0x6a: {  	_ =	shalt  }
0x6b: {  	_ =	shalt  }
0x6c: {  	_ =	shalt  }
0x6d: {  	_ =	shalt  }
0x6e: {  	_ =	shalt  }
0x6f: {  	_ =	shalt  }
0x70: {  	_ =	shalt  }
0x71: {  	_ =	shalt  }
0x72: {  	_ =	shalt  }
0x73: {  	_ =	shalt  }
0x74: {  	_ =	shalt  }
0x75: {  	_ =	shalt  }
0x76: {  	_ =	shalt  }
0x77: {  	_ =	shalt  }
0x78: {  	_ =	shalt  }
0x79: {  	_ =	shalt  }
0x7a: {  	_ =	shalt  }
0x7b: {  	_ =	shalt  }
0x7c: {  	_ =	shalt  }
0x7d: {  	_ =	shalt  }
0x7e: {  	_ =	shalt  }
0x7f: {  	_ =	shalt  }
0x80: {  	_ =	shalt  }
0x81: {  	_ =	shalt  }
0x82: {  	_ =	shalt  }
0x83: {  	_ =	shalt  }
0x84: {  	_ =	shalt  }
0x85: {  	_ =	shalt  }
0x86: {  	_ =	shalt  }
0x87: {  	_ =	shalt  }
.Lfunc_end0:
.L_simem_size_0:
called_computation.1_lowered:
.L_overlay_start_0:
0x88: {  	s2 =	sld [smem:$0x3FD9]  }
0x89: {  	s3 =	sld [smem:$0x3FFE];
	_ =	sdelay $0x1  }
0x8a: {  	s1 =	srdreg.scid  }
0x8b: {  	s0 =	sand.u32 $0x1, s1  }
0x8c: {  	s17 =	sshll.u32 s0, $0xA;
	s2 =	sadd.s32 s3, s2  }
0x8d: {  	s2 =	sadd.s32 s2, s17  }
0x8e: {  	[smem:$0x3FBF] =	sst s2  }
0x8f: {  	_ = 	snop  }
0x90: {  	(tm) =	ssettm $0x1  }
0x91: {  	s18 =	sld [smem:$0x3FFB];
	_ =	sdelay $0x3  }
0x92: {  	_ =	strace s18  }
0x93: {  	s2 =	sld [smem:$0x3FFC];
	_ =	sdelay $0x3  }
0x94: {  	_ =	strace s2  }
0x95: {  	s2 =	sld [smem:$0x3FFD];
	_ =	sdelay $0x3  }
0x96: {  	_ =	strace s2  }
0x97: {  	_ =	strace $0x8FFFFFFF  }
0x98: {  	s19 =	sld [smem:$0x3FDB];
	_ =	sdelay $0x1  }
0x99: {  	s20 =	simm.s32 $_scs_section_size  }
0x9a: {  	s4 =	simm.s32 $_size__tile_overlayer_lowered;
	s5 =	simm.s32 $_tile_overlayer_lowered  }
0x9b: {  	s6 =	simm.s32 $0x1BFF;
	s21 =	sshll.u32 s5, $0x1;
	s3 =	sadd.s32 s20, s19  }
0x9c: {  	s22 =	simm.s32 $0x0;
	s4 =	sshll.u32 s4, $0x1;
	s5 =	sadd.s32 s21, s3  }
0x9d: {  	[timem:s22], [sflag:s6] =	dma.local [hbm:s5], s4  }
0x9e: {  	_ =	swait.ge [sflag:s6], s4  }
0x9f: {  	s4 =	ssub.s32 $0x0, s4;
	[sflag:s6] =	ssyncset.done $0x0  }
0xa0: {  	[sflag:s6] =	ssyncadd.s32 s4;
	_ =	sdelay $0x1  }
0xa1: {  	s23 =	simm.s32 $0x1B8B  }
0xa2: {  	_ =	swait.ge [sflag:s23], $0x1  }
0xa3: {  	[sflag:s23] =	ssyncset.done $0x0  }
0xa4: {  	[sflag:s23] =	ssyncadd.s32 $0xFFFFFFFF  }
0xa5: {  	s4 =	sld [smem:$0x0]  }
0xa6: {  	s5 =	sand.u32 $0xFFFFFFFE, s1  }
0xa7: {  	p0 =	sne.s32 s1, s5  }
0xa8: {  	s5 =	sshll.u32 @p0 s5, $0xE  }
0xa9: {  	s5 =	sadd.s32 @p0 $0x11B8D, s5;
	s6 =	sshll.u32 @p0 s4, $0x11  }
0xaa: {  	s5 =	sor.u32 @p0 s6, s5  }
0xab: {  	[sflag:s5] =	ssyncadd.remote.s32 @p0 $0x1;
	_ =	sdelay $0x1  }
0xac: {  	s5 =	simm.s32 @p0 $0x1B8D  }
0xad: {  	_ =	swait.eq @p0 [sflag:s5], $0x1  }
0xae: {  	[sflag:s5] =	ssyncadd.s32 @p0 $0xFFFFFFFF  }
0xaf: {  	s6 =	sshll.u32 @!p0 s1, $0xE  }
0xb0: {  	s6 =	sor.u32 @!p0 $0x4000, s6;
	s5 =	simm.s32 @!p0 $0x1B8D  }
0xb1: {  	s4 =	sshll.u32 @!p0 s4, $0x11;
	s6 =	sadd.s32 @!p0 $0x11B8D, s6;
	_ =	swait.eq @!p0 [sflag:s5], $0x1  }
0xb2: {  	s4 =	sor.u32 @!p0 s4, s6;
	[sflag:s5] =	ssyncadd.s32 @!p0 $0xFFFFFFFF  }
0xb3: {  	s25 =	simm.s32 $0x1B8E;
	s24 =	sld [smem:$0x3FFE];
	[sflag:s4] =	ssyncadd.remote.s32 @!p0 $0x1  }
0xb4: {  	s26 =	simm.s32 $execute0_lowered;
	[smem:$0x3FD2] =	sst s25  }
0xb5: {  	s5 =	sshll.u32 s26, $0x1;
	_ =	strace $0x8000004C;
	[dreg:$0x1] =	wrdreg $0xFFFFFFFF  }
0xb6: {  	s28 =	simm.s32 $_size_execute0_lowered;
	s3 =	sadd.s32 s3, s5;
	[dreg:$0x0] =	wrdreg $0x0  }
0xb7: {  	s5 =	sshll.u32 s28, $0x1;
	[dreg:$0x2] =	wrdreg s3  }
0xb8: {  	[dreg:$0x3] =	wrdreg s5  }
0xb9: {  	[dreg:$0x4] =	wrdreg $0xC0  }
0xba: {  	_ =	task [dreg:s22], $0x5FFFF  }
0xbb: {  	[dreg:$0x1] =	wrdreg $0xFFFFFFFF  }
0xbc: {  	[dreg:$0x0] =	wrdreg $0x60  }
0xbd: {  	[dreg:$0x2] =	wrdreg s24  }
0xbe: {  	[dreg:$0x3] =	wrdreg $0xCA000  }
0xbf: {  	[dreg:$0x4] =	wrdreg $0x9  }
0xc0: {  	_ =	task.clear_ibuf [dreg:s22], $0x5FFFF;
	_ =	strace $0x9000004C  }
0xc1: {  	s29 =	simm.s32 $0x9;
	_ =	strace $0x8000004E  }
0xc2: {  	_ =	swait.ge [sflag:s29], $0x1  }
0xc3: {  	[sflag:s29] =	ssyncadd.s32 $0xFFFFFFFF  }
0xc4: {  	_ =	strace $0x9000004E  }
0xc5: {  	_ =	sfence  }
0xc6: {  	s30 =	sld [smem:$0x0];
	_ =	sdelay $0x2  }
0xc7: {  	s31 =	sshll.u32 s1, $0xD;
	s1 =	sshrl.u32 s1, $0x2  }
0xc8: {  	s4 =	sand.u32 $0x4000, s31;
	s1 =	sadd.s32 s1, s30  }
0xc9: {  	s0 =	sor.u32 s4, s0;
	s1 =	sshll.u32 s1, $0x11  }
0xca: {  	s0 =	sor.u32 s1, s0  }
0xcb: {  	s0 =	sadd.s32 $0x8F2B, s0  }
0xcc: {  	[sflag:s0] =	ssyncadd.remote.s32 $0x1  }
0xcd: {  	_ =	sfence.sel $0xFFFF  }
0xce: {  	[dreg:$0x0] =	wrdreg $0xFFFFFFFF;
	(pc) =	sbr.abs _section_cstart, $3  }
0xcf: {  	[dreg:$0x1] =	wrdreg $0xFFFFFFFF  }
0xd0: {  	_ =	task.clear_ibuf [dreg:s22], $0x2FFFF;
	_ =	strace $0x9FFFFFFF  }
0xd1: {  	(tm) =	ssettm $0x7FFFFFFF  }
tec
execute0_lowered:
.L_overlay_start_1:
0x0: {  	(tag) =	ssettag $0x1  }
0x1: {  	s0 =	rddreg [dreg:$0x0]  }
0x2: {  	s1 =	rddreg [dreg:$0x1];
	s3 =	simm.s32 $0x0  }
0x3: {  	s2 =	srdreg.scid;
	s6 =	stileid.u32;
	s18 =	simm.s32 $0x6800  }
0x4: {  	s19 =	simm.s32 $0x5;
	s20 =	simm.s32 $0x2800;
	s21 =	simm.s32 $0x4800  }
0x5: {  	s28 =	simm.s32 $0x3;
	s29 =	simm.s32 $0x4;
	s30 =	simm.s32 $0x0  }
0x6: {  	[smem:$0x7FF] =	sst s3;
	s4 =	sadd.s32 $0x10A00, s0;
	s2 =	sand.u32 $0x1, s2  }
0x7: {  	s9 =	smul.u32 $0x6200, s6;
	s5 =	sadd.s32 $0x5BA00, s0;
	s10 =	sshll.u32 s6, $0x1  }
0x8: {  	s6 =	sadd.s32 $0x74A00, s0;
	s7 =	sadd.s32 $0x8DA00, s0;
	s8 =	smul.u32 $0x62000, s2  }
0x9: {  	_ =	strace $0x8000004D;
	s10 =	sor.u32 s2, s10;
	s2 =	ssub.s32 $0x2, s2  }
0xa: {  	s10 =	smul.u32 $0x6400, s10;
	s12 =	sshrl.u32 s2, $0x1;
	s11 =	sadd.s32 s9, s8  }
0xb: {  	s8 =	sadd.s32 $0x29A00, s0;
	s2 =	ssub.s32 s2, s12;
	s9 =	sadd.s32 s9, s1  }
0xc: {  	s11 =	sshrl.u32 s11, $0x3;
	s24 =	sshrl.u32 s10, $0x3;
	s15 =	sadd.s32 $0x400, s10  }
0xd: {  	s17 =	smax.u32 s2, $0x1;
	s0 =	sadd.s32 s11, s0;
	s25 =	sadd.s32 s8, s24  }
0xe: {  	s26 =	sadd.s32 s4, s24;
	s31 =	sadd.s32 s5, s24;
	[dreg:$0x3] =	wrdreg s25  }
0xf: {  	v0 =	vlaneseq.u32;
	s13 =	sadd.s32 s6, s24;
	s14 =	sadd.s32 s7, s24;
	[dreg:$0x4] =	wrdreg s26  }
0x10: {  	v1 =	vimm.f32 $0.0e+00;
	v2 =	vmul.u32 $0x8, v0;
	[dreg:$0x5] =	wrdreg s31;
	s16 =	sadd.s32 $0x42A00, s0;
	s26 =	simm.s32 $0x400  }
.LBB2_1:
0x11: {  	s0 =	simm.s32 $0x10;
	v3 =	vor.u32 s3, v0  }
.LBB2_2:
0x12: {  	p0 =	sne.s32 s0, $0x61F0  }
.Ltmp0:
0x13: {  	_ = 	snop;
	(pc) =	sbr.rel @p0 .LBB2_2-.Ltmp0, $3  }
0x14: {  	_ =	sdelay $0x1  }
0x15: {  	[tilespmem:v3+s18+$0x0] =	vst.idx.msk $0xffff, v1;
	s2 =	smov.u32 s0;
	s0 =	sadd.s32 $0x10, s0  }
0x16: {  	v3 =	vor.u32 s2, v0  }
0x17: {  	_ =	sdelay $0x3  }
0x18: {  	[tilespmem:v3+s18+$0x0] =	vst.idx.msk $0xffff, v1  }
0x19: {  	[spmem:s9] =	stream.linear.scatter [tilespmem:s18], [sflag:$0x5], $0x6200, $0x38;
	[tilespmem:$0x12C00] =	vst v63  }
0x1a: {  	_ =	swait.ge [sflag:s19], $0x6200  }
0x1b: {  	s0 =	simm.s32 $0x0;
	[sflag:s19] =	ssyncset.done $0x0  }
0x1c: {  	s2 =	simm.s32 $0x10;
	v3 =	vor.u32 s0, v0;
	[sflag:s19] =	ssyncadd.s32 $0xFFFF9E00  }
.LBB2_4:
0x1d: {  	p0 =	sne.s32 s2, $0x1FF0  }
.Ltmp1:
0x1e: {  	_ = 	snop;
	(pc) =	sbr.rel @p0 .LBB2_4-.Ltmp1, $3  }
0x1f: {  	_ =	sdelay $0x1  }
0x20: {  	[tilespmem:v3+s20+$0x0] =	vst.idx.msk $0xffff, v1;
	s10 =	smov.u32 s2;
	s2 =	sadd.s32 $0x10, s2  }
0x21: {  	v3 =	vor.u32 s10, v0  }
0x22: {  	_ =	sdelay $0x3  }
0x23: {  	[tilespmem:v3+s20+$0x0] =	vst.idx.msk $0xffff, v1;
	s2 =	simm.s32 $0x10;
	v3 =	vor.u32 s0, v0  }
.LBB2_6:
0x24: {  	p0 =	sne.s32 s2, $0x1FF0  }
.Ltmp2:
0x25: {  	_ = 	snop;
	(pc) =	sbr.rel @p0 .LBB2_6-.Ltmp2, $3  }
0x26: {  	_ =	sdelay $0x1  }
0x27: {  	[tilespmem:v3+s21+$0x0] =	vst.idx.msk $0xffff, v1;
	s0 =	smov.u32 s2;
	s2 =	sadd.s32 $0x10, s2  }
0x28: {  	v3 =	vor.u32 s0, v0  }
0x29: {  	_ =	sdelay $0x3  }
0x2a: {  	[tilespmem:v3+s21+$0x0] =	vst.idx.msk $0xffff, v1  }
0x2b: {  	[bflag:$0x0] =	sbarrier.arrive $0xFFFF  }
0x2c: {  	s31 =	simm.s32 $0x0;
	s0 =	rddreg [dreg:$0x3]  }
0x2d: {  	[tilespmem:s31], [sflag:$0x1] =	stream.linear.gather [hbm4b:s0+s31], $0x400, $0x38;
	[tilespmem:$0x12C00] =	vst v63  }
0x2e: {  	s2 =	simm.s32 $0x800;
	s12 =	rddreg [dreg:$0x4]  }
0x2f: {  	[tilespmem:s2], [sflag:$0x1] =	stream.linear.gather [hbm4b:s12+s31], $0x400, $0x38;
	[tilespmem:$0x12C00] =	vst v63  }
0x30: {  	s23 =	simm.s32 $0x1000;
	s22 =	rddreg [dreg:$0x5]  }
0x31: {  	[tilespmem:s23], [sflag:$0x1] =	stream.linear.gather [hbm4b:s22+s31], $0x400, $0x38;
	[tilespmem:$0x12C00] =	vst v63  }
0x32: {  	s24 =	simm.s32 $0x1800  }
0x33: {  	[tilespmem:s24], [sflag:$0x1] =	stream.linear.gather [hbm4b:s13+s31], $0x400, $0x38;
	[tilespmem:$0x12C00] =	vst v63  }
0x34: {  	s25 =	simm.s32 $0x2000;
	p0 =	por $0x0, $0x0  }
0x35: {  	[tilespmem:s25], [sflag:$0x1] =	stream.linear.gather [hbm4b:s14+s31], $0x400, $0x38;
	[tilespmem:$0x12C00] =	vst v63  }
.LBB2_8:
0x36: {  	s0 =	sand.u32 $0x1, s31  }
0x37: {  	s10 =	sadd.s32 $0x1, s0  }
0x38: {  	_ =	swait.ge [sflag:s10], $0x400  }
0x39: {  	[sflag:s10] =	ssyncset.done $0x0  }
0x3a: {  	[sflag:s10] =	ssyncadd.s32 $0xFFFFFC00  }
0x3b: {  	_ =	swait.ge [sflag:s10], $0x400  }
0x3c: {  	[sflag:s10] =	ssyncset.done $0x0  }
0x3d: {  	[sflag:s10] =	ssyncadd.s32 $0xFFFFFC00  }
0x3e: {  	_ =	swait.ge [sflag:s10], $0x400  }
0x3f: {  	[sflag:s10] =	ssyncset.done $0x0  }
0x40: {  	[sflag:s10] =	ssyncadd.s32 $0xFFFFFC00  }
0x41: {  	p1 =	seq.s32 s31, $0x0;
	_ =	swait.ge [sflag:s10], $0x400  }
.Ltmp3:
0x42: {  	[sflag:s10] =	ssyncset.done $0x0;
	(pc) =	sbr.rel @p1 .LBB2_11-.Ltmp3, $4  }
0x43: {  	[sflag:s10] =	ssyncadd.s32 $0xFFFFFC00  }
0x44: {  	_ =	swait.ge [sflag:s10], $0x400  }
0x45: {  	[sflag:s10] =	ssyncset.done $0x0  }
0x46: {  	s2 =	sxor.u32 $0x1, s0;
	[sflag:s10] =	ssyncadd.s32 $0xFFFFFC00  }
0x47: {  	p1 =	seq.s32 s31, $0x18  }
.Ltmp4:
0x48: {  	_ = 	snop;
	(pc) =	sbr.rel @p1 .LBB2_12-.Ltmp4, $1  }
0x49: {  	_ =	sdelay $0x3  }
0x4a: {  	s10 =	sadd.s32 $0x3, s2  }
0x4b: {  	_ =	swait.ge [sflag:s10], $0x2000  }
0x4c: {  	[sflag:s10] =	ssyncset.done $0x0  }
0x4d: {  	[sflag:s10] =	ssyncadd.s32 $0xFFFFE000  }
.LBB2_11:
0x4e: {  	s10 =	sshll.u32 s31, $0xA  }
0x4f: {  	s10 =	sadd.s32 s10, s15  }
0x50: {  	s10 =	sshrl.u32 s10, $0x3  }
0x51: {  	s11 =	sadd.s32 $0x1, s2;
	s2 =	sshll.u32 s2, $0xA;
	s22 =	sadd.s32 s8, s10  }
0x52: {  	[tilespmem:s2], [sflag:s11] =	stream.linear.gather [hbm4b:s22+s3], $0x400, $0x38;
	[tilespmem:$0x12C00] =	vst v63  }
0x53: {  	s24 =	sor.u32 $0x800, s2;
	s23 =	sadd.s32 s4, s10  }
0x54: {  	[tilespmem:s24], [sflag:s11] =	stream.linear.gather [hbm4b:s23+s3], $0x400, $0x38;
	[tilespmem:$0x12C00] =	vst v63  }
0x55: {  	s25 =	sor.u32 $0x1000, s2;
	s12 =	sadd.s32 s5, s10  }
0x56: {  	[tilespmem:s25], [sflag:s11] =	stream.linear.gather [hbm4b:s12+s3], $0x400, $0x38;
	[tilespmem:$0x12C00] =	vst v63  }
0x57: {  	s24 =	sor.u32 $0x1800, s2;
	s25 =	sadd.s32 s6, s10  }
0x58: {  	[tilespmem:s24], [sflag:s11] =	stream.linear.gather [hbm4b:s25+s3], $0x400, $0x38;
	[tilespmem:$0x12C00] =	vst v63  }
0x59: {  	s2 =	sor.u32 $0x2000, s2;
	s10 =	sadd.s32 s7, s10  }
0x5a: {  	[tilespmem:s2], [sflag:s11] =	stream.linear.gather [hbm4b:s10+s3], $0x400, $0x38;
	[tilespmem:$0x12C00] =	vst v63  }
.LBB2_12:
0x5b: {  	s2 =	simm.s32 $0x1  }
0x5c: {  	s2 =	simm.s32 @!p0 $0x0  }
0x5d: {  	s10 =	sshll.u32 s2, $0xA  }
0x5e: {  	s2 =	sor.u32 $0x1000, s10  }
0x5f: {  	s11 =	simm.s32 $0x0;
	s22 =	sor.u32 $0x800, s10;
	v3 =	vld [tilespmem:s2+$0x0]  }
0x60: {  	v4 =	vmov s11;
	v5 =	vld [tilespmem:s22+$0x0]  }
0x61: {  	v4 =	vshll.u32 v4, $0x3  }
0x62: {  	v4 =	vor.u32 v2, v4;
	_ =	sdelay $0x2  }
0x63: {  	s25 =	sshll.u32 s0, $0xD;
	v3 =	vmul.f32 v3, v5  }
0x64: {  	s23 =	sadd.s32 $0x2800, s25  }
0x65: {  	s24 =	sor.u32 $0x1800, s10;
	[tilespmem:v4+s23+$0x0] =	vst.idx.msk $0xffff, v3  }
0x66: {  	v3 =	vld [tilespmem:s24+$0x0];
	_ =	sdelay $0x1  }
0x67: {  	v6 =	vor.u32 $0x1, v4;
	_ =	sdelay $0x2  }
0x68: {  	v3 =	vmul.f32 v3, v5;
	_ =	sdelay $0x1  }
0x69: {  	s12 =	sor.u32 $0x2000, s10;
	[tilespmem:v6+s23+$0x0] =	vst.idx.msk $0xffff, v3  }
0x6a: {  	v6 =	vld [tilespmem:s12+$0x0];
	_ =	sdelay $0x1  }
0x6b: {  	v3 =	vor.u32 $0x2, v4;
	_ =	sdelay $0x2  }
0x6c: {  	v4 =	vmul.f32 v6, v5  }
0x6d: {  	s25 =	sshll.u32 s0, $0xA;
	s10 =	simm.s32 $0x10;
	s11 =	sadd.s32 $0x10, s12  }
.LBB2_13:
0x6e: {  	[tilespmem:v3+s23+$0x0] =	vst.idx.msk $0xffff, v4;
	s22 =	sadd.s32 $0x10, s22;
	s2 =	sadd.s32 $0x10, s2;
	s24 =	sadd.s32 $0x10, s24  }
0x6f: {  	p1 =	sne.s32 s10, $0x3F0;
	s12 =	smov.u32 s10;
	s10 =	sadd.s32 $0x10, s10;
	v3 =	vld [tilespmem:s2+$0x0]  }
0x70: {  	v4 =	vmov s12;
	v5 =	vld [tilespmem:s22+$0x0]  }
0x71: {  	v4 =	vshll.u32 v4, $0x3  }
0x72: {  	v4 =	vor.u32 v2, v4;
	_ =	sdelay $0x2  }
0x73: {  	v3 =	vmul.f32 v3, v5;
	_ =	sdelay $0x1  }
0x74: {  	[tilespmem:v4+s23+$0x0] =	vst.idx.msk $0xffff, v3  }
0x75: {  	v3 =	vld [tilespmem:s24+$0x0];
	_ =	sdelay $0x1  }
0x76: {  	v6 =	vor.u32 $0x1, v4;
	_ =	sdelay $0x2  }
0x77: {  	v3 =	vmul.f32 v3, v5;
	_ =	sdelay $0x1  }
0x78: {  	[tilespmem:v6+s23+$0x0] =	vst.idx.msk $0xffff, v3  }
0x79: {  	v6 =	vld [tilespmem:s11+$0x0];
	_ =	sdelay $0x1  }
.Ltmp5:
0x7a: {  	v3 =	vor.u32 $0x2, v4;
	(pc) =	sbr.rel @p1 .LBB2_13-.Ltmp5, $3  }
0x7b: {  	_ =	sdelay $0x1  }
0x7c: {  	v4 =	vmul.f32 v6, v5  }
0x7d: {  	s11 =	sadd.s32 $0x10, s11  }
0x7e: {  	s31 =	sadd.s32 $0x1, s31  }
0x7f: {  	p1 =	sne.s32 s31, $0x19  }
.Ltmp6:
0x80: {  	_ = 	snop;
	(pc) =	sbr.rel @p1 .LBB2_8-.Ltmp6, $3  }
0x81: {  	_ =	sdelay $0x1  }
0x82: {  	[tilespmem:v3+s23+$0x0] =	vst.idx.msk $0xffff, v4;
	s0 =	sadd.s32 $0x3, s0;
	p0 =	por !p0, !p0  }
0x83: {  	[spmem:s1] =	stream.indirect.scatter.add.f32 [tilespmem:s23], [sflag:s0], $0x8, s25, s26, $0xb8;
	[tilespmem:$0x12C00] =	vst v63  }
0x84: {  	_ =	swait.ge [sflag:s28], $0x2000  }
0x85: {  	[sflag:s28] =	ssyncset.done $0x0  }
0x86: {  	[sflag:s28] =	ssyncadd.s32 $0xFFFFE000  }
0x87: {  	s0 =	stileid.u32;
	_ =	swait.ge [sflag:s29], $0x2000  }
0x88: {  	s2 =	sshrl.u32 s9, $0x3;
	s30 =	sadd.s32 $0x1, s30;
	[sflag:s29] =	ssyncset.done $0x0  }
0x89: {  	s0 =	sshll.u32 s0, $0x6;
	p0 =	sne.s32 s30, s17;
	[sflag:s29] =	ssyncadd.s32 $0xFFFFE000  }
.Ltmp7:
0x8a: {  	s0 =	sor.u32 $0x1C05, s0;
	[bflag:$0x0] =	sbarrier.arrive $0xFFFF;
	(pc) =	sbr.rel @p0 .LBB2_1-.Ltmp7, $4  }
0x8b: {  	[hbm:s16], [sflag:s0] =	dma.local [spmem:s2], $0xC40  }
0x8c: {  	_ =	swait.ge [sflag:s19], $0xC40  }
0x8d: {  	[sflag:s19] =	ssyncset.done $0x0  }
0x8e: {  	[sflag:s19] =	ssyncadd.s32 $0xFFFFF3C0  }
0x8f: {  	_ =	sfence.sel $0x180000  }
0x90: {  	[bflag:$0x0] =	sbarrier.arrive $0xFFFF  }
0x91: {  	_ =	strace $0x9000004D  }
0x92: {  	s0 =	stileid.u32;
	[bflag:$0x2] =	sbarrier.arrive $0xFFFF  }
0x93: {  	p0 =	sne.s32 s0, $0x0;
	s0 =	rddreg [dreg:$0x2]  }
0x94: {  	s0 =	sadd.s32 @!p0 $0x100000, s0  }
0x95: {  	[sflag:s0] =	ssyncadd.tile.s32 @!p0 $0x1;
	_ =	shalt  }
.Lfunc_end2:
_tile_overlayer_lowered:
.L_overlay_start_2:
0x96: {  	(tag) =	ssettag $0x2  }
0x97: {  	s0 =	rddreg [dreg:$0x0];
	s2 =	stileid.u32  }
0x98: {  	s1 =	rddreg [dreg:$0x1];
	p0 =	sne.s32 s2, $0x0  }
0x99: {  	s3 =	rddreg [dreg:$0x2];
	[bflag:$0x3] =	sbarrier.arrive $0xFFFF;
	s2 =	simm.s32 @!p0 $0x1C05  }
0x9a: {  	[timem:s3], [sflag:s2] =	dma.local @!p0 [hbm:s0], s1  }
0x9b: {  	s0 =	simm.s32 @!p0 $0x5  }
0x9c: {  	_ =	swait.ge @!p0 [sflag:s0], s1  }
0x9d: {  	s1 =	ssub.s32 @!p0 $0x0, s1;
	[sflag:s0] =	ssyncset.done @!p0 $0x0  }
0x9e: {  	[sflag:s0] =	ssyncadd.s32 @!p0 s1  }
0x9f: {  	[bflag:$0x3] =	sbarrier.arrive $0xFFFF  }
0xa0: {  	_ =	shalt  }

// kernel: kernel.15.cloned.1.call-start
scs
__scs_entry_jumppad:
0x0: {  	(pc) =	sbr.rel $0x88, $3  }
0x1: {  	(tag) =	ssettag $0x0;
	lr =	simm.s32 $0x1  }
0x2: {  	[smem:$0x3F98] =	sst lr;
	_ =	strace $0xD0000000  }
0x3: {  	_ = 	snop  }
0x4: {  	_ = 	snop  }
0x5: {  	_ = 	snop  }
0x6: {  	_ = 	snop  }
0x7: {  	_ = 	snop  }
__scs_overlays_trampoline_lowered:
0x8: {  	[smem:$0x3FA7] =	sst s0  }
0x9: {  	[smem:$0x3FA8] =	sst s1  }
0xa: {  	[smem:$0x3FA9] =	sst s2  }
0xb: {  	[smem:$0x3FAA] =	sst s3  }
0xc: {  	[smem:$0x3FAB] =	sst s4  }
0xd: {  	[smem:$0x3FAC] =	sst s5  }
0xe: {  	[smem:$0x3FAD] =	sst s6  }
0xf: {  	[smem:$0x3FAE] =	sst s7  }
0x10: {  	[smem:$0x3FAF] =	sst s8  }
0x11: {  	[smem:$0x3FB0] =	sst s9;
	s0 =	simm.s32 @!p0 $0x0  }
0x12: {  	s1 =	sld [smem:$0x3F96];
	s0 =	simm.s32 @p0 $0x1  }
0x13: {  	[smem:$0x3FB1] =	sst s0;
	s0 =	simm.s32 @!p1 $0x0  }
0x14: {  	s2 =	sld [smem:$0x3F95];
	s0 =	simm.s32 @p1 $0x1  }
0x15: {  	[smem:$0x3FB2] =	sst s0;
	s0 =	simm.s32 @!p2 $0x0  }
0x16: {  	s3 =	sld [smem:$0x3FDB];
	s0 =	simm.s32 @p2 $0x1  }
0x17: {  	s4 =	simm.s32 $0x1BF5;
	[smem:$0x3FB4] =	sst s0  }
0x18: {  	s0 =	sld [smem:$0x3F97];
	_ =	swait.ge [sflag:s4], $0x0  }
0x19: {  	s7 =	sld [smem:$0x3F98]  }
0x1a: {  	s8 =	sadd.s32 $0xFFFFE003, lr  }
0x1b: {  	s9 =	sadd.s32 $0xFFFFFEF7, lr;
	s5 =	simm.s32 $0xFFFFFFFF;
	p2 =	slt.u32 s8, $0xFFFFF086  }
0x1c: {  	p1 =	slt.u32 s9, $0xF7A;
	s5 =	simm.s32 @!p2 $0x0  }
0x1d: {  	s5 =	simm.s32 @p1 $0x1;
	p0 =	seq.s32 s7, s2  }
0x1e: {  	s7 =	smul.u32 @!p0 $0xF7A, s2;
	p2 =	seq.s32 @!p0 s5, $0x0  }
0x1f: {  	s9 =	smul.u32 $0xF7A, s1;
	s8 =	simm.s32 @!p0 $0x1BF5;
	p2 =	por !p2, p0  }
0x20: {  	[sflag:s8] =	ssyncset.s32 @!p0 $0xFFFFF086;
	s6 =	sadd.s32 @!p0 s3, s7;
	s7 =	simm.s32 @!p0 $0x108  }
0x21: {  	s3 =	sadd.s32 s3, s9;
	s6 =	sadd.s32 @!p0 $0x88, s6;
	s7 =	simm.s32 @p2 $0x1082  }
0x22: {  	[simem:s7], [sflag:s8] =	dma.local @!p0 [hbm:s6], $0xF7A  }
0x23: {  	s9 =	sor.u32 $0xD0000000, s2;
	s6 =	simm.s32 $0x108;
	_ =	swait.ge @!p0 [sflag:s8], $0x0  }
0x24: {  	s3 =	sadd.s32 $0x88, s3;
	s6 =	simm.s32 @!p1 $0x1082;
	[sflag:s4] =	ssyncset.s32 $0xFFFFF086  }
0x25: {  	[simem:s6], [sflag:s4] =	dma.local [hbm:s3], $0xF7A  }
0x26: {  	[smem:$0x3F98] =	sst s1;
	(tag) =	ssettag s2;
	_ =	strace s9  }
0x27: {  	s1 =	sld [smem:$0x3FA8]  }
0x28: {  	s2 =	sld [smem:$0x3FA9]  }
0x29: {  	s4 =	sld [smem:$0x3FAB]  }
0x2a: {  	p0 =	seq.s32 s5, $0x0;
	s5 =	sld [smem:$0x3FAC]  }
0x2b: {  	s6 =	sld [smem:$0x3FAD]  }
0x2c: {  	s7 =	sld [smem:$0x3FAE]  }
0x2d: {  	s3 =	simm.s32 $0x108;
	s8 =	sld [smem:$0x3FAF]  }
0x2e: {  	s3 =	simm.s32 @!p0 $0x1082;
	s9 =	sld [smem:$0x3FB0]  }
0x2f: {  	lr =	sadd.s32 s0, s3;
	s0 =	sld [smem:$0x3FA7]  }
0x30: {  	s3 =	sld [smem:$0x3FAA]  }
0x31: {  	[smem:$0x3FB3] =	sst s10  }
0x32: {  	s10 =	sld [smem:$0x3FB1];
	_ =	sdelay $0x3  }
0x33: {  	p0 =	seq.s32 s10, $0x1;
	s10 =	sld [smem:$0x3FB3];
	_ =	sdelay $0x3  }
0x34: {  	[smem:$0x3FB3] =	sst s10  }
0x35: {  	s10 =	sld [smem:$0x3FB2];
	_ =	sdelay $0x3  }
0x36: {  	p1 =	seq.s32 s10, $0x1;
	s10 =	sld [smem:$0x3FB3];
	_ =	sdelay $0x3  }
0x37: {  	[smem:$0x3FB3] =	sst s10  }
0x38: {  	s10 =	sld [smem:$0x3FB4]  }
0x39: {  	_ = 	snop;
	(pc) =	sbr.ind lr, $3  }
0x3a: {  	_ = 	snop  }
0x3b: {  	_ = 	snop  }
0x3c: {  	p2 =	seq.s32 s10, $0x1;
	s10 =	sld [smem:$0x3FB3]  }
0x3d: {  	_ =	shalt  }
0x3e: {  	_ =	shalt  }
0x3f: {  	_ =	shalt  }
0x40: {  	_ =	shalt  }
0x41: {  	_ =	shalt  }
0x42: {  	_ =	shalt  }
0x43: {  	_ =	shalt  }
0x44: {  	_ =	shalt  }
0x45: {  	_ =	shalt  }
0x46: {  	_ =	shalt  }
0x47: {  	_ =	shalt  }
0x48: {  	_ =	shalt  }
0x49: {  	_ =	shalt  }
0x4a: {  	_ =	shalt  }
0x4b: {  	_ =	shalt  }
0x4c: {  	_ =	shalt  }
0x4d: {  	_ =	shalt  }
0x4e: {  	_ =	shalt  }
0x4f: {  	_ =	shalt  }
0x50: {  	_ =	shalt  }
0x51: {  	_ =	shalt  }
0x52: {  	_ =	shalt  }
0x53: {  	_ =	shalt  }
0x54: {  	_ =	shalt  }
0x55: {  	_ =	shalt  }
0x56: {  	_ =	shalt  }
0x57: {  	_ =	shalt  }
0x58: {  	_ =	shalt  }
0x59: {  	_ =	shalt  }
0x5a: {  	_ =	shalt  }
0x5b: {  	_ =	shalt  }
0x5c: {  	_ =	shalt  }
0x5d: {  	_ =	shalt  }
0x5e: {  	_ =	shalt  }
0x5f: {  	_ =	shalt  }
0x60: {  	_ =	shalt  }
0x61: {  	_ =	shalt  }
0x62: {  	_ =	shalt  }
0x63: {  	_ =	shalt  }
0x64: {  	_ =	shalt  }
0x65: {  	_ =	shalt  }
0x66: {  	_ =	shalt  }
0x67: {  	_ =	shalt  }
0x68: {  	_ =	shalt  }
0x69: {  	_ =	shalt  }
0x6a: {  	_ =	shalt  }
0x6b: {  	_ =	shalt  }
0x6c: {  	_ =	shalt  }
0x6d: {  	_ =	shalt  }
0x6e: {  	_ =	shalt  }
0x6f: {  	_ =	shalt  }
0x70: {  	_ =	shalt  }
0x71: {  	_ =	shalt  }
0x72: {  	_ =	shalt  }
0x73: {  	_ =	shalt  }
0x74: {  	_ =	shalt  }
0x75: {  	_ =	shalt  }
0x76: {  	_ =	shalt  }
0x77: {  	_ =	shalt  }
0x78: {  	_ =	shalt  }
0x79: {  	_ =	shalt  }
0x7a: {  	_ =	shalt  }
0x7b: {  	_ =	shalt  }
0x7c: {  	_ =	shalt  }
0x7d: {  	_ =	shalt  }
0x7e: {  	_ =	shalt  }
0x7f: {  	_ =	shalt  }
0x80: {  	_ =	shalt  }
0x81: {  	_ =	shalt  }
0x82: {  	_ =	shalt  }
0x83: {  	_ =	shalt  }
0x84: {  	_ =	shalt  }
0x85: {  	_ =	shalt  }
0x86: {  	_ =	shalt  }
0x87: {  	_ =	shalt  }
.Lfunc_end0:
.L_simem_size_0:
called_computation.2_lowered:
.L_overlay_start_0:
0x88: {  	s2 =	sld [smem:$0x3FD9]  }
0x89: {  	s3 =	sld [smem:$0x3FFE];
	_ =	sdelay $0x1  }
0x8a: {  	s1 =	srdreg.scid  }
0x8b: {  	s0 =	sand.u32 $0x1, s1  }
0x8c: {  	s17 =	sshll.u32 s0, $0xA;
	s2 =	sadd.s32 s3, s2  }
0x8d: {  	s2 =	sadd.s32 s2, s17  }
0x8e: {  	[smem:$0x3FBF] =	sst s2  }
0x8f: {  	_ = 	snop  }
0x90: {  	(tm) =	ssettm $0x1  }
0x91: {  	s18 =	sld [smem:$0x3FFB];
	_ =	sdelay $0x3  }
0x92: {  	_ =	strace s18  }
0x93: {  	s2 =	sld [smem:$0x3FFC];
	_ =	sdelay $0x3  }
0x94: {  	_ =	strace s2  }
0x95: {  	s2 =	sld [smem:$0x3FFD];
	_ =	sdelay $0x3  }
0x96: {  	_ =	strace s2  }
0x97: {  	_ =	strace $0x8FFFFFFF  }
0x98: {  	s19 =	sld [smem:$0x3FDB];
	_ =	sdelay $0x1  }
0x99: {  	s20 =	simm.s32 $_scs_section_size  }
0x9a: {  	s4 =	simm.s32 $_size__tile_overlayer_lowered;
	s5 =	simm.s32 $_tile_overlayer_lowered  }
0x9b: {  	s6 =	simm.s32 $0x1BFF;
	s21 =	sshll.u32 s5, $0x1;
	s3 =	sadd.s32 s20, s19  }
0x9c: {  	s22 =	simm.s32 $0x0;
	s4 =	sshll.u32 s4, $0x1;
	s5 =	sadd.s32 s21, s3  }
0x9d: {  	[timem:s22], [sflag:s6] =	dma.local [hbm:s5], s4  }
0x9e: {  	_ =	swait.ge [sflag:s6], s4  }
0x9f: {  	s4 =	ssub.s32 $0x0, s4;
	[sflag:s6] =	ssyncset.done $0x0  }
0xa0: {  	[sflag:s6] =	ssyncadd.s32 s4;
	_ =	sdelay $0x1  }
0xa1: {  	s23 =	simm.s32 $0x1B8B  }
0xa2: {  	_ =	swait.ge [sflag:s23], $0x1  }
0xa3: {  	[sflag:s23] =	ssyncset.done $0x0  }
0xa4: {  	[sflag:s23] =	ssyncadd.s32 $0xFFFFFFFF  }
0xa5: {  	s4 =	sld [smem:$0x0]  }
0xa6: {  	s5 =	sand.u32 $0xFFFFFFFE, s1  }
0xa7: {  	p0 =	sne.s32 s1, s5  }
0xa8: {  	s5 =	sshll.u32 @p0 s5, $0xE  }
0xa9: {  	s5 =	sadd.s32 @p0 $0x11B8D, s5;
	s6 =	sshll.u32 @p0 s4, $0x11  }
0xaa: {  	s5 =	sor.u32 @p0 s6, s5  }
0xab: {  	[sflag:s5] =	ssyncadd.remote.s32 @p0 $0x1;
	_ =	sdelay $0x1  }
0xac: {  	s5 =	simm.s32 @p0 $0x1B8D  }
0xad: {  	_ =	swait.eq @p0 [sflag:s5], $0x1  }
0xae: {  	[sflag:s5] =	ssyncadd.s32 @p0 $0xFFFFFFFF  }
0xaf: {  	s6 =	sshll.u32 @!p0 s1, $0xE  }
0xb0: {  	s6 =	sor.u32 @!p0 $0x4000, s6;
	s5 =	simm.s32 @!p0 $0x1B8D  }
0xb1: {  	s4 =	sshll.u32 @!p0 s4, $0x11;
	s6 =	sadd.s32 @!p0 $0x11B8D, s6;
	_ =	swait.eq @!p0 [sflag:s5], $0x1  }
0xb2: {  	s4 =	sor.u32 @!p0 s4, s6;
	[sflag:s5] =	ssyncadd.s32 @!p0 $0xFFFFFFFF  }
0xb3: {  	s25 =	simm.s32 $0x1B8E;
	s24 =	sld [smem:$0x3FFE];
	[sflag:s4] =	ssyncadd.remote.s32 @!p0 $0x1  }
0xb4: {  	s26 =	simm.s32 $execute0_lowered;
	[smem:$0x3FD2] =	sst s25  }
0xb5: {  	s5 =	sshll.u32 s26, $0x1;
	_ =	strace $0x80000049;
	[dreg:$0x1] =	wrdreg $0xFFFFFFFF  }
0xb6: {  	s28 =	simm.s32 $_size_execute0_lowered;
	s3 =	sadd.s32 s3, s5;
	[dreg:$0x0] =	wrdreg $0x0  }
0xb7: {  	s5 =	sshll.u32 s28, $0x1;
	[dreg:$0x2] =	wrdreg s3  }
0xb8: {  	[dreg:$0x3] =	wrdreg s5  }
0xb9: {  	[dreg:$0x4] =	wrdreg $0xC0  }
0xba: {  	_ =	task [dreg:s22], $0x5FFFF  }
0xbb: {  	[dreg:$0x1] =	wrdreg $0xFFFFFFFF  }
0xbc: {  	[dreg:$0x0] =	wrdreg $0x60  }
0xbd: {  	[dreg:$0x2] =	wrdreg s24  }
0xbe: {  	[dreg:$0x3] =	wrdreg $0xA  }
0xbf: {  	_ =	task.clear_ibuf [dreg:s22], $0x4FFFF;
	_ =	strace $0x90000049  }
0xc0: {  	s29 =	simm.s32 $0xA;
	_ =	strace $0x8000004B  }
0xc1: {  	_ =	swait.ge [sflag:s29], $0x1  }
0xc2: {  	[sflag:s29] =	ssyncadd.s32 $0xFFFFFFFF  }
0xc3: {  	_ =	strace $0x9000004B  }
0xc4: {  	_ =	sfence  }
0xc5: {  	s30 =	sld [smem:$0x0];
	_ =	sdelay $0x2  }
0xc6: {  	s31 =	sshll.u32 s1, $0xD;
	s1 =	sshrl.u32 s1, $0x2  }
0xc7: {  	s4 =	sand.u32 $0x4000, s31;
	s1 =	sadd.s32 s1, s30  }
0xc8: {  	s0 =	sor.u32 s4, s0;
	s1 =	sshll.u32 s1, $0x11  }
0xc9: {  	s0 =	sor.u32 s1, s0  }
0xca: {  	s0 =	sadd.s32 $0x8F2B, s0  }
0xcb: {  	[sflag:s0] =	ssyncadd.remote.s32 $0x1  }
0xcc: {  	_ =	sfence.sel $0xFFFF  }
0xcd: {  	[dreg:$0x0] =	wrdreg $0xFFFFFFFF;
	(pc) =	sbr.abs _section_cstart, $3  }
0xce: {  	[dreg:$0x1] =	wrdreg $0xFFFFFFFF  }
0xcf: {  	_ =	task.clear_ibuf [dreg:s22], $0x2FFFF;
	_ =	strace $0x9FFFFFFF  }
0xd0: {  	(tm) =	ssettm $0x7FFFFFFF  }
0xd1: {  	_ =	shalt  }
tec
execute0_lowered:
.L_overlay_start_1:
0x0: {  	(tag) =	ssettag $0x1  }
0x1: {  	s0 =	rddreg [dreg:$0x0];
	s2 =	simm.s32 $0x0;
	s1 =	srdreg.scid  }
0x2: {  	s3 =	stileid.u32;
	[smem:$0x7FF] =	sst s2;
	s1 =	sand.u32 $0x1, s1  }
0x3: {  	s4 =	sshll.u32 s3, $0x1;
	s3 =	sadd.s32 $0x4600, s0;
	s5 =	sadd.s32 $0xA6A00, s0  }
0x4: {  	s7 =	sadd.s32 $0xD8A00, s0;
	s6 =	sor.u32 s1, s4;
	s1 =	ssub.s32 $0x2, s1  }
0x5: {  	s8 =	sadd.s32 $0xF1A00, s0;
	s6 =	smul.u32 $0x6400, s6;
	s11 =	sshrl.u32 s1, $0x1  }
0x6: {  	s9 =	sadd.s32 $0x10AA00, s0;
	s10 =	sadd.s32 $0x123A00, s0;
	s26 =	ssub.s32 s1, s11  }
0x7: {  	s4 =	sadd.s32 $0xBFA00, s0;
	s12 =	sshrl.u32 s6, $0x3;
	s0 =	smax.u32 s26, $0x1  }
0x8: {  	_ =	strace $0x8000004A;
	s29 =	sadd.s32 s4, s12;
	[dreg:$0x6] =	wrdreg s0  }
0x9: {  	s28 =	sadd.s32 $0x80, s12;
	s30 =	sadd.s32 s5, s12;
	[dreg:$0x2] =	wrdreg s29  }
0xa: {  	s23 =	simm.s32 $0x6;
	[dreg:$0x3] =	wrdreg s30;
	s31 =	sadd.s32 s4, s28  }
0xb: {  	v0 =	vlaneseq.u32;
	s24 =	simm.s32 $0x5;
	s1 =	sadd.s32 s5, s28;
	[dreg:$0x4] =	wrdreg s31  }
0xc: {  	s25 =	simm.s32 $0x0;
	v0 =	vmul.u32 $0x8, v0;
	s15 =	sadd.s32 $0x800, s6;
	[dreg:$0x5] =	wrdreg s1  }
.LBB2_1:
0xd: {  	s0 =	rddreg [dreg:$0x2]  }
0xe: {  	[tilespmem:s2], [sflag:$0x1] =	stream.linear.gather [hbm4b:s0+s2], $0x400, $0x38;
	[tilespmem:$0xB000] =	vst v63  }
0xf: {  	s21 =	rddreg [dreg:$0x3];
	s1 =	simm.s32 $0x800;
	s22 =	simm.s32 $0x1  }
0x10: {  	[tilespmem:s1], [sflag:$0x1] =	stream.linear.gather [hbm4b:s21+s2], $0x400, $0x38;
	[tilespmem:$0xB000] =	vst v63  }
0x11: {  	_ =	swait.ge [sflag:s22], $0x400  }
0x12: {  	[sflag:s22] =	ssyncset.done $0x0  }
0x13: {  	[sflag:s22] =	ssyncadd.s32 $0xFFFFFC00  }
0x14: {  	_ =	swait.ge [sflag:s22], $0x400  }
0x15: {  	[sflag:s22] =	ssyncset.done $0x0  }
0x16: {  	s11 =	simm.s32 $0x400;
	s26 =	simm.s32 $0x1000;
	[sflag:s22] =	ssyncadd.s32 $0xFFFFFC00  }
0x17: {  	[tilespmem:s26], [sflag:$0x3] =	stream.indirect.gather [hbm4b:s3+s11], $0x8, s2, s11, $0xb8;
	[tilespmem:$0xB000] =	vst v63  }
0x18: {  	s28 =	simm.s32 $0x5000  }
0x19: {  	[tilespmem:s28], [sflag:$0x3] =	stream.indirect.gather [hbm4b:s3+s11], $0x8, s1, s11, $0xb8;
	[tilespmem:$0xB000] =	vst v63  }
0x1a: {  	s29 =	rddreg [dreg:$0x4]  }
0x1b: {  	[tilespmem:s11], [sflag:$0x2] =	stream.linear.gather [hbm4b:s29+s2], $0x400, $0x38;
	[tilespmem:$0xB000] =	vst v63  }
0x1c: {  	s31 =	simm.s32 $0xC00;
	s30 =	rddreg [dreg:$0x5];
	s26 =	simm.s32 $0x0  }
0x1d: {  	[tilespmem:s31], [sflag:$0x2] =	stream.linear.gather [hbm4b:s30+s2], $0x400, $0x38;
	[tilespmem:$0xB000] =	vst v63  }
.LBB2_2:
0x1e: {  	s28 =	sand.u32 $0x1, s26;
	p0 =	seq.s32 s26, $0x18  }
0x1f: {  	s0 =	sxor.u32 @!p0 $0x1, s28  }
0x20: {  	s1 =	sadd.s32 @!p0 $0x1, s0  }
0x21: {  	_ =	swait.ge @!p0 [sflag:s1], $0x400  }
0x22: {  	[sflag:s1] =	ssyncset.done @!p0 $0x0  }
0x23: {  	[sflag:s1] =	ssyncadd.s32 @!p0 $0xFFFFFC00  }
0x24: {  	_ =	swait.ge @!p0 [sflag:s1], $0x400  }
0x25: {  	[sflag:s1] =	ssyncset.done @!p0 $0x0  }
0x26: {  	s13 =	simm.s32 @!p0 $0x400;
	[sflag:s1] =	ssyncadd.s32 @!p0 $0xFFFFFC00;
	s1 =	sshll.u32 @!p0 s0, $0xD  }
0x27: {  	s11 =	sshll.u32 @!p0 s0, $0xA;
	s0 =	sadd.s32 @!p0 $0x3, s0;
	s12 =	sor.u32 @!p0 $0x1000, s1  }
0x28: {  	[tilespmem:s12], [sflag:s0] =	stream.indirect.gather @!p0 [hbm4b:s3+s13], $0x8, s11, s13, $0xb8;
	[tilespmem:$0xB000] =	vst v63  }
0x29: {  	s31 =	sadd.s32 $0x3, s28;
	s1 =	sor.u32 @!p0 $0x5000, s1;
	s11 =	sor.u32 @!p0 $0x800, s11  }
0x2a: {  	[tilespmem:s1], [sflag:s0] =	stream.indirect.gather @!p0 [hbm4b:s3+s13], $0x8, s11, s13, $0xb8;
	[tilespmem:$0xB000] =	vst v63  }
0x2b: {  	p0 =	slt.u32 s26, $0x17;
	_ =	swait.ge [sflag:s31], $0x2000  }
.Ltmp0:
0x2c: {  	[sflag:s31] =	ssyncset.done $0x0;
	(pc) =	sbr.rel @!p0 .LBB2_4-.Ltmp0, $4  }
0x2d: {  	[sflag:s31] =	ssyncadd.s32 $0xFFFFE000  }
0x2e: {  	_ =	swait.ge [sflag:s31], $0x2000  }
0x2f: {  	[sflag:s31] =	ssyncset.done $0x0  }
0x30: {  	s29 =	sshll.u32 s26, $0xA;
	s0 =	sshll.u32 s28, $0xA;
	[sflag:s31] =	ssyncadd.s32 $0xFFFFE000  }
0x31: {  	s0 =	sadd.s32 s29, s15;
	p0 =	slt.u32 s26, $0x2  }
.Ltmp1:
0x32: {  	s1 =	sshrl.u32 s0, $0x3;
	(pc) =	sbr.rel @p0 .LBB2_5-.Ltmp1, $4  }
0x33: {  	s11 =	sadd.s32 $0x1, s28;
	s0 =	sshll.u32 s28, $0xA;
	s12 =	sadd.s32 s4, s1  }
0x34: {  	[tilespmem:s0], [sflag:s11] =	stream.linear.gather [hbm4b:s12+s2], $0x400, $0x38;
	[tilespmem:$0xB000] =	vst v63  }
0x35: {  	s31 =	sor.u32 $0x800, s0;
	s1 =	sadd.s32 s5, s1  }
0x36: {  	[tilespmem:s31], [sflag:s11] =	stream.linear.gather [hbm4b:s1+s2], $0x400, $0x38;
	[tilespmem:$0xB000] =	vst v63  }
.LBB2_4:
0x37: {  	s1 =	sadd.s32 $0x5, s28  }
0x38: {  	_ =	swait.ge [sflag:s1], $0x400  }
0x39: {  	[sflag:s1] =	ssyncset.done $0x0  }
0x3a: {  	[sflag:s1] =	ssyncadd.s32 $0xFFFFFC00  }
0x3b: {  	_ =	swait.ge [sflag:s1], $0x400  }
0x3c: {  	[sflag:s1] =	ssyncset.done $0x0  }
0x3d: {  	[sflag:s1] =	ssyncadd.s32 $0xFFFFFC00  }
0x3e: {  	_ =	swait.ge [sflag:s1], $0x400  }
0x3f: {  	[sflag:s1] =	ssyncset.done $0x0  }
0x40: {  	[sflag:s1] =	ssyncadd.s32 $0xFFFFFC00  }
0x41: {  	_ =	swait.ge [sflag:s1], $0x400  }
0x42: {  	[sflag:s1] =	ssyncset.done $0x0  }
0x43: {  	[sflag:s1] =	ssyncadd.s32 $0xFFFFFC00  }
.LBB2_5:
0x44: {  	s1 =	simm.s32 $0x0  }
0x45: {  	v1 =	vmov s1  }
0x46: {  	v1 =	vshll.u32 v1, $0x3  }
0x47: {  	v1 =	vor.u32 v0, v1;
	_ =	sdelay $0x1  }
0x48: {  	v2 =	vor.u32 $0x3, v1  }
0x49: {  	s21 =	sshll.u32 s28, $0xD  }
0x4a: {  	s20 =	sor.u32 $0x1000, s21;
	v3 =	vor.u32 $0x1, v1  }
0x4b: {  	s21 =	sor.u32 $0x5000, s21;
	v4 =	vld.idx.msk [tilespmem:v1+s20+$0x0], $0xffff  }
0x4c: {  	v5 =	vld.idx.msk [tilespmem:v1+s21+$0x0], $0xffff  }
0x4d: {  	v7 =	vor.u32 $0x2, v1;
	v6 =	vld.idx.msk [tilespmem:v2+s20+$0x0], $0xffff  }
0x4e: {  	v2 =	vld.idx.msk [tilespmem:v2+s21+$0x0], $0xffff  }
0x4f: {  	v8 =	vld.idx.msk [tilespmem:v3+s20+$0x0], $0xffff  }
0x50: {  	v9 =	vld.idx.msk [tilespmem:v3+s21+$0x0], $0xffff;
	_ =	sdelay $0x1  }
0x51: {  	s22 =	simm.s32 $0x10;
	s17 =	sor.u32 $0x9000, s0;
	s12 =	sor.u32 $0x9800, s0;
	v1 =	vld.idx.msk [tilespmem:v7+s20+$0x0], $0xffff  }
0x52: {  	s14 =	sor.u32 $0xA000, s0;
	s13 =	sor.u32 $0xA800, s0;
	s16 =	simm.s32 $0x20;
	v3 =	vld.idx.msk [tilespmem:v7+s21+$0x0], $0xffff;
	v6 =	vsub.f32 v6, v2;
	v2 =	vmov s22  }
0x53: {  	s11 =	sadd.s32 $0x10, s14;
	s1 =	smov.u32 s12;
	s30 =	smov.u32 s17;
	v2 =	vshll.u32 v2, $0x3  }
0x54: {  	s0 =	smov.u32 s14;
	s31 =	smov.u32 s13;
	v4 =	vsub.f32 v4, v5;
	v5 =	vsub.f32 v8, v9;
	s22 =	sadd.s32 $0x10, s13;
	v2 =	vor.u32 v0, v2;
	[tilespmem:s17+$0x0] =	vst v6  }
.LBB2_6:
0x55: {  	s30 =	sadd.s32 $0x10, s30  }
0x56: {  	v6 =	vor.u32 $0x3, v2;
	[tilespmem:s1+$0x0] =	vst v4;
	s1 =	sadd.s32 $0x10, s1;
	s19 =	smov.u32 s16;
	s18 =	sadd.s32 $0x10, s16  }
0x57: {  	p0 =	sne.s32 s16, $0x3F0;
	v1 =	vsub.f32 v1, v3;
	[tilespmem:s0+$0x0] =	vst v5;
	s0 =	smov.u32 s11  }
0x58: {  	v3 =	vor.u32 $0x1, v2  }
0x59: {  	[tilespmem:s31+$0x0] =	vst v1;
	s31 =	smov.u32 s22  }
0x5a: {  	v4 =	vld.idx.msk [tilespmem:v2+s20+$0x0], $0xffff  }
0x5b: {  	v5 =	vor.u32 $0x2, v2;
	v2 =	vld.idx.msk [tilespmem:v2+s21+$0x0], $0xffff  }
0x5c: {  	v7 =	vld.idx.msk [tilespmem:v6+s20+$0x0], $0xffff  }
0x5d: {  	v6 =	vld.idx.msk [tilespmem:v6+s21+$0x0], $0xffff  }
0x5e: {  	v8 =	vld.idx.msk [tilespmem:v3+s20+$0x0], $0xffff  }
0x5f: {  	v9 =	vld.idx.msk [tilespmem:v3+s21+$0x0], $0xffff  }
0x60: {  	v1 =	vld.idx.msk [tilespmem:v5+s20+$0x0], $0xffff  }
.Ltmp2:
0x61: {  	v4 =	vsub.f32 v4, v2;
	v3 =	vld.idx.msk [tilespmem:v5+s21+$0x0], $0xffff;
	(pc) =	sbr.rel @p0 .LBB2_6-.Ltmp2, $4  }
0x62: {  	_ = 	snop  }
0x63: {  	v2 =	vmov s19;
	v6 =	vsub.f32 v7, v6  }
0x64: {  	v2 =	vshll.u32 v2, $0x3  }
0x65: {  	s11 =	sadd.s32 $0x10, s11;
	s16 =	smov.u32 s18;
	s22 =	sadd.s32 $0x10, s22;
	v2 =	vor.u32 v0, v2;
	v5 =	vsub.f32 v8, v9;
	[tilespmem:s30+$0x0] =	vst v6  }
0x66: {  	_ = 	snop  }
0x67: {  	v6 =	vor.u32 $0x3, v2;
	[tilespmem:s1+$0x0] =	vst v4;
	v1 =	vsub.f32 v1, v3  }
0x68: {  	[tilespmem:s0+$0x0] =	vst v5  }
0x69: {  	v3 =	vor.u32 $0x1, v2;
	[tilespmem:s31+$0x0] =	vst v1  }
0x6a: {  	v1 =	vld.idx.msk [tilespmem:v2+s20+$0x0], $0xffff  }
0x6b: {  	v63 =	vor.u32 $0x2, v2;
	v2 =	vld.idx.msk [tilespmem:v2+s21+$0x0], $0xffff  }
0x6c: {  	v5 =	vld.idx.msk [tilespmem:v6+s20+$0x0], $0xffff  }
0x6d: {  	v6 =	vld.idx.msk [tilespmem:v6+s21+$0x0], $0xffff  }
0x6e: {  	v7 =	vld.idx.msk [tilespmem:v3+s20+$0x0], $0xffff  }
0x6f: {  	v3 =	vld.idx.msk [tilespmem:v3+s21+$0x0], $0xffff  }
0x70: {  	v8 =	vld.idx.msk [tilespmem:v63+s20+$0x0], $0xffff  }
0x71: {  	v4 =	vld.idx.msk [tilespmem:v63+s21+$0x0], $0xffff;
	_ =	sdelay $0x1  }
0x72: {  	v5 =	vsub.f32 v5, v6  }
0x73: {  	s19 =	sadd.s32 $0x10, s30;
	v1 =	vsub.f32 v1, v2  }
0x74: {  	s20 =	sadd.s32 $0x10, s1;
	v2 =	vsub.f32 v7, v3;
	[tilespmem:s19+$0x0] =	vst v5  }
0x75: {  	s21 =	sadd.s32 s6, s29;
	[tilespmem:s20+$0x0] =	vst v1;
	v1 =	vsub.f32 v8, v4  }
0x76: {  	s0 =	sshrl.u32 s21, $0x3;
	[tilespmem:s11+$0x0] =	vst v2  }
0x77: {  	s28 =	sadd.s32 $0x5, s28;
	s26 =	sadd.s32 $0x1, s26;
	s29 =	sadd.s32 s7, s0;
	[tilespmem:s22+$0x0] =	vst v1  }
0x78: {  	[hbm4b:s29+s2] =	stream.linear.scatter [tilespmem:s17], [sflag:s28], $0x400, $0x38;
	[tilespmem:$0xB000] =	vst v63  }
0x79: {  	p0 =	sne.s32 s26, $0x19;
	s30 =	sadd.s32 s8, s0  }
0x7a: {  	[hbm4b:s30+s2] =	stream.linear.scatter [tilespmem:s12], [sflag:s28], $0x400, $0x38;
	[tilespmem:$0xB000] =	vst v63  }
.Ltmp3:
0x7b: {  	_ = 	snop;
	(pc) =	sbr.rel @p0 .LBB2_2-.Ltmp3, $4  }
0x7c: {  	s31 =	sadd.s32 s9, s0  }
0x7d: {  	[hbm4b:s31+s2] =	stream.linear.scatter [tilespmem:s14], [sflag:s28], $0x400, $0x38;
	[tilespmem:$0xB000] =	vst v63  }
0x7e: {  	s0 =	sadd.s32 s10, s0  }
0x7f: {  	[hbm4b:s0+s2] =	stream.linear.scatter [tilespmem:s13], [sflag:s28], $0x400, $0x38;
	[tilespmem:$0xB000] =	vst v63  }
0x80: {  	_ =	swait.ge [sflag:s23], $0x400  }
0x81: {  	[sflag:s23] =	ssyncset.done $0x0  }
0x82: {  	[sflag:s23] =	ssyncadd.s32 $0xFFFFFC00  }
0x83: {  	_ =	swait.ge [sflag:s23], $0x400  }
0x84: {  	[sflag:s23] =	ssyncset.done $0x0  }
0x85: {  	[sflag:s23] =	ssyncadd.s32 $0xFFFFFC00  }
0x86: {  	_ =	swait.ge [sflag:s23], $0x400  }
0x87: {  	[sflag:s23] =	ssyncset.done $0x0  }
0x88: {  	[sflag:s23] =	ssyncadd.s32 $0xFFFFFC00  }
0x89: {  	_ =	swait.ge [sflag:s23], $0x400  }
0x8a: {  	[sflag:s23] =	ssyncset.done $0x0  }
0x8b: {  	[sflag:s23] =	ssyncadd.s32 $0xFFFFFC00  }
0x8c: {  	_ =	swait.ge [sflag:s24], $0x400  }
0x8d: {  	[sflag:s24] =	ssyncset.done $0x0  }
0x8e: {  	[sflag:s24] =	ssyncadd.s32 $0xFFFFFC00  }
0x8f: {  	_ =	swait.ge [sflag:s24], $0x400  }
0x90: {  	[sflag:s24] =	ssyncset.done $0x0  }
0x91: {  	[sflag:s24] =	ssyncadd.s32 $0xFFFFFC00  }
0x92: {  	_ =	swait.ge [sflag:s24], $0x400  }
0x93: {  	[sflag:s24] =	ssyncset.done $0x0  }
0x94: {  	[sflag:s24] =	ssyncadd.s32 $0xFFFFFC00  }
0x95: {  	_ =	swait.ge [sflag:s24], $0x400  }
0x96: {  	s25 =	sadd.s32 $0x1, s25;
	s0 =	rddreg [dreg:$0x6]  }
0x97: {  	p0 =	sne.s32 s25, s0  }
.Ltmp4:
0x98: {  	_ = 	snop;
	(pc) =	sbr.rel @p0 .LBB2_1-.Ltmp4, $3  }
0x99: {  	_ =	sdelay $0x1  }
0x9a: {  	[sflag:s24] =	ssyncset.done $0x0  }
0x9b: {  	[sflag:s24] =	ssyncadd.s32 $0xFFFFFC00  }
0x9c: {  	_ =	sfence.sel $0x180000  }
0x9d: {  	[bflag:$0x0] =	sbarrier.arrive $0xFFFF  }
0x9e: {  	_ =	strace $0x9000004A  }
0x9f: {  	s0 =	stileid.u32;
	[bflag:$0x2] =	sbarrier.arrive $0xFFFF  }
0xa0: {  	p0 =	sne.s32 s0, $0x0;
	s0 =	rddreg [dreg:$0x1]  }
0xa1: {  	s0 =	sadd.s32 @!p0 $0x100000, s0  }
0xa2: {  	[sflag:s0] =	ssyncadd.tile.s32 @!p0 $0x1;
	_ =	shalt  }
.Lfunc_end2:
_tile_overlayer_lowered:
.L_overlay_start_2:
0xa3: {  	(tag) =	ssettag $0x2  }
0xa4: {  	s0 =	rddreg [dreg:$0x0];
	s2 =	stileid.u32  }
0xa5: {  	s1 =	rddreg [dreg:$0x1];
	p0 =	sne.s32 s2, $0x0  }
0xa6: {  	s3 =	rddreg [dreg:$0x2];
	[bflag:$0x3] =	sbarrier.arrive $0xFFFF;
	s2 =	simm.s32 @!p0 $0x1C07  }
0xa7: {  	[timem:s3], [sflag:s2] =	dma.local @!p0 [hbm:s0], s1  }
0xa8: {  	s0 =	simm.s32 @!p0 $0x7  }
0xa9: {  	_ =	swait.ge @!p0 [sflag:s0], s1  }
0xaa: {  	s1 =	ssub.s32 @!p0 $0x0, s1;
	[sflag:s0] =	ssyncset.done @!p0 $0x0  }
0xab: {  	[sflag:s0] =	ssyncadd.s32 @!p0 s1  }
0xac: {  	[bflag:$0x3] =	sbarrier.arrive $0xFFFF  }
0xad: {  	_ =	shalt  }

// kernel: kernel.18.cloned.1.call-start
scs
__scs_entry_jumppad:
0x0: {  	(pc) =	sbr.rel $0x88, $3  }
0x1: {  	(tag) =	ssettag $0x0;
	lr =	simm.s32 $0x1  }
0x2: {  	[smem:$0x3F98] =	sst lr;
	_ =	strace $0xD0000000  }
0x3: {  	_ = 	snop  }
0x4: {  	_ = 	snop  }
0x5: {  	_ = 	snop  }
0x6: {  	_ = 	snop  }
0x7: {  	_ = 	snop  }
__scs_overlays_trampoline_lowered:
0x8: {  	[smem:$0x3FA7] =	sst s0  }
0x9: {  	[smem:$0x3FA8] =	sst s1  }
0xa: {  	[smem:$0x3FA9] =	sst s2  }
0xb: {  	[smem:$0x3FAA] =	sst s3  }
0xc: {  	[smem:$0x3FAB] =	sst s4  }
0xd: {  	[smem:$0x3FAC] =	sst s5  }
0xe: {  	[smem:$0x3FAD] =	sst s6  }
0xf: {  	[smem:$0x3FAE] =	sst s7  }
0x10: {  	[smem:$0x3FAF] =	sst s8  }
0x11: {  	[smem:$0x3FB0] =	sst s9;
	s0 =	simm.s32 @!p0 $0x0  }
0x12: {  	s1 =	sld [smem:$0x3F96];
	s0 =	simm.s32 @p0 $0x1  }
0x13: {  	[smem:$0x3FB1] =	sst s0;
	s0 =	simm.s32 @!p1 $0x0  }
0x14: {  	s2 =	sld [smem:$0x3F95];
	s0 =	simm.s32 @p1 $0x1  }
0x15: {  	[smem:$0x3FB2] =	sst s0;
	s0 =	simm.s32 @!p2 $0x0  }
0x16: {  	s3 =	sld [smem:$0x3FDB];
	s0 =	simm.s32 @p2 $0x1  }
0x17: {  	s4 =	simm.s32 $0x1BF5;
	[smem:$0x3FB4] =	sst s0  }
0x18: {  	s0 =	sld [smem:$0x3F97];
	_ =	swait.ge [sflag:s4], $0x0  }
0x19: {  	s7 =	sld [smem:$0x3F98]  }
0x1a: {  	s8 =	sadd.s32 $0xFFFFE003, lr  }
0x1b: {  	s9 =	sadd.s32 $0xFFFFFEF7, lr;
	s5 =	simm.s32 $0xFFFFFFFF;
	p2 =	slt.u32 s8, $0xFFFFF086  }
0x1c: {  	p1 =	slt.u32 s9, $0xF7A;
	s5 =	simm.s32 @!p2 $0x0  }
0x1d: {  	s5 =	simm.s32 @p1 $0x1;
	p0 =	seq.s32 s7, s2  }
0x1e: {  	s7 =	smul.u32 @!p0 $0xF7A, s2;
	p2 =	seq.s32 @!p0 s5, $0x0  }
0x1f: {  	s9 =	smul.u32 $0xF7A, s1;
	s8 =	simm.s32 @!p0 $0x1BF5;
	p2 =	por !p2, p0  }
0x20: {  	[sflag:s8] =	ssyncset.s32 @!p0 $0xFFFFF086;
	s6 =	sadd.s32 @!p0 s3, s7;
	s7 =	simm.s32 @!p0 $0x108  }
0x21: {  	s3 =	sadd.s32 s3, s9;
	s6 =	sadd.s32 @!p0 $0x88, s6;
	s7 =	simm.s32 @p2 $0x1082  }
0x22: {  	[simem:s7], [sflag:s8] =	dma.local @!p0 [hbm:s6], $0xF7A  }
0x23: {  	s9 =	sor.u32 $0xD0000000, s2;
	s6 =	simm.s32 $0x108;
	_ =	swait.ge @!p0 [sflag:s8], $0x0  }
0x24: {  	s3 =	sadd.s32 $0x88, s3;
	s6 =	simm.s32 @!p1 $0x1082;
	[sflag:s4] =	ssyncset.s32 $0xFFFFF086  }
0x25: {  	[simem:s6], [sflag:s4] =	dma.local [hbm:s3], $0xF7A  }
0x26: {  	[smem:$0x3F98] =	sst s1;
	(tag) =	ssettag s2;
	_ =	strace s9  }
0x27: {  	s1 =	sld [smem:$0x3FA8]  }
0x28: {  	s2 =	sld [smem:$0x3FA9]  }
0x29: {  	s4 =	sld [smem:$0x3FAB]  }
0x2a: {  	p0 =	seq.s32 s5, $0x0;
	s5 =	sld [smem:$0x3FAC]  }
0x2b: {  	s6 =	sld [smem:$0x3FAD]  }
0x2c: {  	s7 =	sld [smem:$0x3FAE]  }
0x2d: {  	s3 =	simm.s32 $0x108;
	s8 =	sld [smem:$0x3FAF]  }
0x2e: {  	s3 =	simm.s32 @!p0 $0x1082;
	s9 =	sld [smem:$0x3FB0]  }
0x2f: {  	lr =	sadd.s32 s0, s3;
	s0 =	sld [smem:$0x3FA7]  }
0x30: {  	s3 =	sld [smem:$0x3FAA]  }
0x31: {  	[smem:$0x3FB3] =	sst s10  }
0x32: {  	s10 =	sld [smem:$0x3FB1];
	_ =	sdelay $0x3  }
0x33: {  	p0 =	seq.s32 s10, $0x1;
	s10 =	sld [smem:$0x3FB3];
	_ =	sdelay $0x3  }
0x34: {  	[smem:$0x3FB3] =	sst s10  }
0x35: {  	s10 =	sld [smem:$0x3FB2];
	_ =	sdelay $0x3  }
0x36: {  	p1 =	seq.s32 s10, $0x1;
	s10 =	sld [smem:$0x3FB3];
	_ =	sdelay $0x3  }
0x37: {  	[smem:$0x3FB3] =	sst s10  }
0x38: {  	s10 =	sld [smem:$0x3FB4]  }
0x39: {  	_ = 	snop;
	(pc) =	sbr.ind lr, $3  }
0x3a: {  	_ = 	snop  }
0x3b: {  	_ = 	snop  }
0x3c: {  	p2 =	seq.s32 s10, $0x1;
	s10 =	sld [smem:$0x3FB3]  }
0x3d: {  	_ =	shalt  }
0x3e: {  	_ =	shalt  }
0x3f: {  	_ =	shalt  }
0x40: {  	_ =	shalt  }
0x41: {  	_ =	shalt  }
0x42: {  	_ =	shalt  }
0x43: {  	_ =	shalt  }
0x44: {  	_ =	shalt  }
0x45: {  	_ =	shalt  }
0x46: {  	_ =	shalt  }
0x47: {  	_ =	shalt  }
0x48: {  	_ =	shalt  }
0x49: {  	_ =	shalt  }
0x4a: {  	_ =	shalt  }
0x4b: {  	_ =	shalt  }
0x4c: {  	_ =	shalt  }
0x4d: {  	_ =	shalt  }
0x4e: {  	_ =	shalt  }
0x4f: {  	_ =	shalt  }
0x50: {  	_ =	shalt  }
0x51: {  	_ =	shalt  }
0x52: {  	_ =	shalt  }
0x53: {  	_ =	shalt  }
0x54: {  	_ =	shalt  }
0x55: {  	_ =	shalt  }
0x56: {  	_ =	shalt  }
0x57: {  	_ =	shalt  }
0x58: {  	_ =	shalt  }
0x59: {  	_ =	shalt  }
0x5a: {  	_ =	shalt  }
0x5b: {  	_ =	shalt  }
0x5c: {  	_ =	shalt  }
0x5d: {  	_ =	shalt  }
0x5e: {  	_ =	shalt  }
0x5f: {  	_ =	shalt  }
0x60: {  	_ =	shalt  }
0x61: {  	_ =	shalt  }
0x62: {  	_ =	shalt  }
0x63: {  	_ =	shalt  }
0x64: {  	_ =	shalt  }
0x65: {  	_ =	shalt  }
0x66: {  	_ =	shalt  }
0x67: {  	_ =	shalt  }
0x68: {  	_ =	shalt  }
0x69: {  	_ =	shalt  }
0x6a: {  	_ =	shalt  }
0x6b: {  	_ =	shalt  }
0x6c: {  	_ =	shalt  }
0x6d: {  	_ =	shalt  }
0x6e: {  	_ =	shalt  }
0x6f: {  	_ =	shalt  }
0x70: {  	_ =	shalt  }
0x71: {  	_ =	shalt  }
0x72: {  	_ =	shalt  }
0x73: {  	_ =	shalt  }
0x74: {  	_ =	shalt  }
0x75: {  	_ =	shalt  }
0x76: {  	_ =	shalt  }
0x77: {  	_ =	shalt  }
0x78: {  	_ =	shalt  }
0x79: {  	_ =	shalt  }
0x7a: {  	_ =	shalt  }
0x7b: {  	_ =	shalt  }
0x7c: {  	_ =	shalt  }
0x7d: {  	_ =	shalt  }
0x7e: {  	_ =	shalt  }
0x7f: {  	_ =	shalt  }
0x80: {  	_ =	shalt  }
0x81: {  	_ =	shalt  }
0x82: {  	_ =	shalt  }
0x83: {  	_ =	shalt  }
0x84: {  	_ =	shalt  }
0x85: {  	_ =	shalt  }
0x86: {  	_ =	shalt  }
0x87: {  	_ =	shalt  }
.Lfunc_end0:
.L_simem_size_0:
called_computation.3_lowered:
.L_overlay_start_0:
0x88: {  	s2 =	sld [smem:$0x3FD9]  }
0x89: {  	s3 =	sld [smem:$0x3FFE];
	_ =	sdelay $0x1  }
0x8a: {  	s1 =	srdreg.scid  }
0x8b: {  	s0 =	sand.u32 $0x1, s1  }
0x8c: {  	s17 =	sshll.u32 s0, $0xA;
	s2 =	sadd.s32 s3, s2  }
0x8d: {  	s2 =	sadd.s32 s2, s17  }
0x8e: {  	[smem:$0x3FBF] =	sst s2  }
0x8f: {  	_ = 	snop  }
0x90: {  	(tm) =	ssettm $0x1  }
0x91: {  	s18 =	sld [smem:$0x3FFB];
	_ =	sdelay $0x3  }
0x92: {  	_ =	strace s18  }
0x93: {  	s2 =	sld [smem:$0x3FFC];
	_ =	sdelay $0x3  }
0x94: {  	_ =	strace s2  }
0x95: {  	s2 =	sld [smem:$0x3FFD];
	_ =	sdelay $0x3  }
0x96: {  	_ =	strace s2  }
0x97: {  	_ =	strace $0x8FFFFFFF  }
0x98: {  	s19 =	sld [smem:$0x3FDB];
	_ =	sdelay $0x1  }
0x99: {  	s20 =	simm.s32 $_scs_section_size  }
0x9a: {  	s4 =	simm.s32 $_size__tile_overlayer_lowered;
	s5 =	simm.s32 $_tile_overlayer_lowered  }
0x9b: {  	s6 =	simm.s32 $0x1BFF;
	s21 =	sshll.u32 s5, $0x1;
	s3 =	sadd.s32 s20, s19  }
0x9c: {  	s22 =	simm.s32 $0x0;
	s4 =	sshll.u32 s4, $0x1;
	s5 =	sadd.s32 s21, s3  }
0x9d: {  	[timem:s22], [sflag:s6] =	dma.local [hbm:s5], s4  }
0x9e: {  	_ =	swait.ge [sflag:s6], s4  }
0x9f: {  	s4 =	ssub.s32 $0x0, s4;
	[sflag:s6] =	ssyncset.done $0x0  }
0xa0: {  	[sflag:s6] =	ssyncadd.s32 s4;
	_ =	sdelay $0x1  }
0xa1: {  	s23 =	simm.s32 $0x1B8B  }
0xa2: {  	_ =	swait.ge [sflag:s23], $0x1  }
0xa3: {  	[sflag:s23] =	ssyncset.done $0x0  }
0xa4: {  	[sflag:s23] =	ssyncadd.s32 $0xFFFFFFFF  }
0xa5: {  	s4 =	sld [smem:$0x0]  }
0xa6: {  	s5 =	sand.u32 $0xFFFFFFFE, s1  }
0xa7: {  	p0 =	sne.s32 s1, s5  }
0xa8: {  	s5 =	sshll.u32 @p0 s5, $0xE  }
0xa9: {  	s5 =	sadd.s32 @p0 $0x11B8D, s5;
	s6 =	sshll.u32 @p0 s4, $0x11  }
0xaa: {  	s5 =	sor.u32 @p0 s6, s5  }
0xab: {  	[sflag:s5] =	ssyncadd.remote.s32 @p0 $0x1;
	_ =	sdelay $0x1  }
0xac: {  	s5 =	simm.s32 @p0 $0x1B8D  }
0xad: {  	_ =	swait.eq @p0 [sflag:s5], $0x1  }
0xae: {  	[sflag:s5] =	ssyncadd.s32 @p0 $0xFFFFFFFF  }
0xaf: {  	s6 =	sshll.u32 @!p0 s1, $0xE  }
0xb0: {  	s6 =	sor.u32 @!p0 $0x4000, s6;
	s5 =	simm.s32 @!p0 $0x1B8D  }
0xb1: {  	s4 =	sshll.u32 @!p0 s4, $0x11;
	s6 =	sadd.s32 @!p0 $0x11B8D, s6;
	_ =	swait.eq @!p0 [sflag:s5], $0x1  }
0xb2: {  	s4 =	sor.u32 @!p0 s4, s6;
	[sflag:s5] =	ssyncadd.s32 @!p0 $0xFFFFFFFF  }
0xb3: {  	s25 =	simm.s32 $0x1B8E;
	s24 =	sld [smem:$0x3FFE];
	[sflag:s4] =	ssyncadd.remote.s32 @!p0 $0x1  }
0xb4: {  	s26 =	simm.s32 $execute0_lowered;
	[smem:$0x3FD2] =	sst s25  }
0xb5: {  	s5 =	sshll.u32 s26, $0x1;
	_ =	strace $0x8000004F;
	[dreg:$0x1] =	wrdreg $0xFFFFFFFF  }
0xb6: {  	s28 =	simm.s32 $_size_execute0_lowered;
	s3 =	sadd.s32 s3, s5;
	[dreg:$0x0] =	wrdreg $0x0  }
0xb7: {  	s5 =	sshll.u32 s28, $0x1;
	[dreg:$0x2] =	wrdreg s3  }
0xb8: {  	[dreg:$0x3] =	wrdreg s5  }
0xb9: {  	[dreg:$0x4] =	wrdreg $0xC0  }
0xba: {  	_ =	task [dreg:s22], $0x5FFFF  }
0xbb: {  	[dreg:$0x1] =	wrdreg $0xFFFFFFFF  }
0xbc: {  	[dreg:$0x0] =	wrdreg $0x60  }
0xbd: {  	[dreg:$0x2] =	wrdreg s24  }
0xbe: {  	[dreg:$0x3] =	wrdreg $0xCA000  }
0xbf: {  	[dreg:$0x4] =	wrdreg $0xA  }
0xc0: {  	_ =	task.clear_ibuf [dreg:s22], $0x5FFFF;
	_ =	strace $0x9000004F  }
0xc1: {  	s29 =	simm.s32 $0xA;
	_ =	strace $0x80000051  }
0xc2: {  	_ =	swait.ge [sflag:s29], $0x1  }
0xc3: {  	[sflag:s29] =	ssyncadd.s32 $0xFFFFFFFF  }
0xc4: {  	_ =	strace $0x90000051  }
0xc5: {  	_ =	sfence  }
0xc6: {  	s30 =	sld [smem:$0x0];
	_ =	sdelay $0x2  }
0xc7: {  	s31 =	sshll.u32 s1, $0xD;
	s1 =	sshrl.u32 s1, $0x2  }
0xc8: {  	s4 =	sand.u32 $0x4000, s31;
	s1 =	sadd.s32 s1, s30  }
0xc9: {  	s0 =	sor.u32 s4, s0;
	s1 =	sshll.u32 s1, $0x11  }
0xca: {  	s0 =	sor.u32 s1, s0  }
0xcb: {  	s0 =	sadd.s32 $0x8F2B, s0  }
0xcc: {  	[sflag:s0] =	ssyncadd.remote.s32 $0x1  }
0xcd: {  	_ =	sfence.sel $0xFFFF  }
0xce: {  	[dreg:$0x0] =	wrdreg $0xFFFFFFFF;
	(pc) =	sbr.abs _section_cstart, $3  }
0xcf: {  	[dreg:$0x1] =	wrdreg $0xFFFFFFFF  }
0xd0: {  	_ =	task.clear_ibuf [dreg:s22], $0x2FFFF;
	_ =	strace $0x9FFFFFFF  }
0xd1: {  	(tm) =	ssettm $0x7FFFFFFF  }
tec
execute0_lowered:
.L_overlay_start_1:
0x0: {  	(tag) =	ssettag $0x1  }
0x1: {  	s0 =	rddreg [dreg:$0x0]  }
0x2: {  	s1 =	rddreg [dreg:$0x1];
	s3 =	simm.s32 $0x0  }
0x3: {  	s2 =	srdreg.scid;
	s6 =	stileid.u32;
	s18 =	simm.s32 $0x6800  }
0x4: {  	s19 =	simm.s32 $0x5;
	s20 =	simm.s32 $0x2800;
	s21 =	simm.s32 $0x4800  }
0x5: {  	s28 =	simm.s32 $0x3;
	s29 =	simm.s32 $0x4;
	s30 =	simm.s32 $0x0  }
0x6: {  	[smem:$0x7FF] =	sst s3;
	s4 =	sadd.s32 $0xA6A00, s0;
	s2 =	sand.u32 $0x1, s2  }
0x7: {  	s9 =	smul.u32 $0x6200, s6;
	s10 =	sshll.u32 s6, $0x1;
	s6 =	sadd.s32 $0x10AA00, s0  }
0x8: {  	s5 =	sadd.s32 $0xF1A00, s0;
	s7 =	sadd.s32 $0x123A00, s0;
	s8 =	smul.u32 $0x62000, s2  }
0x9: {  	_ =	strace $0x80000050;
	s10 =	sor.u32 s2, s10;
	s2 =	ssub.s32 $0x2, s2  }
0xa: {  	s10 =	smul.u32 $0x6400, s10;
	s12 =	sshrl.u32 s2, $0x1;
	s11 =	sadd.s32 s9, s8  }
0xb: {  	s8 =	sadd.s32 $0xBFA00, s0;
	s2 =	ssub.s32 s2, s12;
	s9 =	sadd.s32 s9, s1  }
0xc: {  	s11 =	sshrl.u32 s11, $0x3;
	s24 =	sshrl.u32 s10, $0x3;
	s15 =	sadd.s32 $0x400, s10  }
0xd: {  	s17 =	smax.u32 s2, $0x1;
	s0 =	sadd.s32 s11, s0;
	s25 =	sadd.s32 s8, s24  }
0xe: {  	s26 =	sadd.s32 s4, s24;
	s31 =	sadd.s32 s5, s24;
	[dreg:$0x3] =	wrdreg s25  }
0xf: {  	v0 =	vlaneseq.u32;
	s13 =	sadd.s32 s6, s24;
	s14 =	sadd.s32 s7, s24;
	[dreg:$0x4] =	wrdreg s26  }
0x10: {  	v1 =	vimm.f32 $0.0e+00;
	v2 =	vmul.u32 $0x8, v0;
	[dreg:$0x5] =	wrdreg s31;
	s16 =	sadd.s32 $0xD8A00, s0;
	s26 =	simm.s32 $0x400  }
.LBB2_1:
0x11: {  	s0 =	simm.s32 $0x10;
	v3 =	vor.u32 s3, v0  }
.LBB2_2:
0x12: {  	p0 =	sne.s32 s0, $0x61F0  }
.Ltmp0:
0x13: {  	_ = 	snop;
	(pc) =	sbr.rel @p0 .LBB2_2-.Ltmp0, $3  }
0x14: {  	_ =	sdelay $0x1  }
0x15: {  	[tilespmem:v3+s18+$0x0] =	vst.idx.msk $0xffff, v1;
	s2 =	smov.u32 s0;
	s0 =	sadd.s32 $0x10, s0  }
0x16: {  	v3 =	vor.u32 s2, v0  }
0x17: {  	_ =	sdelay $0x3  }
0x18: {  	[tilespmem:v3+s18+$0x0] =	vst.idx.msk $0xffff, v1  }
0x19: {  	[spmem:s9] =	stream.linear.scatter [tilespmem:s18], [sflag:$0x5], $0x6200, $0x38;
	[tilespmem:$0x12C00] =	vst v63  }
0x1a: {  	_ =	swait.ge [sflag:s19], $0x6200  }
0x1b: {  	s0 =	simm.s32 $0x0;
	[sflag:s19] =	ssyncset.done $0x0  }
0x1c: {  	s2 =	simm.s32 $0x10;
	v3 =	vor.u32 s0, v0;
	[sflag:s19] =	ssyncadd.s32 $0xFFFF9E00  }
.LBB2_4:
0x1d: {  	p0 =	sne.s32 s2, $0x1FF0  }
.Ltmp1:
0x1e: {  	_ = 	snop;
	(pc) =	sbr.rel @p0 .LBB2_4-.Ltmp1, $3  }
0x1f: {  	_ =	sdelay $0x1  }
0x20: {  	[tilespmem:v3+s20+$0x0] =	vst.idx.msk $0xffff, v1;
	s10 =	smov.u32 s2;
	s2 =	sadd.s32 $0x10, s2  }
0x21: {  	v3 =	vor.u32 s10, v0  }
0x22: {  	_ =	sdelay $0x3  }
0x23: {  	[tilespmem:v3+s20+$0x0] =	vst.idx.msk $0xffff, v1;
	s2 =	simm.s32 $0x10;
	v3 =	vor.u32 s0, v0  }
.LBB2_6:
0x24: {  	p0 =	sne.s32 s2, $0x1FF0  }
.Ltmp2:
0x25: {  	_ = 	snop;
	(pc) =	sbr.rel @p0 .LBB2_6-.Ltmp2, $3  }
0x26: {  	_ =	sdelay $0x1  }
0x27: {  	[tilespmem:v3+s21+$0x0] =	vst.idx.msk $0xffff, v1;
	s0 =	smov.u32 s2;
	s2 =	sadd.s32 $0x10, s2  }
0x28: {  	v3 =	vor.u32 s0, v0  }
0x29: {  	_ =	sdelay $0x3  }
0x2a: {  	[tilespmem:v3+s21+$0x0] =	vst.idx.msk $0xffff, v1  }
0x2b: {  	[bflag:$0x0] =	sbarrier.arrive $0xFFFF  }
0x2c: {  	s31 =	simm.s32 $0x0;
	s0 =	rddreg [dreg:$0x3]  }
0x2d: {  	[tilespmem:s31], [sflag:$0x1] =	stream.linear.gather [hbm4b:s0+s31], $0x400, $0x38;
	[tilespmem:$0x12C00] =	vst v63  }
0x2e: {  	s2 =	simm.s32 $0x800;
	s12 =	rddreg [dreg:$0x4]  }
0x2f: {  	[tilespmem:s2], [sflag:$0x1] =	stream.linear.gather [hbm4b:s12+s31], $0x400, $0x38;
	[tilespmem:$0x12C00] =	vst v63  }
0x30: {  	s23 =	simm.s32 $0x1000;
	s22 =	rddreg [dreg:$0x5]  }
0x31: {  	[tilespmem:s23], [sflag:$0x1] =	stream.linear.gather [hbm4b:s22+s31], $0x400, $0x38;
	[tilespmem:$0x12C00] =	vst v63  }
0x32: {  	s24 =	simm.s32 $0x1800  }
0x33: {  	[tilespmem:s24], [sflag:$0x1] =	stream.linear.gather [hbm4b:s13+s31], $0x400, $0x38;
	[tilespmem:$0x12C00] =	vst v63  }
0x34: {  	s25 =	simm.s32 $0x2000;
	p0 =	por $0x0, $0x0  }
0x35: {  	[tilespmem:s25], [sflag:$0x1] =	stream.linear.gather [hbm4b:s14+s31], $0x400, $0x38;
	[tilespmem:$0x12C00] =	vst v63  }
.LBB2_8:
0x36: {  	s0 =	sand.u32 $0x1, s31  }
0x37: {  	s10 =	sadd.s32 $0x1, s0  }
0x38: {  	_ =	swait.ge [sflag:s10], $0x400  }
0x39: {  	[sflag:s10] =	ssyncset.done $0x0  }
0x3a: {  	[sflag:s10] =	ssyncadd.s32 $0xFFFFFC00  }
0x3b: {  	_ =	swait.ge [sflag:s10], $0x400  }
0x3c: {  	[sflag:s10] =	ssyncset.done $0x0  }
0x3d: {  	[sflag:s10] =	ssyncadd.s32 $0xFFFFFC00  }
0x3e: {  	_ =	swait.ge [sflag:s10], $0x400  }
0x3f: {  	[sflag:s10] =	ssyncset.done $0x0  }
0x40: {  	[sflag:s10] =	ssyncadd.s32 $0xFFFFFC00  }
0x41: {  	p1 =	seq.s32 s31, $0x0;
	_ =	swait.ge [sflag:s10], $0x400  }
.Ltmp3:
0x42: {  	[sflag:s10] =	ssyncset.done $0x0;
	(pc) =	sbr.rel @p1 .LBB2_11-.Ltmp3, $4  }
0x43: {  	[sflag:s10] =	ssyncadd.s32 $0xFFFFFC00  }
0x44: {  	_ =	swait.ge [sflag:s10], $0x400  }
0x45: {  	[sflag:s10] =	ssyncset.done $0x0  }
0x46: {  	s2 =	sxor.u32 $0x1, s0;
	[sflag:s10] =	ssyncadd.s32 $0xFFFFFC00  }
0x47: {  	p1 =	seq.s32 s31, $0x18  }
.Ltmp4:
0x48: {  	_ = 	snop;
	(pc) =	sbr.rel @p1 .LBB2_12-.Ltmp4, $1  }
0x49: {  	_ =	sdelay $0x3  }
0x4a: {  	s10 =	sadd.s32 $0x3, s2  }
0x4b: {  	_ =	swait.ge [sflag:s10], $0x2000  }
0x4c: {  	[sflag:s10] =	ssyncset.done $0x0  }
0x4d: {  	[sflag:s10] =	ssyncadd.s32 $0xFFFFE000  }
.LBB2_11:
0x4e: {  	s10 =	sshll.u32 s31, $0xA  }
0x4f: {  	s10 =	sadd.s32 s10, s15  }
0x50: {  	s10 =	sshrl.u32 s10, $0x3  }
0x51: {  	s11 =	sadd.s32 $0x1, s2;
	s2 =	sshll.u32 s2, $0xA;
	s22 =	sadd.s32 s8, s10  }
0x52: {  	[tilespmem:s2], [sflag:s11] =	stream.linear.gather [hbm4b:s22+s3], $0x400, $0x38;
	[tilespmem:$0x12C00] =	vst v63  }
0x53: {  	s24 =	sor.u32 $0x800, s2;
	s23 =	sadd.s32 s4, s10  }
0x54: {  	[tilespmem:s24], [sflag:s11] =	stream.linear.gather [hbm4b:s23+s3], $0x400, $0x38;
	[tilespmem:$0x12C00] =	vst v63  }
0x55: {  	s25 =	sor.u32 $0x1000, s2;
	s12 =	sadd.s32 s5, s10  }
0x56: {  	[tilespmem:s25], [sflag:s11] =	stream.linear.gather [hbm4b:s12+s3], $0x400, $0x38;
	[tilespmem:$0x12C00] =	vst v63  }
0x57: {  	s24 =	sor.u32 $0x1800, s2;
	s25 =	sadd.s32 s6, s10  }
0x58: {  	[tilespmem:s24], [sflag:s11] =	stream.linear.gather [hbm4b:s25+s3], $0x400, $0x38;
	[tilespmem:$0x12C00] =	vst v63  }
0x59: {  	s2 =	sor.u32 $0x2000, s2;
	s10 =	sadd.s32 s7, s10  }
0x5a: {  	[tilespmem:s2], [sflag:s11] =	stream.linear.gather [hbm4b:s10+s3], $0x400, $0x38;
	[tilespmem:$0x12C00] =	vst v63  }
.LBB2_12:
0x5b: {  	s2 =	simm.s32 $0x1  }
0x5c: {  	s2 =	simm.s32 @!p0 $0x0  }
0x5d: {  	s10 =	sshll.u32 s2, $0xA  }
0x5e: {  	s2 =	sor.u32 $0x1000, s10  }
0x5f: {  	s11 =	simm.s32 $0x0;
	s22 =	sor.u32 $0x800, s10;
	v3 =	vld [tilespmem:s2+$0x0]  }
0x60: {  	v4 =	vmov s11;
	v5 =	vld [tilespmem:s22+$0x0]  }
0x61: {  	v4 =	vshll.u32 v4, $0x3  }
0x62: {  	v4 =	vor.u32 v2, v4;
	_ =	sdelay $0x2  }
0x63: {  	s25 =	sshll.u32 s0, $0xD;
	v3 =	vmul.f32 v3, v5  }
0x64: {  	s23 =	sadd.s32 $0x2800, s25  }
0x65: {  	s24 =	sor.u32 $0x1800, s10;
	[tilespmem:v4+s23+$0x0] =	vst.idx.msk $0xffff, v3  }
0x66: {  	v3 =	vld [tilespmem:s24+$0x0];
	_ =	sdelay $0x1  }
0x67: {  	v6 =	vor.u32 $0x1, v4;
	_ =	sdelay $0x2  }
0x68: {  	v3 =	vmul.f32 v3, v5;
	_ =	sdelay $0x1  }
0x69: {  	s12 =	sor.u32 $0x2000, s10;
	[tilespmem:v6+s23+$0x0] =	vst.idx.msk $0xffff, v3  }
0x6a: {  	v6 =	vld [tilespmem:s12+$0x0];
	_ =	sdelay $0x1  }
0x6b: {  	v3 =	vor.u32 $0x2, v4;
	_ =	sdelay $0x2  }
0x6c: {  	v4 =	vmul.f32 v6, v5  }
0x6d: {  	s25 =	sshll.u32 s0, $0xA;
	s10 =	simm.s32 $0x10;
	s11 =	sadd.s32 $0x10, s12  }
.LBB2_13:
0x6e: {  	[tilespmem:v3+s23+$0x0] =	vst.idx.msk $0xffff, v4;
	s22 =	sadd.s32 $0x10, s22;
	s2 =	sadd.s32 $0x10, s2;
	s24 =	sadd.s32 $0x10, s24  }
0x6f: {  	p1 =	sne.s32 s10, $0x3F0;
	s12 =	smov.u32 s10;
	s10 =	sadd.s32 $0x10, s10;
	v3 =	vld [tilespmem:s2+$0x0]  }
0x70: {  	v4 =	vmov s12;
	v5 =	vld [tilespmem:s22+$0x0]  }
0x71: {  	v4 =	vshll.u32 v4, $0x3  }
0x72: {  	v4 =	vor.u32 v2, v4;
	_ =	sdelay $0x2  }
0x73: {  	v3 =	vmul.f32 v3, v5;
	_ =	sdelay $0x1  }
0x74: {  	[tilespmem:v4+s23+$0x0] =	vst.idx.msk $0xffff, v3  }
0x75: {  	v3 =	vld [tilespmem:s24+$0x0];
	_ =	sdelay $0x1  }
0x76: {  	v6 =	vor.u32 $0x1, v4;
	_ =	sdelay $0x2  }
0x77: {  	v3 =	vmul.f32 v3, v5;
	_ =	sdelay $0x1  }
0x78: {  	[tilespmem:v6+s23+$0x0] =	vst.idx.msk $0xffff, v3  }
0x79: {  	v6 =	vld [tilespmem:s11+$0x0];
	_ =	sdelay $0x1  }
.Ltmp5:
0x7a: {  	v3 =	vor.u32 $0x2, v4;
	(pc) =	sbr.rel @p1 .LBB2_13-.Ltmp5, $3  }
0x7b: {  	_ =	sdelay $0x1  }
0x7c: {  	v4 =	vmul.f32 v6, v5  }
0x7d: {  	s11 =	sadd.s32 $0x10, s11  }
0x7e: {  	s31 =	sadd.s32 $0x1, s31  }
0x7f: {  	p1 =	sne.s32 s31, $0x19  }
.Ltmp6:
0x80: {  	_ = 	snop;
	(pc) =	sbr.rel @p1 .LBB2_8-.Ltmp6, $3  }
0x81: {  	_ =	sdelay $0x1  }
0x82: {  	[tilespmem:v3+s23+$0x0] =	vst.idx.msk $0xffff, v4;
	s0 =	sadd.s32 $0x3, s0;
	p0 =	por !p0, !p0  }
0x83: {  	[spmem:s1] =	stream.indirect.scatter.add.f32 [tilespmem:s23], [sflag:s0], $0x8, s25, s26, $0xb8;
	[tilespmem:$0x12C00] =	vst v63  }
0x84: {  	_ =	swait.ge [sflag:s28], $0x2000  }
0x85: {  	[sflag:s28] =	ssyncset.done $0x0  }
0x86: {  	[sflag:s28] =	ssyncadd.s32 $0xFFFFE000  }
0x87: {  	s0 =	stileid.u32;
	_ =	swait.ge [sflag:s29], $0x2000  }
0x88: {  	s2 =	sshrl.u32 s9, $0x3;
	s30 =	sadd.s32 $0x1, s30;
	[sflag:s29] =	ssyncset.done $0x0  }
0x89: {  	s0 =	sshll.u32 s0, $0x6;
	p0 =	sne.s32 s30, s17;
	[sflag:s29] =	ssyncadd.s32 $0xFFFFE000  }
.Ltmp7:
0x8a: {  	s0 =	sor.u32 $0x1C05, s0;
	[bflag:$0x0] =	sbarrier.arrive $0xFFFF;
	(pc) =	sbr.rel @p0 .LBB2_1-.Ltmp7, $4  }
0x8b: {  	[hbm:s16], [sflag:s0] =	dma.local [spmem:s2], $0xC40  }
0x8c: {  	_ =	swait.ge [sflag:s19], $0xC40  }
0x8d: {  	[sflag:s19] =	ssyncset.done $0x0  }
0x8e: {  	[sflag:s19] =	ssyncadd.s32 $0xFFFFF3C0  }
0x8f: {  	_ =	sfence.sel $0x180000  }
0x90: {  	[bflag:$0x0] =	sbarrier.arrive $0xFFFF  }
0x91: {  	_ =	strace $0x90000050  }
0x92: {  	s0 =	stileid.u32;
	[bflag:$0x2] =	sbarrier.arrive $0xFFFF  }
0x93: {  	p0 =	sne.s32 s0, $0x0;
	s0 =	rddreg [dreg:$0x2]  }
0x94: {  	s0 =	sadd.s32 @!p0 $0x100000, s0  }
0x95: {  	[sflag:s0] =	ssyncadd.tile.s32 @!p0 $0x1;
	_ =	shalt  }
.Lfunc_end2:
_tile_overlayer_lowered:
.L_overlay_start_2:
0x96: {  	(tag) =	ssettag $0x2  }
0x97: {  	s0 =	rddreg [dreg:$0x0];
	s2 =	stileid.u32  }
0x98: {  	s1 =	rddreg [dreg:$0x1];
	p0 =	sne.s32 s2, $0x0  }
0x99: {  	s3 =	rddreg [dreg:$0x2];
	[bflag:$0x3] =	sbarrier.arrive $0xFFFF;
	s2 =	simm.s32 @!p0 $0x1C05  }
0x9a: {  	[timem:s3], [sflag:s2] =	dma.local @!p0 [hbm:s0], s1  }
0x9b: {  	s0 =	simm.s32 @!p0 $0x5  }
0x9c: {  	_ =	swait.ge @!p0 [sflag:s0], s1  }
0x9d: {  	s1 =	ssub.s32 @!p0 $0x0, s1;
	[sflag:s0] =	ssyncset.done @!p0 $0x0  }
0x9e: {  	[sflag:s0] =	ssyncadd.s32 @!p0 s1  }
0x9f: {  	[bflag:$0x3] =	sbarrier.arrive $0xFFFF  }
0xa0: {  	_ =	shalt  }

// kernel: kernel.21.cloned.1.call-start
scs
__scs_entry_jumppad:
0x0: {  	(pc) =	sbr.rel $0x88, $3  }
0x1: {  	(tag) =	ssettag $0x0;
	lr =	simm.s32 $0x1  }
0x2: {  	[smem:$0x3F98] =	sst lr;
	_ =	strace $0xD0000000  }
0x3: {  	_ = 	snop  }
0x4: {  	_ = 	snop  }
0x5: {  	_ = 	snop  }
0x6: {  	_ = 	snop  }
0x7: {  	_ = 	snop  }
__scs_overlays_trampoline_lowered:
0x8: {  	[smem:$0x3FA7] =	sst s0  }
0x9: {  	[smem:$0x3FA8] =	sst s1  }
0xa: {  	[smem:$0x3FA9] =	sst s2  }
0xb: {  	[smem:$0x3FAA] =	sst s3  }
0xc: {  	[smem:$0x3FAB] =	sst s4  }
0xd: {  	[smem:$0x3FAC] =	sst s5  }
0xe: {  	[smem:$0x3FAD] =	sst s6  }
0xf: {  	[smem:$0x3FAE] =	sst s7  }
0x10: {  	[smem:$0x3FAF] =	sst s8  }
0x11: {  	[smem:$0x3FB0] =	sst s9;
	s0 =	simm.s32 @!p0 $0x0  }
0x12: {  	s1 =	sld [smem:$0x3F96];
	s0 =	simm.s32 @p0 $0x1  }
0x13: {  	[smem:$0x3FB1] =	sst s0;
	s0 =	simm.s32 @!p1 $0x0  }
0x14: {  	s2 =	sld [smem:$0x3F95];
	s0 =	simm.s32 @p1 $0x1  }
0x15: {  	[smem:$0x3FB2] =	sst s0;
	s0 =	simm.s32 @!p2 $0x0  }
0x16: {  	s3 =	sld [smem:$0x3FDB];
	s0 =	simm.s32 @p2 $0x1  }
0x17: {  	s4 =	simm.s32 $0x1BF5;
	[smem:$0x3FB4] =	sst s0  }
0x18: {  	s0 =	sld [smem:$0x3F97];
	_ =	swait.ge [sflag:s4], $0x0  }
0x19: {  	s7 =	sld [smem:$0x3F98]  }
0x1a: {  	s8 =	sadd.s32 $0xFFFFE003, lr  }
0x1b: {  	s9 =	sadd.s32 $0xFFFFFEF7, lr;
	s5 =	simm.s32 $0xFFFFFFFF;
	p2 =	slt.u32 s8, $0xFFFFF086  }
0x1c: {  	p1 =	slt.u32 s9, $0xF7A;
	s5 =	simm.s32 @!p2 $0x0  }
0x1d: {  	s5 =	simm.s32 @p1 $0x1;
	p0 =	seq.s32 s7, s2  }
0x1e: {  	s7 =	smul.u32 @!p0 $0xF7A, s2;
	p2 =	seq.s32 @!p0 s5, $0x0  }
0x1f: {  	s9 =	smul.u32 $0xF7A, s1;
	s8 =	simm.s32 @!p0 $0x1BF5;
	p2 =	por !p2, p0  }
0x20: {  	[sflag:s8] =	ssyncset.s32 @!p0 $0xFFFFF086;
	s6 =	sadd.s32 @!p0 s3, s7;
	s7 =	simm.s32 @!p0 $0x108  }
0x21: {  	s3 =	sadd.s32 s3, s9;
	s6 =	sadd.s32 @!p0 $0x88, s6;
	s7 =	simm.s32 @p2 $0x1082  }
0x22: {  	[simem:s7], [sflag:s8] =	dma.local @!p0 [hbm:s6], $0xF7A  }
0x23: {  	s9 =	sor.u32 $0xD0000000, s2;
	s6 =	simm.s32 $0x108;
	_ =	swait.ge @!p0 [sflag:s8], $0x0  }
0x24: {  	s3 =	sadd.s32 $0x88, s3;
	s6 =	simm.s32 @!p1 $0x1082;
	[sflag:s4] =	ssyncset.s32 $0xFFFFF086  }
0x25: {  	[simem:s6], [sflag:s4] =	dma.local [hbm:s3], $0xF7A  }
0x26: {  	[smem:$0x3F98] =	sst s1;
	(tag) =	ssettag s2;
	_ =	strace s9  }
0x27: {  	s1 =	sld [smem:$0x3FA8]  }
0x28: {  	s2 =	sld [smem:$0x3FA9]  }
0x29: {  	s4 =	sld [smem:$0x3FAB]  }
0x2a: {  	p0 =	seq.s32 s5, $0x0;
	s5 =	sld [smem:$0x3FAC]  }
0x2b: {  	s6 =	sld [smem:$0x3FAD]  }
0x2c: {  	s7 =	sld [smem:$0x3FAE]  }
0x2d: {  	s3 =	simm.s32 $0x108;
	s8 =	sld [smem:$0x3FAF]  }
0x2e: {  	s3 =	simm.s32 @!p0 $0x1082;
	s9 =	sld [smem:$0x3FB0]  }
0x2f: {  	lr =	sadd.s32 s0, s3;
	s0 =	sld [smem:$0x3FA7]  }
0x30: {  	s3 =	sld [smem:$0x3FAA]  }
0x31: {  	[smem:$0x3FB3] =	sst s10  }
0x32: {  	s10 =	sld [smem:$0x3FB1];
	_ =	sdelay $0x3  }
0x33: {  	p0 =	seq.s32 s10, $0x1;
	s10 =	sld [smem:$0x3FB3];
	_ =	sdelay $0x3  }
0x34: {  	[smem:$0x3FB3] =	sst s10  }
0x35: {  	s10 =	sld [smem:$0x3FB2];
	_ =	sdelay $0x3  }
0x36: {  	p1 =	seq.s32 s10, $0x1;
	s10 =	sld [smem:$0x3FB3];
	_ =	sdelay $0x3  }
0x37: {  	[smem:$0x3FB3] =	sst s10  }
0x38: {  	s10 =	sld [smem:$0x3FB4]  }
0x39: {  	_ = 	snop;
	(pc) =	sbr.ind lr, $3  }
0x3a: {  	_ = 	snop  }
0x3b: {  	_ = 	snop  }
0x3c: {  	p2 =	seq.s32 s10, $0x1;
	s10 =	sld [smem:$0x3FB3]  }
0x3d: {  	_ =	shalt  }
0x3e: {  	_ =	shalt  }
0x3f: {  	_ =	shalt  }
0x40: {  	_ =	shalt  }
0x41: {  	_ =	shalt  }
0x42: {  	_ =	shalt  }
0x43: {  	_ =	shalt  }
0x44: {  	_ =	shalt  }
0x45: {  	_ =	shalt  }
0x46: {  	_ =	shalt  }
0x47: {  	_ =	shalt  }
0x48: {  	_ =	shalt  }
0x49: {  	_ =	shalt  }
0x4a: {  	_ =	shalt  }
0x4b: {  	_ =	shalt  }
0x4c: {  	_ =	shalt  }
0x4d: {  	_ =	shalt  }
0x4e: {  	_ =	shalt  }
0x4f: {  	_ =	shalt  }
0x50: {  	_ =	shalt  }
0x51: {  	_ =	shalt  }
0x52: {  	_ =	shalt  }
0x53: {  	_ =	shalt  }
0x54: {  	_ =	shalt  }
0x55: {  	_ =	shalt  }
0x56: {  	_ =	shalt  }
0x57: {  	_ =	shalt  }
0x58: {  	_ =	shalt  }
0x59: {  	_ =	shalt  }
0x5a: {  	_ =	shalt  }
0x5b: {  	_ =	shalt  }
0x5c: {  	_ =	shalt  }
0x5d: {  	_ =	shalt  }
0x5e: {  	_ =	shalt  }
0x5f: {  	_ =	shalt  }
0x60: {  	_ =	shalt  }
0x61: {  	_ =	shalt  }
0x62: {  	_ =	shalt  }
0x63: {  	_ =	shalt  }
0x64: {  	_ =	shalt  }
0x65: {  	_ =	shalt  }
0x66: {  	_ =	shalt  }
0x67: {  	_ =	shalt  }
0x68: {  	_ =	shalt  }
0x69: {  	_ =	shalt  }
0x6a: {  	_ =	shalt  }
0x6b: {  	_ =	shalt  }
0x6c: {  	_ =	shalt  }
0x6d: {  	_ =	shalt  }
0x6e: {  	_ =	shalt  }
0x6f: {  	_ =	shalt  }
0x70: {  	_ =	shalt  }
0x71: {  	_ =	shalt  }
0x72: {  	_ =	shalt  }
0x73: {  	_ =	shalt  }
0x74: {  	_ =	shalt  }
0x75: {  	_ =	shalt  }
0x76: {  	_ =	shalt  }
0x77: {  	_ =	shalt  }
0x78: {  	_ =	shalt  }
0x79: {  	_ =	shalt  }
0x7a: {  	_ =	shalt  }
0x7b: {  	_ =	shalt  }
0x7c: {  	_ =	shalt  }
0x7d: {  	_ =	shalt  }
0x7e: {  	_ =	shalt  }
0x7f: {  	_ =	shalt  }
0x80: {  	_ =	shalt  }
0x81: {  	_ =	shalt  }
0x82: {  	_ =	shalt  }
0x83: {  	_ =	shalt  }
0x84: {  	_ =	shalt  }
0x85: {  	_ =	shalt  }
0x86: {  	_ =	shalt  }
0x87: {  	_ =	shalt  }
.Lfunc_end0:
.L_simem_size_0:
called_computation.4_lowered:
.L_overlay_start_0:
0x88: {  	s2 =	sld [smem:$0x3FD9]  }
0x89: {  	s3 =	sld [smem:$0x3FFE];
	_ =	sdelay $0x1  }
0x8a: {  	s1 =	srdreg.scid  }
0x8b: {  	s0 =	sand.u32 $0x1, s1  }
0x8c: {  	s16 =	sshll.u32 s0, $0xA;
	s2 =	sadd.s32 s3, s2  }
0x8d: {  	s2 =	sadd.s32 s2, s16  }
0x8e: {  	[smem:$0x3FBF] =	sst s2  }
0x8f: {  	_ = 	snop  }
0x90: {  	(tm) =	ssettm $0x1  }
0x91: {  	s17 =	sld [smem:$0x3FFB];
	_ =	sdelay $0x3  }
0x92: {  	_ =	strace s17  }
0x93: {  	s2 =	sld [smem:$0x3FFC];
	_ =	sdelay $0x3  }
0x94: {  	_ =	strace s2  }
0x95: {  	s2 =	sld [smem:$0x3FFD];
	_ =	sdelay $0x3  }
0x96: {  	_ =	strace s2  }
0x97: {  	_ =	strace $0x8FFFFFFF  }
0x98: {  	s18 =	sld [smem:$0x3FDB];
	_ =	sdelay $0x1  }
0x99: {  	s19 =	simm.s32 $_scs_section_size  }
0x9a: {  	s4 =	simm.s32 $_size__tile_overlayer_lowered;
	s5 =	simm.s32 $_tile_overlayer_lowered  }
0x9b: {  	s22 =	simm.s32 $0x1BFF;
	s21 =	sshll.u32 s5, $0x1;
	s2 =	sadd.s32 s19, s18  }
0x9c: {  	s6 =	simm.s32 $0x0;
	s20 =	sshll.u32 s4, $0x1;
	s4 =	sadd.s32 s21, s2  }
0x9d: {  	[timem:s6], [sflag:s22] =	dma.local [hbm:s4], s20  }
0x9e: {  	_ =	swait.ge [sflag:s22], s20  }
0x9f: {  	s3 =	ssub.s32 $0x0, s20;
	[sflag:s22] =	ssyncset.done $0x0  }
0xa0: {  	[sflag:s22] =	ssyncadd.s32 s3;
	_ =	sdelay $0x1  }
0xa1: {  	s23 =	simm.s32 $0x1B8B  }
0xa2: {  	_ =	swait.ge [sflag:s23], $0x1  }
0xa3: {  	[sflag:s23] =	ssyncset.done $0x0  }
0xa4: {  	s25 =	simm.s32 $0x1B8E;
	s24 =	sld [smem:$0x3FFE];
	[sflag:s23] =	ssyncadd.s32 $0xFFFFFFFF  }
0xa5: {  	s26 =	simm.s32 $execute0_lowered;
	[smem:$0x3FD2] =	sst s25  }
0xa6: {  	s4 =	sshll.u32 s26, $0x1;
	_ =	strace $0x80000052;
	[dreg:$0x1] =	wrdreg $0xFFFFFFFF  }
0xa7: {  	s28 =	simm.s32 $_size_execute0_lowered;
	s2 =	sadd.s32 s2, s4;
	[dreg:$0x0] =	wrdreg $0x0  }
0xa8: {  	s4 =	sshll.u32 s28, $0x1;
	[dreg:$0x2] =	wrdreg s2  }
0xa9: {  	[dreg:$0x3] =	wrdreg s4  }
0xaa: {  	[dreg:$0x4] =	wrdreg $0xC0  }
0xab: {  	_ =	task [dreg:s6], $0x5FFFF  }
0xac: {  	[dreg:$0x1] =	wrdreg $0xFFFFFFFF  }
0xad: {  	[dreg:$0x0] =	wrdreg $0x60  }
0xae: {  	[dreg:$0x2] =	wrdreg s24  }
0xaf: {  	[dreg:$0x3] =	wrdreg $0x9  }
0xb0: {  	_ =	task.clear_ibuf [dreg:s6], $0x4FFFF;
	_ =	strace $0x90000052  }
0xb1: {  	s29 =	simm.s32 $0x9;
	_ =	strace $0x80000054  }
0xb2: {  	_ =	swait.ge [sflag:s29], $0x1  }
0xb3: {  	[sflag:s29] =	ssyncadd.s32 $0xFFFFFFFF  }
0xb4: {  	_ =	strace $0x90000054  }
0xb5: {  	_ =	sfence  }
0xb6: {  	s30 =	sld [smem:$0x0];
	_ =	sdelay $0x2  }
0xb7: {  	s31 =	sshll.u32 s1, $0xD;
	s1 =	sshrl.u32 s1, $0x2  }
0xb8: {  	s3 =	sand.u32 $0x4000, s31;
	s1 =	sadd.s32 s1, s30  }
0xb9: {  	s0 =	sor.u32 s3, s0;
	s1 =	sshll.u32 s1, $0x11  }
0xba: {  	s0 =	sor.u32 s1, s0  }
0xbb: {  	s0 =	sadd.s32 $0x8F2B, s0  }
0xbc: {  	[sflag:s0] =	ssyncadd.remote.s32 $0x1  }
0xbd: {  	_ =	sfence.sel $0xFFFF  }
0xbe: {  	[dreg:$0x0] =	wrdreg $0xFFFFFFFF;
	(pc) =	sbr.abs _section_cstart, $3  }
0xbf: {  	[dreg:$0x1] =	wrdreg $0xFFFFFFFF  }
0xc0: {  	_ =	task.clear_ibuf [dreg:s6], $0x2FFFF;
	_ =	strace $0x9FFFFFFF  }
0xc1: {  	(tm) =	ssettm $0x7FFFFFFF  }
tec
execute0_lowered:
.L_overlay_start_1:
0x0: {  	(tag) =	ssettag $0x1  }
0x1: {  	s1 =	srdreg.scid  }
0x2: {  	s0 =	stileid.u32;
	s8 =	rddreg [dreg:$0x0]  }
0x3: {  	s2 =	simm.s32 $0x0;
	s12 =	simm.s32 $0x6200;
	s13 =	simm.s32 $0x9300  }
0x4: {  	s3 =	sand.u32 $0x1, s1;
	s4 =	sshll.u32 s0, $0x1;
	s1 =	rddreg [dreg:$0x1]  }
0x5: {  	s14 =	simm.s32 $0xC400;
	[smem:$0x7FF] =	sst s2;
	s15 =	sor.u32 s3, s4  }
0x6: {  	s5 =	sadd.s32 $0x42A00, s8;
	s3 =	ssub.s32 $0x2, s3;
	s4 =	smul.u32 $0x3100, s15  }
0x7: {  	s6 =	sadd.s32 $0xD8A00, s8;
	_ =	strace $0x80000053;
	s31 =	sshrl.u32 s3, $0x1  }
0x8: {  	p0 =	seq.s32 s15, $0x1F;
	s15 =	simm.s32 $0x0;
	s7 =	sshrl.u32 s4, $0x3  }
0x9: {  	s11 =	ssub.s32 s3, s31;
	s9 =	sadd.s32 s7, s8;
	s10 =	sadd.s32 $0xC400, s7  }
0xa: {  	s3 =	sadd.s32 s5, s7;
	s8 =	sadd.s32 $0x103E0, s8;
	s4 =	sadd.s32 s5, s10  }
0xb: {  	s5 =	sadd.s32 s6, s7;
	s6 =	sadd.s32 s6, s10;
	s7 =	sadd.s32 $0x4600, s9  }
0xc: {  	v0 =	vlaneseq.u32;
	s9 =	smax.u32 s11, $0x1;
	s10 =	simm.s32 $0x1;
	s11 =	simm.s32 $0x3100  }
.LBB2_1:
0xd: {  	[tilespmem:s2], [sflag:$0x1] =	stream.linear.gather [hbm4b:s3+s2], $0x3100, $0x38;
	[tilespmem:$0xF500] =	vst v63  }
0xe: {  	_ =	swait.ge [sflag:s10], $0x3100  }
0xf: {  	v1 =	vor.u32 s2, v0;
	[sflag:s10] =	ssyncset.done $0x0  }
0x10: {  	v2 =	vmulhi.u32 $0xAAAAAAAB, v1;
	[sflag:s10] =	ssyncadd.s32 $0xFFFFCF00  }
0x11: {  	[tilespmem:s11], [sflag:$0x1] =	stream.linear.gather [hbm4b:s4+s2], $0x3100, $0x38;
	[tilespmem:$0xF500] =	vst v63  }
0x12: {  	v2 =	vshrl.u32 v2, $0x1;
	_ =	swait.ge [sflag:s10], $0x3100  }
0x13: {  	v3 =	vmul.u32 $0xFFFFFFFD, v2;
	[sflag:s10] =	ssyncset.done $0x0  }
0x14: {  	[sflag:s10] =	ssyncadd.s32 $0xFFFFCF00  }
0x15: {  	v1 =	vadd.s32 v1, v3;
	[tilespmem:s12], [sflag:$0x1] =	stream.linear.gather [hbm4b:s5+s2], $0x3100, $0x38;
	[tilespmem:$0xF500] =	vst v63  }
0x16: {  	v2 =	vshll.u32 v2, $0x3;
	v3 =	vand.u32 $0xFFFFFFF8, v1;
	_ =	swait.ge [sflag:s10], $0x3100  }
0x17: {  	v1 =	vand.u32 $0x7, v1;
	v2 =	vadd.s32 v2, v3;
	[sflag:s10] =	ssyncset.done $0x0  }
0x18: {  	v1 =	vor.u32 v1, v2;
	[sflag:s10] =	ssyncadd.s32 $0xFFFFCF00  }
0x19: {  	[tilespmem:s13], [sflag:$0x1] =	stream.linear.gather [hbm4b:s6+s2], $0x3100, $0x38;
	[tilespmem:$0xF500] =	vst v63  }
0x1a: {  	_ =	swait.ge [sflag:s10], $0x3100  }
0x1b: {  	[sflag:s10] =	ssyncset.done $0x0  }
0x1c: {  	s16 =	simm.s32 $0x10;
	[sflag:s10] =	ssyncadd.s32 $0xFFFFCF00  }
0x1d: {  	v5 =	vor.u32 s16, v0;
	v2 =	vld.idx.msk [tilespmem:v1+s11+$0x0], $0xffff  }
0x1e: {  	v6 =	vmulhi.u32 $0xAAAAAAAB, v5;
	v3 =	vld.idx.msk [tilespmem:v1+s2+$0x0], $0xffff  }
0x1f: {  	v4 =	vld.idx.msk [tilespmem:v1+s12+$0x0], $0xffff  }
0x20: {  	s16 =	simm.s32 $0x20;
	v7 =	vshrl.u32 v6, $0x1;
	v6 =	vld.idx.msk [tilespmem:v1+s13+$0x0], $0xffff  }
.LBB2_2:
0x21: {  	p1 =	sne.s32 s16, $0x1250;
	v8 =	vmul.u32 $0xFFFFFFFD, v7;
	_ =	sdelay $0x1  }
0x22: {  	v5 =	vadd.s32 v5, v8  }
0x23: {  	v7 =	vshll.u32 v7, $0x3;
	v8 =	vand.u32 $0xFFFFFFF8, v5  }
0x24: {  	v5 =	vand.u32 $0x7, v5;
	v7 =	vadd.s32 v7, v8  }
0x25: {  	v2 =	vadd.f32 v2, v3;
	v3 =	vadd.f32 v6, v4;
	v8 =	vor.u32 v5, v7;
	_ =	sdelay $0x1  }
0x26: {  	v2 =	vadd.f32 v3, v2;
	_ =	sdelay $0x1  }
.Ltmp0:
0x27: {  	[tilespmem:v1+s14+$0x0] =	vst.idx.msk $0xffff, v2;
	v1 =	vmov v8;
	(pc) =	sbr.rel @p1 .LBB2_2-.Ltmp0, $4  }
0x28: {  	v5 =	vor.u32 s16, v0;
	v2 =	vld.idx.msk [tilespmem:v8+s11+$0x0], $0xffff  }
0x29: {  	v6 =	vmulhi.u32 $0xAAAAAAAB, v5;
	v3 =	vld.idx.msk [tilespmem:v8+s2+$0x0], $0xffff  }
0x2a: {  	v4 =	vld.idx.msk [tilespmem:v8+s12+$0x0], $0xffff  }
0x2b: {  	s16 =	sadd.s32 $0x10, s16;
	v7 =	vshrl.u32 v6, $0x1;
	v6 =	vld.idx.msk [tilespmem:v8+s13+$0x0], $0xffff  }
0x2c: {  	v8 =	vmul.u32 $0xFFFFFFFD, v7;
	_ =	sdelay $0x1  }
0x2d: {  	v5 =	vadd.s32 v5, v8  }
0x2e: {  	v62 =	vshll.u32 v7, $0x3;
	v8 =	vand.u32 $0xFFFFFFF8, v5  }
0x2f: {  	v5 =	vand.u32 $0x7, v5;
	v7 =	vadd.s32 v62, v8  }
0x30: {  	v2 =	vadd.f32 v2, v3;
	v3 =	vadd.f32 v6, v4;
	v5 =	vor.u32 v5, v7;
	_ =	sdelay $0x1  }
0x31: {  	v2 =	vadd.f32 v3, v2;
	_ =	sdelay $0x1  }
0x32: {  	[tilespmem:v1+s14+$0x0] =	vst.idx.msk $0xffff, v2  }
0x33: {  	v1 =	vld.idx.msk [tilespmem:v5+s11+$0x0], $0xffff  }
0x34: {  	v2 =	vld.idx.msk [tilespmem:v5+s2+$0x0], $0xffff  }
0x35: {  	v3 =	vld.idx.msk [tilespmem:v5+s12+$0x0], $0xffff  }
0x36: {  	v63 =	vld.idx.msk [tilespmem:v5+s13+$0x0], $0xffff;
	_ =	sdelay $0x4  }
0x37: {  	v1 =	vadd.f32 v1, v2;
	v2 =	vadd.f32 v63, v3;
	_ =	sdelay $0x1  }
0x38: {  	v1 =	vadd.f32 v2, v1;
	_ =	sdelay $0x1  }
0x39: {  	s16 =	simm.s32 @p0 $0x0;
	s17 =	simm.s32 @p0 $0xC400;
	[tilespmem:v5+s14+$0x0] =	vst.idx.msk $0xffff, v1  }
0x3a: {  	[hbm4b:s8+s16] =	stream.linear.scatter @p0 [tilespmem:s17], [sflag:$0x1], $0x2B80, $0x38;
	[tilespmem:$0xF500] =	vst v63  }
0x3b: {  	s16 =	simm.s32 @p0 $0x1  }
0x3c: {  	s15 =	sadd.s32 $0x1, s15;
	_ =	swait.ge @p0 [sflag:s16], $0x2B80  }
0x3d: {  	p1 =	sne.s32 s15, s9;
	[sflag:s16] =	ssyncset.done @p0 $0x0  }
0x3e: {  	s17 =	simm.s32 @!p0 $0xC400;
	[sflag:s16] =	ssyncadd.s32 @p0 $0xFFFFD480;
	s16 =	simm.s32 @!p0 $0x0  }
0x3f: {  	[hbm4b:s7+s16] =	stream.linear.scatter @!p0 [tilespmem:s17], [sflag:$0x1], $0x3100, $0x38;
	[tilespmem:$0xF500] =	vst v63  }
.Ltmp1:
0x40: {  	_ = 	snop;
	(pc) =	sbr.rel @p1 .LBB2_1-.Ltmp1, $4  }
0x41: {  	s16 =	simm.s32 @!p0 $0x1  }
0x42: {  	_ =	swait.ge @!p0 [sflag:s16], $0x3100  }
0x43: {  	[sflag:s16] =	ssyncset.done @!p0 $0x0  }
0x44: {  	[sflag:s16] =	ssyncadd.s32 @!p0 $0xFFFFCF00  }
0x45: {  	_ =	sfence.sel $0x180000  }
0x46: {  	[bflag:$0x0] =	sbarrier.arrive $0xFFFF  }
0x47: {  	p0 =	sne.s32 s0, $0x0;
	_ =	strace $0x90000053  }
0x48: {  	s0 =	sadd.s32 @!p0 $0x100000, s1;
	[bflag:$0x2] =	sbarrier.arrive $0xFFFF  }
0x49: {  	[sflag:s0] =	ssyncadd.tile.s32 @!p0 $0x1;
	_ =	shalt  }
.Lfunc_end2:
_tile_overlayer_lowered:
.L_overlay_start_2:
0x4a: {  	(tag) =	ssettag $0x2  }
0x4b: {  	s0 =	rddreg [dreg:$0x0];
	s2 =	stileid.u32  }
0x4c: {  	s1 =	rddreg [dreg:$0x1];
	p0 =	sne.s32 s2, $0x0  }
0x4d: {  	s3 =	rddreg [dreg:$0x2];
	[bflag:$0x3] =	sbarrier.arrive $0xFFFF;
	s2 =	simm.s32 @!p0 $0x1C01  }
0x4e: {  	[timem:s3], [sflag:s2] =	dma.local @!p0 [hbm:s0], s1  }
0x4f: {  	s0 =	simm.s32 @!p0 $0x1  }
0x50: {  	_ =	swait.ge @!p0 [sflag:s0], s1  }
0x51: {  	s1 =	ssub.s32 @!p0 $0x0, s1;
	[sflag:s0] =	ssyncset.done @!p0 $0x0  }
0x52: {  	[sflag:s0] =	ssyncadd.s32 @!p0 s1  }
0x53: {  	[bflag:$0x3] =	sbarrier.arrive $0xFFFF  }
0x54: {  	_ =	shalt  }

// kernel: kernel.9.cloned.1.call-start
scs
__scs_entry_jumppad:
0x0: {  	(pc) =	sbr.rel $0x88, $3  }
0x1: {  	(tag) =	ssettag $0x0;
	lr =	simm.s32 $0x1  }
0x2: {  	[smem:$0x3F98] =	sst lr;
	_ =	strace $0xD0000000  }
0x3: {  	_ = 	snop  }
0x4: {  	_ = 	snop  }
0x5: {  	_ = 	snop  }
0x6: {  	_ = 	snop  }
0x7: {  	_ = 	snop  }
__scs_overlays_trampoline_lowered:
0x8: {  	[smem:$0x3FA7] =	sst s0  }
0x9: {  	[smem:$0x3FA8] =	sst s1  }
0xa: {  	[smem:$0x3FA9] =	sst s2  }
0xb: {  	[smem:$0x3FAA] =	sst s3  }
0xc: {  	[smem:$0x3FAB] =	sst s4  }
0xd: {  	[smem:$0x3FAC] =	sst s5  }
0xe: {  	[smem:$0x3FAD] =	sst s6  }
0xf: {  	[smem:$0x3FAE] =	sst s7  }
0x10: {  	[smem:$0x3FAF] =	sst s8  }
0x11: {  	[smem:$0x3FB0] =	sst s9;
	s0 =	simm.s32 @!p0 $0x0  }
0x12: {  	s1 =	sld [smem:$0x3F96];
	s0 =	simm.s32 @p0 $0x1  }
0x13: {  	[smem:$0x3FB1] =	sst s0;
	s0 =	simm.s32 @!p1 $0x0  }
0x14: {  	s2 =	sld [smem:$0x3F95];
	s0 =	simm.s32 @p1 $0x1  }
0x15: {  	[smem:$0x3FB2] =	sst s0;
	s0 =	simm.s32 @!p2 $0x0  }
0x16: {  	s3 =	sld [smem:$0x3FDB];
	s0 =	simm.s32 @p2 $0x1  }
0x17: {  	s4 =	simm.s32 $0x1BF5;
	[smem:$0x3FB4] =	sst s0  }
0x18: {  	s0 =	sld [smem:$0x3F97];
	_ =	swait.ge [sflag:s4], $0x0  }
0x19: {  	s7 =	sld [smem:$0x3F98]  }
0x1a: {  	s8 =	sadd.s32 $0xFFFFE003, lr  }
0x1b: {  	s9 =	sadd.s32 $0xFFFFFEF7, lr;
	s5 =	simm.s32 $0xFFFFFFFF;
	p2 =	slt.u32 s8, $0xFFFFF086  }
0x1c: {  	p1 =	slt.u32 s9, $0xF7A;
	s5 =	simm.s32 @!p2 $0x0  }
0x1d: {  	s5 =	simm.s32 @p1 $0x1;
	p0 =	seq.s32 s7, s2  }
0x1e: {  	s7 =	smul.u32 @!p0 $0xF7A, s2;
	p2 =	seq.s32 @!p0 s5, $0x0  }
0x1f: {  	s9 =	smul.u32 $0xF7A, s1;
	s8 =	simm.s32 @!p0 $0x1BF5;
	p2 =	por !p2, p0  }
0x20: {  	[sflag:s8] =	ssyncset.s32 @!p0 $0xFFFFF086;
	s6 =	sadd.s32 @!p0 s3, s7;
	s7 =	simm.s32 @!p0 $0x108  }
0x21: {  	s3 =	sadd.s32 s3, s9;
	s6 =	sadd.s32 @!p0 $0x88, s6;
	s7 =	simm.s32 @p2 $0x1082  }
0x22: {  	[simem:s7], [sflag:s8] =	dma.local @!p0 [hbm:s6], $0xF7A  }
0x23: {  	s9 =	sor.u32 $0xD0000000, s2;
	s6 =	simm.s32 $0x108;
	_ =	swait.ge @!p0 [sflag:s8], $0x0  }
0x24: {  	s3 =	sadd.s32 $0x88, s3;
	s6 =	simm.s32 @!p1 $0x1082;
	[sflag:s4] =	ssyncset.s32 $0xFFFFF086  }
0x25: {  	[simem:s6], [sflag:s4] =	dma.local [hbm:s3], $0xF7A  }
0x26: {  	[smem:$0x3F98] =	sst s1;
	(tag) =	ssettag s2;
	_ =	strace s9  }
0x27: {  	s1 =	sld [smem:$0x3FA8]  }
0x28: {  	s2 =	sld [smem:$0x3FA9]  }
0x29: {  	s4 =	sld [smem:$0x3FAB]  }
0x2a: {  	p0 =	seq.s32 s5, $0x0;
	s5 =	sld [smem:$0x3FAC]  }
0x2b: {  	s6 =	sld [smem:$0x3FAD]  }
0x2c: {  	s7 =	sld [smem:$0x3FAE]  }
0x2d: {  	s3 =	simm.s32 $0x108;
	s8 =	sld [smem:$0x3FAF]  }
0x2e: {  	s3 =	simm.s32 @!p0 $0x1082;
	s9 =	sld [smem:$0x3FB0]  }
0x2f: {  	lr =	sadd.s32 s0, s3;
	s0 =	sld [smem:$0x3FA7]  }
0x30: {  	s3 =	sld [smem:$0x3FAA]  }
0x31: {  	[smem:$0x3FB3] =	sst s10  }
0x32: {  	s10 =	sld [smem:$0x3FB1];
	_ =	sdelay $0x3  }
0x33: {  	p0 =	seq.s32 s10, $0x1;
	s10 =	sld [smem:$0x3FB3];
	_ =	sdelay $0x3  }
0x34: {  	[smem:$0x3FB3] =	sst s10  }
0x35: {  	s10 =	sld [smem:$0x3FB2];
	_ =	sdelay $0x3  }
0x36: {  	p1 =	seq.s32 s10, $0x1;
	s10 =	sld [smem:$0x3FB3];
	_ =	sdelay $0x3  }
0x37: {  	[smem:$0x3FB3] =	sst s10  }
0x38: {  	s10 =	sld [smem:$0x3FB4]  }
0x39: {  	_ = 	snop;
	(pc) =	sbr.ind lr, $3  }
0x3a: {  	_ = 	snop  }
0x3b: {  	_ = 	snop  }
0x3c: {  	p2 =	seq.s32 s10, $0x1;
	s10 =	sld [smem:$0x3FB3]  }
0x3d: {  	_ =	shalt  }
0x3e: {  	_ =	shalt  }
0x3f: {  	_ =	shalt  }
0x40: {  	_ =	shalt  }
0x41: {  	_ =	shalt  }
0x42: {  	_ =	shalt  }
0x43: {  	_ =	shalt  }
0x44: {  	_ =	shalt  }
0x45: {  	_ =	shalt  }
0x46: {  	_ =	shalt  }
0x47: {  	_ =	shalt  }
0x48: {  	_ =	shalt  }
0x49: {  	_ =	shalt  }
0x4a: {  	_ =	shalt  }
0x4b: {  	_ =	shalt  }
0x4c: {  	_ =	shalt  }
0x4d: {  	_ =	shalt  }
0x4e: {  	_ =	shalt  }
0x4f: {  	_ =	shalt  }
0x50: {  	_ =	shalt  }
0x51: {  	_ =	shalt  }
0x52: {  	_ =	shalt  }
0x53: {  	_ =	shalt  }
0x54: {  	_ =	shalt  }
0x55: {  	_ =	shalt  }
0x56: {  	_ =	shalt  }
0x57: {  	_ =	shalt  }
0x58: {  	_ =	shalt  }
0x59: {  	_ =	shalt  }
0x5a: {  	_ =	shalt  }
0x5b: {  	_ =	shalt  }
0x5c: {  	_ =	shalt  }
0x5d: {  	_ =	shalt  }
0x5e: {  	_ =	shalt  }
0x5f: {  	_ =	shalt  }
0x60: {  	_ =	shalt  }
0x61: {  	_ =	shalt  }
0x62: {  	_ =	shalt  }
0x63: {  	_ =	shalt  }
0x64: {  	_ =	shalt  }
0x65: {  	_ =	shalt  }
0x66: {  	_ =	shalt  }
0x67: {  	_ =	shalt  }
0x68: {  	_ =	shalt  }
0x69: {  	_ =	shalt  }
0x6a: {  	_ =	shalt  }
0x6b: {  	_ =	shalt  }
0x6c: {  	_ =	shalt  }
0x6d: {  	_ =	shalt  }
0x6e: {  	_ =	shalt  }
0x6f: {  	_ =	shalt  }
0x70: {  	_ =	shalt  }
0x71: {  	_ =	shalt  }
0x72: {  	_ =	shalt  }
0x73: {  	_ =	shalt  }
0x74: {  	_ =	shalt  }
0x75: {  	_ =	shalt  }
0x76: {  	_ =	shalt  }
0x77: {  	_ =	shalt  }
0x78: {  	_ =	shalt  }
0x79: {  	_ =	shalt  }
0x7a: {  	_ =	shalt  }
0x7b: {  	_ =	shalt  }
0x7c: {  	_ =	shalt  }
0x7d: {  	_ =	shalt  }
0x7e: {  	_ =	shalt  }
0x7f: {  	_ =	shalt  }
0x80: {  	_ =	shalt  }
0x81: {  	_ =	shalt  }
0x82: {  	_ =	shalt  }
0x83: {  	_ =	shalt  }
0x84: {  	_ =	shalt  }
0x85: {  	_ =	shalt  }
0x86: {  	_ =	shalt  }
0x87: {  	_ =	shalt  }
.Lfunc_end0:
.L_simem_size_0:
called_computation_lowered:
.L_overlay_start_0:
0x88: {  	s2 =	sld [smem:$0x3FD9]  }
0x89: {  	s3 =	sld [smem:$0x3FFE];
	_ =	sdelay $0x1  }
0x8a: {  	s1 =	srdreg.scid  }
0x8b: {  	s0 =	sand.u32 $0x1, s1  }
0x8c: {  	s16 =	sshll.u32 s0, $0xA;
	s2 =	sadd.s32 s3, s2  }
0x8d: {  	s2 =	sadd.s32 s2, s16  }
0x8e: {  	[smem:$0x3FBF] =	sst s2  }
0x8f: {  	_ = 	snop  }
0x90: {  	(tm) =	ssettm $0x1  }
0x91: {  	s17 =	sld [smem:$0x3FFB];
	_ =	sdelay $0x3  }
0x92: {  	_ =	strace s17  }
0x93: {  	s2 =	sld [smem:$0x3FFC];
	_ =	sdelay $0x3  }
0x94: {  	_ =	strace s2  }
0x95: {  	s2 =	sld [smem:$0x3FFD];
	_ =	sdelay $0x3  }
0x96: {  	_ =	strace s2  }
0x97: {  	_ =	strace $0x8FFFFFFF  }
0x98: {  	s18 =	sld [smem:$0x3FDB];
	_ =	sdelay $0x1  }
0x99: {  	s19 =	simm.s32 $_scs_section_size  }
0x9a: {  	s4 =	simm.s32 $_size__tile_overlayer_lowered;
	s5 =	simm.s32 $_tile_overlayer_lowered  }
0x9b: {  	s22 =	simm.s32 $0x1BFF;
	s21 =	sshll.u32 s5, $0x1;
	s2 =	sadd.s32 s19, s18  }
0x9c: {  	s6 =	simm.s32 $0x0;
	s20 =	sshll.u32 s4, $0x1;
	s4 =	sadd.s32 s21, s2  }
0x9d: {  	[timem:s6], [sflag:s22] =	dma.local [hbm:s4], s20  }
0x9e: {  	_ =	swait.ge [sflag:s22], s20  }
0x9f: {  	s3 =	ssub.s32 $0x0, s20;
	[sflag:s22] =	ssyncset.done $0x0  }
0xa0: {  	[sflag:s22] =	ssyncadd.s32 s3;
	_ =	sdelay $0x1  }
0xa1: {  	s23 =	simm.s32 $0x1B8B  }
0xa2: {  	_ =	swait.ge [sflag:s23], $0x1  }
0xa3: {  	[sflag:s23] =	ssyncset.done $0x0  }
0xa4: {  	s25 =	simm.s32 $0x1B8E;
	s24 =	sld [smem:$0x3FFE];
	[sflag:s23] =	ssyncadd.s32 $0xFFFFFFFF  }
0xa5: {  	s26 =	simm.s32 $execute0_lowered;
	[smem:$0x3FD2] =	sst s25  }
0xa6: {  	s4 =	sshll.u32 s26, $0x1;
	_ =	strace $0x80000046;
	[dreg:$0x1] =	wrdreg $0xFFFFFFFF  }
0xa7: {  	s28 =	simm.s32 $_size_execute0_lowered;
	s2 =	sadd.s32 s2, s4;
	[dreg:$0x0] =	wrdreg $0x0  }
0xa8: {  	s4 =	sshll.u32 s28, $0x1;
	[dreg:$0x2] =	wrdreg s2  }
0xa9: {  	[dreg:$0x3] =	wrdreg s4  }
0xaa: {  	[dreg:$0x4] =	wrdreg $0xC0  }
0xab: {  	_ =	task [dreg:s6], $0x5FFFF  }
0xac: {  	[dreg:$0x1] =	wrdreg $0xFFFFFFFF  }
0xad: {  	[dreg:$0x0] =	wrdreg $0x60  }
0xae: {  	[dreg:$0x2] =	wrdreg s24  }
0xaf: {  	[dreg:$0x3] =	wrdreg $0x9  }
0xb0: {  	_ =	task.clear_ibuf [dreg:s6], $0x4FFFF;
	_ =	strace $0x90000046  }
0xb1: {  	s29 =	simm.s32 $0x9;
	_ =	strace $0x80000048  }
0xb2: {  	_ =	swait.ge [sflag:s29], $0x1  }
0xb3: {  	[sflag:s29] =	ssyncadd.s32 $0xFFFFFFFF  }
0xb4: {  	_ =	strace $0x90000048  }
0xb5: {  	_ =	sfence  }
0xb6: {  	s30 =	sld [smem:$0x0];
	_ =	sdelay $0x2  }
0xb7: {  	s31 =	sshll.u32 s1, $0xD;
	s1 =	sshrl.u32 s1, $0x2  }
0xb8: {  	s3 =	sand.u32 $0x4000, s31;
	s1 =	sadd.s32 s1, s30  }
0xb9: {  	s0 =	sor.u32 s3, s0;
	s1 =	sshll.u32 s1, $0x11  }
0xba: {  	s0 =	sor.u32 s1, s0  }
0xbb: {  	s0 =	sadd.s32 $0x8F2B, s0  }
0xbc: {  	[sflag:s0] =	ssyncadd.remote.s32 $0x1  }
0xbd: {  	_ =	sfence.sel $0xFFFF  }
0xbe: {  	[dreg:$0x0] =	wrdreg $0xFFFFFFFF;
	(pc) =	sbr.abs _section_cstart, $3  }
0xbf: {  	[dreg:$0x1] =	wrdreg $0xFFFFFFFF  }
0xc0: {  	_ =	task.clear_ibuf [dreg:s6], $0x2FFFF;
	_ =	strace $0x9FFFFFFF  }
0xc1: {  	(tm) =	ssettm $0x7FFFFFFF  }
tec
execute0_lowered:
.L_overlay_start_1:
0x0: {  	(tag) =	ssettag $0x1  }
0x1: {  	s0 =	rddreg [dreg:$0x0];
	s2 =	simm.s32 $0x0;
	s1 =	srdreg.scid  }
0x2: {  	s3 =	stileid.u32;
	[smem:$0x7FF] =	sst s2;
	s1 =	sand.u32 $0x1, s1  }
0x3: {  	s4 =	sshll.u32 s3, $0x1;
	s3 =	sadd.s32 $0x4600, s0;
	s5 =	sadd.s32 $0x10A00, s0  }
0x4: {  	s7 =	sadd.s32 $0x42A00, s0;
	s6 =	sor.u32 s1, s4;
	s1 =	ssub.s32 $0x2, s1  }
0x5: {  	s8 =	sadd.s32 $0x5BA00, s0;
	s6 =	smul.u32 $0x6400, s6;
	s11 =	sshrl.u32 s1, $0x1  }
0x6: {  	s9 =	sadd.s32 $0x74A00, s0;
	s10 =	sadd.s32 $0x8DA00, s0;
	s26 =	ssub.s32 s1, s11  }
0x7: {  	s4 =	sadd.s32 $0x29A00, s0;
	s12 =	sshrl.u32 s6, $0x3;
	s0 =	smax.u32 s26, $0x1  }
0x8: {  	_ =	strace $0x80000047;
	s29 =	sadd.s32 s4, s12;
	[dreg:$0x6] =	wrdreg s0  }
0x9: {  	s28 =	sadd.s32 $0x80, s12;
	s30 =	sadd.s32 s5, s12;
	[dreg:$0x2] =	wrdreg s29  }
0xa: {  	s23 =	simm.s32 $0x6;
	[dreg:$0x3] =	wrdreg s30;
	s31 =	sadd.s32 s4, s28  }
0xb: {  	v0 =	vlaneseq.u32;
	s24 =	simm.s32 $0x5;
	s1 =	sadd.s32 s5, s28;
	[dreg:$0x4] =	wrdreg s31  }
0xc: {  	s25 =	simm.s32 $0x0;
	v0 =	vmul.u32 $0x8, v0;
	s15 =	sadd.s32 $0x800, s6;
	[dreg:$0x5] =	wrdreg s1  }
.LBB2_1:
0xd: {  	s0 =	rddreg [dreg:$0x2]  }
0xe: {  	[tilespmem:s2], [sflag:$0x1] =	stream.linear.gather [hbm4b:s0+s2], $0x400, $0x38;
	[tilespmem:$0xB000] =	vst v63  }
0xf: {  	s21 =	rddreg [dreg:$0x3];
	s1 =	simm.s32 $0x800;
	s22 =	simm.s32 $0x1  }
0x10: {  	[tilespmem:s1], [sflag:$0x1] =	stream.linear.gather [hbm4b:s21+s2], $0x400, $0x38;
	[tilespmem:$0xB000] =	vst v63  }
0x11: {  	_ =	swait.ge [sflag:s22], $0x400  }
0x12: {  	[sflag:s22] =	ssyncset.done $0x0  }
0x13: {  	[sflag:s22] =	ssyncadd.s32 $0xFFFFFC00  }
0x14: {  	_ =	swait.ge [sflag:s22], $0x400  }
0x15: {  	[sflag:s22] =	ssyncset.done $0x0  }
0x16: {  	s11 =	simm.s32 $0x400;
	s26 =	simm.s32 $0x1000;
	[sflag:s22] =	ssyncadd.s32 $0xFFFFFC00  }
0x17: {  	[tilespmem:s26], [sflag:$0x3] =	stream.indirect.gather [hbm4b:s3+s11], $0x8, s2, s11, $0xb8;
	[tilespmem:$0xB000] =	vst v63  }
0x18: {  	s28 =	simm.s32 $0x5000  }
0x19: {  	[tilespmem:s28], [sflag:$0x3] =	stream.indirect.gather [hbm4b:s3+s11], $0x8, s1, s11, $0xb8;
	[tilespmem:$0xB000] =	vst v63  }
0x1a: {  	s29 =	rddreg [dreg:$0x4]  }
0x1b: {  	[tilespmem:s11], [sflag:$0x2] =	stream.linear.gather [hbm4b:s29+s2], $0x400, $0x38;
	[tilespmem:$0xB000] =	vst v63  }
0x1c: {  	s31 =	simm.s32 $0xC00;
	s30 =	rddreg [dreg:$0x5];
	s26 =	simm.s32 $0x0  }
0x1d: {  	[tilespmem:s31], [sflag:$0x2] =	stream.linear.gather [hbm4b:s30+s2], $0x400, $0x38;
	[tilespmem:$0xB000] =	vst v63  }
.LBB2_2:
0x1e: {  	s28 =	sand.u32 $0x1, s26;
	p0 =	seq.s32 s26, $0x18  }
0x1f: {  	s0 =	sxor.u32 @!p0 $0x1, s28  }
0x20: {  	s1 =	sadd.s32 @!p0 $0x1, s0  }
0x21: {  	_ =	swait.ge @!p0 [sflag:s1], $0x400  }
0x22: {  	[sflag:s1] =	ssyncset.done @!p0 $0x0  }
0x23: {  	[sflag:s1] =	ssyncadd.s32 @!p0 $0xFFFFFC00  }
0x24: {  	_ =	swait.ge @!p0 [sflag:s1], $0x400  }
0x25: {  	[sflag:s1] =	ssyncset.done @!p0 $0x0  }
0x26: {  	s13 =	simm.s32 @!p0 $0x400;
	[sflag:s1] =	ssyncadd.s32 @!p0 $0xFFFFFC00;
	s1 =	sshll.u32 @!p0 s0, $0xD  }
0x27: {  	s11 =	sshll.u32 @!p0 s0, $0xA;
	s0 =	sadd.s32 @!p0 $0x3, s0;
	s12 =	sor.u32 @!p0 $0x1000, s1  }
0x28: {  	[tilespmem:s12], [sflag:s0] =	stream.indirect.gather @!p0 [hbm4b:s3+s13], $0x8, s11, s13, $0xb8;
	[tilespmem:$0xB000] =	vst v63  }
0x29: {  	s31 =	sadd.s32 $0x3, s28;
	s1 =	sor.u32 @!p0 $0x5000, s1;
	s11 =	sor.u32 @!p0 $0x800, s11  }
0x2a: {  	[tilespmem:s1], [sflag:s0] =	stream.indirect.gather @!p0 [hbm4b:s3+s13], $0x8, s11, s13, $0xb8;
	[tilespmem:$0xB000] =	vst v63  }
0x2b: {  	p0 =	slt.u32 s26, $0x17;
	_ =	swait.ge [sflag:s31], $0x2000  }
.Ltmp0:
0x2c: {  	[sflag:s31] =	ssyncset.done $0x0;
	(pc) =	sbr.rel @!p0 .LBB2_4-.Ltmp0, $4  }
0x2d: {  	[sflag:s31] =	ssyncadd.s32 $0xFFFFE000  }
0x2e: {  	_ =	swait.ge [sflag:s31], $0x2000  }
0x2f: {  	[sflag:s31] =	ssyncset.done $0x0  }
0x30: {  	s29 =	sshll.u32 s26, $0xA;
	s0 =	sshll.u32 s28, $0xA;
	[sflag:s31] =	ssyncadd.s32 $0xFFFFE000  }
0x31: {  	s0 =	sadd.s32 s29, s15;
	p0 =	slt.u32 s26, $0x2  }
.Ltmp1:
0x32: {  	s1 =	sshrl.u32 s0, $0x3;
	(pc) =	sbr.rel @p0 .LBB2_5-.Ltmp1, $4  }
0x33: {  	s11 =	sadd.s32 $0x1, s28;
	s0 =	sshll.u32 s28, $0xA;
	s12 =	sadd.s32 s4, s1  }
0x34: {  	[tilespmem:s0], [sflag:s11] =	stream.linear.gather [hbm4b:s12+s2], $0x400, $0x38;
	[tilespmem:$0xB000] =	vst v63  }
0x35: {  	s31 =	sor.u32 $0x800, s0;
	s1 =	sadd.s32 s5, s1  }
0x36: {  	[tilespmem:s31], [sflag:s11] =	stream.linear.gather [hbm4b:s1+s2], $0x400, $0x38;
	[tilespmem:$0xB000] =	vst v63  }
.LBB2_4:
0x37: {  	s1 =	sadd.s32 $0x5, s28  }
0x38: {  	_ =	swait.ge [sflag:s1], $0x400  }
0x39: {  	[sflag:s1] =	ssyncset.done $0x0  }
0x3a: {  	[sflag:s1] =	ssyncadd.s32 $0xFFFFFC00  }
0x3b: {  	_ =	swait.ge [sflag:s1], $0x400  }
0x3c: {  	[sflag:s1] =	ssyncset.done $0x0  }
0x3d: {  	[sflag:s1] =	ssyncadd.s32 $0xFFFFFC00  }
0x3e: {  	_ =	swait.ge [sflag:s1], $0x400  }
0x3f: {  	[sflag:s1] =	ssyncset.done $0x0  }
0x40: {  	[sflag:s1] =	ssyncadd.s32 $0xFFFFFC00  }
0x41: {  	_ =	swait.ge [sflag:s1], $0x400  }
0x42: {  	[sflag:s1] =	ssyncset.done $0x0  }
0x43: {  	[sflag:s1] =	ssyncadd.s32 $0xFFFFFC00  }
.LBB2_5:
0x44: {  	s1 =	simm.s32 $0x0  }
0x45: {  	v1 =	vmov s1  }
0x46: {  	v1 =	vshll.u32 v1, $0x3  }
0x47: {  	v1 =	vor.u32 v0, v1;
	_ =	sdelay $0x1  }
0x48: {  	v2 =	vor.u32 $0x3, v1  }
0x49: {  	s21 =	sshll.u32 s28, $0xD  }
0x4a: {  	s20 =	sor.u32 $0x1000, s21;
	v3 =	vor.u32 $0x1, v1  }
0x4b: {  	s21 =	sor.u32 $0x5000, s21;
	v4 =	vld.idx.msk [tilespmem:v1+s20+$0x0], $0xffff  }
0x4c: {  	v5 =	vld.idx.msk [tilespmem:v1+s21+$0x0], $0xffff  }
0x4d: {  	v7 =	vor.u32 $0x2, v1;
	v6 =	vld.idx.msk [tilespmem:v2+s20+$0x0], $0xffff  }
0x4e: {  	v2 =	vld.idx.msk [tilespmem:v2+s21+$0x0], $0xffff  }
0x4f: {  	v8 =	vld.idx.msk [tilespmem:v3+s20+$0x0], $0xffff  }
0x50: {  	v9 =	vld.idx.msk [tilespmem:v3+s21+$0x0], $0xffff;
	_ =	sdelay $0x1  }
0x51: {  	s22 =	simm.s32 $0x10;
	s17 =	sor.u32 $0x9000, s0;
	s12 =	sor.u32 $0x9800, s0;
	v1 =	vld.idx.msk [tilespmem:v7+s20+$0x0], $0xffff  }
0x52: {  	s14 =	sor.u32 $0xA000, s0;
	s13 =	sor.u32 $0xA800, s0;
	s16 =	simm.s32 $0x20;
	v3 =	vld.idx.msk [tilespmem:v7+s21+$0x0], $0xffff;
	v6 =	vsub.f32 v6, v2;
	v2 =	vmov s22  }
0x53: {  	s11 =	sadd.s32 $0x10, s14;
	s1 =	smov.u32 s12;
	s30 =	smov.u32 s17;
	v2 =	vshll.u32 v2, $0x3  }
0x54: {  	s0 =	smov.u32 s14;
	s31 =	smov.u32 s13;
	v4 =	vsub.f32 v4, v5;
	v5 =	vsub.f32 v8, v9;
	s22 =	sadd.s32 $0x10, s13;
	v2 =	vor.u32 v0, v2;
	[tilespmem:s17+$0x0] =	vst v6  }
.LBB2_6:
0x55: {  	s30 =	sadd.s32 $0x10, s30  }
0x56: {  	v6 =	vor.u32 $0x3, v2;
	[tilespmem:s1+$0x0] =	vst v4;
	s1 =	sadd.s32 $0x10, s1;
	s19 =	smov.u32 s16;
	s18 =	sadd.s32 $0x10, s16  }
0x57: {  	p0 =	sne.s32 s16, $0x3F0;
	v1 =	vsub.f32 v1, v3;
	[tilespmem:s0+$0x0] =	vst v5;
	s0 =	smov.u32 s11  }
0x58: {  	v3 =	vor.u32 $0x1, v2  }
0x59: {  	[tilespmem:s31+$0x0] =	vst v1;
	s31 =	smov.u32 s22  }
0x5a: {  	v4 =	vld.idx.msk [tilespmem:v2+s20+$0x0], $0xffff  }
0x5b: {  	v5 =	vor.u32 $0x2, v2;
	v2 =	vld.idx.msk [tilespmem:v2+s21+$0x0], $0xffff  }
0x5c: {  	v7 =	vld.idx.msk [tilespmem:v6+s20+$0x0], $0xffff  }
0x5d: {  	v6 =	vld.idx.msk [tilespmem:v6+s21+$0x0], $0xffff  }
0x5e: {  	v8 =	vld.idx.msk [tilespmem:v3+s20+$0x0], $0xffff  }
0x5f: {  	v9 =	vld.idx.msk [tilespmem:v3+s21+$0x0], $0xffff  }
0x60: {  	v1 =	vld.idx.msk [tilespmem:v5+s20+$0x0], $0xffff  }
.Ltmp2:
0x61: {  	v4 =	vsub.f32 v4, v2;
	v3 =	vld.idx.msk [tilespmem:v5+s21+$0x0], $0xffff;
	(pc) =	sbr.rel @p0 .LBB2_6-.Ltmp2, $4  }
0x62: {  	_ = 	snop  }
0x63: {  	v2 =	vmov s19;
	v6 =	vsub.f32 v7, v6  }
0x64: {  	v2 =	vshll.u32 v2, $0x3  }
0x65: {  	s11 =	sadd.s32 $0x10, s11;
	s16 =	smov.u32 s18;
	s22 =	sadd.s32 $0x10, s22;
	v2 =	vor.u32 v0, v2;
	v5 =	vsub.f32 v8, v9;
	[tilespmem:s30+$0x0] =	vst v6  }
0x66: {  	_ = 	snop  }
0x67: {  	v6 =	vor.u32 $0x3, v2;
	[tilespmem:s1+$0x0] =	vst v4;
	v1 =	vsub.f32 v1, v3  }
0x68: {  	[tilespmem:s0+$0x0] =	vst v5  }
0x69: {  	v3 =	vor.u32 $0x1, v2;
	[tilespmem:s31+$0x0] =	vst v1  }
0x6a: {  	v1 =	vld.idx.msk [tilespmem:v2+s20+$0x0], $0xffff  }
0x6b: {  	v63 =	vor.u32 $0x2, v2;
	v2 =	vld.idx.msk [tilespmem:v2+s21+$0x0], $0xffff  }
0x6c: {  	v5 =	vld.idx.msk [tilespmem:v6+s20+$0x0], $0xffff  }
0x6d: {  	v6 =	vld.idx.msk [tilespmem:v6+s21+$0x0], $0xffff  }
0x6e: {  	v7 =	vld.idx.msk [tilespmem:v3+s20+$0x0], $0xffff  }
0x6f: {  	v3 =	vld.idx.msk [tilespmem:v3+s21+$0x0], $0xffff  }
0x70: {  	v8 =	vld.idx.msk [tilespmem:v63+s20+$0x0], $0xffff  }
0x71: {  	v4 =	vld.idx.msk [tilespmem:v63+s21+$0x0], $0xffff;
	_ =	sdelay $0x1  }
0x72: {  	v5 =	vsub.f32 v5, v6  }
0x73: {  	s19 =	sadd.s32 $0x10, s30;
	v1 =	vsub.f32 v1, v2  }
0x74: {  	s20 =	sadd.s32 $0x10, s1;
	v2 =	vsub.f32 v7, v3;
	[tilespmem:s19+$0x0] =	vst v5  }
0x75: {  	s21 =	sadd.s32 s6, s29;
	[tilespmem:s20+$0x0] =	vst v1;
	v1 =	vsub.f32 v8, v4  }
0x76: {  	s0 =	sshrl.u32 s21, $0x3;
	[tilespmem:s11+$0x0] =	vst v2  }
0x77: {  	s28 =	sadd.s32 $0x5, s28;
	s26 =	sadd.s32 $0x1, s26;
	s29 =	sadd.s32 s7, s0;
	[tilespmem:s22+$0x0] =	vst v1  }
0x78: {  	[hbm4b:s29+s2] =	stream.linear.scatter [tilespmem:s17], [sflag:s28], $0x400, $0x38;
	[tilespmem:$0xB000] =	vst v63  }
0x79: {  	p0 =	sne.s32 s26, $0x19;
	s30 =	sadd.s32 s8, s0  }
0x7a: {  	[hbm4b:s30+s2] =	stream.linear.scatter [tilespmem:s12], [sflag:s28], $0x400, $0x38;
	[tilespmem:$0xB000] =	vst v63  }
.Ltmp3:
0x7b: {  	_ = 	snop;
	(pc) =	sbr.rel @p0 .LBB2_2-.Ltmp3, $4  }
0x7c: {  	s31 =	sadd.s32 s9, s0  }
0x7d: {  	[hbm4b:s31+s2] =	stream.linear.scatter [tilespmem:s14], [sflag:s28], $0x400, $0x38;
	[tilespmem:$0xB000] =	vst v63  }
0x7e: {  	s0 =	sadd.s32 s10, s0  }
0x7f: {  	[hbm4b:s0+s2] =	stream.linear.scatter [tilespmem:s13], [sflag:s28], $0x400, $0x38;
	[tilespmem:$0xB000] =	vst v63  }
0x80: {  	_ =	swait.ge [sflag:s23], $0x400  }
0x81: {  	[sflag:s23] =	ssyncset.done $0x0  }
0x82: {  	[sflag:s23] =	ssyncadd.s32 $0xFFFFFC00  }
0x83: {  	_ =	swait.ge [sflag:s23], $0x400  }
0x84: {  	[sflag:s23] =	ssyncset.done $0x0  }
0x85: {  	[sflag:s23] =	ssyncadd.s32 $0xFFFFFC00  }
0x86: {  	_ =	swait.ge [sflag:s23], $0x400  }
0x87: {  	[sflag:s23] =	ssyncset.done $0x0  }
0x88: {  	[sflag:s23] =	ssyncadd.s32 $0xFFFFFC00  }
0x89: {  	_ =	swait.ge [sflag:s23], $0x400  }
0x8a: {  	[sflag:s23] =	ssyncset.done $0x0  }
0x8b: {  	[sflag:s23] =	ssyncadd.s32 $0xFFFFFC00  }
0x8c: {  	_ =	swait.ge [sflag:s24], $0x400  }
0x8d: {  	[sflag:s24] =	ssyncset.done $0x0  }
0x8e: {  	[sflag:s24] =	ssyncadd.s32 $0xFFFFFC00  }
0x8f: {  	_ =	swait.ge [sflag:s24], $0x400  }
0x90: {  	[sflag:s24] =	ssyncset.done $0x0  }
0x91: {  	[sflag:s24] =	ssyncadd.s32 $0xFFFFFC00  }
0x92: {  	_ =	swait.ge [sflag:s24], $0x400  }
0x93: {  	[sflag:s24] =	ssyncset.done $0x0  }
0x94: {  	[sflag:s24] =	ssyncadd.s32 $0xFFFFFC00  }
0x95: {  	_ =	swait.ge [sflag:s24], $0x400  }
0x96: {  	s25 =	sadd.s32 $0x1, s25;
	s0 =	rddreg [dreg:$0x6]  }
0x97: {  	p0 =	sne.s32 s25, s0  }
.Ltmp4:
0x98: {  	_ = 	snop;
	(pc) =	sbr.rel @p0 .LBB2_1-.Ltmp4, $3  }
0x99: {  	_ =	sdelay $0x1  }
0x9a: {  	[sflag:s24] =	ssyncset.done $0x0  }
0x9b: {  	[sflag:s24] =	ssyncadd.s32 $0xFFFFFC00  }
0x9c: {  	_ =	sfence.sel $0x180000  }
0x9d: {  	[bflag:$0x0] =	sbarrier.arrive $0xFFFF  }
0x9e: {  	_ =	strace $0x90000047  }
0x9f: {  	s0 =	stileid.u32;
	[bflag:$0x2] =	sbarrier.arrive $0xFFFF  }
0xa0: {  	p0 =	sne.s32 s0, $0x0;
	s0 =	rddreg [dreg:$0x1]  }
0xa1: {  	s0 =	sadd.s32 @!p0 $0x100000, s0  }
0xa2: {  	[sflag:s0] =	ssyncadd.tile.s32 @!p0 $0x1;
	_ =	shalt  }
.Lfunc_end2:
_tile_overlayer_lowered:
.L_overlay_start_2:
0xa3: {  	(tag) =	ssettag $0x2  }
0xa4: {  	s0 =	rddreg [dreg:$0x0];
	s2 =	stileid.u32  }
0xa5: {  	s1 =	rddreg [dreg:$0x1];
	p0 =	sne.s32 s2, $0x0  }
0xa6: {  	s3 =	rddreg [dreg:$0x2];
	[bflag:$0x3] =	sbarrier.arrive $0xFFFF;
	s2 =	simm.s32 @!p0 $0x1C07  }
0xa7: {  	[timem:s3], [sflag:s2] =	dma.local @!p0 [hbm:s0], s1  }
0xa8: {  	s0 =	simm.s32 @!p0 $0x7  }
0xa9: {  	_ =	swait.ge @!p0 [sflag:s0], s1  }
0xaa: {  	s1 =	ssub.s32 @!p0 $0x0, s1;
	[sflag:s0] =	ssyncset.done @!p0 $0x0  }
0xab: {  	[sflag:s0] =	ssyncadd.s32 @!p0 s1  }
0xac: {  	[bflag:$0x3] =	sbarrier.arrive $0xFFFF  }
0xad: {  	_ =	shalt  }

</sc_bundles>
